<compile_context>
chip_gen: v7x
topology: tpu7x:2x2x1
jax: 0.10.2.dev20260603
libtpu: 0.0.44.dev20260713+nightly
codegen_flags: <defaults>
</compile_context>

<pallas_src>
import functools

import jax
import jax.numpy as jnp
from jax import lax
from jax.experimental import pallas as pl
from jax.experimental.pallas import tpu as pltpu
from jax.experimental.pallas import tpu_sc as plsc

B, N, K = 8, 128, 16
H, D = 16, 32
E = 1025
EP = 1088
S = 512
NC, NS = 2, 16
NW = NC * NS
ROWS = B * N
RPW = ROWS // NW
KBLK = EP * H // 128
SPBASE = K * EP
PACK = K * KBLK + S * H // 128


def _tc_body(edge_ref, pos_ref, stab_ref, comb_ref):
    for k in range(K):
        p = pos_ref[k]
        blk = jnp.concatenate(
            [jnp.dot(edge_ref[:, pl.ds(u * D, D)], p,
                     preferred_element_type=jnp.float32) for u in range(8)],
            axis=1)
        comb_ref[pl.ds(k * KBLK, KBLK), :] = blk
    comb_ref[pl.ds(K * KBLK, S * H // 128), :] = stab_ref[...]


def _tc_stage(edge_resh, pos_r, stab_resh):
    return pl.pallas_call(
        _tc_body,
        out_shape=jax.ShapeDtypeStruct((PACK, 128), jnp.float32),
    )(edge_resh, pos_r, stab_resh)


def _sc_body(comb_hbm, spi_hbm, eidx_hbm, out_hbm,
             eslab0, spidx0, srows0, invs0, idxs0, dest0, ot0,
             eslab1, spidx1, srows1, invs1, idxs1, dest1, ot1,
             semE0, semS0, semG0, semO0, semE1, semS1, semG1, semO1):
    wid = lax.axis_index("s") * NC + lax.axis_index("c")
    lanes = lax.broadcasted_iota(jnp.int32, (16,), 0)
    BUF = (
        (eslab0, spidx0, srows0, invs0, idxs0, dest0, ot0,
         semE0, semS0, semG0, semO0),
        (eslab1, spidx1, srows1, invs1, idxs1, dest1, ot1,
         semE1, semS1, semG1, semO1),
    )

    def loads(c, q):
        eslab, spidx, _, _, _, _, _, semE, _, _, _ = BUF[q]
        row = wid * RPW + c
        pltpu.async_copy(eidx_hbm.at[row // N, row % N], eslab, semE)
        pltpu.async_copy(spi_hbm.at[row // N, row % N], spidx, semE)

    def fire(c, q):
        eslab, spidx, srows, invs, idxs, dest, _, semE, semS, semG, _ = BUF[q]
        row = wid * RPW + c
        pltpu.make_async_copy(eidx_hbm.at[row // N, row % N], eslab,
                              semE).wait()
        pltpu.make_async_copy(spi_hbm.at[row // N, row % N], spidx,
                              semE).wait()

        @plsc.parallel_loop(0, 8)
        def pass_s(g):
            spidx[pl.ds(g * 16, 16)] = spidx[pl.ds(g * 16, 16)] + SPBASE
        pltpu.async_copy(comb_hbm.at[spidx], srows, semS)

        @plsc.parallel_loop(0, K)
        def pass_a(r):
            for u in range(8):
                idxs[pl.ds(r * 128 + u * 16, 16)] = (
                    eslab[r, pl.ds(u * 16, 16)] + r * EP)

        @plsc.parallel_loop(0, 8)
        def pass_n(g):
            cnt = jnp.zeros((16,), jnp.int32)
            for k in range(K):
                cnt = cnt + jnp.minimum(eslab[k, pl.ds(g * 16, 16)], 1)
            invs[pl.ds(g * 16, 16)] = 1.0 / jnp.maximum(
                cnt.astype(jnp.float32), 1.0)

        pltpu.async_copy(comb_hbm.at[idxs], dest, semG)

    def compute(c, q, not_first):
        _, spidx, srows, invs, idxs, dest, ot, _, semS, semG, semO = BUF[q]
        row = wid * RPW + c
        pltpu.make_async_copy(comb_hbm.at[idxs], dest, semG).wait()
        pltpu.make_async_copy(comb_hbm.at[spidx], srows, semS).wait()

        @pl.when(not_first)
        def _():
            pltpu.make_async_copy(ot, out_hbm.at[0, :, 0, :], semO).wait()

        @plsc.parallel_loop(0, N, unroll=4)
        def pass_b(j):
            terms = [dest[k * 128 + j] for k in range(K)]
            while len(terms) > 1:
                terms = [terms[i] + terms[i + 1]
                         for i in range(0, len(terms), 2)]
            acc = terms[0]
            col = lanes * 0 + j
            inv = plsc.load_gather(invs, [col])
            res = srows[j] + acc * inv
            plsc.store_scatter(ot, [lanes, col], res)

        pltpu.async_copy(ot, out_hbm.at[row // N, :, row % N, :], semO)

    HALF = RPW // 2
    loads(0, 0)
    loads(1, 1)
    fire(0, 0)

    def body(t2, carry):
        c0 = 2 * t2
        more = t2 < HALF - 1
        nf = t2 > 0
        fire(c0 + 1, 1)
        pl.when(more)(lambda: loads(c0 + 2, 0))
        compute(c0, 0, nf)

        def next_even():
            fire(c0 + 2, 0)
            loads(c0 + 3, 1)
        pl.when(more)(next_even)
        compute(c0 + 1, 1, nf)
        return carry

    lax.fori_loop(0, HALF, body, 0)
    pltpu.make_async_copy(ot0, out_hbm.at[0, :, 0, :], semO0).wait()
    pltpu.make_async_copy(ot1, out_hbm.at[0, :, 0, :], semO1).wait()


def _sc_bias(comb_flat, spi, eidx):
    mesh = plsc.VectorSubcoreMesh(core_axis_name="c", subcore_axis_name="s")
    return pl.kernel(
        _sc_body,
        out_type=jax.ShapeDtypeStruct((B, H, N, N), jnp.float32),
        mesh=mesh,
        compiler_params=pltpu.CompilerParams(needs_layout_passes=False,
                                             use_tc_tiling_on_sc=False),
        scratch_types=(
            [pltpu.VMEM((K, N), jnp.int32),
             pltpu.VMEM((N,), jnp.int32),
             pltpu.VMEM((N, H), jnp.float32),
             pltpu.VMEM((N,), jnp.float32),
             pltpu.VMEM((N * K,), jnp.int32),
             pltpu.VMEM((N * K, H), jnp.float32),
             pltpu.VMEM((H, N), jnp.float32),
             ] * 2
            + [pltpu.SemaphoreType.DMA] * 8
        ),
    )(comb_flat, spi, eidx)


def kernel(spatial_pos, edge_input, spatial_table, edge_table, pos_table):
    spi = spatial_pos.astype(jnp.int32)
    eidx = jnp.transpose(edge_input.astype(jnp.int32), (0, 1, 3, 2))
    pos_r = pos_table.reshape(K, D, H)
    edge_resh = jnp.pad(edge_table.astype(jnp.float32),
                        ((0, EP - E), (0, 0))).reshape(EP // 8, 8 * D)
    stab_resh = spatial_table.astype(jnp.float32).reshape(S * H // 128, 128)
    comb_pack = _tc_stage(edge_resh, pos_r, stab_resh)
    comb_flat = comb_pack.reshape(PACK * 8, 16)
    return _sc_bias(comb_flat, spi, eidx)

# --- scband reference (transcript-rebuilt; emitter-appended) ---
"""Pipeline reference for scband-attn-bias-20246475833912 (READ-ONLY COPY).

The authoritative reference and input builder live on the scoring server;
editing this copy changes nothing except your own understanding.
"""

import jax, jax.numpy as jnp
import numpy as np

B, N, K = 8, 128, 16
H, D = 16, 32
NUM_SPATIAL = 512
NUM_EDGES = 1024

def setup_inputs(seed: int = 0) -> dict:
    key = jax.random.key(seed)
    k1, k2, k3, k4, k5 = jax.random.split(key, 5)
    spatial_pos = jax.random.randint(k1, (B, N, N), 0, NUM_SPATIAL)
    edge_input = jax.random.randint(k2, (B, N, N, K), 0, NUM_EDGES + 1)
    spatial_table = jax.random.normal(k3, (NUM_SPATIAL, H), dtype=jnp.float32)
    spatial_table = spatial_table.at[0].set(0.0)  # padding_idx=0
    edge_table = jax.random.normal(k4, (NUM_EDGES + 1, D), dtype=jnp.float32)
    edge_table = edge_table.at[0].set(0.0)  # padding_idx=0
    pos_table = jax.random.normal(k5, (K, D * H), dtype=jnp.float32)
    return {"spatial_pos": spatial_pos, "edge_input": edge_input,
            "spatial_table": spatial_table, "edge_table": edge_table,
            "pos_table": pos_table}

def reference(spatial_pos, edge_input, spatial_table, edge_table, pos_table):
    # spatial bias: embedding lookup [B,N,N] -> [B,N,N,H] -> [B,H,N,N]
    spatial_bias = jnp.take(spatial_table, spatial_pos, axis=0)
    spatial_bias = jnp.transpose(spatial_bias, (0, 3, 1, 2))
    # edge feature lookup [B,N,N,K] -> [B,N,N,K,D]
    edge_feat = jnp.take(edge_table, edge_input, axis=0)
    pos_idx = jnp.arange(K)
    pos_weight = jnp.take(pos_table, pos_idx, axis=0).reshape(K, D, H)
    edge_bias_terms = jnp.einsum('...kd,kdh->...kh', edge_feat, pos_weight)
    mask = (edge_input != 0).astype(jnp.float32)
    path_len = jnp.clip(jnp.sum(mask, axis=-1, keepdims=True), 1.0, None)
    edge_bias_sum = jnp.sum(edge_bias_terms, axis=-2)
    edge_bias = edge_bias_sum / path_len
    edge_bias = jnp.transpose(edge_bias, (0, 3, 1, 2))
    total_bias = spatial_bias + edge_bias
    return total_bias

if __name__ == "__main__":
    import jax
    _d = setup_inputs()
    print(jax.jit(kernel)(*tuple(_d.values())))

</pallas_src>

<mosaic_0001>
#map = affine_map<(d0, d1) -> (0, 0)>
#map1 = affine_map<(d0, d1) -> (0, 0, 0)>
#map2 = affine_map<(d0, d1) -> (0, 0, 0, 0)>
module attributes {stable_mosaic.version = 14 : i64} {
  func.func @_sc_body(%arg0: i32, %arg1: i32, %arg2: memref<17920x16xf32, #tpu.memory_space<hbm>>, %arg3: memref<8x128x128xi32, #tpu.memory_space<hbm>>, %arg4: memref<8x128x16x128xi32, #tpu.memory_space<hbm>>, %arg5: memref<8x16x128x128xf32, #tpu.memory_space<hbm>>, %arg6: memref<16x128xi32, #tpu.memory_space<vmem>>, %arg7: memref<128xi32, #tpu.memory_space<vmem>>, %arg8: memref<128x16xf32, #tpu.memory_space<vmem>>, %arg9: memref<128xf32, #tpu.memory_space<vmem>>, %arg10: memref<2048xi32, #tpu.memory_space<vmem>>, %arg11: memref<2048x16xf32, #tpu.memory_space<vmem>>, %arg12: memref<16x128xf32, #tpu.memory_space<vmem>>, %arg13: memref<16x128xi32, #tpu.memory_space<vmem>>, %arg14: memref<128xi32, #tpu.memory_space<vmem>>, %arg15: memref<128x16xf32, #tpu.memory_space<vmem>>, %arg16: memref<128xf32, #tpu.memory_space<vmem>>, %arg17: memref<2048xi32, #tpu.memory_space<vmem>>, %arg18: memref<2048x16xf32, #tpu.memory_space<vmem>>, %arg19: memref<16x128xf32, #tpu.memory_space<vmem>>, %arg20: memref<!tpu.dma_semaphore, #tpu.memory_space<semaphore_mem>>, %arg21: memref<!tpu.dma_semaphore, #tpu.memory_space<semaphore_mem>>, %arg22: memref<!tpu.dma_semaphore, #tpu.memory_space<semaphore_mem>>, %arg23: memref<!tpu.dma_semaphore, #tpu.memory_space<semaphore_mem>>, %arg24: memref<!tpu.dma_semaphore, #tpu.memory_space<semaphore_mem>>, %arg25: memref<!tpu.dma_semaphore, #tpu.memory_space<semaphore_mem>>, %arg26: memref<!tpu.dma_semaphore, #tpu.memory_space<semaphore_mem>>, %arg27: memref<!tpu.dma_semaphore, #tpu.memory_space<semaphore_mem>>) attributes {dimension_semantics = [#tpu.dimension_semantics<core_parallel>, #tpu.dimension_semantics<subcore_parallel>], iteration_bounds = array<i64: 2, 16>, scalar_prefetch = 0 : i64, scratch_operands = 22 : i64, tpu.core_type = #tpu.core_type<sc_vector_subcore>, window_params = [{transform_indices = #map}, {transform_indices = #map1}, {transform_indices = #map2}, {transform_indices = #map2}]} {
    %mul3A = arith.constant 2 : i32
    %mul3A_0 = arith.muli %arg1, %mul3A : i32
    %add3A = arith.addi %mul3A_0, %arg0 : i32
    %iota3A = tpu.iota {dimensions = array<i32: 0>} : vector<16xi32>
    %mul3A_1 = arith.constant 32 : i32
    %mul3A_2 = arith.muli %add3A, %mul3A_1 : i32
    %add3A_3 = arith.constant 0 : i32
    %add3A_4 = arith.addi %mul3A_2, %add3A_3 : i32
    %jit3A = arith.constant 128 : i32
    %div3A = arith.divsi %add3A_4, %jit3A : i32
    %sign3A = arith.constant 0 : i32
    %sign3A_5 = arith.cmpi sgt, %add3A_4, %sign3A : i32
    %sign3A_6 = arith.extui %sign3A_5 : i1 to i32
    %sign3A_7 = arith.constant 0 : i32
    %sign3A_8 = arith.cmpi slt, %add3A_4, %sign3A_7 : i32
    %sign3A_9 = arith.extui %sign3A_8 : i1 to i32
    %sign3A_10 = arith.subi %sign3A_6, %sign3A_9 : i32
    %sign3A_11 = arith.constant 0 : i32
    %sign3A_12 = arith.cmpi sgt, %jit3A, %sign3A_11 : i32
    %sign3A_13 = arith.extui %sign3A_12 : i1 to i32
    %sign3A_14 = arith.constant 0 : i32
    %sign3A_15 = arith.cmpi slt, %jit3A, %sign3A_14 : i32
    %sign3A_16 = arith.extui %sign3A_15 : i1 to i32
    %sign3A_17 = arith.subi %sign3A_13, %sign3A_16 : i32
    %ne3A = arith.cmpi ne, %sign3A_10, %sign3A_17 : i32
    %rem3A = arith.remsi %add3A_4, %jit3A : i32
    %ne3A_18 = arith.constant 0 : i32
    %ne3A_19 = arith.cmpi ne, %rem3A, %ne3A_18 : i32
    %and3A = arith.andi %ne3A, %ne3A_19 : i1
    %sub3A = arith.constant 1 : i32
    %sub3A_20 = arith.subi %div3A, %sub3A : i32
    %select_n3A = arith.select %and3A, %sub3A_20, %div3A : i32
    %jit3A_21 = arith.constant 128 : i32
    %eq3A = arith.constant 0 : i32
    %eq3A_22 = arith.cmpi eq, %jit3A_21, %eq3A : i32
    %jit3A_23 = arith.constant 1 : i32
    %select_n3A_24 = arith.select %eq3A_22, %jit3A_23, %jit3A_21 : i32
    %rem3A_25 = arith.remsi %add3A_4, %select_n3A_24 : i32
    %ne3A_26 = arith.constant 0 : i32
    %ne3A_27 = arith.cmpi ne, %rem3A_25, %ne3A_26 : i32
    %lt3A = arith.constant 0 : i32
    %lt3A_28 = arith.cmpi slt, %rem3A_25, %lt3A : i32
    %lt3A_29 = arith.constant 0 : i32
    %lt3A_30 = arith.cmpi slt, %select_n3A_24, %lt3A_29 : i32
    %ne3A_31 = arith.xori %lt3A_28, %lt3A_30 : i1
    %and3A_32 = arith.andi %ne3A_31, %ne3A_27 : i1
    %add3A_33 = arith.addi %rem3A_25, %select_n3A_24 : i32
    %select_n3A_34 = arith.select %and3A_32, %add3A_33, %rem3A_25 : i32
    %dma_start3A = arith.constant 0 : i32
    %dma_start3A_35 = arith.constant 0 : i32
    %dma_start3A_36 = tpu.memref_slice %arg4[%select_n3A, %select_n3A_34, %dma_start3A, %dma_start3A_35] : memref<8x128x16x128xi32, #tpu.memory_space<hbm>> -> memref<1x1x16x128xi32, #tpu.memory_space<hbm>>
    %dma_start3A_37 = tpu.memref_squeeze %dma_start3A_36 : memref<1x1x16x128xi32, #tpu.memory_space<hbm>> -> memref<16x128xi32, #tpu.memory_space<hbm>>
    %dma_start3A_38 = arith.constant 0 : i32
    %dma_start3A_39 = arith.constant 0 : i32
    %dma_start3A_40 = tpu.memref_slice %arg4[%select_n3A, %select_n3A_34, %dma_start3A_38, %dma_start3A_39] : memref<8x128x16x128xi32, #tpu.memory_space<hbm>> -> memref<1x1x16x128xi32, #tpu.memory_space<hbm>>
    %dma_start3A_41 = tpu.memref_squeeze %dma_start3A_40 : memref<1x1x16x128xi32, #tpu.memory_space<hbm>> -> memref<16x128xi32, #tpu.memory_space<hbm>>
    tpu.enqueue_dma source(%dma_start3A_41 : memref<16x128xi32, #tpu.memory_space<hbm>>) target(%arg6 : memref<16x128xi32, #tpu.memory_space<vmem>>) target_semaphore(%arg20 : memref<!tpu.dma_semaphore, #tpu.memory_space<semaphore_mem>>)
    %jit3A_42 = arith.constant 128 : i32
    %div3A_43 = arith.divsi %add3A_4, %jit3A_42 : i32
    %sign3A_44 = arith.constant 0 : i32
    %sign3A_45 = arith.cmpi sgt, %add3A_4, %sign3A_44 : i32
    %sign3A_46 = arith.extui %sign3A_45 : i1 to i32
    %sign3A_47 = arith.constant 0 : i32
    %sign3A_48 = arith.cmpi slt, %add3A_4, %sign3A_47 : i32
    %sign3A_49 = arith.extui %sign3A_48 : i1 to i32
    %sign3A_50 = arith.subi %sign3A_46, %sign3A_49 : i32
    %sign3A_51 = arith.constant 0 : i32
    %sign3A_52 = arith.cmpi sgt, %jit3A_42, %sign3A_51 : i32
    %sign3A_53 = arith.extui %sign3A_52 : i1 to i32
    %sign3A_54 = arith.constant 0 : i32
    %sign3A_55 = arith.cmpi slt, %jit3A_42, %sign3A_54 : i32
    %sign3A_56 = arith.extui %sign3A_55 : i1 to i32
    %sign3A_57 = arith.subi %sign3A_53, %sign3A_56 : i32
    %ne3A_58 = arith.cmpi ne, %sign3A_50, %sign3A_57 : i32
    %rem3A_59 = arith.remsi %add3A_4, %jit3A_42 : i32
    %ne3A_60 = arith.constant 0 : i32
    %ne3A_61 = arith.cmpi ne, %rem3A_59, %ne3A_60 : i32
    %and3A_62 = arith.andi %ne3A_58, %ne3A_61 : i1
    %sub3A_63 = arith.constant 1 : i32
    %sub3A_64 = arith.subi %div3A_43, %sub3A_63 : i32
    %select_n3A_65 = arith.select %and3A_62, %sub3A_64, %div3A_43 : i32
    %jit3A_66 = arith.constant 128 : i32
    %eq3A_67 = arith.constant 0 : i32
    %eq3A_68 = arith.cmpi eq, %jit3A_66, %eq3A_67 : i32
    %jit3A_69 = arith.constant 1 : i32
    %select_n3A_70 = arith.select %eq3A_68, %jit3A_69, %jit3A_66 : i32
    %rem3A_71 = arith.remsi %add3A_4, %select_n3A_70 : i32
    %ne3A_72 = arith.constant 0 : i32
    %ne3A_73 = arith.cmpi ne, %rem3A_71, %ne3A_72 : i32
    %lt3A_74 = arith.constant 0 : i32
    %lt3A_75 = arith.cmpi slt, %rem3A_71, %lt3A_74 : i32
    %lt3A_76 = arith.constant 0 : i32
    %lt3A_77 = arith.cmpi slt, %select_n3A_70, %lt3A_76 : i32
    %ne3A_78 = arith.xori %lt3A_75, %lt3A_77 : i1
    %and3A_79 = arith.andi %ne3A_78, %ne3A_73 : i1
    %add3A_80 = arith.addi %rem3A_71, %select_n3A_70 : i32
    %select_n3A_81 = arith.select %and3A_79, %add3A_80, %rem3A_71 : i32
    %dma_start3A_82 = arith.constant 0 : i32
    %dma_start3A_83 = tpu.memref_slice %arg3[%select_n3A_65, %select_n3A_81, %dma_start3A_82] : memref<8x128x128xi32, #tpu.memory_space<hbm>> -> memref<1x1x128xi32, #tpu.memory_space<hbm>>
    %dma_start3A_84 = tpu.memref_squeeze %dma_start3A_83 : memref<1x1x128xi32, #tpu.memory_space<hbm>> -> memref<128xi32, #tpu.memory_space<hbm>>
    %dma_start3A_85 = arith.constant 0 : i32
    %dma_start3A_86 = tpu.memref_slice %arg3[%select_n3A_65, %select_n3A_81, %dma_start3A_85] : memref<8x128x128xi32, #tpu.memory_space<hbm>> -> memref<1x1x128xi32, #tpu.memory_space<hbm>>
    %dma_start3A_87 = tpu.memref_squeeze %dma_start3A_86 : memref<1x1x128xi32, #tpu.memory_space<hbm>> -> memref<128xi32, #tpu.memory_space<hbm>>
    tpu.enqueue_dma source(%dma_start3A_87 : memref<128xi32, #tpu.memory_space<hbm>>) target(%arg7 : memref<128xi32, #tpu.memory_space<vmem>>) target_semaphore(%arg20 : memref<!tpu.dma_semaphore, #tpu.memory_space<semaphore_mem>>)
    %mul3A_88 = arith.constant 32 : i32
    %mul3A_89 = arith.muli %add3A, %mul3A_88 : i32
    %add3A_90 = arith.constant 1 : i32
    %add3A_91 = arith.addi %mul3A_89, %add3A_90 : i32
    %jit3A_92 = arith.constant 128 : i32
    %div3A_93 = arith.divsi %add3A_91, %jit3A_92 : i32
    %sign3A_94 = arith.constant 0 : i32
    %sign3A_95 = arith.cmpi sgt, %add3A_91, %sign3A_94 : i32
    %sign3A_96 = arith.extui %sign3A_95 : i1 to i32
    %sign3A_97 = arith.constant 0 : i32
    %sign3A_98 = arith.cmpi slt, %add3A_91, %sign3A_97 : i32
    %sign3A_99 = arith.extui %sign3A_98 : i1 to i32
    %sign3A_100 = arith.subi %sign3A_96, %sign3A_99 : i32
    %sign3A_101 = arith.constant 0 : i32
    %sign3A_102 = arith.cmpi sgt, %jit3A_92, %sign3A_101 : i32
    %sign3A_103 = arith.extui %sign3A_102 : i1 to i32
    %sign3A_104 = arith.constant 0 : i32
    %sign3A_105 = arith.cmpi slt, %jit3A_92, %sign3A_104 : i32
    %sign3A_106 = arith.extui %sign3A_105 : i1 to i32
    %sign3A_107 = arith.subi %sign3A_103, %sign3A_106 : i32
    %ne3A_108 = arith.cmpi ne, %sign3A_100, %sign3A_107 : i32
    %rem3A_109 = arith.remsi %add3A_91, %jit3A_92 : i32
    %ne3A_110 = arith.constant 0 : i32
    %ne3A_111 = arith.cmpi ne, %rem3A_109, %ne3A_110 : i32
    %and3A_112 = arith.andi %ne3A_108, %ne3A_111 : i1
    %sub3A_113 = arith.constant 1 : i32
    %sub3A_114 = arith.subi %div3A_93, %sub3A_113 : i32
    %select_n3A_115 = arith.select %and3A_112, %sub3A_114, %div3A_93 : i32
    %jit3A_116 = arith.constant 128 : i32
    %eq3A_117 = arith.constant 0 : i32
    %eq3A_118 = arith.cmpi eq, %jit3A_116, %eq3A_117 : i32
    %jit3A_119 = arith.constant 1 : i32
    %select_n3A_120 = arith.select %eq3A_118, %jit3A_119, %jit3A_116 : i32
    %rem3A_121 = arith.remsi %add3A_91, %select_n3A_120 : i32
    %ne3A_122 = arith.constant 0 : i32
    %ne3A_123 = arith.cmpi ne, %rem3A_121, %ne3A_122 : i32
    %lt3A_124 = arith.constant 0 : i32
    %lt3A_125 = arith.cmpi slt, %rem3A_121, %lt3A_124 : i32
    %lt3A_126 = arith.constant 0 : i32
    %lt3A_127 = arith.cmpi slt, %select_n3A_120, %lt3A_126 : i32
    %ne3A_128 = arith.xori %lt3A_125, %lt3A_127 : i1
    %and3A_129 = arith.andi %ne3A_128, %ne3A_123 : i1
    %add3A_130 = arith.addi %rem3A_121, %select_n3A_120 : i32
    %select_n3A_131 = arith.select %and3A_129, %add3A_130, %rem3A_121 : i32
    %dma_start3A_132 = arith.constant 0 : i32
    %dma_start3A_133 = arith.constant 0 : i32
    %dma_start3A_134 = tpu.memref_slice %arg4[%select_n3A_115, %select_n3A_131, %dma_start3A_132, %dma_start3A_133] : memref<8x128x16x128xi32, #tpu.memory_space<hbm>> -> memref<1x1x16x128xi32, #tpu.memory_space<hbm>>
    %dma_start3A_135 = tpu.memref_squeeze %dma_start3A_134 : memref<1x1x16x128xi32, #tpu.memory_space<hbm>> -> memref<16x128xi32, #tpu.memory_space<hbm>>
    %dma_start3A_136 = arith.constant 0 : i32
    %dma_start3A_137 = arith.constant 0 : i32
    %dma_start3A_138 = tpu.memref_slice %arg4[%select_n3A_115, %select_n3A_131, %dma_start3A_136, %dma_start3A_137] : memref<8x128x16x128xi32, #tpu.memory_space<hbm>> -> memref<1x1x16x128xi32, #tpu.memory_space<hbm>>
    %dma_start3A_139 = tpu.memref_squeeze %dma_start3A_138 : memref<1x1x16x128xi32, #tpu.memory_space<hbm>> -> memref<16x128xi32, #tpu.memory_space<hbm>>
    tpu.enqueue_dma source(%dma_start3A_139 : memref<16x128xi32, #tpu.memory_space<hbm>>) target(%arg13 : memref<16x128xi32, #tpu.memory_space<vmem>>) target_semaphore(%arg24 : memref<!tpu.dma_semaphore, #tpu.memory_space<semaphore_mem>>)
    %jit3A_140 = arith.constant 128 : i32
    %div3A_141 = arith.divsi %add3A_91, %jit3A_140 : i32
    %sign3A_142 = arith.constant 0 : i32
    %sign3A_143 = arith.cmpi sgt, %add3A_91, %sign3A_142 : i32
    %sign3A_144 = arith.extui %sign3A_143 : i1 to i32
    %sign3A_145 = arith.constant 0 : i32
    %sign3A_146 = arith.cmpi slt, %add3A_91, %sign3A_145 : i32
    %sign3A_147 = arith.extui %sign3A_146 : i1 to i32
    %sign3A_148 = arith.subi %sign3A_144, %sign3A_147 : i32
    %sign3A_149 = arith.constant 0 : i32
    %sign3A_150 = arith.cmpi sgt, %jit3A_140, %sign3A_149 : i32
    %sign3A_151 = arith.extui %sign3A_150 : i1 to i32
    %sign3A_152 = arith.constant 0 : i32
    %sign3A_153 = arith.cmpi slt, %jit3A_140, %sign3A_152 : i32
    %sign3A_154 = arith.extui %sign3A_153 : i1 to i32
    %sign3A_155 = arith.subi %sign3A_151, %sign3A_154 : i32
    %ne3A_156 = arith.cmpi ne, %sign3A_148, %sign3A_155 : i32
    %rem3A_157 = arith.remsi %add3A_91, %jit3A_140 : i32
    %ne3A_158 = arith.constant 0 : i32
    %ne3A_159 = arith.cmpi ne, %rem3A_157, %ne3A_158 : i32
    %and3A_160 = arith.andi %ne3A_156, %ne3A_159 : i1
    %sub3A_161 = arith.constant 1 : i32
    %sub3A_162 = arith.subi %div3A_141, %sub3A_161 : i32
    %select_n3A_163 = arith.select %and3A_160, %sub3A_162, %div3A_141 : i32
    %jit3A_164 = arith.constant 128 : i32
    %eq3A_165 = arith.constant 0 : i32
    %eq3A_166 = arith.cmpi eq, %jit3A_164, %eq3A_165 : i32
    %jit3A_167 = arith.constant 1 : i32
    %select_n3A_168 = arith.select %eq3A_166, %jit3A_167, %jit3A_164 : i32
    %rem3A_169 = arith.remsi %add3A_91, %select_n3A_168 : i32
    %ne3A_170 = arith.constant 0 : i32
    %ne3A_171 = arith.cmpi ne, %rem3A_169, %ne3A_170 : i32
    %lt3A_172 = arith.constant 0 : i32
    %lt3A_173 = arith.cmpi slt, %rem3A_169, %lt3A_172 : i32
    %lt3A_174 = arith.constant 0 : i32
    %lt3A_175 = arith.cmpi slt, %select_n3A_168, %lt3A_174 : i32
    %ne3A_176 = arith.xori %lt3A_173, %lt3A_175 : i1
    %and3A_177 = arith.andi %ne3A_176, %ne3A_171 : i1
    %add3A_178 = arith.addi %rem3A_169, %select_n3A_168 : i32
    %select_n3A_179 = arith.select %and3A_177, %add3A_178, %rem3A_169 : i32
    %dma_start3A_180 = arith.constant 0 : i32
    %dma_start3A_181 = tpu.memref_slice %arg3[%select_n3A_163, %select_n3A_179, %dma_start3A_180] : memref<8x128x128xi32, #tpu.memory_space<hbm>> -> memref<1x1x128xi32, #tpu.memory_space<hbm>>
    %dma_start3A_182 = tpu.memref_squeeze %dma_start3A_181 : memref<1x1x128xi32, #tpu.memory_space<hbm>> -> memref<128xi32, #tpu.memory_space<hbm>>
    %dma_start3A_183 = arith.constant 0 : i32
    %dma_start3A_184 = tpu.memref_slice %arg3[%select_n3A_163, %select_n3A_179, %dma_start3A_183] : memref<8x128x128xi32, #tpu.memory_space<hbm>> -> memref<1x1x128xi32, #tpu.memory_space<hbm>>
    %dma_start3A_185 = tpu.memref_squeeze %dma_start3A_184 : memref<1x1x128xi32, #tpu.memory_space<hbm>> -> memref<128xi32, #tpu.memory_space<hbm>>
    tpu.enqueue_dma source(%dma_start3A_185 : memref<128xi32, #tpu.memory_space<hbm>>) target(%arg14 : memref<128xi32, #tpu.memory_space<vmem>>) target_semaphore(%arg24 : memref<!tpu.dma_semaphore, #tpu.memory_space<semaphore_mem>>)
    %mul3A_186 = arith.constant 32 : i32
    %mul3A_187 = arith.muli %add3A, %mul3A_186 : i32
    %add3A_188 = arith.constant 0 : i32
    %add3A_189 = arith.addi %mul3A_187, %add3A_188 : i32
    %jit3A_190 = arith.constant 128 : i32
    %div3A_191 = arith.divsi %add3A_189, %jit3A_190 : i32
    %sign3A_192 = arith.constant 0 : i32
    %sign3A_193 = arith.cmpi sgt, %add3A_189, %sign3A_192 : i32
    %sign3A_194 = arith.extui %sign3A_193 : i1 to i32
    %sign3A_195 = arith.constant 0 : i32
    %sign3A_196 = arith.cmpi slt, %add3A_189, %sign3A_195 : i32
    %sign3A_197 = arith.extui %sign3A_196 : i1 to i32
    %sign3A_198 = arith.subi %sign3A_194, %sign3A_197 : i32
    %sign3A_199 = arith.constant 0 : i32
    %sign3A_200 = arith.cmpi sgt, %jit3A_190, %sign3A_199 : i32
    %sign3A_201 = arith.extui %sign3A_200 : i1 to i32
    %sign3A_202 = arith.constant 0 : i32
    %sign3A_203 = arith.cmpi slt, %jit3A_190, %sign3A_202 : i32
    %sign3A_204 = arith.extui %sign3A_203 : i1 to i32
    %sign3A_205 = arith.subi %sign3A_201, %sign3A_204 : i32
    %ne3A_206 = arith.cmpi ne, %sign3A_198, %sign3A_205 : i32
    %rem3A_207 = arith.remsi %add3A_189, %jit3A_190 : i32
    %ne3A_208 = arith.constant 0 : i32
    %ne3A_209 = arith.cmpi ne, %rem3A_207, %ne3A_208 : i32
    %and3A_210 = arith.andi %ne3A_206, %ne3A_209 : i1
    %sub3A_211 = arith.constant 1 : i32
    %sub3A_212 = arith.subi %div3A_191, %sub3A_211 : i32
    %select_n3A_213 = arith.select %and3A_210, %sub3A_212, %div3A_191 : i32
    %jit3A_214 = arith.constant 128 : i32
    %eq3A_215 = arith.constant 0 : i32
    %eq3A_216 = arith.cmpi eq, %jit3A_214, %eq3A_215 : i32
    %jit3A_217 = arith.constant 1 : i32
    %select_n3A_218 = arith.select %eq3A_216, %jit3A_217, %jit3A_214 : i32
    %rem3A_219 = arith.remsi %add3A_189, %select_n3A_218 : i32
    %ne3A_220 = arith.constant 0 : i32
    %ne3A_221 = arith.cmpi ne, %rem3A_219, %ne3A_220 : i32
    %lt3A_222 = arith.constant 0 : i32
    %lt3A_223 = arith.cmpi slt, %rem3A_219, %lt3A_222 : i32
    %lt3A_224 = arith.constant 0 : i32
    %lt3A_225 = arith.cmpi slt, %select_n3A_218, %lt3A_224 : i32
    %ne3A_226 = arith.xori %lt3A_223, %lt3A_225 : i1
    %and3A_227 = arith.andi %ne3A_226, %ne3A_221 : i1
    %add3A_228 = arith.addi %rem3A_219, %select_n3A_218 : i32
    %select_n3A_229 = arith.select %and3A_227, %add3A_228, %rem3A_219 : i32
    %dma_wait3A = arith.constant 0 : i32
    %dma_wait3A_230 = arith.constant 0 : i32
    %dma_wait3A_231 = tpu.memref_slice %arg4[%select_n3A_213, %select_n3A_229, %dma_wait3A, %dma_wait3A_230] : memref<8x128x16x128xi32, #tpu.memory_space<hbm>> -> memref<1x1x16x128xi32, #tpu.memory_space<hbm>>
    %dma_wait3A_232 = tpu.memref_squeeze %dma_wait3A_231 : memref<1x1x16x128xi32, #tpu.memory_space<hbm>> -> memref<16x128xi32, #tpu.memory_space<hbm>>
    %dma_wait3A_233 = arith.constant 0 : i32
    %dma_wait3A_234 = arith.constant 0 : i32
    %dma_wait3A_235 = tpu.memref_slice %arg4[%select_n3A_213, %select_n3A_229, %dma_wait3A_233, %dma_wait3A_234] : memref<8x128x16x128xi32, #tpu.memory_space<hbm>> -> memref<1x1x16x128xi32, #tpu.memory_space<hbm>>
    %dma_wait3A_236 = tpu.memref_squeeze %dma_wait3A_235 : memref<1x1x16x128xi32, #tpu.memory_space<hbm>> -> memref<16x128xi32, #tpu.memory_space<hbm>>
    tpu.wait_dma2 semaphore(%arg20 : memref<!tpu.dma_semaphore, #tpu.memory_space<semaphore_mem>>) src(%dma_wait3A_236 : memref<16x128xi32, #tpu.memory_space<hbm>>) dst(%arg6 : memref<16x128xi32, #tpu.memory_space<vmem>>)
    %jit3A_237 = arith.constant 128 : i32
    %div3A_238 = arith.divsi %add3A_189, %jit3A_237 : i32
    %sign3A_239 = arith.constant 0 : i32
    %sign3A_240 = arith.cmpi sgt, %add3A_189, %sign3A_239 : i32
    %sign3A_241 = arith.extui %sign3A_240 : i1 to i32
    %sign3A_242 = arith.constant 0 : i32
    %sign3A_243 = arith.cmpi slt, %add3A_189, %sign3A_242 : i32
    %sign3A_244 = arith.extui %sign3A_243 : i1 to i32
    %sign3A_245 = arith.subi %sign3A_241, %sign3A_244 : i32
    %sign3A_246 = arith.constant 0 : i32
    %sign3A_247 = arith.cmpi sgt, %jit3A_237, %sign3A_246 : i32
    %sign3A_248 = arith.extui %sign3A_247 : i1 to i32
    %sign3A_249 = arith.constant 0 : i32
    %sign3A_250 = arith.cmpi slt, %jit3A_237, %sign3A_249 : i32
    %sign3A_251 = arith.extui %sign3A_250 : i1 to i32
    %sign3A_252 = arith.subi %sign3A_248, %sign3A_251 : i32
    %ne3A_253 = arith.cmpi ne, %sign3A_245, %sign3A_252 : i32
    %rem3A_254 = arith.remsi %add3A_189, %jit3A_237 : i32
    %ne3A_255 = arith.constant 0 : i32
    %ne3A_256 = arith.cmpi ne, %rem3A_254, %ne3A_255 : i32
    %and3A_257 = arith.andi %ne3A_253, %ne3A_256 : i1
    %sub3A_258 = arith.constant 1 : i32
    %sub3A_259 = arith.subi %div3A_238, %sub3A_258 : i32
    %select_n3A_260 = arith.select %and3A_257, %sub3A_259, %div3A_238 : i32
    %jit3A_261 = arith.constant 128 : i32
    %eq3A_262 = arith.constant 0 : i32
    %eq3A_263 = arith.cmpi eq, %jit3A_261, %eq3A_262 : i32
    %jit3A_264 = arith.constant 1 : i32
    %select_n3A_265 = arith.select %eq3A_263, %jit3A_264, %jit3A_261 : i32
    %rem3A_266 = arith.remsi %add3A_189, %select_n3A_265 : i32
    %ne3A_267 = arith.constant 0 : i32
    %ne3A_268 = arith.cmpi ne, %rem3A_266, %ne3A_267 : i32
    %lt3A_269 = arith.constant 0 : i32
    %lt3A_270 = arith.cmpi slt, %rem3A_266, %lt3A_269 : i32
    %lt3A_271 = arith.constant 0 : i32
    %lt3A_272 = arith.cmpi slt, %select_n3A_265, %lt3A_271 : i32
    %ne3A_273 = arith.xori %lt3A_270, %lt3A_272 : i1
    %and3A_274 = arith.andi %ne3A_273, %ne3A_268 : i1
    %add3A_275 = arith.addi %rem3A_266, %select_n3A_265 : i32
    %select_n3A_276 = arith.select %and3A_274, %add3A_275, %rem3A_266 : i32
    %dma_wait3A_277 = arith.constant 0 : i32
    %dma_wait3A_278 = tpu.memref_slice %arg3[%select_n3A_260, %select_n3A_276, %dma_wait3A_277] : memref<8x128x128xi32, #tpu.memory_space<hbm>> -> memref<1x1x128xi32, #tpu.memory_space<hbm>>
    %dma_wait3A_279 = tpu.memref_squeeze %dma_wait3A_278 : memref<1x1x128xi32, #tpu.memory_space<hbm>> -> memref<128xi32, #tpu.memory_space<hbm>>
    %dma_wait3A_280 = arith.constant 0 : i32
    %dma_wait3A_281 = tpu.memref_slice %arg3[%select_n3A_260, %select_n3A_276, %dma_wait3A_280] : memref<8x128x128xi32, #tpu.memory_space<hbm>> -> memref<1x1x128xi32, #tpu.memory_space<hbm>>
    %dma_wait3A_282 = tpu.memref_squeeze %dma_wait3A_281 : memref<1x1x128xi32, #tpu.memory_space<hbm>> -> memref<128xi32, #tpu.memory_space<hbm>>
    tpu.wait_dma2 semaphore(%arg20 : memref<!tpu.dma_semaphore, #tpu.memory_space<semaphore_mem>>) src(%dma_wait3A_282 : memref<128xi32, #tpu.memory_space<hbm>>) dst(%arg7 : memref<128xi32, #tpu.memory_space<vmem>>)
    %parallel_loop3A = arith.constant 0 : i32
    %parallel_loop3A_283 = arith.constant 8 : i32
    %parallel_loop3A_284 = arith.constant 1 : i32
    scf.for %parallel_loop3A_322 = %parallel_loop3A to %parallel_loop3A_283 step %parallel_loop3A_284  : i32 {
      %parallel_loop3A_323 = arith.constant 16 : i32
      %parallel_loop3A_324 = arith.muli %parallel_loop3A_322, %parallel_loop3A_323 : i32
      %parallel_loop3A_325 = arith.index_cast %parallel_loop3A_324 : i32 to index
      %parallel_loop3A_326 = tpu.vector_load %arg7[%parallel_loop3A_325] {strides = array<i32>} : memref<128xi32, #tpu.memory_space<vmem>>, vector<16xi32>,
      %parallel_loop3A_327 = arith.constant 17408 : i32
      %parallel_loop3A_328 = vector.broadcast %parallel_loop3A_327 : i32 to vector<16xi32>
      %parallel_loop3A_329 = arith.addi %parallel_loop3A_326, %parallel_loop3A_328 : vector<16xi32>
      %parallel_loop3A_330 = arith.constant 16 : i32
      %parallel_loop3A_331 = arith.muli %parallel_loop3A_322, %parallel_loop3A_330 : i32
      %parallel_loop3A_332 = arith.index_cast %parallel_loop3A_331 : i32 to index
      %parallel_loop3A_333 = tpu.vector_load %arg7[%parallel_loop3A_332] {strides = array<i32>} : memref<128xi32, #tpu.memory_space<vmem>>, vector<16xi32>,
      tpu.vector_store %arg7[%parallel_loop3A_332], %parallel_loop3A_329 {strides = array<i32>} : memref<128xi32, #tpu.memory_space<vmem>>, vector<16xi32>,
    } {sc.loop_unroll_factor = 1 : i64, sc.parallel_access}
    %dma_start3A_285 = arith.constant 0 : i32
    %dma_start3A_286 = arith.constant 0 : i32
    %dma_start3A_287 = tpu.memref_slice %arg2[%dma_start3A_285, %dma_start3A_286] : memref<17920x16xf32, #tpu.memory_space<hbm>> -> memref<17920x16xf32, #tpu.memory_space<hbm>>
    tpu.enqueue_indirect_dma source(%dma_start3A_287 : memref<17920x16xf32, #tpu.memory_space<hbm>>) target(%arg8 : memref<128x16xf32, #tpu.memory_space<vmem>>) offsets(%arg7 : memref<128xi32, #tpu.memory_space<vmem>>) semaphore(%arg21 : memref<!tpu.dma_semaphore, #tpu.memory_space<semaphore_mem>>)
    %parallel_loop3A_288 = arith.constant 0 : i32
    %parallel_loop3A_289 = arith.constant 16 : i32
    %parallel_loop3A_290 = arith.constant 1 : i32
    scf.for %parallel_loop3A_322 = %parallel_loop3A_288 to %parallel_loop3A_289 step %parallel_loop3A_290  : i32 {
      %parallel_loop3A_323 = arith.index_cast %parallel_loop3A_322 : i32 to index
      %parallel_loop3A_324 = arith.constant 0 : index
      %parallel_loop3A_325 = tpu.vector_load %arg6[%parallel_loop3A_323, %parallel_loop3A_324] {strides = array<i32>} : memref<16x128xi32, #tpu.memory_space<vmem>>, vector<16xi32>,
      %parallel_loop3A_326 = arith.constant 1088 : i32
      %parallel_loop3A_327 = arith.muli %parallel_loop3A_322, %parallel_loop3A_326 : i32
      %parallel_loop3A_328 = vector.broadcast %parallel_loop3A_327 : i32 to vector<16xi32>
      %parallel_loop3A_329 = arith.addi %parallel_loop3A_325, %parallel_loop3A_328 : vector<16xi32>
      %parallel_loop3A_330 = arith.constant 128 : i32
      %parallel_loop3A_331 = arith.muli %parallel_loop3A_322, %parallel_loop3A_330 : i32
      %parallel_loop3A_332 = arith.constant 0 : i32
      %parallel_loop3A_333 = arith.addi %parallel_loop3A_331, %parallel_loop3A_332 : i32
      %parallel_loop3A_334 = arith.index_cast %parallel_loop3A_333 : i32 to index
      %parallel_loop3A_335 = tpu.vector_load %arg10[%parallel_loop3A_334] {strides = array<i32>} : memref<2048xi32, #tpu.memory_space<vmem>>, vector<16xi32>,
      tpu.vector_store %arg10[%parallel_loop3A_334], %parallel_loop3A_329 {strides = array<i32>} : memref<2048xi32, #tpu.memory_space<vmem>>, vector<16xi32>,
      %parallel_loop3A_336 = arith.index_cast %parallel_loop3A_322 : i32 to index
      %parallel_loop3A_337 = arith.constant 16 : index
      %parallel_loop3A_338 = tpu.vector_load %arg6[%parallel_loop3A_336, %parallel_loop3A_337] {strides = array<i32>} : memref<16x128xi32, #tpu.memory_space<vmem>>, vector<16xi32>,
      %parallel_loop3A_339 = arith.constant 1088 : i32
      %parallel_loop3A_340 = arith.muli %parallel_loop3A_322, %parallel_loop3A_339 : i32
      %parallel_loop3A_341 = vector.broadcast %parallel_loop3A_340 : i32 to vector<16xi32>
      %parallel_loop3A_342 = arith.addi %parallel_loop3A_338, %parallel_loop3A_341 : vector<16xi32>
      %parallel_loop3A_343 = arith.constant 128 : i32
      %parallel_loop3A_344 = arith.muli %parallel_loop3A_322, %parallel_loop3A_343 : i32
      %parallel_loop3A_345 = arith.constant 16 : i32
      %parallel_loop3A_346 = arith.addi %parallel_loop3A_344, %parallel_loop3A_345 : i32
      %parallel_loop3A_347 = arith.index_cast %parallel_loop3A_346 : i32 to index
      %parallel_loop3A_348 = tpu.vector_load %arg10[%parallel_loop3A_347] {strides = array<i32>} : memref<2048xi32, #tpu.memory_space<vmem>>, vector<16xi32>,
      tpu.vector_store %arg10[%parallel_loop3A_347], %parallel_loop3A_342 {strides = array<i32>} : memref<2048xi32, #tpu.memory_space<vmem>>, vector<16xi32>,
      %parallel_loop3A_349 = arith.index_cast %parallel_loop3A_322 : i32 to index
      %parallel_loop3A_350 = arith.constant 32 : index
      %parallel_loop3A_351 = tpu.vector_load %arg6[%parallel_loop3A_349, %parallel_loop3A_350] {strides = array<i32>} : memref<16x128xi32, #tpu.memory_space<vmem>>, vector<16xi32>,
      %parallel_loop3A_352 = arith.constant 1088 : i32
      %parallel_loop3A_353 = arith.muli %parallel_loop3A_322, %parallel_loop3A_352 : i32
      %parallel_loop3A_354 = vector.broadcast %parallel_loop3A_353 : i32 to vector<16xi32>
      %parallel_loop3A_355 = arith.addi %parallel_loop3A_351, %parallel_loop3A_354 : vector<16xi32>
      %parallel_loop3A_356 = arith.constant 128 : i32
      %parallel_loop3A_357 = arith.muli %parallel_loop3A_322, %parallel_loop3A_356 : i32
      %parallel_loop3A_358 = arith.constant 32 : i32
      %parallel_loop3A_359 = arith.addi %parallel_loop3A_357, %parallel_loop3A_358 : i32
      %parallel_loop3A_360 = arith.index_cast %parallel_loop3A_359 : i32 to index
      %parallel_loop3A_361 = tpu.vector_load %arg10[%parallel_loop3A_360] {strides = array<i32>} : memref<2048xi32, #tpu.memory_space<vmem>>, vector<16xi32>,
      tpu.vector_store %arg10[%parallel_loop3A_360], %parallel_loop3A_355 {strides = array<i32>} : memref<2048xi32, #tpu.memory_space<vmem>>, vector<16xi32>,
      %parallel_loop3A_362 = arith.index_cast %parallel_loop3A_322 : i32 to index
      %parallel_loop3A_363 = arith.constant 48 : index
      %parallel_loop3A_364 = tpu.vector_load %arg6[%parallel_loop3A_362, %parallel_loop3A_363] {strides = array<i32>} : memref<16x128xi32, #tpu.memory_space<vmem>>, vector<16xi32>,
      %parallel_loop3A_365 = arith.constant 1088 : i32
      %parallel_loop3A_366 = arith.muli %parallel_loop3A_322, %parallel_loop3A_365 : i32
      %parallel_loop3A_367 = vector.broadcast %parallel_loop3A_366 : i32 to vector<16xi32>
      %parallel_loop3A_368 = arith.addi %parallel_loop3A_364, %parallel_loop3A_367 : vector<16xi32>
      %parallel_loop3A_369 = arith.constant 128 : i32
      %parallel_loop3A_370 = arith.muli %parallel_loop3A_322, %parallel_loop3A_369 : i32
      %parallel_loop3A_371 = arith.constant 48 : i32
      %parallel_loop3A_372 = arith.addi %parallel_loop3A_370, %parallel_loop3A_371 : i32
      %parallel_loop3A_373 = arith.index_cast %parallel_loop3A_372 : i32 to index
      %parallel_loop3A_374 = tpu.vector_load %arg10[%parallel_loop3A_373] {strides = array<i32>} : memref<2048xi32, #tpu.memory_space<vmem>>, vector<16xi32>,
      tpu.vector_store %arg10[%parallel_loop3A_373], %parallel_loop3A_368 {strides = array<i32>} : memref<2048xi32, #tpu.memory_space<vmem>>, vector<16xi32>,
      %parallel_loop3A_375 = arith.index_cast %parallel_loop3A_322 : i32 to index
      %parallel_loop3A_376 = arith.constant 64 : index
      %parallel_loop3A_377 = tpu.vector_load %arg6[%parallel_loop3A_375, %parallel_loop3A_376] {strides = array<i32>} : memref<16x128xi32, #tpu.memory_space<vmem>>, vector<16xi32>,
      %parallel_loop3A_378 = arith.constant 1088 : i32
      %parallel_loop3A_379 = arith.muli %parallel_loop3A_322, %parallel_loop3A_378 : i32
      %parallel_loop3A_380 = vector.broadcast %parallel_loop3A_379 : i32 to vector<16xi32>
      %parallel_loop3A_381 = arith.addi %parallel_loop3A_377, %parallel_loop3A_380 : vector<16xi32>
      %parallel_loop3A_382 = arith.constant 128 : i32
      %parallel_loop3A_383 = arith.muli %parallel_loop3A_322, %parallel_loop3A_382 : i32
      %parallel_loop3A_384 = arith.constant 64 : i32
      %parallel_loop3A_385 = arith.addi %parallel_loop3A_383, %parallel_loop3A_384 : i32
      %parallel_loop3A_386 = arith.index_cast %parallel_loop3A_385 : i32 to index
      %parallel_loop3A_387 = tpu.vector_load %arg10[%parallel_loop3A_386] {strides = array<i32>} : memref<2048xi32, #tpu.memory_space<vmem>>, vector<16xi32>,
      tpu.vector_store %arg10[%parallel_loop3A_386], %parallel_loop3A_381 {strides = array<i32>} : memref<2048xi32, #tpu.memory_space<vmem>>, vector<16xi32>,
      %parallel_loop3A_388 = arith.index_cast %parallel_loop3A_322 : i32 to index
      %parallel_loop3A_389 = arith.constant 80 : index
      %parallel_loop3A_390 = tpu.vector_load %arg6[%parallel_loop3A_388, %parallel_loop3A_389] {strides = array<i32>} : memref<16x128xi32, #tpu.memory_space<vmem>>, vector<16xi32>,
      %parallel_loop3A_391 = arith.constant 1088 : i32
      %parallel_loop3A_392 = arith.muli %parallel_loop3A_322, %parallel_loop3A_391 : i32
      %parallel_loop3A_393 = vector.broadcast %parallel_loop3A_392 : i32 to vector<16xi32>
      %parallel_loop3A_394 = arith.addi %parallel_loop3A_390, %parallel_loop3A_393 : vector<16xi32>
      %parallel_loop3A_395 = arith.constant 128 : i32
      %parallel_loop3A_396 = arith.muli %parallel_loop3A_322, %parallel_loop3A_395 : i32
      %parallel_loop3A_397 = arith.constant 80 : i32
      %parallel_loop3A_398 = arith.addi %parallel_loop3A_396, %parallel_loop3A_397 : i32
      %parallel_loop3A_399 = arith.index_cast %parallel_loop3A_398 : i32 to index
      %parallel_loop3A_400 = tpu.vector_load %arg10[%parallel_loop3A_399] {strides = array<i32>} : memref<2048xi32, #tpu.memory_space<vmem>>, vector<16xi32>,
      tpu.vector_store %arg10[%parallel_loop3A_399], %parallel_loop3A_394 {strides = array<i32>} : memref<2048xi32, #tpu.memory_space<vmem>>, vector<16xi32>,
      %parallel_loop3A_401 = arith.index_cast %parallel_loop3A_322 : i32 to index
      %parallel_loop3A_402 = arith.constant 96 : index
      %parallel_loop3A_403 = tpu.vector_load %arg6[%parallel_loop3A_401, %parallel_loop3A_402] {strides = array<i32>} : memref<16x128xi32, #tpu.memory_space<vmem>>, vector<16xi32>,
      %parallel_loop3A_404 = arith.constant 1088 : i32
      %parallel_loop3A_405 = arith.muli %parallel_loop3A_322, %parallel_loop3A_404 : i32
      %parallel_loop3A_406 = vector.broadcast %parallel_loop3A_405 : i32 to vector<16xi32>
      %parallel_loop3A_407 = arith.addi %parallel_loop3A_403, %parallel_loop3A_406 : vector<16xi32>
      %parallel_loop3A_408 = arith.constant 128 : i32
      %parallel_loop3A_409 = arith.muli %parallel_loop3A_322, %parallel_loop3A_408 : i32
      %parallel_loop3A_410 = arith.constant 96 : i32
      %parallel_loop3A_411 = arith.addi %parallel_loop3A_409, %parallel_loop3A_410 : i32
      %parallel_loop3A_412 = arith.index_cast %parallel_loop3A_411 : i32 to index
      %parallel_loop3A_413 = tpu.vector_load %arg10[%parallel_loop3A_412] {strides = array<i32>} : memref<2048xi32, #tpu.memory_space<vmem>>, vector<16xi32>,
      tpu.vector_store %arg10[%parallel_loop3A_412], %parallel_loop3A_407 {strides = array<i32>} : memref<2048xi32, #tpu.memory_space<vmem>>, vector<16xi32>,
      %parallel_loop3A_414 = arith.index_cast %parallel_loop3A_322 : i32 to index
      %parallel_loop3A_415 = arith.constant 112 : index
      %parallel_loop3A_416 = tpu.vector_load %arg6[%parallel_loop3A_414, %parallel_loop3A_415] {strides = array<i32>} : memref<16x128xi32, #tpu.memory_space<vmem>>, vector<16xi32>,
      %parallel_loop3A_417 = arith.constant 1088 : i32
      %parallel_loop3A_418 = arith.muli %parallel_loop3A_322, %parallel_loop3A_417 : i32
      %parallel_loop3A_419 = vector.broadcast %parallel_loop3A_418 : i32 to vector<16xi32>
      %parallel_loop3A_420 = arith.addi %parallel_loop3A_416, %parallel_loop3A_419 : vector<16xi32>
      %parallel_loop3A_421 = arith.constant 128 : i32
      %parallel_loop3A_422 = arith.muli %parallel_loop3A_322, %parallel_loop3A_421 : i32
      %parallel_loop3A_423 = arith.constant 112 : i32
      %parallel_loop3A_424 = arith.addi %parallel_loop3A_422, %parallel_loop3A_423 : i32
      %parallel_loop3A_425 = arith.index_cast %parallel_loop3A_424 : i32 to index
      %parallel_loop3A_426 = tpu.vector_load %arg10[%parallel_loop3A_425] {strides = array<i32>} : memref<2048xi32, #tpu.memory_space<vmem>>, vector<16xi32>,
      tpu.vector_store %arg10[%parallel_loop3A_425], %parallel_loop3A_420 {strides = array<i32>} : memref<2048xi32, #tpu.memory_space<vmem>>, vector<16xi32>,
    } {sc.loop_unroll_factor = 1 : i64, sc.parallel_access}
    %parallel_loop3A_291 = arith.constant 0 : i32
    %parallel_loop3A_292 = arith.constant 8 : i32
    %parallel_loop3A_293 = arith.constant 1 : i32
    scf.for %parallel_loop3A_322 = %parallel_loop3A_291 to %parallel_loop3A_292 step %parallel_loop3A_293  : i32 {
      %parallel_loop3A_323 = arith.constant 0 : i32
      %parallel_loop3A_324 = vector.broadcast %parallel_loop3A_323 : i32 to vector<16xi32>
      %parallel_loop3A_325 = arith.constant 16 : i32
      %parallel_loop3A_326 = arith.muli %parallel_loop3A_322, %parallel_loop3A_325 : i32
      %parallel_loop3A_327 = arith.constant 0 : i32
      %parallel_loop3A_328 = arith.index_cast %parallel_loop3A_327 : i32 to index
      %parallel_loop3A_329 = arith.index_cast %parallel_loop3A_326 : i32 to index
      %parallel_loop3A_330 = tpu.vector_load %arg6[%parallel_loop3A_328, %parallel_loop3A_329] {strides = array<i32>} : memref<16x128xi32, #tpu.memory_space<vmem>>, vector<16xi32>,
      %parallel_loop3A_331 = arith.constant 1 : i32
      %parallel_loop3A_332 = vector.broadcast %parallel_loop3A_331 : i32 to vector<16xi32>
      %parallel_loop3A_333 = arith.minsi %parallel_loop3A_330, %parallel_loop3A_332 : vector<16xi32>
      %parallel_loop3A_334 = arith.addi %parallel_loop3A_324, %parallel_loop3A_333 : vector<16xi32>
      %parallel_loop3A_335 = arith.constant 16 : i32
      %parallel_loop3A_336 = arith.muli %parallel_loop3A_322, %parallel_loop3A_335 : i32
      %parallel_loop3A_337 = arith.constant 1 : i32
      %parallel_loop3A_338 = arith.index_cast %parallel_loop3A_337 : i32 to index
      %parallel_loop3A_339 = arith.index_cast %parallel_loop3A_336 : i32 to index
      %parallel_loop3A_340 = tpu.vector_load %arg6[%parallel_loop3A_338, %parallel_loop3A_339] {strides = array<i32>} : memref<16x128xi32, #tpu.memory_space<vmem>>, vector<16xi32>,
      %parallel_loop3A_341 = arith.constant 1 : i32
      %parallel_loop3A_342 = vector.broadcast %parallel_loop3A_341 : i32 to vector<16xi32>
      %parallel_loop3A_343 = arith.minsi %parallel_loop3A_340, %parallel_loop3A_342 : vector<16xi32>
      %parallel_loop3A_344 = arith.addi %parallel_loop3A_334, %parallel_loop3A_343 : vector<16xi32>
      %parallel_loop3A_345 = arith.constant 16 : i32
      %parallel_loop3A_346 = arith.muli %parallel_loop3A_322, %parallel_loop3A_345 : i32
      %parallel_loop3A_347 = arith.constant 2 : i32
      %parallel_loop3A_348 = arith.index_cast %parallel_loop3A_347 : i32 to index
      %parallel_loop3A_349 = arith.index_cast %parallel_loop3A_346 : i32 to index
      %parallel_loop3A_350 = tpu.vector_load %arg6[%parallel_loop3A_348, %parallel_loop3A_349] {strides = array<i32>} : memref<16x128xi32, #tpu.memory_space<vmem>>, vector<16xi32>,
      %parallel_loop3A_351 = arith.constant 1 : i32
      %parallel_loop3A_352 = vector.broadcast %parallel_loop3A_351 : i32 to vector<16xi32>
      %parallel_loop3A_353 = arith.minsi %parallel_loop3A_350, %parallel_loop3A_352 : vector<16xi32>
      %parallel_loop3A_354 = arith.addi %parallel_loop3A_344, %parallel_loop3A_353 : vector<16xi32>
      %parallel_loop3A_355 = arith.constant 16 : i32
      %parallel_loop3A_356 = arith.muli %parallel_loop3A_322, %parallel_loop3A_355 : i32
      %parallel_loop3A_357 = arith.constant 3 : i32
      %parallel_loop3A_358 = arith.index_cast %parallel_loop3A_357 : i32 to index
      %parallel_loop3A_359 = arith.index_cast %parallel_loop3A_356 : i32 to index
      %parallel_loop3A_360 = tpu.vector_load %arg6[%parallel_loop3A_358, %parallel_loop3A_359] {strides = array<i32>} : memref<16x128xi32, #tpu.memory_space<vmem>>, vector<16xi32>,
      %parallel_loop3A_361 = arith.constant 1 : i32
      %parallel_loop3A_362 = vector.broadcast %parallel_loop3A_361 : i32 to vector<16xi32>
      %parallel_loop3A_363 = arith.minsi %parallel_loop3A_360, %parallel_loop3A_362 : vector<16xi32>
      %parallel_loop3A_364 = arith.addi %parallel_loop3A_354, %parallel_loop3A_363 : vector<16xi32>
      %parallel_loop3A_365 = arith.constant 16 : i32
      %parallel_loop3A_366 = arith.muli %parallel_loop3A_322, %parallel_loop3A_365 : i32
      %parallel_loop3A_367 = arith.constant 4 : i32
      %parallel_loop3A_368 = arith.index_cast %parallel_loop3A_367 : i32 to index
      %parallel_loop3A_369 = arith.index_cast %parallel_loop3A_366 : i32 to index
      %parallel_loop3A_370 = tpu.vector_load %arg6[%parallel_loop3A_368, %parallel_loop3A_369] {strides = array<i32>} : memref<16x128xi32, #tpu.memory_space<vmem>>, vector<16xi32>,
      %parallel_loop3A_371 = arith.constant 1 : i32
      %parallel_loop3A_372 = vector.broadcast %parallel_loop3A_371 : i32 to vector<16xi32>
      %parallel_loop3A_373 = arith.minsi %parallel_loop3A_370, %parallel_loop3A_372 : vector<16xi32>
      %parallel_loop3A_374 = arith.addi %parallel_loop3A_364, %parallel_loop3A_373 : vector<16xi32>
      %parallel_loop3A_375 = arith.constant 16 : i32
      %parallel_loop3A_376 = arith.muli %parallel_loop3A_322, %parallel_loop3A_375 : i32
      %parallel_loop3A_377 = arith.constant 5 : i32
      %parallel_loop3A_378 = arith.index_cast %parallel_loop3A_377 : i32 to index
      %parallel_loop3A_379 = arith.index_cast %parallel_loop3A_376 : i32 to index
      %parallel_loop3A_380 = tpu.vector_load %arg6[%parallel_loop3A_378, %parallel_loop3A_379] {strides = array<i32>} : memref<16x128xi32, #tpu.memory_space<vmem>>, vector<16xi32>,
      %parallel_loop3A_381 = arith.constant 1 : i32
      %parallel_loop3A_382 = vector.broadcast %parallel_loop3A_381 : i32 to vector<16xi32>
      %parallel_loop3A_383 = arith.minsi %parallel_loop3A_380, %parallel_loop3A_382 : vector<16xi32>
      %parallel_loop3A_384 = arith.addi %parallel_loop3A_374, %parallel_loop3A_383 : vector<16xi32>
      %parallel_loop3A_385 = arith.constant 16 : i32
      %parallel_loop3A_386 = arith.muli %parallel_loop3A_322, %parallel_loop3A_385 : i32
      %parallel_loop3A_387 = arith.constant 6 : i32
      %parallel_loop3A_388 = arith.index_cast %parallel_loop3A_387 : i32 to index
      %parallel_loop3A_389 = arith.index_cast %parallel_loop3A_386 : i32 to index
      %parallel_loop3A_390 = tpu.vector_load %arg6[%parallel_loop3A_388, %parallel_loop3A_389] {strides = array<i32>} : memref<16x128xi32, #tpu.memory_space<vmem>>, vector<16xi32>,
      %parallel_loop3A_391 = arith.constant 1 : i32
      %parallel_loop3A_392 = vector.broadcast %parallel_loop3A_391 : i32 to vector<16xi32>
      %parallel_loop3A_393 = arith.minsi %parallel_loop3A_390, %parallel_loop3A_392 : vector<16xi32>
      %parallel_loop3A_394 = arith.addi %parallel_loop3A_384, %parallel_loop3A_393 : vector<16xi32>
      %parallel_loop3A_395 = arith.constant 16 : i32
      %parallel_loop3A_396 = arith.muli %parallel_loop3A_322, %parallel_loop3A_395 : i32
      %parallel_loop3A_397 = arith.constant 7 : i32
      %parallel_loop3A_398 = arith.index_cast %parallel_loop3A_397 : i32 to index
      %parallel_loop3A_399 = arith.index_cast %parallel_loop3A_396 : i32 to index
      %parallel_loop3A_400 = tpu.vector_load %arg6[%parallel_loop3A_398, %parallel_loop3A_399] {strides = array<i32>} : memref<16x128xi32, #tpu.memory_space<vmem>>, vector<16xi32>,
      %parallel_loop3A_401 = arith.constant 1 : i32
      %parallel_loop3A_402 = vector.broadcast %parallel_loop3A_401 : i32 to vector<16xi32>
      %parallel_loop3A_403 = arith.minsi %parallel_loop3A_400, %parallel_loop3A_402 : vector<16xi32>
      %parallel_loop3A_404 = arith.addi %parallel_loop3A_394, %parallel_loop3A_403 : vector<16xi32>
      %parallel_loop3A_405 = arith.constant 16 : i32
      %parallel_loop3A_406 = arith.muli %parallel_loop3A_322, %parallel_loop3A_405 : i32
      %parallel_loop3A_407 = arith.constant 8 : i32
      %parallel_loop3A_408 = arith.index_cast %parallel_loop3A_407 : i32 to index
      %parallel_loop3A_409 = arith.index_cast %parallel_loop3A_406 : i32 to index
      %parallel_loop3A_410 = tpu.vector_load %arg6[%parallel_loop3A_408, %parallel_loop3A_409] {strides = array<i32>} : memref<16x128xi32, #tpu.memory_space<vmem>>, vector<16xi32>,
      %parallel_loop3A_411 = arith.constant 1 : i32
      %parallel_loop3A_412 = vector.broadcast %parallel_loop3A_411 : i32 to vector<16xi32>
      %parallel_loop3A_413 = arith.minsi %parallel_loop3A_410, %parallel_loop3A_412 : vector<16xi32>
      %parallel_loop3A_414 = arith.addi %parallel_loop3A_404, %parallel_loop3A_413 : vector<16xi32>
      %parallel_loop3A_415 = arith.constant 16 : i32
      %parallel_loop3A_416 = arith.muli %parallel_loop3A_322, %parallel_loop3A_415 : i32
      %parallel_loop3A_417 = arith.constant 9 : i32
      %parallel_loop3A_418 = arith.index_cast %parallel_loop3A_417 : i32 to index
      %parallel_loop3A_419 = arith.index_cast %parallel_loop3A_416 : i32 to index
      %parallel_loop3A_420 = tpu.vector_load %arg6[%parallel_loop3A_418, %parallel_loop3A_419] {strides = array<i32>} : memref<16x128xi32, #tpu.memory_space<vmem>>, vector<16xi32>,
      %parallel_loop3A_421 = arith.constant 1 : i32
      %parallel_loop3A_422 = vector.broadcast %parallel_loop3A_421 : i32 to vector<16xi32>
      %parallel_loop3A_423 = arith.minsi %parallel_loop3A_420, %parallel_loop3A_422 : vector<16xi32>
      %parallel_loop3A_424 = arith.addi %parallel_loop3A_414, %parallel_loop3A_423 : vector<16xi32>
      %parallel_loop3A_425 = arith.constant 16 : i32
      %parallel_loop3A_426 = arith.muli %parallel_loop3A_322, %parallel_loop3A_425 : i32
      %parallel_loop3A_427 = arith.constant 10 : i32
      %parallel_loop3A_428 = arith.index_cast %parallel_loop3A_427 : i32 to index
      %parallel_loop3A_429 = arith.index_cast %parallel_loop3A_426 : i32 to index
      %parallel_loop3A_430 = tpu.vector_load %arg6[%parallel_loop3A_428, %parallel_loop3A_429] {strides = array<i32>} : memref<16x128xi32, #tpu.memory_space<vmem>>, vector<16xi32>,
      %parallel_loop3A_431 = arith.constant 1 : i32
      %parallel_loop3A_432 = vector.broadcast %parallel_loop3A_431 : i32 to vector<16xi32>
      %parallel_loop3A_433 = arith.minsi %parallel_loop3A_430, %parallel_loop3A_432 : vector<16xi32>
      %parallel_loop3A_434 = arith.addi %parallel_loop3A_424, %parallel_loop3A_433 : vector<16xi32>
      %parallel_loop3A_435 = arith.constant 16 : i32
      %parallel_loop3A_436 = arith.muli %parallel_loop3A_322, %parallel_loop3A_435 : i32
      %parallel_loop3A_437 = arith.constant 11 : i32
      %parallel_loop3A_438 = arith.index_cast %parallel_loop3A_437 : i32 to index
      %parallel_loop3A_439 = arith.index_cast %parallel_loop3A_436 : i32 to index
      %parallel_loop3A_440 = tpu.vector_load %arg6[%parallel_loop3A_438, %parallel_loop3A_439] {strides = array<i32>} : memref<16x128xi32, #tpu.memory_space<vmem>>, vector<16xi32>,
      %parallel_loop3A_441 = arith.constant 1 : i32
      %parallel_loop3A_442 = vector.broadcast %parallel_loop3A_441 : i32 to vector<16xi32>
      %parallel_loop3A_443 = arith.minsi %parallel_loop3A_440, %parallel_loop3A_442 : vector<16xi32>
      %parallel_loop3A_444 = arith.addi %parallel_loop3A_434, %parallel_loop3A_443 : vector<16xi32>
      %parallel_loop3A_445 = arith.constant 16 : i32
      %parallel_loop3A_446 = arith.muli %parallel_loop3A_322, %parallel_loop3A_445 : i32
      %parallel_loop3A_447 = arith.constant 12 : i32
      %parallel_loop3A_448 = arith.index_cast %parallel_loop3A_447 : i32 to index
      %parallel_loop3A_449 = arith.index_cast %parallel_loop3A_446 : i32 to index
      %parallel_loop3A_450 = tpu.vector_load %arg6[%parallel_loop3A_448, %parallel_loop3A_449] {strides = array<i32>} : memref<16x128xi32, #tpu.memory_space<vmem>>, vector<16xi32>,
      %parallel_loop3A_451 = arith.constant 1 : i32
      %parallel_loop3A_452 = vector.broadcast %parallel_loop3A_451 : i32 to vector<16xi32>
      %parallel_loop3A_453 = arith.minsi %parallel_loop3A_450, %parallel_loop3A_452 : vector<16xi32>
      %parallel_loop3A_454 = arith.addi %parallel_loop3A_444, %parallel_loop3A_453 : vector<16xi32>
      %parallel_loop3A_455 = arith.constant 16 : i32
      %parallel_loop3A_456 = arith.muli %parallel_loop3A_322, %parallel_loop3A_455 : i32
      %parallel_loop3A_457 = arith.constant 13 : i32
      %parallel_loop3A_458 = arith.index_cast %parallel_loop3A_457 : i32 to index
      %parallel_loop3A_459 = arith.index_cast %parallel_loop3A_456 : i32 to index
      %parallel_loop3A_460 = tpu.vector_load %arg6[%parallel_loop3A_458, %parallel_loop3A_459] {strides = array<i32>} : memref<16x128xi32, #tpu.memory_space<vmem>>, vector<16xi32>,
      %parallel_loop3A_461 = arith.constant 1 : i32
      %parallel_loop3A_462 = vector.broadcast %parallel_loop3A_461 : i32 to vector<16xi32>
      %parallel_loop3A_463 = arith.minsi %parallel_loop3A_460, %parallel_loop3A_462 : vector<16xi32>
      %parallel_loop3A_464 = arith.addi %parallel_loop3A_454, %parallel_loop3A_463 : vector<16xi32>
      %parallel_loop3A_465 = arith.constant 16 : i32
      %parallel_loop3A_466 = arith.muli %parallel_loop3A_322, %parallel_loop3A_465 : i32
      %parallel_loop3A_467 = arith.constant 14 : i32
      %parallel_loop3A_468 = arith.index_cast %parallel_loop3A_467 : i32 to index
      %parallel_loop3A_469 = arith.index_cast %parallel_loop3A_466 : i32 to index
      %parallel_loop3A_470 = tpu.vector_load %arg6[%parallel_loop3A_468, %parallel_loop3A_469] {strides = array<i32>} : memref<16x128xi32, #tpu.memory_space<vmem>>, vector<16xi32>,
      %parallel_loop3A_471 = arith.constant 1 : i32
      %parallel_loop3A_472 = vector.broadcast %parallel_loop3A_471 : i32 to vector<16xi32>
      %parallel_loop3A_473 = arith.minsi %parallel_loop3A_470, %parallel_loop3A_472 : vector<16xi32>
      %parallel_loop3A_474 = arith.addi %parallel_loop3A_464, %parallel_loop3A_473 : vector<16xi32>
      %parallel_loop3A_475 = arith.constant 16 : i32
      %parallel_loop3A_476 = arith.muli %parallel_loop3A_322, %parallel_loop3A_475 : i32
      %parallel_loop3A_477 = arith.constant 15 : i32
      %parallel_loop3A_478 = arith.index_cast %parallel_loop3A_477 : i32 to index
      %parallel_loop3A_479 = arith.index_cast %parallel_loop3A_476 : i32 to index
      %parallel_loop3A_480 = tpu.vector_load %arg6[%parallel_loop3A_478, %parallel_loop3A_479] {strides = array<i32>} : memref<16x128xi32, #tpu.memory_space<vmem>>, vector<16xi32>,
      %parallel_loop3A_481 = arith.constant 1 : i32
      %parallel_loop3A_482 = vector.broadcast %parallel_loop3A_481 : i32 to vector<16xi32>
      %parallel_loop3A_483 = arith.minsi %parallel_loop3A_480, %parallel_loop3A_482 : vector<16xi32>
      %parallel_loop3A_484 = arith.addi %parallel_loop3A_474, %parallel_loop3A_483 : vector<16xi32>
      %parallel_loop3A_485 = arith.sitofp %parallel_loop3A_484 : vector<16xi32> to vector<16xf32>
      %parallel_loop3A_486 = arith.constant 1.000000e+00 : f32
      %parallel_loop3A_487 = vector.broadcast %parallel_loop3A_486 : f32 to vector<16xf32>
      %parallel_loop3A_488 = arith.maximumf %parallel_loop3A_485, %parallel_loop3A_487 : vector<16xf32>
      %parallel_loop3A_489 = arith.constant 1.000000e+00 : f32
      %parallel_loop3A_490 = vector.broadcast %parallel_loop3A_489 : f32 to vector<16xf32>
      %parallel_loop3A_491 = arith.divf %parallel_loop3A_490, %parallel_loop3A_488 : vector<16xf32>
      %parallel_loop3A_492 = arith.constant 16 : i32
      %parallel_loop3A_493 = arith.muli %parallel_loop3A_322, %parallel_loop3A_492 : i32
      %parallel_loop3A_494 = arith.index_cast %parallel_loop3A_493 : i32 to index
      %parallel_loop3A_495 = tpu.vector_load %arg9[%parallel_loop3A_494] {strides = array<i32>} : memref<128xf32, #tpu.memory_space<vmem>>, vector<16xf32>,
      tpu.vector_store %arg9[%parallel_loop3A_494], %parallel_loop3A_491 {strides = array<i32>} : memref<128xf32, #tpu.memory_space<vmem>>, vector<16xf32>,
    } {sc.loop_unroll_factor = 1 : i64, sc.parallel_access}
    %dma_start3A_294 = arith.constant 0 : i32
    %dma_start3A_295 = arith.constant 0 : i32
    %dma_start3A_296 = tpu.memref_slice %arg2[%dma_start3A_294, %dma_start3A_295] : memref<17920x16xf32, #tpu.memory_space<hbm>> -> memref<17920x16xf32, #tpu.memory_space<hbm>>
    tpu.enqueue_indirect_dma source(%dma_start3A_296 : memref<17920x16xf32, #tpu.memory_space<hbm>>) target(%arg11 : memref<2048x16xf32, #tpu.memory_space<vmem>>) offsets(%arg10 : memref<2048xi32, #tpu.memory_space<vmem>>) semaphore(%arg22 : memref<!tpu.dma_semaphore, #tpu.memory_space<semaphore_mem>>)
    %scan3A = arith.constant 0 : i32
    %scan3A_297 = arith.constant 0 : i32
    %scan3A_298 = arith.constant 16 : i32
    %scan3A_299 = arith.addi %scan3A_297, %scan3A_298 : i32
    %scan3A_300 = arith.constant 1 : i32
    scf.for %scan3A_322 = %scan3A_297 to %scan3A_299 step %scan3A_300  : i32 {
      %mul3A_323 = arith.constant 2 : i32
      %mul3A_324 = arith.muli %mul3A_323, %scan3A_322 : i32
      %lt3A_325 = arith.constant 15 : i32
      %lt3A_326 = arith.cmpi slt, %scan3A_322, %lt3A_325 : i32
      %gt3A = arith.constant 0 : i32
      %gt3A_327 = arith.cmpi sgt, %scan3A_322, %gt3A : i32
      %add3A_328 = arith.constant 1 : i32
      %add3A_329 = arith.addi %mul3A_324, %add3A_328 : i32
      %mul3A_330 = arith.constant 32 : i32
      %mul3A_331 = arith.muli %add3A, %mul3A_330 : i32
      %add3A_332 = arith.addi %mul3A_331, %add3A_329 : i32
      %jit3A_333 = arith.constant 128 : i32
      %div3A_334 = arith.divsi %add3A_332, %jit3A_333 : i32
      %sign3A_335 = arith.constant 0 : i32
      %sign3A_336 = arith.cmpi sgt, %add3A_332, %sign3A_335 : i32
      %sign3A_337 = arith.extui %sign3A_336 : i1 to i32
      %sign3A_338 = arith.constant 0 : i32
      %sign3A_339 = arith.cmpi slt, %add3A_332, %sign3A_338 : i32
      %sign3A_340 = arith.extui %sign3A_339 : i1 to i32
      %sign3A_341 = arith.subi %sign3A_337, %sign3A_340 : i32
      %sign3A_342 = arith.constant 0 : i32
      %sign3A_343 = arith.cmpi sgt, %jit3A_333, %sign3A_342 : i32
      %sign3A_344 = arith.extui %sign3A_343 : i1 to i32
      %sign3A_345 = arith.constant 0 : i32
      %sign3A_346 = arith.cmpi slt, %jit3A_333, %sign3A_345 : i32
      %sign3A_347 = arith.extui %sign3A_346 : i1 to i32
      %sign3A_348 = arith.subi %sign3A_344, %sign3A_347 : i32
      %ne3A_349 = arith.cmpi ne, %sign3A_341, %sign3A_348 : i32
      %rem3A_350 = arith.remsi %add3A_332, %jit3A_333 : i32
      %ne3A_351 = arith.constant 0 : i32
      %ne3A_352 = arith.cmpi ne, %rem3A_350, %ne3A_351 : i32
      %and3A_353 = arith.andi %ne3A_349, %ne3A_352 : i1
      %sub3A_354 = arith.constant 1 : i32
      %sub3A_355 = arith.subi %div3A_334, %sub3A_354 : i32
      %select_n3A_356 = arith.select %and3A_353, %sub3A_355, %div3A_334 : i32
      %jit3A_357 = arith.constant 128 : i32
      %eq3A_358 = arith.constant 0 : i32
      %eq3A_359 = arith.cmpi eq, %jit3A_357, %eq3A_358 : i32
      %jit3A_360 = arith.constant 1 : i32
      %select_n3A_361 = arith.select %eq3A_359, %jit3A_360, %jit3A_357 : i32
      %rem3A_362 = arith.remsi %add3A_332, %select_n3A_361 : i32
      %ne3A_363 = arith.constant 0 : i32
      %ne3A_364 = arith.cmpi ne, %rem3A_362, %ne3A_363 : i32
      %lt3A_365 = arith.constant 0 : i32
      %lt3A_366 = arith.cmpi slt, %rem3A_362, %lt3A_365 : i32
      %lt3A_367 = arith.constant 0 : i32
      %lt3A_368 = arith.cmpi slt, %select_n3A_361, %lt3A_367 : i32
      %ne3A_369 = arith.xori %lt3A_366, %lt3A_368 : i1
      %and3A_370 = arith.andi %ne3A_369, %ne3A_364 : i1
      %add3A_371 = arith.addi %rem3A_362, %select_n3A_361 : i32
      %select_n3A_372 = arith.select %and3A_370, %add3A_371, %rem3A_362 : i32
      %dma_wait3A_373 = arith.constant 0 : i32
      %dma_wait3A_374 = arith.constant 0 : i32
      %dma_wait3A_375 = tpu.memref_slice %arg4[%select_n3A_356, %select_n3A_372, %dma_wait3A_373, %dma_wait3A_374] : memref<8x128x16x128xi32, #tpu.memory_space<hbm>> -> memref<1x1x16x128xi32, #tpu.memory_space<hbm>>
      %dma_wait3A_376 = tpu.memref_squeeze %dma_wait3A_375 : memref<1x1x16x128xi32, #tpu.memory_space<hbm>> -> memref<16x128xi32, #tpu.memory_space<hbm>>
      %dma_wait3A_377 = arith.constant 0 : i32
      %dma_wait3A_378 = arith.constant 0 : i32
      %dma_wait3A_379 = tpu.memref_slice %arg4[%select_n3A_356, %select_n3A_372, %dma_wait3A_377, %dma_wait3A_378] : memref<8x128x16x128xi32, #tpu.memory_space<hbm>> -> memref<1x1x16x128xi32, #tpu.memory_space<hbm>>
      %dma_wait3A_380 = tpu.memref_squeeze %dma_wait3A_379 : memref<1x1x16x128xi32, #tpu.memory_space<hbm>> -> memref<16x128xi32, #tpu.memory_space<hbm>>
      tpu.wait_dma2 semaphore(%arg24 : memref<!tpu.dma_semaphore, #tpu.memory_space<semaphore_mem>>) src(%dma_wait3A_380 : memref<16x128xi32, #tpu.memory_space<hbm>>) dst(%arg13 : memref<16x128xi32, #tpu.memory_space<vmem>>)
      %jit3A_381 = arith.constant 128 : i32
      %div3A_382 = arith.divsi %add3A_332, %jit3A_381 : i32
      %sign3A_383 = arith.constant 0 : i32
      %sign3A_384 = arith.cmpi sgt, %add3A_332, %sign3A_383 : i32
      %sign3A_385 = arith.extui %sign3A_384 : i1 to i32
      %sign3A_386 = arith.constant 0 : i32
      %sign3A_387 = arith.cmpi slt, %add3A_332, %sign3A_386 : i32
      %sign3A_388 = arith.extui %sign3A_387 : i1 to i32
      %sign3A_389 = arith.subi %sign3A_385, %sign3A_388 : i32
      %sign3A_390 = arith.constant 0 : i32
      %sign3A_391 = arith.cmpi sgt, %jit3A_381, %sign3A_390 : i32
      %sign3A_392 = arith.extui %sign3A_391 : i1 to i32
      %sign3A_393 = arith.constant 0 : i32
      %sign3A_394 = arith.cmpi slt, %jit3A_381, %sign3A_393 : i32
      %sign3A_395 = arith.extui %sign3A_394 : i1 to i32
      %sign3A_396 = arith.subi %sign3A_392, %sign3A_395 : i32
      %ne3A_397 = arith.cmpi ne, %sign3A_389, %sign3A_396 : i32
      %rem3A_398 = arith.remsi %add3A_332, %jit3A_381 : i32
      %ne3A_399 = arith.constant 0 : i32
      %ne3A_400 = arith.cmpi ne, %rem3A_398, %ne3A_399 : i32
      %and3A_401 = arith.andi %ne3A_397, %ne3A_400 : i1
      %sub3A_402 = arith.constant 1 : i32
      %sub3A_403 = arith.subi %div3A_382, %sub3A_402 : i32
      %select_n3A_404 = arith.select %and3A_401, %sub3A_403, %div3A_382 : i32
      %jit3A_405 = arith.constant 128 : i32
      %eq3A_406 = arith.constant 0 : i32
      %eq3A_407 = arith.cmpi eq, %jit3A_405, %eq3A_406 : i32
      %jit3A_408 = arith.constant 1 : i32
      %select_n3A_409 = arith.select %eq3A_407, %jit3A_408, %jit3A_405 : i32
      %rem3A_410 = arith.remsi %add3A_332, %select_n3A_409 : i32
      %ne3A_411 = arith.constant 0 : i32
      %ne3A_412 = arith.cmpi ne, %rem3A_410, %ne3A_411 : i32
      %lt3A_413 = arith.constant 0 : i32
      %lt3A_414 = arith.cmpi slt, %rem3A_410, %lt3A_413 : i32
      %lt3A_415 = arith.constant 0 : i32
      %lt3A_416 = arith.cmpi slt, %select_n3A_409, %lt3A_415 : i32
      %ne3A_417 = arith.xori %lt3A_414, %lt3A_416 : i1
      %and3A_418 = arith.andi %ne3A_417, %ne3A_412 : i1
      %add3A_419 = arith.addi %rem3A_410, %select_n3A_409 : i32
      %select_n3A_420 = arith.select %and3A_418, %add3A_419, %rem3A_410 : i32
      %dma_wait3A_421 = arith.constant 0 : i32
      %dma_wait3A_422 = tpu.memref_slice %arg3[%select_n3A_404, %select_n3A_420, %dma_wait3A_421] : memref<8x128x128xi32, #tpu.memory_space<hbm>> -> memref<1x1x128xi32, #tpu.memory_space<hbm>>
      %dma_wait3A_423 = tpu.memref_squeeze %dma_wait3A_422 : memref<1x1x128xi32, #tpu.memory_space<hbm>> -> memref<128xi32, #tpu.memory_space<hbm>>
      %dma_wait3A_424 = arith.constant 0 : i32
      %dma_wait3A_425 = tpu.memref_slice %arg3[%select_n3A_404, %select_n3A_420, %dma_wait3A_424] : memref<8x128x128xi32, #tpu.memory_space<hbm>> -> memref<1x1x128xi32, #tpu.memory_space<hbm>>
      %dma_wait3A_426 = tpu.memref_squeeze %dma_wait3A_425 : memref<1x1x128xi32, #tpu.memory_space<hbm>> -> memref<128xi32, #tpu.memory_space<hbm>>
      tpu.wait_dma2 semaphore(%arg24 : memref<!tpu.dma_semaphore, #tpu.memory_space<semaphore_mem>>) src(%dma_wait3A_426 : memref<128xi32, #tpu.memory_space<hbm>>) dst(%arg14 : memref<128xi32, #tpu.memory_space<vmem>>)
      %parallel_loop3A_427 = arith.constant 0 : i32
      %parallel_loop3A_428 = arith.constant 8 : i32
      %parallel_loop3A_429 = arith.constant 1 : i32
      scf.for %parallel_loop3A_574 = %parallel_loop3A_427 to %parallel_loop3A_428 step %parallel_loop3A_429  : i32 {
        %parallel_loop3A_575 = arith.constant 16 : i32
        %parallel_loop3A_576 = arith.muli %parallel_loop3A_574, %parallel_loop3A_575 : i32
        %parallel_loop3A_577 = arith.index_cast %parallel_loop3A_576 : i32 to index
        %parallel_loop3A_578 = tpu.vector_load %arg14[%parallel_loop3A_577] {strides = array<i32>} : memref<128xi32, #tpu.memory_space<vmem>>, vector<16xi32>,
        %parallel_loop3A_579 = arith.constant 17408 : i32
        %parallel_loop3A_580 = vector.broadcast %parallel_loop3A_579 : i32 to vector<16xi32>
        %parallel_loop3A_581 = arith.addi %parallel_loop3A_578, %parallel_loop3A_580 : vector<16xi32>
        %parallel_loop3A_582 = arith.constant 16 : i32
        %parallel_loop3A_583 = arith.muli %parallel_loop3A_574, %parallel_loop3A_582 : i32
        %parallel_loop3A_584 = arith.index_cast %parallel_loop3A_583 : i32 to index
        %parallel_loop3A_585 = tpu.vector_load %arg14[%parallel_loop3A_584] {strides = array<i32>} : memref<128xi32, #tpu.memory_space<vmem>>, vector<16xi32>,
        tpu.vector_store %arg14[%parallel_loop3A_584], %parallel_loop3A_581 {strides = array<i32>} : memref<128xi32, #tpu.memory_space<vmem>>, vector<16xi32>,
      } {sc.loop_unroll_factor = 1 : i64, sc.parallel_access}
      %dma_start3A_430 = arith.constant 0 : i32
      %dma_start3A_431 = arith.constant 0 : i32
      %dma_start3A_432 = tpu.memref_slice %arg2[%dma_start3A_430, %dma_start3A_431] : memref<17920x16xf32, #tpu.memory_space<hbm>> -> memref<17920x16xf32, #tpu.memory_space<hbm>>
      tpu.enqueue_indirect_dma source(%dma_start3A_432 : memref<17920x16xf32, #tpu.memory_space<hbm>>) target(%arg15 : memref<128x16xf32, #tpu.memory_space<vmem>>) offsets(%arg14 : memref<128xi32, #tpu.memory_space<vmem>>) semaphore(%arg25 : memref<!tpu.dma_semaphore, #tpu.memory_space<semaphore_mem>>)
      %parallel_loop3A_433 = arith.constant 0 : i32
      %parallel_loop3A_434 = arith.constant 16 : i32
      %parallel_loop3A_435 = arith.constant 1 : i32
      scf.for %parallel_loop3A_574 = %parallel_loop3A_433 to %parallel_loop3A_434 step %parallel_loop3A_435  : i32 {
        %parallel_loop3A_575 = arith.index_cast %parallel_loop3A_574 : i32 to index
        %parallel_loop3A_576 = arith.constant 0 : index
        %parallel_loop3A_577 = tpu.vector_load %arg13[%parallel_loop3A_575, %parallel_loop3A_576] {strides = array<i32>} : memref<16x128xi32, #tpu.memory_space<vmem>>, vector<16xi32>,
        %parallel_loop3A_578 = arith.constant 1088 : i32
        %parallel_loop3A_579 = arith.muli %parallel_loop3A_574, %parallel_loop3A_578 : i32
        %parallel_loop3A_580 = vector.broadcast %parallel_loop3A_579 : i32 to vector<16xi32>
        %parallel_loop3A_581 = arith.addi %parallel_loop3A_577, %parallel_loop3A_580 : vector<16xi32>
        %parallel_loop3A_582 = arith.constant 128 : i32
        %parallel_loop3A_583 = arith.muli %parallel_loop3A_574, %parallel_loop3A_582 : i32
        %parallel_loop3A_584 = arith.constant 0 : i32
        %parallel_loop3A_585 = arith.addi %parallel_loop3A_583, %parallel_loop3A_584 : i32
        %parallel_loop3A_586 = arith.index_cast %parallel_loop3A_585 : i32 to index
        %parallel_loop3A_587 = tpu.vector_load %arg17[%parallel_loop3A_586] {strides = array<i32>} : memref<2048xi32, #tpu.memory_space<vmem>>, vector<16xi32>,
        tpu.vector_store %arg17[%parallel_loop3A_586], %parallel_loop3A_581 {strides = array<i32>} : memref<2048xi32, #tpu.memory_space<vmem>>, vector<16xi32>,
        %parallel_loop3A_588 = arith.index_cast %parallel_loop3A_574 : i32 to index
        %parallel_loop3A_589 = arith.constant 16 : index
        %parallel_loop3A_590 = tpu.vector_load %arg13[%parallel_loop3A_588, %parallel_loop3A_589] {strides = array<i32>} : memref<16x128xi32, #tpu.memory_space<vmem>>, vector<16xi32>,
        %parallel_loop3A_591 = arith.constant 1088 : i32
        %parallel_loop3A_592 = arith.muli %parallel_loop3A_574, %parallel_loop3A_591 : i32
        %parallel_loop3A_593 = vector.broadcast %parallel_loop3A_592 : i32 to vector<16xi32>
        %parallel_loop3A_594 = arith.addi %parallel_loop3A_590, %parallel_loop3A_593 : vector<16xi32>
        %parallel_loop3A_595 = arith.constant 128 : i32
        %parallel_loop3A_596 = arith.muli %parallel_loop3A_574, %parallel_loop3A_595 : i32
        %parallel_loop3A_597 = arith.constant 16 : i32
        %parallel_loop3A_598 = arith.addi %parallel_loop3A_596, %parallel_loop3A_597 : i32
        %parallel_loop3A_599 = arith.index_cast %parallel_loop3A_598 : i32 to index
        %parallel_loop3A_600 = tpu.vector_load %arg17[%parallel_loop3A_599] {strides = array<i32>} : memref<2048xi32, #tpu.memory_space<vmem>>, vector<16xi32>,
        tpu.vector_store %arg17[%parallel_loop3A_599], %parallel_loop3A_594 {strides = array<i32>} : memref<2048xi32, #tpu.memory_space<vmem>>, vector<16xi32>,
        %parallel_loop3A_601 = arith.index_cast %parallel_loop3A_574 : i32 to index
        %parallel_loop3A_602 = arith.constant 32 : index
        %parallel_loop3A_603 = tpu.vector_load %arg13[%parallel_loop3A_601, %parallel_loop3A_602] {strides = array<i32>} : memref<16x128xi32, #tpu.memory_space<vmem>>, vector<16xi32>,
        %parallel_loop3A_604 = arith.constant 1088 : i32
        %parallel_loop3A_605 = arith.muli %parallel_loop3A_574, %parallel_loop3A_604 : i32
        %parallel_loop3A_606 = vector.broadcast %parallel_loop3A_605 : i32 to vector<16xi32>
        %parallel_loop3A_607 = arith.addi %parallel_loop3A_603, %parallel_loop3A_606 : vector<16xi32>
        %parallel_loop3A_608 = arith.constant 128 : i32
        %parallel_loop3A_609 = arith.muli %parallel_loop3A_574, %parallel_loop3A_608 : i32
        %parallel_loop3A_610 = arith.constant 32 : i32
        %parallel_loop3A_611 = arith.addi %parallel_loop3A_609, %parallel_loop3A_610 : i32
        %parallel_loop3A_612 = arith.index_cast %parallel_loop3A_611 : i32 to index
        %parallel_loop3A_613 = tpu.vector_load %arg17[%parallel_loop3A_612] {strides = array<i32>} : memref<2048xi32, #tpu.memory_space<vmem>>, vector<16xi32>,
        tpu.vector_store %arg17[%parallel_loop3A_612], %parallel_loop3A_607 {strides = array<i32>} : memref<2048xi32, #tpu.memory_space<vmem>>, vector<16xi32>,
        %parallel_loop3A_614 = arith.index_cast %parallel_loop3A_574 : i32 to index
        %parallel_loop3A_615 = arith.constant 48 : index
        %parallel_loop3A_616 = tpu.vector_load %arg13[%parallel_loop3A_614, %parallel_loop3A_615] {strides = array<i32>} : memref<16x128xi32, #tpu.memory_space<vmem>>, vector<16xi32>,
        %parallel_loop3A_617 = arith.constant 1088 : i32
        %parallel_loop3A_618 = arith.muli %parallel_loop3A_574, %parallel_loop3A_617 : i32
        %parallel_loop3A_619 = vector.broadcast %parallel_loop3A_618 : i32 to vector<16xi32>
        %parallel_loop3A_620 = arith.addi %parallel_loop3A_616, %parallel_loop3A_619 : vector<16xi32>
        %parallel_loop3A_621 = arith.constant 128 : i32
        %parallel_loop3A_622 = arith.muli %parallel_loop3A_574, %parallel_loop3A_621 : i32
        %parallel_loop3A_623 = arith.constant 48 : i32
        %parallel_loop3A_624 = arith.addi %parallel_loop3A_622, %parallel_loop3A_623 : i32
        %parallel_loop3A_625 = arith.index_cast %parallel_loop3A_624 : i32 to index
        %parallel_loop3A_626 = tpu.vector_load %arg17[%parallel_loop3A_625] {strides = array<i32>} : memref<2048xi32, #tpu.memory_space<vmem>>, vector<16xi32>,
        tpu.vector_store %arg17[%parallel_loop3A_625], %parallel_loop3A_620 {strides = array<i32>} : memref<2048xi32, #tpu.memory_space<vmem>>, vector<16xi32>,
        %parallel_loop3A_627 = arith.index_cast %parallel_loop3A_574 : i32 to index
        %parallel_loop3A_628 = arith.constant 64 : index
        %parallel_loop3A_629 = tpu.vector_load %arg13[%parallel_loop3A_627, %parallel_loop3A_628] {strides = array<i32>} : memref<16x128xi32, #tpu.memory_space<vmem>>, vector<16xi32>,
        %parallel_loop3A_630 = arith.constant 1088 : i32
        %parallel_loop3A_631 = arith.muli %parallel_loop3A_574, %parallel_loop3A_630 : i32
        %parallel_loop3A_632 = vector.broadcast %parallel_loop3A_631 : i32 to vector<16xi32>
        %parallel_loop3A_633 = arith.addi %parallel_loop3A_629, %parallel_loop3A_632 : vector<16xi32>
        %parallel_loop3A_634 = arith.constant 128 : i32
        %parallel_loop3A_635 = arith.muli %parallel_loop3A_574, %parallel_loop3A_634 : i32
        %parallel_loop3A_636 = arith.constant 64 : i32
        %parallel_loop3A_637 = arith.addi %parallel_loop3A_635, %parallel_loop3A_636 : i32
        %parallel_loop3A_638 = arith.index_cast %parallel_loop3A_637 : i32 to index
        %parallel_loop3A_639 = tpu.vector_load %arg17[%parallel_loop3A_638] {strides = array<i32>} : memref<2048xi32, #tpu.memory_space<vmem>>, vector<16xi32>,
        tpu.vector_store %arg17[%parallel_loop3A_638], %parallel_loop3A_633 {strides = array<i32>} : memref<2048xi32, #tpu.memory_space<vmem>>, vector<16xi32>,
        %parallel_loop3A_640 = arith.index_cast %parallel_loop3A_574 : i32 to index
        %parallel_loop3A_641 = arith.constant 80 : index
        %parallel_loop3A_642 = tpu.vector_load %arg13[%parallel_loop3A_640, %parallel_loop3A_641] {strides = array<i32>} : memref<16x128xi32, #tpu.memory_space<vmem>>, vector<16xi32>,
        %parallel_loop3A_643 = arith.constant 1088 : i32
        %parallel_loop3A_644 = arith.muli %parallel_loop3A_574, %parallel_loop3A_643 : i32
        %parallel_loop3A_645 = vector.broadcast %parallel_loop3A_644 : i32 to vector<16xi32>
        %parallel_loop3A_646 = arith.addi %parallel_loop3A_642, %parallel_loop3A_645 : vector<16xi32>
        %parallel_loop3A_647 = arith.constant 128 : i32
        %parallel_loop3A_648 = arith.muli %parallel_loop3A_574, %parallel_loop3A_647 : i32
        %parallel_loop3A_649 = arith.constant 80 : i32
        %parallel_loop3A_650 = arith.addi %parallel_loop3A_648, %parallel_loop3A_649 : i32
        %parallel_loop3A_651 = arith.index_cast %parallel_loop3A_650 : i32 to index
        %parallel_loop3A_652 = tpu.vector_load %arg17[%parallel_loop3A_651] {strides = array<i32>} : memref<2048xi32, #tpu.memory_space<vmem>>, vector<16xi32>,
        tpu.vector_store %arg17[%parallel_loop3A_651], %parallel_loop3A_646 {strides = array<i32>} : memref<2048xi32, #tpu.memory_space<vmem>>, vector<16xi32>,
        %parallel_loop3A_653 = arith.index_cast %parallel_loop3A_574 : i32 to index
        %parallel_loop3A_654 = arith.constant 96 : index
        %parallel_loop3A_655 = tpu.vector_load %arg13[%parallel_loop3A_653, %parallel_loop3A_654] {strides = array<i32>} : memref<16x128xi32, #tpu.memory_space<vmem>>, vector<16xi32>,
        %parallel_loop3A_656 = arith.constant 1088 : i32
        %parallel_loop3A_657 = arith.muli %parallel_loop3A_574, %parallel_loop3A_656 : i32
        %parallel_loop3A_658 = vector.broadcast %parallel_loop3A_657 : i32 to vector<16xi32>
        %parallel_loop3A_659 = arith.addi %parallel_loop3A_655, %parallel_loop3A_658 : vector<16xi32>
        %parallel_loop3A_660 = arith.constant 128 : i32
        %parallel_loop3A_661 = arith.muli %parallel_loop3A_574, %parallel_loop3A_660 : i32
        %parallel_loop3A_662 = arith.constant 96 : i32
        %parallel_loop3A_663 = arith.addi %parallel_loop3A_661, %parallel_loop3A_662 : i32
        %parallel_loop3A_664 = arith.index_cast %parallel_loop3A_663 : i32 to index
        %parallel_loop3A_665 = tpu.vector_load %arg17[%parallel_loop3A_664] {strides = array<i32>} : memref<2048xi32, #tpu.memory_space<vmem>>, vector<16xi32>,
        tpu.vector_store %arg17[%parallel_loop3A_664], %parallel_loop3A_659 {strides = array<i32>} : memref<2048xi32, #tpu.memory_space<vmem>>, vector<16xi32>,
        %parallel_loop3A_666 = arith.index_cast %parallel_loop3A_574 : i32 to index
        %parallel_loop3A_667 = arith.constant 112 : index
        %parallel_loop3A_668 = tpu.vector_load %arg13[%parallel_loop3A_666, %parallel_loop3A_667] {strides = array<i32>} : memref<16x128xi32, #tpu.memory_space<vmem>>, vector<16xi32>,
        %parallel_loop3A_669 = arith.constant 1088 : i32
        %parallel_loop3A_670 = arith.muli %parallel_loop3A_574, %parallel_loop3A_669 : i32
        %parallel_loop3A_671 = vector.broadcast %parallel_loop3A_670 : i32 to vector<16xi32>
        %parallel_loop3A_672 = arith.addi %parallel_loop3A_668, %parallel_loop3A_671 : vector<16xi32>
        %parallel_loop3A_673 = arith.constant 128 : i32
        %parallel_loop3A_674 = arith.muli %parallel_loop3A_574, %parallel_loop3A_673 : i32
        %parallel_loop3A_675 = arith.constant 112 : i32
        %parallel_loop3A_676 = arith.addi %parallel_loop3A_674, %parallel_loop3A_675 : i32
        %parallel_loop3A_677 = arith.index_cast %parallel_loop3A_676 : i32 to index
        %parallel_loop3A_678 = tpu.vector_load %arg17[%parallel_loop3A_677] {strides = array<i32>} : memref<2048xi32, #tpu.memory_space<vmem>>, vector<16xi32>,
        tpu.vector_store %arg17[%parallel_loop3A_677], %parallel_loop3A_672 {strides = array<i32>} : memref<2048xi32, #tpu.memory_space<vmem>>, vector<16xi32>,
      } {sc.loop_unroll_factor = 1 : i64, sc.parallel_access}
      %parallel_loop3A_436 = arith.constant 0 : i32
      %parallel_loop3A_437 = arith.constant 8 : i32
      %parallel_loop3A_438 = arith.constant 1 : i32
      scf.for %parallel_loop3A_574 = %parallel_loop3A_436 to %parallel_loop3A_437 step %parallel_loop3A_438  : i32 {
        %parallel_loop3A_575 = arith.constant 0 : i32
        %parallel_loop3A_576 = vector.broadcast %parallel_loop3A_575 : i32 to vector<16xi32>
        %parallel_loop3A_577 = arith.constant 16 : i32
        %parallel_loop3A_578 = arith.muli %parallel_loop3A_574, %parallel_loop3A_577 : i32
        %parallel_loop3A_579 = arith.constant 0 : i32
        %parallel_loop3A_580 = arith.index_cast %parallel_loop3A_579 : i32 to index
        %parallel_loop3A_581 = arith.index_cast %parallel_loop3A_578 : i32 to index
        %parallel_loop3A_582 = tpu.vector_load %arg13[%parallel_loop3A_580, %parallel_loop3A_581] {strides = array<i32>} : memref<16x128xi32, #tpu.memory_space<vmem>>, vector<16xi32>,
        %parallel_loop3A_583 = arith.constant 1 : i32
        %parallel_loop3A_584 = vector.broadcast %parallel_loop3A_583 : i32 to vector<16xi32>
        %parallel_loop3A_585 = arith.minsi %parallel_loop3A_582, %parallel_loop3A_584 : vector<16xi32>
        %parallel_loop3A_586 = arith.addi %parallel_loop3A_576, %parallel_loop3A_585 : vector<16xi32>
        %parallel_loop3A_587 = arith.constant 16 : i32
        %parallel_loop3A_588 = arith.muli %parallel_loop3A_574, %parallel_loop3A_587 : i32
        %parallel_loop3A_589 = arith.constant 1 : i32
        %parallel_loop3A_590 = arith.index_cast %parallel_loop3A_589 : i32 to index
        %parallel_loop3A_591 = arith.index_cast %parallel_loop3A_588 : i32 to index
        %parallel_loop3A_592 = tpu.vector_load %arg13[%parallel_loop3A_590, %parallel_loop3A_591] {strides = array<i32>} : memref<16x128xi32, #tpu.memory_space<vmem>>, vector<16xi32>,
        %parallel_loop3A_593 = arith.constant 1 : i32
        %parallel_loop3A_594 = vector.broadcast %parallel_loop3A_593 : i32 to vector<16xi32>
        %parallel_loop3A_595 = arith.minsi %parallel_loop3A_592, %parallel_loop3A_594 : vector<16xi32>
        %parallel_loop3A_596 = arith.addi %parallel_loop3A_586, %parallel_loop3A_595 : vector<16xi32>
        %parallel_loop3A_597 = arith.constant 16 : i32
        %parallel_loop3A_598 = arith.muli %parallel_loop3A_574, %parallel_loop3A_597 : i32
        %parallel_loop3A_599 = arith.constant 2 : i32
        %parallel_loop3A_600 = arith.index_cast %parallel_loop3A_599 : i32 to index
        %parallel_loop3A_601 = arith.index_cast %parallel_loop3A_598 : i32 to index
        %parallel_loop3A_602 = tpu.vector_load %arg13[%parallel_loop3A_600, %parallel_loop3A_601] {strides = array<i32>} : memref<16x128xi32, #tpu.memory_space<vmem>>, vector<16xi32>,
        %parallel_loop3A_603 = arith.constant 1 : i32
        %parallel_loop3A_604 = vector.broadcast %parallel_loop3A_603 : i32 to vector<16xi32>
        %parallel_loop3A_605 = arith.minsi %parallel_loop3A_602, %parallel_loop3A_604 : vector<16xi32>
        %parallel_loop3A_606 = arith.addi %parallel_loop3A_596, %parallel_loop3A_605 : vector<16xi32>
        %parallel_loop3A_607 = arith.constant 16 : i32
        %parallel_loop3A_608 = arith.muli %parallel_loop3A_574, %parallel_loop3A_607 : i32
        %parallel_loop3A_609 = arith.constant 3 : i32
        %parallel_loop3A_610 = arith.index_cast %parallel_loop3A_609 : i32 to index
        %parallel_loop3A_611 = arith.index_cast %parallel_loop3A_608 : i32 to index
        %parallel_loop3A_612 = tpu.vector_load %arg13[%parallel_loop3A_610, %parallel_loop3A_611] {strides = array<i32>} : memref<16x128xi32, #tpu.memory_space<vmem>>, vector<16xi32>,
        %parallel_loop3A_613 = arith.constant 1 : i32
        %parallel_loop3A_614 = vector.broadcast %parallel_loop3A_613 : i32 to vector<16xi32>
        %parallel_loop3A_615 = arith.minsi %parallel_loop3A_612, %parallel_loop3A_614 : vector<16xi32>
        %parallel_loop3A_616 = arith.addi %parallel_loop3A_606, %parallel_loop3A_615 : vector<16xi32>
        %parallel_loop3A_617 = arith.constant 16 : i32
        %parallel_loop3A_618 = arith.muli %parallel_loop3A_574, %parallel_loop3A_617 : i32
        %parallel_loop3A_619 = arith.constant 4 : i32
        %parallel_loop3A_620 = arith.index_cast %parallel_loop3A_619 : i32 to index
        %parallel_loop3A_621 = arith.index_cast %parallel_loop3A_618 : i32 to index
        %parallel_loop3A_622 = tpu.vector_load %arg13[%parallel_loop3A_620, %parallel_loop3A_621] {strides = array<i32>} : memref<16x128xi32, #tpu.memory_space<vmem>>, vector<16xi32>,
        %parallel_loop3A_623 = arith.constant 1 : i32
        %parallel_loop3A_624 = vector.broadcast %parallel_loop3A_623 : i32 to vector<16xi32>
        %parallel_loop3A_625 = arith.minsi %parallel_loop3A_622, %parallel_loop3A_624 : vector<16xi32>
        %parallel_loop3A_626 = arith.addi %parallel_loop3A_616, %parallel_loop3A_625 : vector<16xi32>
        %parallel_loop3A_627 = arith.constant 16 : i32
        %parallel_loop3A_628 = arith.muli %parallel_loop3A_574, %parallel_loop3A_627 : i32
        %parallel_loop3A_629 = arith.constant 5 : i32
        %parallel_loop3A_630 = arith.index_cast %parallel_loop3A_629 : i32 to index
        %parallel_loop3A_631 = arith.index_cast %parallel_loop3A_628 : i32 to index
        %parallel_loop3A_632 = tpu.vector_load %arg13[%parallel_loop3A_630, %parallel_loop3A_631] {strides = array<i32>} : memref<16x128xi32, #tpu.memory_space<vmem>>, vector<16xi32>,
        %parallel_loop3A_633 = arith.constant 1 : i32
        %parallel_loop3A_634 = vector.broadcast %parallel_loop3A_633 : i32 to vector<16xi32>
        %parallel_loop3A_635 = arith.minsi %parallel_loop3A_632, %parallel_loop3A_634 : vector<16xi32>
        %parallel_loop3A_636 = arith.addi %parallel_loop3A_626, %parallel_loop3A_635 : vector<16xi32>
        %parallel_loop3A_637 = arith.constant 16 : i32
        %parallel_loop3A_638 = arith.muli %parallel_loop3A_574, %parallel_loop3A_637 : i32
        %parallel_loop3A_639 = arith.constant 6 : i32
        %parallel_loop3A_640 = arith.index_cast %parallel_loop3A_639 : i32 to index
        %parallel_loop3A_641 = arith.index_cast %parallel_loop3A_638 : i32 to index
        %parallel_loop3A_642 = tpu.vector_load %arg13[%parallel_loop3A_640, %parallel_loop3A_641] {strides = array<i32>} : memref<16x128xi32, #tpu.memory_space<vmem>>, vector<16xi32>,
        %parallel_loop3A_643 = arith.constant 1 : i32
        %parallel_loop3A_644 = vector.broadcast %parallel_loop3A_643 : i32 to vector<16xi32>
        %parallel_loop3A_645 = arith.minsi %parallel_loop3A_642, %parallel_loop3A_644 : vector<16xi32>
        %parallel_loop3A_646 = arith.addi %parallel_loop3A_636, %parallel_loop3A_645 : vector<16xi32>
        %parallel_loop3A_647 = arith.constant 16 : i32
        %parallel_loop3A_648 = arith.muli %parallel_loop3A_574, %parallel_loop3A_647 : i32
        %parallel_loop3A_649 = arith.constant 7 : i32
        %parallel_loop3A_650 = arith.index_cast %parallel_loop3A_649 : i32 to index
        %parallel_loop3A_651 = arith.index_cast %parallel_loop3A_648 : i32 to index
        %parallel_loop3A_652 = tpu.vector_load %arg13[%parallel_loop3A_650, %parallel_loop3A_651] {strides = array<i32>} : memref<16x128xi32, #tpu.memory_space<vmem>>, vector<16xi32>,
        %parallel_loop3A_653 = arith.constant 1 : i32
        %parallel_loop3A_654 = vector.broadcast %parallel_loop3A_653 : i32 to vector<16xi32>
        %parallel_loop3A_655 = arith.minsi %parallel_loop3A_652, %parallel_loop3A_654 : vector<16xi32>
        %parallel_loop3A_656 = arith.addi %parallel_loop3A_646, %parallel_loop3A_655 : vector<16xi32>
        %parallel_loop3A_657 = arith.constant 16 : i32
        %parallel_loop3A_658 = arith.muli %parallel_loop3A_574, %parallel_loop3A_657 : i32
        %parallel_loop3A_659 = arith.constant 8 : i32
        %parallel_loop3A_660 = arith.index_cast %parallel_loop3A_659 : i32 to index
        %parallel_loop3A_661 = arith.index_cast %parallel_loop3A_658 : i32 to index
        %parallel_loop3A_662 = tpu.vector_load %arg13[%parallel_loop3A_660, %parallel_loop3A_661] {strides = array<i32>} : memref<16x128xi32, #tpu.memory_space<vmem>>, vector<16xi32>,
        %parallel_loop3A_663 = arith.constant 1 : i32
        %parallel_loop3A_664 = vector.broadcast %parallel_loop3A_663 : i32 to vector<16xi32>
        %parallel_loop3A_665 = arith.minsi %parallel_loop3A_662, %parallel_loop3A_664 : vector<16xi32>
        %parallel_loop3A_666 = arith.addi %parallel_loop3A_656, %parallel_loop3A_665 : vector<16xi32>
        %parallel_loop3A_667 = arith.constant 16 : i32
        %parallel_loop3A_668 = arith.muli %parallel_loop3A_574, %parallel_loop3A_667 : i32
        %parallel_loop3A_669 = arith.constant 9 : i32
        %parallel_loop3A_670 = arith.index_cast %parallel_loop3A_669 : i32 to index
        %parallel_loop3A_671 = arith.index_cast %parallel_loop3A_668 : i32 to index
        %parallel_loop3A_672 = tpu.vector_load %arg13[%parallel_loop3A_670, %parallel_loop3A_671] {strides = array<i32>} : memref<16x128xi32, #tpu.memory_space<vmem>>, vector<16xi32>,
        %parallel_loop3A_673 = arith.constant 1 : i32
        %parallel_loop3A_674 = vector.broadcast %parallel_loop3A_673 : i32 to vector<16xi32>
        %parallel_loop3A_675 = arith.minsi %parallel_loop3A_672, %parallel_loop3A_674 : vector<16xi32>
        %parallel_loop3A_676 = arith.addi %parallel_loop3A_666, %parallel_loop3A_675 : vector<16xi32>
        %parallel_loop3A_677 = arith.constant 16 : i32
        %parallel_loop3A_678 = arith.muli %parallel_loop3A_574, %parallel_loop3A_677 : i32
        %parallel_loop3A_679 = arith.constant 10 : i32
        %parallel_loop3A_680 = arith.index_cast %parallel_loop3A_679 : i32 to index
        %parallel_loop3A_681 = arith.index_cast %parallel_loop3A_678 : i32 to index
        %parallel_loop3A_682 = tpu.vector_load %arg13[%parallel_loop3A_680, %parallel_loop3A_681] {strides = array<i32>} : memref<16x128xi32, #tpu.memory_space<vmem>>, vector<16xi32>,
        %parallel_loop3A_683 = arith.constant 1 : i32
        %parallel_loop3A_684 = vector.broadcast %parallel_loop3A_683 : i32 to vector<16xi32>
        %parallel_loop3A_685 = arith.minsi %parallel_loop3A_682, %parallel_loop3A_684 : vector<16xi32>
        %parallel_loop3A_686 = arith.addi %parallel_loop3A_676, %parallel_loop3A_685 : vector<16xi32>
        %parallel_loop3A_687 = arith.constant 16 : i32
        %parallel_loop3A_688 = arith.muli %parallel_loop3A_574, %parallel_loop3A_687 : i32
        %parallel_loop3A_689 = arith.constant 11 : i32
        %parallel_loop3A_690 = arith.index_cast %parallel_loop3A_689 : i32 to index
        %parallel_loop3A_691 = arith.index_cast %parallel_loop3A_688 : i32 to index
        %parallel_loop3A_692 = tpu.vector_load %arg13[%parallel_loop3A_690, %parallel_loop3A_691] {strides = array<i32>} : memref<16x128xi32, #tpu.memory_space<vmem>>, vector<16xi32>,
        %parallel_loop3A_693 = arith.constant 1 : i32
        %parallel_loop3A_694 = vector.broadcast %parallel_loop3A_693 : i32 to vector<16xi32>
        %parallel_loop3A_695 = arith.minsi %parallel_loop3A_692, %parallel_loop3A_694 : vector<16xi32>
        %parallel_loop3A_696 = arith.addi %parallel_loop3A_686, %parallel_loop3A_695 : vector<16xi32>
        %parallel_loop3A_697 = arith.constant 16 : i32
        %parallel_loop3A_698 = arith.muli %parallel_loop3A_574, %parallel_loop3A_697 : i32
        %parallel_loop3A_699 = arith.constant 12 : i32
        %parallel_loop3A_700 = arith.index_cast %parallel_loop3A_699 : i32 to index
        %parallel_loop3A_701 = arith.index_cast %parallel_loop3A_698 : i32 to index
        %parallel_loop3A_702 = tpu.vector_load %arg13[%parallel_loop3A_700, %parallel_loop3A_701] {strides = array<i32>} : memref<16x128xi32, #tpu.memory_space<vmem>>, vector<16xi32>,
        %parallel_loop3A_703 = arith.constant 1 : i32
        %parallel_loop3A_704 = vector.broadcast %parallel_loop3A_703 : i32 to vector<16xi32>
        %parallel_loop3A_705 = arith.minsi %parallel_loop3A_702, %parallel_loop3A_704 : vector<16xi32>
        %parallel_loop3A_706 = arith.addi %parallel_loop3A_696, %parallel_loop3A_705 : vector<16xi32>
        %parallel_loop3A_707 = arith.constant 16 : i32
        %parallel_loop3A_708 = arith.muli %parallel_loop3A_574, %parallel_loop3A_707 : i32
        %parallel_loop3A_709 = arith.constant 13 : i32
        %parallel_loop3A_710 = arith.index_cast %parallel_loop3A_709 : i32 to index
        %parallel_loop3A_711 = arith.index_cast %parallel_loop3A_708 : i32 to index
        %parallel_loop3A_712 = tpu.vector_load %arg13[%parallel_loop3A_710, %parallel_loop3A_711] {strides = array<i32>} : memref<16x128xi32, #tpu.memory_space<vmem>>, vector<16xi32>,
        %parallel_loop3A_713 = arith.constant 1 : i32
        %parallel_loop3A_714 = vector.broadcast %parallel_loop3A_713 : i32 to vector<16xi32>
        %parallel_loop3A_715 = arith.minsi %parallel_loop3A_712, %parallel_loop3A_714 : vector<16xi32>
        %parallel_loop3A_716 = arith.addi %parallel_loop3A_706, %parallel_loop3A_715 : vector<16xi32>
        %parallel_loop3A_717 = arith.constant 16 : i32
        %parallel_loop3A_718 = arith.muli %parallel_loop3A_574, %parallel_loop3A_717 : i32
        %parallel_loop3A_719 = arith.constant 14 : i32
        %parallel_loop3A_720 = arith.index_cast %parallel_loop3A_719 : i32 to index
        %parallel_loop3A_721 = arith.index_cast %parallel_loop3A_718 : i32 to index
        %parallel_loop3A_722 = tpu.vector_load %arg13[%parallel_loop3A_720, %parallel_loop3A_721] {strides = array<i32>} : memref<16x128xi32, #tpu.memory_space<vmem>>, vector<16xi32>,
        %parallel_loop3A_723 = arith.constant 1 : i32
        %parallel_loop3A_724 = vector.broadcast %parallel_loop3A_723 : i32 to vector<16xi32>
        %parallel_loop3A_725 = arith.minsi %parallel_loop3A_722, %parallel_loop3A_724 : vector<16xi32>
        %parallel_loop3A_726 = arith.addi %parallel_loop3A_716, %parallel_loop3A_725 : vector<16xi32>
        %parallel_loop3A_727 = arith.constant 16 : i32
        %parallel_loop3A_728 = arith.muli %parallel_loop3A_574, %parallel_loop3A_727 : i32
        %parallel_loop3A_729 = arith.constant 15 : i32
        %parallel_loop3A_730 = arith.index_cast %parallel_loop3A_729 : i32 to index
        %parallel_loop3A_731 = arith.index_cast %parallel_loop3A_728 : i32 to index
        %parallel_loop3A_732 = tpu.vector_load %arg13[%parallel_loop3A_730, %parallel_loop3A_731] {strides = array<i32>} : memref<16x128xi32, #tpu.memory_space<vmem>>, vector<16xi32>,
        %parallel_loop3A_733 = arith.constant 1 : i32
        %parallel_loop3A_734 = vector.broadcast %parallel_loop3A_733 : i32 to vector<16xi32>
        %parallel_loop3A_735 = arith.minsi %parallel_loop3A_732, %parallel_loop3A_734 : vector<16xi32>
        %parallel_loop3A_736 = arith.addi %parallel_loop3A_726, %parallel_loop3A_735 : vector<16xi32>
        %parallel_loop3A_737 = arith.sitofp %parallel_loop3A_736 : vector<16xi32> to vector<16xf32>
        %parallel_loop3A_738 = arith.constant 1.000000e+00 : f32
        %parallel_loop3A_739 = vector.broadcast %parallel_loop3A_738 : f32 to vector<16xf32>
        %parallel_loop3A_740 = arith.maximumf %parallel_loop3A_737, %parallel_loop3A_739 : vector<16xf32>
        %parallel_loop3A_741 = arith.constant 1.000000e+00 : f32
        %parallel_loop3A_742 = vector.broadcast %parallel_loop3A_741 : f32 to vector<16xf32>
        %parallel_loop3A_743 = arith.divf %parallel_loop3A_742, %parallel_loop3A_740 : vector<16xf32>
        %parallel_loop3A_744 = arith.constant 16 : i32
        %parallel_loop3A_745 = arith.muli %parallel_loop3A_574, %parallel_loop3A_744 : i32
        %parallel_loop3A_746 = arith.index_cast %parallel_loop3A_745 : i32 to index
        %parallel_loop3A_747 = tpu.vector_load %arg16[%parallel_loop3A_746] {strides = array<i32>} : memref<128xf32, #tpu.memory_space<vmem>>, vector<16xf32>,
        tpu.vector_store %arg16[%parallel_loop3A_746], %parallel_loop3A_743 {strides = array<i32>} : memref<128xf32, #tpu.memory_space<vmem>>, vector<16xf32>,
      } {sc.loop_unroll_factor = 1 : i64, sc.parallel_access}
      %dma_start3A_439 = arith.constant 0 : i32
      %dma_start3A_440 = arith.constant 0 : i32
      %dma_start3A_441 = tpu.memref_slice %arg2[%dma_start3A_439, %dma_start3A_440] : memref<17920x16xf32, #tpu.memory_space<hbm>> -> memref<17920x16xf32, #tpu.memory_space<hbm>>
      tpu.enqueue_indirect_dma source(%dma_start3A_441 : memref<17920x16xf32, #tpu.memory_space<hbm>>) target(%arg18 : memref<2048x16xf32, #tpu.memory_space<vmem>>) offsets(%arg17 : memref<2048xi32, #tpu.memory_space<vmem>>) semaphore(%arg26 : memref<!tpu.dma_semaphore, #tpu.memory_space<semaphore_mem>>)
      %convert_element_type3A = arith.extui %lt3A_326 : i1 to i32
      %cond3A = arith.constant 0 : i32
      %cond3A_442 = arith.cmpi ne, %convert_element_type3A, %cond3A : i32
      scf.if %cond3A_442 {
        %add3A_574 = arith.constant 2 : i32
        %add3A_575 = arith.addi %mul3A_324, %add3A_574 : i32
        %mul3A_576 = arith.constant 32 : i32
        %mul3A_577 = arith.muli %add3A, %mul3A_576 : i32
        %add3A_578 = arith.addi %mul3A_577, %add3A_575 : i32
        %jit3A_579 = arith.constant 128 : i32
        %div3A_580 = arith.divsi %add3A_578, %jit3A_579 : i32
        %sign3A_581 = arith.constant 0 : i32
        %sign3A_582 = arith.cmpi sgt, %add3A_578, %sign3A_581 : i32
        %sign3A_583 = arith.extui %sign3A_582 : i1 to i32
        %sign3A_584 = arith.constant 0 : i32
        %sign3A_585 = arith.cmpi slt, %add3A_578, %sign3A_584 : i32
        %sign3A_586 = arith.extui %sign3A_585 : i1 to i32
        %sign3A_587 = arith.subi %sign3A_583, %sign3A_586 : i32
        %sign3A_588 = arith.constant 0 : i32
        %sign3A_589 = arith.cmpi sgt, %jit3A_579, %sign3A_588 : i32
        %sign3A_590 = arith.extui %sign3A_589 : i1 to i32
        %sign3A_591 = arith.constant 0 : i32
        %sign3A_592 = arith.cmpi slt, %jit3A_579, %sign3A_591 : i32
        %sign3A_593 = arith.extui %sign3A_592 : i1 to i32
        %sign3A_594 = arith.subi %sign3A_590, %sign3A_593 : i32
        %ne3A_595 = arith.cmpi ne, %sign3A_587, %sign3A_594 : i32
        %rem3A_596 = arith.remsi %add3A_578, %jit3A_579 : i32
        %ne3A_597 = arith.constant 0 : i32
        %ne3A_598 = arith.cmpi ne, %rem3A_596, %ne3A_597 : i32
        %and3A_599 = arith.andi %ne3A_595, %ne3A_598 : i1
        %sub3A_600 = arith.constant 1 : i32
        %sub3A_601 = arith.subi %div3A_580, %sub3A_600 : i32
        %select_n3A_602 = arith.select %and3A_599, %sub3A_601, %div3A_580 : i32
        %jit3A_603 = arith.constant 128 : i32
        %eq3A_604 = arith.constant 0 : i32
        %eq3A_605 = arith.cmpi eq, %jit3A_603, %eq3A_604 : i32
        %jit3A_606 = arith.constant 1 : i32
        %select_n3A_607 = arith.select %eq3A_605, %jit3A_606, %jit3A_603 : i32
        %rem3A_608 = arith.remsi %add3A_578, %select_n3A_607 : i32
        %ne3A_609 = arith.constant 0 : i32
        %ne3A_610 = arith.cmpi ne, %rem3A_608, %ne3A_609 : i32
        %lt3A_611 = arith.constant 0 : i32
        %lt3A_612 = arith.cmpi slt, %rem3A_608, %lt3A_611 : i32
        %lt3A_613 = arith.constant 0 : i32
        %lt3A_614 = arith.cmpi slt, %select_n3A_607, %lt3A_613 : i32
        %ne3A_615 = arith.xori %lt3A_612, %lt3A_614 : i1
        %and3A_616 = arith.andi %ne3A_615, %ne3A_610 : i1
        %add3A_617 = arith.addi %rem3A_608, %select_n3A_607 : i32
        %select_n3A_618 = arith.select %and3A_616, %add3A_617, %rem3A_608 : i32
        %dma_start3A_619 = arith.constant 0 : i32
        %dma_start3A_620 = arith.constant 0 : i32
        %dma_start3A_621 = tpu.memref_slice %arg4[%select_n3A_602, %select_n3A_618, %dma_start3A_619, %dma_start3A_620] : memref<8x128x16x128xi32, #tpu.memory_space<hbm>> -> memref<1x1x16x128xi32, #tpu.memory_space<hbm>>
        %dma_start3A_622 = tpu.memref_squeeze %dma_start3A_621 : memref<1x1x16x128xi32, #tpu.memory_space<hbm>> -> memref<16x128xi32, #tpu.memory_space<hbm>>
        %dma_start3A_623 = arith.constant 0 : i32
        %dma_start3A_624 = arith.constant 0 : i32
        %dma_start3A_625 = tpu.memref_slice %arg4[%select_n3A_602, %select_n3A_618, %dma_start3A_623, %dma_start3A_624] : memref<8x128x16x128xi32, #tpu.memory_space<hbm>> -> memref<1x1x16x128xi32, #tpu.memory_space<hbm>>
        %dma_start3A_626 = tpu.memref_squeeze %dma_start3A_625 : memref<1x1x16x128xi32, #tpu.memory_space<hbm>> -> memref<16x128xi32, #tpu.memory_space<hbm>>
        tpu.enqueue_dma source(%dma_start3A_626 : memref<16x128xi32, #tpu.memory_space<hbm>>) target(%arg6 : memref<16x128xi32, #tpu.memory_space<vmem>>) target_semaphore(%arg20 : memref<!tpu.dma_semaphore, #tpu.memory_space<semaphore_mem>>)
        %jit3A_627 = arith.constant 128 : i32
        %div3A_628 = arith.divsi %add3A_578, %jit3A_627 : i32
        %sign3A_629 = arith.constant 0 : i32
        %sign3A_630 = arith.cmpi sgt, %add3A_578, %sign3A_629 : i32
        %sign3A_631 = arith.extui %sign3A_630 : i1 to i32
        %sign3A_632 = arith.constant 0 : i32
        %sign3A_633 = arith.cmpi slt, %add3A_578, %sign3A_632 : i32
        %sign3A_634 = arith.extui %sign3A_633 : i1 to i32
        %sign3A_635 = arith.subi %sign3A_631, %sign3A_634 : i32
        %sign3A_636 = arith.constant 0 : i32
        %sign3A_637 = arith.cmpi sgt, %jit3A_627, %sign3A_636 : i32
        %sign3A_638 = arith.extui %sign3A_637 : i1 to i32
        %sign3A_639 = arith.constant 0 : i32
        %sign3A_640 = arith.cmpi slt, %jit3A_627, %sign3A_639 : i32
        %sign3A_641 = arith.extui %sign3A_640 : i1 to i32
        %sign3A_642 = arith.subi %sign3A_638, %sign3A_641 : i32
        %ne3A_643 = arith.cmpi ne, %sign3A_635, %sign3A_642 : i32
        %rem3A_644 = arith.remsi %add3A_578, %jit3A_627 : i32
        %ne3A_645 = arith.constant 0 : i32
        %ne3A_646 = arith.cmpi ne, %rem3A_644, %ne3A_645 : i32
        %and3A_647 = arith.andi %ne3A_643, %ne3A_646 : i1
        %sub3A_648 = arith.constant 1 : i32
        %sub3A_649 = arith.subi %div3A_628, %sub3A_648 : i32
        %select_n3A_650 = arith.select %and3A_647, %sub3A_649, %div3A_628 : i32
        %jit3A_651 = arith.constant 128 : i32
        %eq3A_652 = arith.constant 0 : i32
        %eq3A_653 = arith.cmpi eq, %jit3A_651, %eq3A_652 : i32
        %jit3A_654 = arith.constant 1 : i32
        %select_n3A_655 = arith.select %eq3A_653, %jit3A_654, %jit3A_651 : i32
        %rem3A_656 = arith.remsi %add3A_578, %select_n3A_655 : i32
        %ne3A_657 = arith.constant 0 : i32
        %ne3A_658 = arith.cmpi ne, %rem3A_656, %ne3A_657 : i32
        %lt3A_659 = arith.constant 0 : i32
        %lt3A_660 = arith.cmpi slt, %rem3A_656, %lt3A_659 : i32
        %lt3A_661 = arith.constant 0 : i32
        %lt3A_662 = arith.cmpi slt, %select_n3A_655, %lt3A_661 : i32
        %ne3A_663 = arith.xori %lt3A_660, %lt3A_662 : i1
        %and3A_664 = arith.andi %ne3A_663, %ne3A_658 : i1
        %add3A_665 = arith.addi %rem3A_656, %select_n3A_655 : i32
        %select_n3A_666 = arith.select %and3A_664, %add3A_665, %rem3A_656 : i32
        %dma_start3A_667 = arith.constant 0 : i32
        %dma_start3A_668 = tpu.memref_slice %arg3[%select_n3A_650, %select_n3A_666, %dma_start3A_667] : memref<8x128x128xi32, #tpu.memory_space<hbm>> -> memref<1x1x128xi32, #tpu.memory_space<hbm>>
        %dma_start3A_669 = tpu.memref_squeeze %dma_start3A_668 : memref<1x1x128xi32, #tpu.memory_space<hbm>> -> memref<128xi32, #tpu.memory_space<hbm>>
        %dma_start3A_670 = arith.constant 0 : i32
        %dma_start3A_671 = tpu.memref_slice %arg3[%select_n3A_650, %select_n3A_666, %dma_start3A_670] : memref<8x128x128xi32, #tpu.memory_space<hbm>> -> memref<1x1x128xi32, #tpu.memory_space<hbm>>
        %dma_start3A_672 = tpu.memref_squeeze %dma_start3A_671 : memref<1x1x128xi32, #tpu.memory_space<hbm>> -> memref<128xi32, #tpu.memory_space<hbm>>
        tpu.enqueue_dma source(%dma_start3A_672 : memref<128xi32, #tpu.memory_space<hbm>>) target(%arg7 : memref<128xi32, #tpu.memory_space<vmem>>) target_semaphore(%arg20 : memref<!tpu.dma_semaphore, #tpu.memory_space<semaphore_mem>>)
      } else {
      }
      %mul3A_443 = arith.constant 32 : i32
      %mul3A_444 = arith.muli %add3A, %mul3A_443 : i32
      %add3A_445 = arith.addi %mul3A_444, %mul3A_324 : i32
      %dma_wait3A_446 = arith.constant 0 : i32
      %dma_wait3A_447 = arith.constant 0 : i32
      %dma_wait3A_448 = tpu.memref_slice %arg2[%dma_wait3A_446, %dma_wait3A_447] : memref<17920x16xf32, #tpu.memory_space<hbm>> -> memref<17920x16xf32, #tpu.memory_space<hbm>>
      tpu.wait_indirect_dma semaphore(%arg22 : memref<!tpu.dma_semaphore, #tpu.memory_space<semaphore_mem>>) src(%dma_wait3A_448 : memref<17920x16xf32, #tpu.memory_space<hbm>>) dst(%arg11 : memref<2048x16xf32, #tpu.memory_space<vmem>>)
      %dma_wait3A_449 = arith.constant 0 : i32
      %dma_wait3A_450 = arith.constant 0 : i32
      %dma_wait3A_451 = tpu.memref_slice %arg2[%dma_wait3A_449, %dma_wait3A_450] : memref<17920x16xf32, #tpu.memory_space<hbm>> -> memref<17920x16xf32, #tpu.memory_space<hbm>>
      tpu.wait_indirect_dma semaphore(%arg21 : memref<!tpu.dma_semaphore, #tpu.memory_space<semaphore_mem>>) src(%dma_wait3A_451 : memref<17920x16xf32, #tpu.memory_space<hbm>>) dst(%arg8 : memref<128x16xf32, #tpu.memory_space<vmem>>)
      %convert_element_type3A_452 = arith.extui %gt3A_327 : i1 to i32
      %cond3A_453 = arith.constant 0 : i32
      %cond3A_454 = arith.cmpi ne, %convert_element_type3A_452, %cond3A_453 : i32
      scf.if %cond3A_454 {
        %dma_wait3A_574 = arith.constant 0 : i32
        %dma_wait3A_575 = arith.constant 0 : i32
        %dma_wait3A_576 = arith.constant 0 : i32
        %dma_wait3A_577 = arith.constant 0 : i32
        %dma_wait3A_578 = tpu.memref_slice %arg5[%dma_wait3A_574, %dma_wait3A_576, %dma_wait3A_575, %dma_wait3A_577] : memref<8x16x128x128xf32, #tpu.memory_space<hbm>> -> memref<1x16x1x128xf32, #tpu.memory_space<hbm>>
        %dma_wait3A_579 = tpu.memref_squeeze %dma_wait3A_578 : memref<1x16x1x128xf32, #tpu.memory_space<hbm>> -> memref<16x128xf32, #tpu.memory_space<hbm>>
        %dma_wait3A_580 = arith.constant 0 : i32
        %dma_wait3A_581 = arith.constant 0 : i32
        %dma_wait3A_582 = tpu.memref_slice %arg5[%dma_wait3A_574, %dma_wait3A_580, %dma_wait3A_575, %dma_wait3A_581] : memref<8x16x128x128xf32, #tpu.memory_space<hbm>> -> memref<1x16x1x128xf32, #tpu.memory_space<hbm>>
        %dma_wait3A_583 = tpu.memref_squeeze %dma_wait3A_582 : memref<1x16x1x128xf32, #tpu.memory_space<hbm>> -> memref<16x128xf32, #tpu.memory_space<hbm>>
        tpu.wait_dma2 semaphore(%arg23 : memref<!tpu.dma_semaphore, #tpu.memory_space<semaphore_mem>>) src(%arg12 : memref<16x128xf32, #tpu.memory_space<vmem>>) dst(%dma_wait3A_583 : memref<16x128xf32, #tpu.memory_space<hbm>>)
      } else {
      }
      %parallel_loop3A_455 = arith.constant 0 : i32
      %parallel_loop3A_456 = arith.constant 128 : i32
      %parallel_loop3A_457 = arith.constant 1 : i32
      scf.for %parallel_loop3A_574 = %parallel_loop3A_455 to %parallel_loop3A_456 step %parallel_loop3A_457  : i32 {
        %parallel_loop3A_575 = arith.constant 0 : i32
        %parallel_loop3A_576 = arith.addi %parallel_loop3A_575, %parallel_loop3A_574 : i32
        %parallel_loop3A_577 = arith.index_cast %parallel_loop3A_576 : i32 to index
        %parallel_loop3A_578 = arith.constant 0 : index
        %parallel_loop3A_579 = tpu.vector_load %arg11[%parallel_loop3A_577, %parallel_loop3A_578] {strides = array<i32>} : memref<2048x16xf32, #tpu.memory_space<vmem>>, vector<16xf32>,
        %parallel_loop3A_580 = arith.constant 128 : i32
        %parallel_loop3A_581 = arith.addi %parallel_loop3A_580, %parallel_loop3A_574 : i32
        %parallel_loop3A_582 = arith.index_cast %parallel_loop3A_581 : i32 to index
        %parallel_loop3A_583 = arith.constant 0 : index
        %parallel_loop3A_584 = tpu.vector_load %arg11[%parallel_loop3A_582, %parallel_loop3A_583] {strides = array<i32>} : memref<2048x16xf32, #tpu.memory_space<vmem>>, vector<16xf32>,
        %parallel_loop3A_585 = arith.constant 256 : i32
        %parallel_loop3A_586 = arith.addi %parallel_loop3A_585, %parallel_loop3A_574 : i32
        %parallel_loop3A_587 = arith.index_cast %parallel_loop3A_586 : i32 to index
        %parallel_loop3A_588 = arith.constant 0 : index
        %parallel_loop3A_589 = tpu.vector_load %arg11[%parallel_loop3A_587, %parallel_loop3A_588] {strides = array<i32>} : memref<2048x16xf32, #tpu.memory_space<vmem>>, vector<16xf32>,
        %parallel_loop3A_590 = arith.constant 384 : i32
        %parallel_loop3A_591 = arith.addi %parallel_loop3A_590, %parallel_loop3A_574 : i32
        %parallel_loop3A_592 = arith.index_cast %parallel_loop3A_591 : i32 to index
        %parallel_loop3A_593 = arith.constant 0 : index
        %parallel_loop3A_594 = tpu.vector_load %arg11[%parallel_loop3A_592, %parallel_loop3A_593] {strides = array<i32>} : memref<2048x16xf32, #tpu.memory_space<vmem>>, vector<16xf32>,
        %parallel_loop3A_595 = arith.constant 512 : i32
        %parallel_loop3A_596 = arith.addi %parallel_loop3A_595, %parallel_loop3A_574 : i32
        %parallel_loop3A_597 = arith.index_cast %parallel_loop3A_596 : i32 to index
        %parallel_loop3A_598 = arith.constant 0 : index
        %parallel_loop3A_599 = tpu.vector_load %arg11[%parallel_loop3A_597, %parallel_loop3A_598] {strides = array<i32>} : memref<2048x16xf32, #tpu.memory_space<vmem>>, vector<16xf32>,
        %parallel_loop3A_600 = arith.constant 640 : i32
        %parallel_loop3A_601 = arith.addi %parallel_loop3A_600, %parallel_loop3A_574 : i32
        %parallel_loop3A_602 = arith.index_cast %parallel_loop3A_601 : i32 to index
        %parallel_loop3A_603 = arith.constant 0 : index
        %parallel_loop3A_604 = tpu.vector_load %arg11[%parallel_loop3A_602, %parallel_loop3A_603] {strides = array<i32>} : memref<2048x16xf32, #tpu.memory_space<vmem>>, vector<16xf32>,
        %parallel_loop3A_605 = arith.constant 768 : i32
        %parallel_loop3A_606 = arith.addi %parallel_loop3A_605, %parallel_loop3A_574 : i32
        %parallel_loop3A_607 = arith.index_cast %parallel_loop3A_606 : i32 to index
        %parallel_loop3A_608 = arith.constant 0 : index
        %parallel_loop3A_609 = tpu.vector_load %arg11[%parallel_loop3A_607, %parallel_loop3A_608] {strides = array<i32>} : memref<2048x16xf32, #tpu.memory_space<vmem>>, vector<16xf32>,
        %parallel_loop3A_610 = arith.constant 896 : i32
        %parallel_loop3A_611 = arith.addi %parallel_loop3A_610, %parallel_loop3A_574 : i32
        %parallel_loop3A_612 = arith.index_cast %parallel_loop3A_611 : i32 to index
        %parallel_loop3A_613 = arith.constant 0 : index
        %parallel_loop3A_614 = tpu.vector_load %arg11[%parallel_loop3A_612, %parallel_loop3A_613] {strides = array<i32>} : memref<2048x16xf32, #tpu.memory_space<vmem>>, vector<16xf32>,
        %parallel_loop3A_615 = arith.constant 1024 : i32
        %parallel_loop3A_616 = arith.addi %parallel_loop3A_615, %parallel_loop3A_574 : i32
        %parallel_loop3A_617 = arith.index_cast %parallel_loop3A_616 : i32 to index
        %parallel_loop3A_618 = arith.constant 0 : index
        %parallel_loop3A_619 = tpu.vector_load %arg11[%parallel_loop3A_617, %parallel_loop3A_618] {strides = array<i32>} : memref<2048x16xf32, #tpu.memory_space<vmem>>, vector<16xf32>,
        %parallel_loop3A_620 = arith.constant 1152 : i32
        %parallel_loop3A_621 = arith.addi %parallel_loop3A_620, %parallel_loop3A_574 : i32
        %parallel_loop3A_622 = arith.index_cast %parallel_loop3A_621 : i32 to index
        %parallel_loop3A_623 = arith.constant 0 : index
        %parallel_loop3A_624 = tpu.vector_load %arg11[%parallel_loop3A_622, %parallel_loop3A_623] {strides = array<i32>} : memref<2048x16xf32, #tpu.memory_space<vmem>>, vector<16xf32>,
        %parallel_loop3A_625 = arith.constant 1280 : i32
        %parallel_loop3A_626 = arith.addi %parallel_loop3A_625, %parallel_loop3A_574 : i32
        %parallel_loop3A_627 = arith.index_cast %parallel_loop3A_626 : i32 to index
        %parallel_loop3A_628 = arith.constant 0 : index
        %parallel_loop3A_629 = tpu.vector_load %arg11[%parallel_loop3A_627, %parallel_loop3A_628] {strides = array<i32>} : memref<2048x16xf32, #tpu.memory_space<vmem>>, vector<16xf32>,
        %parallel_loop3A_630 = arith.constant 1408 : i32
        %parallel_loop3A_631 = arith.addi %parallel_loop3A_630, %parallel_loop3A_574 : i32
        %parallel_loop3A_632 = arith.index_cast %parallel_loop3A_631 : i32 to index
        %parallel_loop3A_633 = arith.constant 0 : index
        %parallel_loop3A_634 = tpu.vector_load %arg11[%parallel_loop3A_632, %parallel_loop3A_633] {strides = array<i32>} : memref<2048x16xf32, #tpu.memory_space<vmem>>, vector<16xf32>,
        %parallel_loop3A_635 = arith.constant 1536 : i32
        %parallel_loop3A_636 = arith.addi %parallel_loop3A_635, %parallel_loop3A_574 : i32
        %parallel_loop3A_637 = arith.index_cast %parallel_loop3A_636 : i32 to index
        %parallel_loop3A_638 = arith.constant 0 : index
        %parallel_loop3A_639 = tpu.vector_load %arg11[%parallel_loop3A_637, %parallel_loop3A_638] {strides = array<i32>} : memref<2048x16xf32, #tpu.memory_space<vmem>>, vector<16xf32>,
        %parallel_loop3A_640 = arith.constant 1664 : i32
        %parallel_loop3A_641 = arith.addi %parallel_loop3A_640, %parallel_loop3A_574 : i32
        %parallel_loop3A_642 = arith.index_cast %parallel_loop3A_641 : i32 to index
        %parallel_loop3A_643 = arith.constant 0 : index
        %parallel_loop3A_644 = tpu.vector_load %arg11[%parallel_loop3A_642, %parallel_loop3A_643] {strides = array<i32>} : memref<2048x16xf32, #tpu.memory_space<vmem>>, vector<16xf32>,
        %parallel_loop3A_645 = arith.constant 1792 : i32
        %parallel_loop3A_646 = arith.addi %parallel_loop3A_645, %parallel_loop3A_574 : i32
        %parallel_loop3A_647 = arith.index_cast %parallel_loop3A_646 : i32 to index
        %parallel_loop3A_648 = arith.constant 0 : index
        %parallel_loop3A_649 = tpu.vector_load %arg11[%parallel_loop3A_647, %parallel_loop3A_648] {strides = array<i32>} : memref<2048x16xf32, #tpu.memory_space<vmem>>, vector<16xf32>,
        %parallel_loop3A_650 = arith.constant 1920 : i32
        %parallel_loop3A_651 = arith.addi %parallel_loop3A_650, %parallel_loop3A_574 : i32
        %parallel_loop3A_652 = arith.index_cast %parallel_loop3A_651 : i32 to index
        %parallel_loop3A_653 = arith.constant 0 : index
        %parallel_loop3A_654 = tpu.vector_load %arg11[%parallel_loop3A_652, %parallel_loop3A_653] {strides = array<i32>} : memref<2048x16xf32, #tpu.memory_space<vmem>>, vector<16xf32>,
        %parallel_loop3A_655 = arith.addf %parallel_loop3A_579, %parallel_loop3A_584 : vector<16xf32>
        %parallel_loop3A_656 = arith.addf %parallel_loop3A_589, %parallel_loop3A_594 : vector<16xf32>
        %parallel_loop3A_657 = arith.addf %parallel_loop3A_599, %parallel_loop3A_604 : vector<16xf32>
        %parallel_loop3A_658 = arith.addf %parallel_loop3A_609, %parallel_loop3A_614 : vector<16xf32>
        %parallel_loop3A_659 = arith.addf %parallel_loop3A_619, %parallel_loop3A_624 : vector<16xf32>
        %parallel_loop3A_660 = arith.addf %parallel_loop3A_629, %parallel_loop3A_634 : vector<16xf32>
        %parallel_loop3A_661 = arith.addf %parallel_loop3A_639, %parallel_loop3A_644 : vector<16xf32>
        %parallel_loop3A_662 = arith.addf %parallel_loop3A_649, %parallel_loop3A_654 : vector<16xf32>
        %parallel_loop3A_663 = arith.addf %parallel_loop3A_655, %parallel_loop3A_656 : vector<16xf32>
        %parallel_loop3A_664 = arith.addf %parallel_loop3A_657, %parallel_loop3A_658 : vector<16xf32>
        %parallel_loop3A_665 = arith.addf %parallel_loop3A_659, %parallel_loop3A_660 : vector<16xf32>
        %parallel_loop3A_666 = arith.addf %parallel_loop3A_661, %parallel_loop3A_662 : vector<16xf32>
        %parallel_loop3A_667 = arith.addf %parallel_loop3A_663, %parallel_loop3A_664 : vector<16xf32>
        %parallel_loop3A_668 = arith.addf %parallel_loop3A_665, %parallel_loop3A_666 : vector<16xf32>
        %parallel_loop3A_669 = arith.addf %parallel_loop3A_667, %parallel_loop3A_668 : vector<16xf32>
        %parallel_loop3A_670 = arith.constant 0 : i32
        %parallel_loop3A_671 = vector.broadcast %parallel_loop3A_670 : i32 to vector<16xi32>
        %parallel_loop3A_672 = arith.muli %iota3A, %parallel_loop3A_671 : vector<16xi32>
        %parallel_loop3A_673 = vector.broadcast %parallel_loop3A_574 : i32 to vector<16xi32>
        %parallel_loop3A_674 = arith.addi %parallel_loop3A_672, %parallel_loop3A_673 : vector<16xi32>
        %parallel_loop3A_675 = tpu.vector_load_idx %arg9[%parallel_loop3A_674] : memref<128xf32, #tpu.memory_space<vmem>>[vector<16xi32>], vector<16xf32>,
        %parallel_loop3A_676 = arith.index_cast %parallel_loop3A_574 : i32 to index
        %parallel_loop3A_677 = arith.constant 0 : index
        %parallel_loop3A_678 = tpu.vector_load %arg8[%parallel_loop3A_676, %parallel_loop3A_677] {strides = array<i32>} : memref<128x16xf32, #tpu.memory_space<vmem>>, vector<16xf32>,
        %parallel_loop3A_679 = arith.mulf %parallel_loop3A_669, %parallel_loop3A_675 : vector<16xf32>
        %parallel_loop3A_680 = arith.addf %parallel_loop3A_678, %parallel_loop3A_679 : vector<16xf32>
        tpu.vector_store_idx %arg12[%iota3A, %parallel_loop3A_674], %parallel_loop3A_680 : memref<16x128xf32, #tpu.memory_space<vmem>>[vector<16xi32>, vector<16xi32>], vector<16xf32>,
      } {sc.loop_unroll_factor = 4 : i64, sc.parallel_access}
      %jit3A_458 = arith.constant 128 : i32
      %div3A_459 = arith.divsi %add3A_445, %jit3A_458 : i32
      %sign3A_460 = arith.constant 0 : i32
      %sign3A_461 = arith.cmpi sgt, %add3A_445, %sign3A_460 : i32
      %sign3A_462 = arith.extui %sign3A_461 : i1 to i32
      %sign3A_463 = arith.constant 0 : i32
      %sign3A_464 = arith.cmpi slt, %add3A_445, %sign3A_463 : i32
      %sign3A_465 = arith.extui %sign3A_464 : i1 to i32
      %sign3A_466 = arith.subi %sign3A_462, %sign3A_465 : i32
      %sign3A_467 = arith.constant 0 : i32
      %sign3A_468 = arith.cmpi sgt, %jit3A_458, %sign3A_467 : i32
      %sign3A_469 = arith.extui %sign3A_468 : i1 to i32
      %sign3A_470 = arith.constant 0 : i32
      %sign3A_471 = arith.cmpi slt, %jit3A_458, %sign3A_470 : i32
      %sign3A_472 = arith.extui %sign3A_471 : i1 to i32
      %sign3A_473 = arith.subi %sign3A_469, %sign3A_472 : i32
      %ne3A_474 = arith.cmpi ne, %sign3A_466, %sign3A_473 : i32
      %rem3A_475 = arith.remsi %add3A_445, %jit3A_458 : i32
      %ne3A_476 = arith.constant 0 : i32
      %ne3A_477 = arith.cmpi ne, %rem3A_475, %ne3A_476 : i32
      %and3A_478 = arith.andi %ne3A_474, %ne3A_477 : i1
      %sub3A_479 = arith.constant 1 : i32
      %sub3A_480 = arith.subi %div3A_459, %sub3A_479 : i32
      %select_n3A_481 = arith.select %and3A_478, %sub3A_480, %div3A_459 : i32
      %jit3A_482 = arith.constant 128 : i32
      %eq3A_483 = arith.constant 0 : i32
      %eq3A_484 = arith.cmpi eq, %jit3A_482, %eq3A_483 : i32
      %jit3A_485 = arith.constant 1 : i32
      %select_n3A_486 = arith.select %eq3A_484, %jit3A_485, %jit3A_482 : i32
      %rem3A_487 = arith.remsi %add3A_445, %select_n3A_486 : i32
      %ne3A_488 = arith.constant 0 : i32
      %ne3A_489 = arith.cmpi ne, %rem3A_487, %ne3A_488 : i32
      %lt3A_490 = arith.constant 0 : i32
      %lt3A_491 = arith.cmpi slt, %rem3A_487, %lt3A_490 : i32
      %lt3A_492 = arith.constant 0 : i32
      %lt3A_493 = arith.cmpi slt, %select_n3A_486, %lt3A_492 : i32
      %ne3A_494 = arith.xori %lt3A_491, %lt3A_493 : i1
      %and3A_495 = arith.andi %ne3A_494, %ne3A_489 : i1
      %add3A_496 = arith.addi %rem3A_487, %select_n3A_486 : i32
      %select_n3A_497 = arith.select %and3A_495, %add3A_496, %rem3A_487 : i32
      %dma_start3A_498 = arith.constant 0 : i32
      %dma_start3A_499 = arith.constant 0 : i32
      %dma_start3A_500 = tpu.memref_slice %arg5[%select_n3A_481, %dma_start3A_498, %select_n3A_497, %dma_start3A_499] : memref<8x16x128x128xf32, #tpu.memory_space<hbm>> -> memref<1x16x1x128xf32, #tpu.memory_space<hbm>>
      %dma_start3A_501 = tpu.memref_squeeze %dma_start3A_500 : memref<1x16x1x128xf32, #tpu.memory_space<hbm>> -> memref<16x128xf32, #tpu.memory_space<hbm>>
      %dma_start3A_502 = arith.constant 0 : i32
      %dma_start3A_503 = arith.constant 0 : i32
      %dma_start3A_504 = tpu.memref_slice %arg5[%select_n3A_481, %dma_start3A_502, %select_n3A_497, %dma_start3A_503] : memref<8x16x128x128xf32, #tpu.memory_space<hbm>> -> memref<1x16x1x128xf32, #tpu.memory_space<hbm>>
      %dma_start3A_505 = tpu.memref_squeeze %dma_start3A_504 : memref<1x16x1x128xf32, #tpu.memory_space<hbm>> -> memref<16x128xf32, #tpu.memory_space<hbm>>
      tpu.enqueue_dma source(%arg12 : memref<16x128xf32, #tpu.memory_space<vmem>>) target(%dma_start3A_505 : memref<16x128xf32, #tpu.memory_space<hbm>>) target_semaphore(%arg23 : memref<!tpu.dma_semaphore, #tpu.memory_space<semaphore_mem>>)
      %convert_element_type3A_506 = arith.extui %lt3A_326 : i1 to i32
      %cond3A_507 = arith.constant 0 : i32
      %cond3A_508 = arith.cmpi ne, %convert_element_type3A_506, %cond3A_507 : i32
      scf.if %cond3A_508 {
        %add3A_574 = arith.constant 2 : i32
        %add3A_575 = arith.addi %mul3A_324, %add3A_574 : i32
        %mul3A_576 = arith.constant 32 : i32
        %mul3A_577 = arith.muli %add3A, %mul3A_576 : i32
        %add3A_578 = arith.addi %mul3A_577, %add3A_575 : i32
        %jit3A_579 = arith.constant 128 : i32
        %div3A_580 = arith.divsi %add3A_578, %jit3A_579 : i32
        %sign3A_581 = arith.constant 0 : i32
        %sign3A_582 = arith.cmpi sgt, %add3A_578, %sign3A_581 : i32
        %sign3A_583 = arith.extui %sign3A_582 : i1 to i32
        %sign3A_584 = arith.constant 0 : i32
        %sign3A_585 = arith.cmpi slt, %add3A_578, %sign3A_584 : i32
        %sign3A_586 = arith.extui %sign3A_585 : i1 to i32
        %sign3A_587 = arith.subi %sign3A_583, %sign3A_586 : i32
        %sign3A_588 = arith.constant 0 : i32
        %sign3A_589 = arith.cmpi sgt, %jit3A_579, %sign3A_588 : i32
        %sign3A_590 = arith.extui %sign3A_589 : i1 to i32
        %sign3A_591 = arith.constant 0 : i32
        %sign3A_592 = arith.cmpi slt, %jit3A_579, %sign3A_591 : i32
        %sign3A_593 = arith.extui %sign3A_592 : i1 to i32
        %sign3A_594 = arith.subi %sign3A_590, %sign3A_593 : i32
        %ne3A_595 = arith.cmpi ne, %sign3A_587, %sign3A_594 : i32
        %rem3A_596 = arith.remsi %add3A_578, %jit3A_579 : i32
        %ne3A_597 = arith.constant 0 : i32
        %ne3A_598 = arith.cmpi ne, %rem3A_596, %ne3A_597 : i32
        %and3A_599 = arith.andi %ne3A_595, %ne3A_598 : i1
        %sub3A_600 = arith.constant 1 : i32
        %sub3A_601 = arith.subi %div3A_580, %sub3A_600 : i32
        %select_n3A_602 = arith.select %and3A_599, %sub3A_601, %div3A_580 : i32
        %jit3A_603 = arith.constant 128 : i32
        %eq3A_604 = arith.constant 0 : i32
        %eq3A_605 = arith.cmpi eq, %jit3A_603, %eq3A_604 : i32
        %jit3A_606 = arith.constant 1 : i32
        %select_n3A_607 = arith.select %eq3A_605, %jit3A_606, %jit3A_603 : i32
        %rem3A_608 = arith.remsi %add3A_578, %select_n3A_607 : i32
        %ne3A_609 = arith.constant 0 : i32
        %ne3A_610 = arith.cmpi ne, %rem3A_608, %ne3A_609 : i32
        %lt3A_611 = arith.constant 0 : i32
        %lt3A_612 = arith.cmpi slt, %rem3A_608, %lt3A_611 : i32
        %lt3A_613 = arith.constant 0 : i32
        %lt3A_614 = arith.cmpi slt, %select_n3A_607, %lt3A_613 : i32
        %ne3A_615 = arith.xori %lt3A_612, %lt3A_614 : i1
        %and3A_616 = arith.andi %ne3A_615, %ne3A_610 : i1
        %add3A_617 = arith.addi %rem3A_608, %select_n3A_607 : i32
        %select_n3A_618 = arith.select %and3A_616, %add3A_617, %rem3A_608 : i32
        %dma_wait3A_619 = arith.constant 0 : i32
        %dma_wait3A_620 = arith.constant 0 : i32
        %dma_wait3A_621 = tpu.memref_slice %arg4[%select_n3A_602, %select_n3A_618, %dma_wait3A_619, %dma_wait3A_620] : memref<8x128x16x128xi32, #tpu.memory_space<hbm>> -> memref<1x1x16x128xi32, #tpu.memory_space<hbm>>
        %dma_wait3A_622 = tpu.memref_squeeze %dma_wait3A_621 : memref<1x1x16x128xi32, #tpu.memory_space<hbm>> -> memref<16x128xi32, #tpu.memory_space<hbm>>
        %dma_wait3A_623 = arith.constant 0 : i32
        %dma_wait3A_624 = arith.constant 0 : i32
        %dma_wait3A_625 = tpu.memref_slice %arg4[%select_n3A_602, %select_n3A_618, %dma_wait3A_623, %dma_wait3A_624] : memref<8x128x16x128xi32, #tpu.memory_space<hbm>> -> memref<1x1x16x128xi32, #tpu.memory_space<hbm>>
        %dma_wait3A_626 = tpu.memref_squeeze %dma_wait3A_625 : memref<1x1x16x128xi32, #tpu.memory_space<hbm>> -> memref<16x128xi32, #tpu.memory_space<hbm>>
        tpu.wait_dma2 semaphore(%arg20 : memref<!tpu.dma_semaphore, #tpu.memory_space<semaphore_mem>>) src(%dma_wait3A_626 : memref<16x128xi32, #tpu.memory_space<hbm>>) dst(%arg6 : memref<16x128xi32, #tpu.memory_space<vmem>>)
        %jit3A_627 = arith.constant 128 : i32
        %div3A_628 = arith.divsi %add3A_578, %jit3A_627 : i32
        %sign3A_629 = arith.constant 0 : i32
        %sign3A_630 = arith.cmpi sgt, %add3A_578, %sign3A_629 : i32
        %sign3A_631 = arith.extui %sign3A_630 : i1 to i32
        %sign3A_632 = arith.constant 0 : i32
        %sign3A_633 = arith.cmpi slt, %add3A_578, %sign3A_632 : i32
        %sign3A_634 = arith.extui %sign3A_633 : i1 to i32
        %sign3A_635 = arith.subi %sign3A_631, %sign3A_634 : i32
        %sign3A_636 = arith.constant 0 : i32
        %sign3A_637 = arith.cmpi sgt, %jit3A_627, %sign3A_636 : i32
        %sign3A_638 = arith.extui %sign3A_637 : i1 to i32
        %sign3A_639 = arith.constant 0 : i32
        %sign3A_640 = arith.cmpi slt, %jit3A_627, %sign3A_639 : i32
        %sign3A_641 = arith.extui %sign3A_640 : i1 to i32
        %sign3A_642 = arith.subi %sign3A_638, %sign3A_641 : i32
        %ne3A_643 = arith.cmpi ne, %sign3A_635, %sign3A_642 : i32
        %rem3A_644 = arith.remsi %add3A_578, %jit3A_627 : i32
        %ne3A_645 = arith.constant 0 : i32
        %ne3A_646 = arith.cmpi ne, %rem3A_644, %ne3A_645 : i32
        %and3A_647 = arith.andi %ne3A_643, %ne3A_646 : i1
        %sub3A_648 = arith.constant 1 : i32
        %sub3A_649 = arith.subi %div3A_628, %sub3A_648 : i32
        %select_n3A_650 = arith.select %and3A_647, %sub3A_649, %div3A_628 : i32
        %jit3A_651 = arith.constant 128 : i32
        %eq3A_652 = arith.constant 0 : i32
        %eq3A_653 = arith.cmpi eq, %jit3A_651, %eq3A_652 : i32
        %jit3A_654 = arith.constant 1 : i32
        %select_n3A_655 = arith.select %eq3A_653, %jit3A_654, %jit3A_651 : i32
        %rem3A_656 = arith.remsi %add3A_578, %select_n3A_655 : i32
        %ne3A_657 = arith.constant 0 : i32
        %ne3A_658 = arith.cmpi ne, %rem3A_656, %ne3A_657 : i32
        %lt3A_659 = arith.constant 0 : i32
        %lt3A_660 = arith.cmpi slt, %rem3A_656, %lt3A_659 : i32
        %lt3A_661 = arith.constant 0 : i32
        %lt3A_662 = arith.cmpi slt, %select_n3A_655, %lt3A_661 : i32
        %ne3A_663 = arith.xori %lt3A_660, %lt3A_662 : i1
        %and3A_664 = arith.andi %ne3A_663, %ne3A_658 : i1
        %add3A_665 = arith.addi %rem3A_656, %select_n3A_655 : i32
        %select_n3A_666 = arith.select %and3A_664, %add3A_665, %rem3A_656 : i32
        %dma_wait3A_667 = arith.constant 0 : i32
        %dma_wait3A_668 = tpu.memref_slice %arg3[%select_n3A_650, %select_n3A_666, %dma_wait3A_667] : memref<8x128x128xi32, #tpu.memory_space<hbm>> -> memref<1x1x128xi32, #tpu.memory_space<hbm>>
        %dma_wait3A_669 = tpu.memref_squeeze %dma_wait3A_668 : memref<1x1x128xi32, #tpu.memory_space<hbm>> -> memref<128xi32, #tpu.memory_space<hbm>>
        %dma_wait3A_670 = arith.constant 0 : i32
        %dma_wait3A_671 = tpu.memref_slice %arg3[%select_n3A_650, %select_n3A_666, %dma_wait3A_670] : memref<8x128x128xi32, #tpu.memory_space<hbm>> -> memref<1x1x128xi32, #tpu.memory_space<hbm>>
        %dma_wait3A_672 = tpu.memref_squeeze %dma_wait3A_671 : memref<1x1x128xi32, #tpu.memory_space<hbm>> -> memref<128xi32, #tpu.memory_space<hbm>>
        tpu.wait_dma2 semaphore(%arg20 : memref<!tpu.dma_semaphore, #tpu.memory_space<semaphore_mem>>) src(%dma_wait3A_672 : memref<128xi32, #tpu.memory_space<hbm>>) dst(%arg7 : memref<128xi32, #tpu.memory_space<vmem>>)
        %parallel_loop3A_673 = arith.constant 0 : i32
        %parallel_loop3A_674 = arith.constant 8 : i32
        %parallel_loop3A_675 = arith.constant 1 : i32
        scf.for %parallel_loop3A_787 = %parallel_loop3A_673 to %parallel_loop3A_674 step %parallel_loop3A_675  : i32 {
          %parallel_loop3A_788 = arith.constant 16 : i32
          %parallel_loop3A_789 = arith.muli %parallel_loop3A_787, %parallel_loop3A_788 : i32
          %parallel_loop3A_790 = arith.index_cast %parallel_loop3A_789 : i32 to index
          %parallel_loop3A_791 = tpu.vector_load %arg7[%parallel_loop3A_790] {strides = array<i32>} : memref<128xi32, #tpu.memory_space<vmem>>, vector<16xi32>,
          %parallel_loop3A_792 = arith.constant 17408 : i32
          %parallel_loop3A_793 = vector.broadcast %parallel_loop3A_792 : i32 to vector<16xi32>
          %parallel_loop3A_794 = arith.addi %parallel_loop3A_791, %parallel_loop3A_793 : vector<16xi32>
          %parallel_loop3A_795 = arith.constant 16 : i32
          %parallel_loop3A_796 = arith.muli %parallel_loop3A_787, %parallel_loop3A_795 : i32
          %parallel_loop3A_797 = arith.index_cast %parallel_loop3A_796 : i32 to index
          %parallel_loop3A_798 = tpu.vector_load %arg7[%parallel_loop3A_797] {strides = array<i32>} : memref<128xi32, #tpu.memory_space<vmem>>, vector<16xi32>,
          tpu.vector_store %arg7[%parallel_loop3A_797], %parallel_loop3A_794 {strides = array<i32>} : memref<128xi32, #tpu.memory_space<vmem>>, vector<16xi32>,
        } {sc.loop_unroll_factor = 1 : i64, sc.parallel_access}
        %dma_start3A_676 = arith.constant 0 : i32
        %dma_start3A_677 = arith.constant 0 : i32
        %dma_start3A_678 = tpu.memref_slice %arg2[%dma_start3A_676, %dma_start3A_677] : memref<17920x16xf32, #tpu.memory_space<hbm>> -> memref<17920x16xf32, #tpu.memory_space<hbm>>
        tpu.enqueue_indirect_dma source(%dma_start3A_678 : memref<17920x16xf32, #tpu.memory_space<hbm>>) target(%arg8 : memref<128x16xf32, #tpu.memory_space<vmem>>) offsets(%arg7 : memref<128xi32, #tpu.memory_space<vmem>>) semaphore(%arg21 : memref<!tpu.dma_semaphore, #tpu.memory_space<semaphore_mem>>)
        %parallel_loop3A_679 = arith.constant 0 : i32
        %parallel_loop3A_680 = arith.constant 16 : i32
        %parallel_loop3A_681 = arith.constant 1 : i32
        scf.for %parallel_loop3A_787 = %parallel_loop3A_679 to %parallel_loop3A_680 step %parallel_loop3A_681  : i32 {
          %parallel_loop3A_788 = arith.index_cast %parallel_loop3A_787 : i32 to index
          %parallel_loop3A_789 = arith.constant 0 : index
          %parallel_loop3A_790 = tpu.vector_load %arg6[%parallel_loop3A_788, %parallel_loop3A_789] {strides = array<i32>} : memref<16x128xi32, #tpu.memory_space<vmem>>, vector<16xi32>,
          %parallel_loop3A_791 = arith.constant 1088 : i32
          %parallel_loop3A_792 = arith.muli %parallel_loop3A_787, %parallel_loop3A_791 : i32
          %parallel_loop3A_793 = vector.broadcast %parallel_loop3A_792 : i32 to vector<16xi32>
          %parallel_loop3A_794 = arith.addi %parallel_loop3A_790, %parallel_loop3A_793 : vector<16xi32>
          %parallel_loop3A_795 = arith.constant 128 : i32
          %parallel_loop3A_796 = arith.muli %parallel_loop3A_787, %parallel_loop3A_795 : i32
          %parallel_loop3A_797 = arith.constant 0 : i32
          %parallel_loop3A_798 = arith.addi %parallel_loop3A_796, %parallel_loop3A_797 : i32
          %parallel_loop3A_799 = arith.index_cast %parallel_loop3A_798 : i32 to index
          %parallel_loop3A_800 = tpu.vector_load %arg10[%parallel_loop3A_799] {strides = array<i32>} : memref<2048xi32, #tpu.memory_space<vmem>>, vector<16xi32>,
          tpu.vector_store %arg10[%parallel_loop3A_799], %parallel_loop3A_794 {strides = array<i32>} : memref<2048xi32, #tpu.memory_space<vmem>>, vector<16xi32>,
          %parallel_loop3A_801 = arith.index_cast %parallel_loop3A_787 : i32 to index
          %parallel_loop3A_802 = arith.constant 16 : index
          %parallel_loop3A_803 = tpu.vector_load %arg6[%parallel_loop3A_801, %parallel_loop3A_802] {strides = array<i32>} : memref<16x128xi32, #tpu.memory_space<vmem>>, vector<16xi32>,
          %parallel_loop3A_804 = arith.constant 1088 : i32
          %parallel_loop3A_805 = arith.muli %parallel_loop3A_787, %parallel_loop3A_804 : i32
          %parallel_loop3A_806 = vector.broadcast %parallel_loop3A_805 : i32 to vector<16xi32>
          %parallel_loop3A_807 = arith.addi %parallel_loop3A_803, %parallel_loop3A_806 : vector<16xi32>
          %parallel_loop3A_808 = arith.constant 128 : i32
          %parallel_loop3A_809 = arith.muli %parallel_loop3A_787, %parallel_loop3A_808 : i32
          %parallel_loop3A_810 = arith.constant 16 : i32
          %parallel_loop3A_811 = arith.addi %parallel_loop3A_809, %parallel_loop3A_810 : i32
          %parallel_loop3A_812 = arith.index_cast %parallel_loop3A_811 : i32 to index
          %parallel_loop3A_813 = tpu.vector_load %arg10[%parallel_loop3A_812] {strides = array<i32>} : memref<2048xi32, #tpu.memory_space<vmem>>, vector<16xi32>,
          tpu.vector_store %arg10[%parallel_loop3A_812], %parallel_loop3A_807 {strides = array<i32>} : memref<2048xi32, #tpu.memory_space<vmem>>, vector<16xi32>,
          %parallel_loop3A_814 = arith.index_cast %parallel_loop3A_787 : i32 to index
          %parallel_loop3A_815 = arith.constant 32 : index
          %parallel_loop3A_816 = tpu.vector_load %arg6[%parallel_loop3A_814, %parallel_loop3A_815] {strides = array<i32>} : memref<16x128xi32, #tpu.memory_space<vmem>>, vector<16xi32>,
          %parallel_loop3A_817 = arith.constant 1088 : i32
          %parallel_loop3A_818 = arith.muli %parallel_loop3A_787, %parallel_loop3A_817 : i32
          %parallel_loop3A_819 = vector.broadcast %parallel_loop3A_818 : i32 to vector<16xi32>
          %parallel_loop3A_820 = arith.addi %parallel_loop3A_816, %parallel_loop3A_819 : vector<16xi32>
          %parallel_loop3A_821 = arith.constant 128 : i32
          %parallel_loop3A_822 = arith.muli %parallel_loop3A_787, %parallel_loop3A_821 : i32
          %parallel_loop3A_823 = arith.constant 32 : i32
          %parallel_loop3A_824 = arith.addi %parallel_loop3A_822, %parallel_loop3A_823 : i32
          %parallel_loop3A_825 = arith.index_cast %parallel_loop3A_824 : i32 to index
          %parallel_loop3A_826 = tpu.vector_load %arg10[%parallel_loop3A_825] {strides = array<i32>} : memref<2048xi32, #tpu.memory_space<vmem>>, vector<16xi32>,
          tpu.vector_store %arg10[%parallel_loop3A_825], %parallel_loop3A_820 {strides = array<i32>} : memref<2048xi32, #tpu.memory_space<vmem>>, vector<16xi32>,
          %parallel_loop3A_827 = arith.index_cast %parallel_loop3A_787 : i32 to index
          %parallel_loop3A_828 = arith.constant 48 : index
          %parallel_loop3A_829 = tpu.vector_load %arg6[%parallel_loop3A_827, %parallel_loop3A_828] {strides = array<i32>} : memref<16x128xi32, #tpu.memory_space<vmem>>, vector<16xi32>,
          %parallel_loop3A_830 = arith.constant 1088 : i32
          %parallel_loop3A_831 = arith.muli %parallel_loop3A_787, %parallel_loop3A_830 : i32
          %parallel_loop3A_832 = vector.broadcast %parallel_loop3A_831 : i32 to vector<16xi32>
          %parallel_loop3A_833 = arith.addi %parallel_loop3A_829, %parallel_loop3A_832 : vector<16xi32>
          %parallel_loop3A_834 = arith.constant 128 : i32
          %parallel_loop3A_835 = arith.muli %parallel_loop3A_787, %parallel_loop3A_834 : i32
          %parallel_loop3A_836 = arith.constant 48 : i32
          %parallel_loop3A_837 = arith.addi %parallel_loop3A_835, %parallel_loop3A_836 : i32
          %parallel_loop3A_838 = arith.index_cast %parallel_loop3A_837 : i32 to index
          %parallel_loop3A_839 = tpu.vector_load %arg10[%parallel_loop3A_838] {strides = array<i32>} : memref<2048xi32, #tpu.memory_space<vmem>>, vector<16xi32>,
          tpu.vector_store %arg10[%parallel_loop3A_838], %parallel_loop3A_833 {strides = array<i32>} : memref<2048xi32, #tpu.memory_space<vmem>>, vector<16xi32>,
          %parallel_loop3A_840 = arith.index_cast %parallel_loop3A_787 : i32 to index
          %parallel_loop3A_841 = arith.constant 64 : index
          %parallel_loop3A_842 = tpu.vector_load %arg6[%parallel_loop3A_840, %parallel_loop3A_841] {strides = array<i32>} : memref<16x128xi32, #tpu.memory_space<vmem>>, vector<16xi32>,
          %parallel_loop3A_843 = arith.constant 1088 : i32
          %parallel_loop3A_844 = arith.muli %parallel_loop3A_787, %parallel_loop3A_843 : i32
          %parallel_loop3A_845 = vector.broadcast %parallel_loop3A_844 : i32 to vector<16xi32>
          %parallel_loop3A_846 = arith.addi %parallel_loop3A_842, %parallel_loop3A_845 : vector<16xi32>
          %parallel_loop3A_847 = arith.constant 128 : i32
          %parallel_loop3A_848 = arith.muli %parallel_loop3A_787, %parallel_loop3A_847 : i32
          %parallel_loop3A_849 = arith.constant 64 : i32
          %parallel_loop3A_850 = arith.addi %parallel_loop3A_848, %parallel_loop3A_849 : i32
          %parallel_loop3A_851 = arith.index_cast %parallel_loop3A_850 : i32 to index
          %parallel_loop3A_852 = tpu.vector_load %arg10[%parallel_loop3A_851] {strides = array<i32>} : memref<2048xi32, #tpu.memory_space<vmem>>, vector<16xi32>,
          tpu.vector_store %arg10[%parallel_loop3A_851], %parallel_loop3A_846 {strides = array<i32>} : memref<2048xi32, #tpu.memory_space<vmem>>, vector<16xi32>,
          %parallel_loop3A_853 = arith.index_cast %parallel_loop3A_787 : i32 to index
          %parallel_loop3A_854 = arith.constant 80 : index
          %parallel_loop3A_855 = tpu.vector_load %arg6[%parallel_loop3A_853, %parallel_loop3A_854] {strides = array<i32>} : memref<16x128xi32, #tpu.memory_space<vmem>>, vector<16xi32>,
          %parallel_loop3A_856 = arith.constant 1088 : i32
          %parallel_loop3A_857 = arith.muli %parallel_loop3A_787, %parallel_loop3A_856 : i32
          %parallel_loop3A_858 = vector.broadcast %parallel_loop3A_857 : i32 to vector<16xi32>
          %parallel_loop3A_859 = arith.addi %parallel_loop3A_855, %parallel_loop3A_858 : vector<16xi32>
          %parallel_loop3A_860 = arith.constant 128 : i32
          %parallel_loop3A_861 = arith.muli %parallel_loop3A_787, %parallel_loop3A_860 : i32
          %parallel_loop3A_862 = arith.constant 80 : i32
          %parallel_loop3A_863 = arith.addi %parallel_loop3A_861, %parallel_loop3A_862 : i32
          %parallel_loop3A_864 = arith.index_cast %parallel_loop3A_863 : i32 to index
          %parallel_loop3A_865 = tpu.vector_load %arg10[%parallel_loop3A_864] {strides = array<i32>} : memref<2048xi32, #tpu.memory_space<vmem>>, vector<16xi32>,
          tpu.vector_store %arg10[%parallel_loop3A_864], %parallel_loop3A_859 {strides = array<i32>} : memref<2048xi32, #tpu.memory_space<vmem>>, vector<16xi32>,
          %parallel_loop3A_866 = arith.index_cast %parallel_loop3A_787 : i32 to index
          %parallel_loop3A_867 = arith.constant 96 : index
          %parallel_loop3A_868 = tpu.vector_load %arg6[%parallel_loop3A_866, %parallel_loop3A_867] {strides = array<i32>} : memref<16x128xi32, #tpu.memory_space<vmem>>, vector<16xi32>,
          %parallel_loop3A_869 = arith.constant 1088 : i32
          %parallel_loop3A_870 = arith.muli %parallel_loop3A_787, %parallel_loop3A_869 : i32
          %parallel_loop3A_871 = vector.broadcast %parallel_loop3A_870 : i32 to vector<16xi32>
          %parallel_loop3A_872 = arith.addi %parallel_loop3A_868, %parallel_loop3A_871 : vector<16xi32>
          %parallel_loop3A_873 = arith.constant 128 : i32
          %parallel_loop3A_874 = arith.muli %parallel_loop3A_787, %parallel_loop3A_873 : i32
          %parallel_loop3A_875 = arith.constant 96 : i32
          %parallel_loop3A_876 = arith.addi %parallel_loop3A_874, %parallel_loop3A_875 : i32
          %parallel_loop3A_877 = arith.index_cast %parallel_loop3A_876 : i32 to index
          %parallel_loop3A_878 = tpu.vector_load %arg10[%parallel_loop3A_877] {strides = array<i32>} : memref<2048xi32, #tpu.memory_space<vmem>>, vector<16xi32>,
          tpu.vector_store %arg10[%parallel_loop3A_877], %parallel_loop3A_872 {strides = array<i32>} : memref<2048xi32, #tpu.memory_space<vmem>>, vector<16xi32>,
          %parallel_loop3A_879 = arith.index_cast %parallel_loop3A_787 : i32 to index
          %parallel_loop3A_880 = arith.constant 112 : index
          %parallel_loop3A_881 = tpu.vector_load %arg6[%parallel_loop3A_879, %parallel_loop3A_880] {strides = array<i32>} : memref<16x128xi32, #tpu.memory_space<vmem>>, vector<16xi32>,
          %parallel_loop3A_882 = arith.constant 1088 : i32
          %parallel_loop3A_883 = arith.muli %parallel_loop3A_787, %parallel_loop3A_882 : i32
          %parallel_loop3A_884 = vector.broadcast %parallel_loop3A_883 : i32 to vector<16xi32>
          %parallel_loop3A_885 = arith.addi %parallel_loop3A_881, %parallel_loop3A_884 : vector<16xi32>
          %parallel_loop3A_886 = arith.constant 128 : i32
          %parallel_loop3A_887 = arith.muli %parallel_loop3A_787, %parallel_loop3A_886 : i32
          %parallel_loop3A_888 = arith.constant 112 : i32
          %parallel_loop3A_889 = arith.addi %parallel_loop3A_887, %parallel_loop3A_888 : i32
          %parallel_loop3A_890 = arith.index_cast %parallel_loop3A_889 : i32 to index
          %parallel_loop3A_891 = tpu.vector_load %arg10[%parallel_loop3A_890] {strides = array<i32>} : memref<2048xi32, #tpu.memory_space<vmem>>, vector<16xi32>,
          tpu.vector_store %arg10[%parallel_loop3A_890], %parallel_loop3A_885 {strides = array<i32>} : memref<2048xi32, #tpu.memory_space<vmem>>, vector<16xi32>,
        } {sc.loop_unroll_factor = 1 : i64, sc.parallel_access}
        %parallel_loop3A_682 = arith.constant 0 : i32
        %parallel_loop3A_683 = arith.constant 8 : i32
        %parallel_loop3A_684 = arith.constant 1 : i32
        scf.for %parallel_loop3A_787 = %parallel_loop3A_682 to %parallel_loop3A_683 step %parallel_loop3A_684  : i32 {
          %parallel_loop3A_788 = arith.constant 0 : i32
          %parallel_loop3A_789 = vector.broadcast %parallel_loop3A_788 : i32 to vector<16xi32>
          %parallel_loop3A_790 = arith.constant 16 : i32
          %parallel_loop3A_791 = arith.muli %parallel_loop3A_787, %parallel_loop3A_790 : i32
          %parallel_loop3A_792 = arith.constant 0 : i32
          %parallel_loop3A_793 = arith.index_cast %parallel_loop3A_792 : i32 to index
          %parallel_loop3A_794 = arith.index_cast %parallel_loop3A_791 : i32 to index
          %parallel_loop3A_795 = tpu.vector_load %arg6[%parallel_loop3A_793, %parallel_loop3A_794] {strides = array<i32>} : memref<16x128xi32, #tpu.memory_space<vmem>>, vector<16xi32>,
          %parallel_loop3A_796 = arith.constant 1 : i32
          %parallel_loop3A_797 = vector.broadcast %parallel_loop3A_796 : i32 to vector<16xi32>
          %parallel_loop3A_798 = arith.minsi %parallel_loop3A_795, %parallel_loop3A_797 : vector<16xi32>
          %parallel_loop3A_799 = arith.addi %parallel_loop3A_789, %parallel_loop3A_798 : vector<16xi32>
          %parallel_loop3A_800 = arith.constant 16 : i32
          %parallel_loop3A_801 = arith.muli %parallel_loop3A_787, %parallel_loop3A_800 : i32
          %parallel_loop3A_802 = arith.constant 1 : i32
          %parallel_loop3A_803 = arith.index_cast %parallel_loop3A_802 : i32 to index
          %parallel_loop3A_804 = arith.index_cast %parallel_loop3A_801 : i32 to index
          %parallel_loop3A_805 = tpu.vector_load %arg6[%parallel_loop3A_803, %parallel_loop3A_804] {strides = array<i32>} : memref<16x128xi32, #tpu.memory_space<vmem>>, vector<16xi32>,
          %parallel_loop3A_806 = arith.constant 1 : i32
          %parallel_loop3A_807 = vector.broadcast %parallel_loop3A_806 : i32 to vector<16xi32>
          %parallel_loop3A_808 = arith.minsi %parallel_loop3A_805, %parallel_loop3A_807 : vector<16xi32>
          %parallel_loop3A_809 = arith.addi %parallel_loop3A_799, %parallel_loop3A_808 : vector<16xi32>
          %parallel_loop3A_810 = arith.constant 16 : i32
          %parallel_loop3A_811 = arith.muli %parallel_loop3A_787, %parallel_loop3A_810 : i32
          %parallel_loop3A_812 = arith.constant 2 : i32
          %parallel_loop3A_813 = arith.index_cast %parallel_loop3A_812 : i32 to index
          %parallel_loop3A_814 = arith.index_cast %parallel_loop3A_811 : i32 to index
          %parallel_loop3A_815 = tpu.vector_load %arg6[%parallel_loop3A_813, %parallel_loop3A_814] {strides = array<i32>} : memref<16x128xi32, #tpu.memory_space<vmem>>, vector<16xi32>,
          %parallel_loop3A_816 = arith.constant 1 : i32
          %parallel_loop3A_817 = vector.broadcast %parallel_loop3A_816 : i32 to vector<16xi32>
          %parallel_loop3A_818 = arith.minsi %parallel_loop3A_815, %parallel_loop3A_817 : vector<16xi32>
          %parallel_loop3A_819 = arith.addi %parallel_loop3A_809, %parallel_loop3A_818 : vector<16xi32>
          %parallel_loop3A_820 = arith.constant 16 : i32
          %parallel_loop3A_821 = arith.muli %parallel_loop3A_787, %parallel_loop3A_820 : i32
          %parallel_loop3A_822 = arith.constant 3 : i32
          %parallel_loop3A_823 = arith.index_cast %parallel_loop3A_822 : i32 to index
          %parallel_loop3A_824 = arith.index_cast %parallel_loop3A_821 : i32 to index
          %parallel_loop3A_825 = tpu.vector_load %arg6[%parallel_loop3A_823, %parallel_loop3A_824] {strides = array<i32>} : memref<16x128xi32, #tpu.memory_space<vmem>>, vector<16xi32>,
          %parallel_loop3A_826 = arith.constant 1 : i32
          %parallel_loop3A_827 = vector.broadcast %parallel_loop3A_826 : i32 to vector<16xi32>
          %parallel_loop3A_828 = arith.minsi %parallel_loop3A_825, %parallel_loop3A_827 : vector<16xi32>
          %parallel_loop3A_829 = arith.addi %parallel_loop3A_819, %parallel_loop3A_828 : vector<16xi32>
          %parallel_loop3A_830 = arith.constant 16 : i32
          %parallel_loop3A_831 = arith.muli %parallel_loop3A_787, %parallel_loop3A_830 : i32
          %parallel_loop3A_832 = arith.constant 4 : i32
          %parallel_loop3A_833 = arith.index_cast %parallel_loop3A_832 : i32 to index
          %parallel_loop3A_834 = arith.index_cast %parallel_loop3A_831 : i32 to index
          %parallel_loop3A_835 = tpu.vector_load %arg6[%parallel_loop3A_833, %parallel_loop3A_834] {strides = array<i32>} : memref<16x128xi32, #tpu.memory_space<vmem>>, vector<16xi32>,
          %parallel_loop3A_836 = arith.constant 1 : i32
          %parallel_loop3A_837 = vector.broadcast %parallel_loop3A_836 : i32 to vector<16xi32>
          %parallel_loop3A_838 = arith.minsi %parallel_loop3A_835, %parallel_loop3A_837 : vector<16xi32>
          %parallel_loop3A_839 = arith.addi %parallel_loop3A_829, %parallel_loop3A_838 : vector<16xi32>
          %parallel_loop3A_840 = arith.constant 16 : i32
          %parallel_loop3A_841 = arith.muli %parallel_loop3A_787, %parallel_loop3A_840 : i32
          %parallel_loop3A_842 = arith.constant 5 : i32
          %parallel_loop3A_843 = arith.index_cast %parallel_loop3A_842 : i32 to index
          %parallel_loop3A_844 = arith.index_cast %parallel_loop3A_841 : i32 to index
          %parallel_loop3A_845 = tpu.vector_load %arg6[%parallel_loop3A_843, %parallel_loop3A_844] {strides = array<i32>} : memref<16x128xi32, #tpu.memory_space<vmem>>, vector<16xi32>,
          %parallel_loop3A_846 = arith.constant 1 : i32
          %parallel_loop3A_847 = vector.broadcast %parallel_loop3A_846 : i32 to vector<16xi32>
          %parallel_loop3A_848 = arith.minsi %parallel_loop3A_845, %parallel_loop3A_847 : vector<16xi32>
          %parallel_loop3A_849 = arith.addi %parallel_loop3A_839, %parallel_loop3A_848 : vector<16xi32>
          %parallel_loop3A_850 = arith.constant 16 : i32
          %parallel_loop3A_851 = arith.muli %parallel_loop3A_787, %parallel_loop3A_850 : i32
          %parallel_loop3A_852 = arith.constant 6 : i32
          %parallel_loop3A_853 = arith.index_cast %parallel_loop3A_852 : i32 to index
          %parallel_loop3A_854 = arith.index_cast %parallel_loop3A_851 : i32 to index
          %parallel_loop3A_855 = tpu.vector_load %arg6[%parallel_loop3A_853, %parallel_loop3A_854] {strides = array<i32>} : memref<16x128xi32, #tpu.memory_space<vmem>>, vector<16xi32>,
          %parallel_loop3A_856 = arith.constant 1 : i32
          %parallel_loop3A_857 = vector.broadcast %parallel_loop3A_856 : i32 to vector<16xi32>
          %parallel_loop3A_858 = arith.minsi %parallel_loop3A_855, %parallel_loop3A_857 : vector<16xi32>
          %parallel_loop3A_859 = arith.addi %parallel_loop3A_849, %parallel_loop3A_858 : vector<16xi32>
          %parallel_loop3A_860 = arith.constant 16 : i32
          %parallel_loop3A_861 = arith.muli %parallel_loop3A_787, %parallel_loop3A_860 : i32
          %parallel_loop3A_862 = arith.constant 7 : i32
          %parallel_loop3A_863 = arith.index_cast %parallel_loop3A_862 : i32 to index
          %parallel_loop3A_864 = arith.index_cast %parallel_loop3A_861 : i32 to index
          %parallel_loop3A_865 = tpu.vector_load %arg6[%parallel_loop3A_863, %parallel_loop3A_864] {strides = array<i32>} : memref<16x128xi32, #tpu.memory_space<vmem>>, vector<16xi32>,
          %parallel_loop3A_866 = arith.constant 1 : i32
          %parallel_loop3A_867 = vector.broadcast %parallel_loop3A_866 : i32 to vector<16xi32>
          %parallel_loop3A_868 = arith.minsi %parallel_loop3A_865, %parallel_loop3A_867 : vector<16xi32>
          %parallel_loop3A_869 = arith.addi %parallel_loop3A_859, %parallel_loop3A_868 : vector<16xi32>
          %parallel_loop3A_870 = arith.constant 16 : i32
          %parallel_loop3A_871 = arith.muli %parallel_loop3A_787, %parallel_loop3A_870 : i32
          %parallel_loop3A_872 = arith.constant 8 : i32
          %parallel_loop3A_873 = arith.index_cast %parallel_loop3A_872 : i32 to index
          %parallel_loop3A_874 = arith.index_cast %parallel_loop3A_871 : i32 to index
          %parallel_loop3A_875 = tpu.vector_load %arg6[%parallel_loop3A_873, %parallel_loop3A_874] {strides = array<i32>} : memref<16x128xi32, #tpu.memory_space<vmem>>, vector<16xi32>,
          %parallel_loop3A_876 = arith.constant 1 : i32
          %parallel_loop3A_877 = vector.broadcast %parallel_loop3A_876 : i32 to vector<16xi32>
          %parallel_loop3A_878 = arith.minsi %parallel_loop3A_875, %parallel_loop3A_877 : vector<16xi32>
          %parallel_loop3A_879 = arith.addi %parallel_loop3A_869, %parallel_loop3A_878 : vector<16xi32>
          %parallel_loop3A_880 = arith.constant 16 : i32
          %parallel_loop3A_881 = arith.muli %parallel_loop3A_787, %parallel_loop3A_880 : i32
          %parallel_loop3A_882 = arith.constant 9 : i32
          %parallel_loop3A_883 = arith.index_cast %parallel_loop3A_882 : i32 to index
          %parallel_loop3A_884 = arith.index_cast %parallel_loop3A_881 : i32 to index
          %parallel_loop3A_885 = tpu.vector_load %arg6[%parallel_loop3A_883, %parallel_loop3A_884] {strides = array<i32>} : memref<16x128xi32, #tpu.memory_space<vmem>>, vector<16xi32>,
          %parallel_loop3A_886 = arith.constant 1 : i32
          %parallel_loop3A_887 = vector.broadcast %parallel_loop3A_886 : i32 to vector<16xi32>
          %parallel_loop3A_888 = arith.minsi %parallel_loop3A_885, %parallel_loop3A_887 : vector<16xi32>
          %parallel_loop3A_889 = arith.addi %parallel_loop3A_879, %parallel_loop3A_888 : vector<16xi32>
          %parallel_loop3A_890 = arith.constant 16 : i32
          %parallel_loop3A_891 = arith.muli %parallel_loop3A_787, %parallel_loop3A_890 : i32
          %parallel_loop3A_892 = arith.constant 10 : i32
          %parallel_loop3A_893 = arith.index_cast %parallel_loop3A_892 : i32 to index
          %parallel_loop3A_894 = arith.index_cast %parallel_loop3A_891 : i32 to index
          %parallel_loop3A_895 = tpu.vector_load %arg6[%parallel_loop3A_893, %parallel_loop3A_894] {strides = array<i32>} : memref<16x128xi32, #tpu.memory_space<vmem>>, vector<16xi32>,
          %parallel_loop3A_896 = arith.constant 1 : i32
          %parallel_loop3A_897 = vector.broadcast %parallel_loop3A_896 : i32 to vector<16xi32>
          %parallel_loop3A_898 = arith.minsi %parallel_loop3A_895, %parallel_loop3A_897 : vector<16xi32>
          %parallel_loop3A_899 = arith.addi %parallel_loop3A_889, %parallel_loop3A_898 : vector<16xi32>
          %parallel_loop3A_900 = arith.constant 16 : i32
          %parallel_loop3A_901 = arith.muli %parallel_loop3A_787, %parallel_loop3A_900 : i32
          %parallel_loop3A_902 = arith.constant 11 : i32
          %parallel_loop3A_903 = arith.index_cast %parallel_loop3A_902 : i32 to index
          %parallel_loop3A_904 = arith.index_cast %parallel_loop3A_901 : i32 to index
          %parallel_loop3A_905 = tpu.vector_load %arg6[%parallel_loop3A_903, %parallel_loop3A_904] {strides = array<i32>} : memref<16x128xi32, #tpu.memory_space<vmem>>, vector<16xi32>,
          %parallel_loop3A_906 = arith.constant 1 : i32
          %parallel_loop3A_907 = vector.broadcast %parallel_loop3A_906 : i32 to vector<16xi32>
          %parallel_loop3A_908 = arith.minsi %parallel_loop3A_905, %parallel_loop3A_907 : vector<16xi32>
          %parallel_loop3A_909 = arith.addi %parallel_loop3A_899, %parallel_loop3A_908 : vector<16xi32>
          %parallel_loop3A_910 = arith.constant 16 : i32
          %parallel_loop3A_911 = arith.muli %parallel_loop3A_787, %parallel_loop3A_910 : i32
          %parallel_loop3A_912 = arith.constant 12 : i32
          %parallel_loop3A_913 = arith.index_cast %parallel_loop3A_912 : i32 to index
          %parallel_loop3A_914 = arith.index_cast %parallel_loop3A_911 : i32 to index
          %parallel_loop3A_915 = tpu.vector_load %arg6[%parallel_loop3A_913, %parallel_loop3A_914] {strides = array<i32>} : memref<16x128xi32, #tpu.memory_space<vmem>>, vector<16xi32>,
          %parallel_loop3A_916 = arith.constant 1 : i32
          %parallel_loop3A_917 = vector.broadcast %parallel_loop3A_916 : i32 to vector<16xi32>
          %parallel_loop3A_918 = arith.minsi %parallel_loop3A_915, %parallel_loop3A_917 : vector<16xi32>
          %parallel_loop3A_919 = arith.addi %parallel_loop3A_909, %parallel_loop3A_918 : vector<16xi32>
          %parallel_loop3A_920 = arith.constant 16 : i32
          %parallel_loop3A_921 = arith.muli %parallel_loop3A_787, %parallel_loop3A_920 : i32
          %parallel_loop3A_922 = arith.constant 13 : i32
          %parallel_loop3A_923 = arith.index_cast %parallel_loop3A_922 : i32 to index
          %parallel_loop3A_924 = arith.index_cast %parallel_loop3A_921 : i32 to index
          %parallel_loop3A_925 = tpu.vector_load %arg6[%parallel_loop3A_923, %parallel_loop3A_924] {strides = array<i32>} : memref<16x128xi32, #tpu.memory_space<vmem>>, vector<16xi32>,
          %parallel_loop3A_926 = arith.constant 1 : i32
          %parallel_loop3A_927 = vector.broadcast %parallel_loop3A_926 : i32 to vector<16xi32>
          %parallel_loop3A_928 = arith.minsi %parallel_loop3A_925, %parallel_loop3A_927 : vector<16xi32>
          %parallel_loop3A_929 = arith.addi %parallel_loop3A_919, %parallel_loop3A_928 : vector<16xi32>
          %parallel_loop3A_930 = arith.constant 16 : i32
          %parallel_loop3A_931 = arith.muli %parallel_loop3A_787, %parallel_loop3A_930 : i32
          %parallel_loop3A_932 = arith.constant 14 : i32
          %parallel_loop3A_933 = arith.index_cast %parallel_loop3A_932 : i32 to index
          %parallel_loop3A_934 = arith.index_cast %parallel_loop3A_931 : i32 to index
          %parallel_loop3A_935 = tpu.vector_load %arg6[%parallel_loop3A_933, %parallel_loop3A_934] {strides = array<i32>} : memref<16x128xi32, #tpu.memory_space<vmem>>, vector<16xi32>,
          %parallel_loop3A_936 = arith.constant 1 : i32
          %parallel_loop3A_937 = vector.broadcast %parallel_loop3A_936 : i32 to vector<16xi32>
          %parallel_loop3A_938 = arith.minsi %parallel_loop3A_935, %parallel_loop3A_937 : vector<16xi32>
          %parallel_loop3A_939 = arith.addi %parallel_loop3A_929, %parallel_loop3A_938 : vector<16xi32>
          %parallel_loop3A_940 = arith.constant 16 : i32
          %parallel_loop3A_941 = arith.muli %parallel_loop3A_787, %parallel_loop3A_940 : i32
          %parallel_loop3A_942 = arith.constant 15 : i32
          %parallel_loop3A_943 = arith.index_cast %parallel_loop3A_942 : i32 to index
          %parallel_loop3A_944 = arith.index_cast %parallel_loop3A_941 : i32 to index
          %parallel_loop3A_945 = tpu.vector_load %arg6[%parallel_loop3A_943, %parallel_loop3A_944] {strides = array<i32>} : memref<16x128xi32, #tpu.memory_space<vmem>>, vector<16xi32>,
          %parallel_loop3A_946 = arith.constant 1 : i32
          %parallel_loop3A_947 = vector.broadcast %parallel_loop3A_946 : i32 to vector<16xi32>
          %parallel_loop3A_948 = arith.minsi %parallel_loop3A_945, %parallel_loop3A_947 : vector<16xi32>
          %parallel_loop3A_949 = arith.addi %parallel_loop3A_939, %parallel_loop3A_948 : vector<16xi32>
          %parallel_loop3A_950 = arith.sitofp %parallel_loop3A_949 : vector<16xi32> to vector<16xf32>
          %parallel_loop3A_951 = arith.constant 1.000000e+00 : f32
          %parallel_loop3A_952 = vector.broadcast %parallel_loop3A_951 : f32 to vector<16xf32>
          %parallel_loop3A_953 = arith.maximumf %parallel_loop3A_950, %parallel_loop3A_952 : vector<16xf32>
          %parallel_loop3A_954 = arith.constant 1.000000e+00 : f32
          %parallel_loop3A_955 = vector.broadcast %parallel_loop3A_954 : f32 to vector<16xf32>
          %parallel_loop3A_956 = arith.divf %parallel_loop3A_955, %parallel_loop3A_953 : vector<16xf32>
          %parallel_loop3A_957 = arith.constant 16 : i32
          %parallel_loop3A_958 = arith.muli %parallel_loop3A_787, %parallel_loop3A_957 : i32
          %parallel_loop3A_959 = arith.index_cast %parallel_loop3A_958 : i32 to index
          %parallel_loop3A_960 = tpu.vector_load %arg9[%parallel_loop3A_959] {strides = array<i32>} : memref<128xf32, #tpu.memory_space<vmem>>, vector<16xf32>,
          tpu.vector_store %arg9[%parallel_loop3A_959], %parallel_loop3A_956 {strides = array<i32>} : memref<128xf32, #tpu.memory_space<vmem>>, vector<16xf32>,
        } {sc.loop_unroll_factor = 1 : i64, sc.parallel_access}
        %dma_start3A_685 = arith.constant 0 : i32
        %dma_start3A_686 = arith.constant 0 : i32
        %dma_start3A_687 = tpu.memref_slice %arg2[%dma_start3A_685, %dma_start3A_686] : memref<17920x16xf32, #tpu.memory_space<hbm>> -> memref<17920x16xf32, #tpu.memory_space<hbm>>
        tpu.enqueue_indirect_dma source(%dma_start3A_687 : memref<17920x16xf32, #tpu.memory_space<hbm>>) target(%arg11 : memref<2048x16xf32, #tpu.memory_space<vmem>>) offsets(%arg10 : memref<2048xi32, #tpu.memory_space<vmem>>) semaphore(%arg22 : memref<!tpu.dma_semaphore, #tpu.memory_space<semaphore_mem>>)
        %add3A_688 = arith.constant 3 : i32
        %add3A_689 = arith.addi %mul3A_324, %add3A_688 : i32
        %mul3A_690 = arith.constant 32 : i32
        %mul3A_691 = arith.muli %add3A, %mul3A_690 : i32
        %add3A_692 = arith.addi %mul3A_691, %add3A_689 : i32
        %jit3A_693 = arith.constant 128 : i32
        %div3A_694 = arith.divsi %add3A_692, %jit3A_693 : i32
        %sign3A_695 = arith.constant 0 : i32
        %sign3A_696 = arith.cmpi sgt, %add3A_692, %sign3A_695 : i32
        %sign3A_697 = arith.extui %sign3A_696 : i1 to i32
        %sign3A_698 = arith.constant 0 : i32
        %sign3A_699 = arith.cmpi slt, %add3A_692, %sign3A_698 : i32
        %sign3A_700 = arith.extui %sign3A_699 : i1 to i32
        %sign3A_701 = arith.subi %sign3A_697, %sign3A_700 : i32
        %sign3A_702 = arith.constant 0 : i32
        %sign3A_703 = arith.cmpi sgt, %jit3A_693, %sign3A_702 : i32
        %sign3A_704 = arith.extui %sign3A_703 : i1 to i32
        %sign3A_705 = arith.constant 0 : i32
        %sign3A_706 = arith.cmpi slt, %jit3A_693, %sign3A_705 : i32
        %sign3A_707 = arith.extui %sign3A_706 : i1 to i32
        %sign3A_708 = arith.subi %sign3A_704, %sign3A_707 : i32
        %ne3A_709 = arith.cmpi ne, %sign3A_701, %sign3A_708 : i32
        %rem3A_710 = arith.remsi %add3A_692, %jit3A_693 : i32
        %ne3A_711 = arith.constant 0 : i32
        %ne3A_712 = arith.cmpi ne, %rem3A_710, %ne3A_711 : i32
        %and3A_713 = arith.andi %ne3A_709, %ne3A_712 : i1
        %sub3A_714 = arith.constant 1 : i32
        %sub3A_715 = arith.subi %div3A_694, %sub3A_714 : i32
        %select_n3A_716 = arith.select %and3A_713, %sub3A_715, %div3A_694 : i32
        %jit3A_717 = arith.constant 128 : i32
        %eq3A_718 = arith.constant 0 : i32
        %eq3A_719 = arith.cmpi eq, %jit3A_717, %eq3A_718 : i32
        %jit3A_720 = arith.constant 1 : i32
        %select_n3A_721 = arith.select %eq3A_719, %jit3A_720, %jit3A_717 : i32
        %rem3A_722 = arith.remsi %add3A_692, %select_n3A_721 : i32
        %ne3A_723 = arith.constant 0 : i32
        %ne3A_724 = arith.cmpi ne, %rem3A_722, %ne3A_723 : i32
        %lt3A_725 = arith.constant 0 : i32
        %lt3A_726 = arith.cmpi slt, %rem3A_722, %lt3A_725 : i32
        %lt3A_727 = arith.constant 0 : i32
        %lt3A_728 = arith.cmpi slt, %select_n3A_721, %lt3A_727 : i32
        %ne3A_729 = arith.xori %lt3A_726, %lt3A_728 : i1
        %and3A_730 = arith.andi %ne3A_729, %ne3A_724 : i1
        %add3A_731 = arith.addi %rem3A_722, %select_n3A_721 : i32
        %select_n3A_732 = arith.select %and3A_730, %add3A_731, %rem3A_722 : i32
        %dma_start3A_733 = arith.constant 0 : i32
        %dma_start3A_734 = arith.constant 0 : i32
        %dma_start3A_735 = tpu.memref_slice %arg4[%select_n3A_716, %select_n3A_732, %dma_start3A_733, %dma_start3A_734] : memref<8x128x16x128xi32, #tpu.memory_space<hbm>> -> memref<1x1x16x128xi32, #tpu.memory_space<hbm>>
        %dma_start3A_736 = tpu.memref_squeeze %dma_start3A_735 : memref<1x1x16x128xi32, #tpu.memory_space<hbm>> -> memref<16x128xi32, #tpu.memory_space<hbm>>
        %dma_start3A_737 = arith.constant 0 : i32
        %dma_start3A_738 = arith.constant 0 : i32
        %dma_start3A_739 = tpu.memref_slice %arg4[%select_n3A_716, %select_n3A_732, %dma_start3A_737, %dma_start3A_738] : memref<8x128x16x128xi32, #tpu.memory_space<hbm>> -> memref<1x1x16x128xi32, #tpu.memory_space<hbm>>
        %dma_start3A_740 = tpu.memref_squeeze %dma_start3A_739 : memref<1x1x16x128xi32, #tpu.memory_space<hbm>> -> memref<16x128xi32, #tpu.memory_space<hbm>>
        tpu.enqueue_dma source(%dma_start3A_740 : memref<16x128xi32, #tpu.memory_space<hbm>>) target(%arg13 : memref<16x128xi32, #tpu.memory_space<vmem>>) target_semaphore(%arg24 : memref<!tpu.dma_semaphore, #tpu.memory_space<semaphore_mem>>)
        %jit3A_741 = arith.constant 128 : i32
        %div3A_742 = arith.divsi %add3A_692, %jit3A_741 : i32
        %sign3A_743 = arith.constant 0 : i32
        %sign3A_744 = arith.cmpi sgt, %add3A_692, %sign3A_743 : i32
        %sign3A_745 = arith.extui %sign3A_744 : i1 to i32
        %sign3A_746 = arith.constant 0 : i32
        %sign3A_747 = arith.cmpi slt, %add3A_692, %sign3A_746 : i32
        %sign3A_748 = arith.extui %sign3A_747 : i1 to i32
        %sign3A_749 = arith.subi %sign3A_745, %sign3A_748 : i32
        %sign3A_750 = arith.constant 0 : i32
        %sign3A_751 = arith.cmpi sgt, %jit3A_741, %sign3A_750 : i32
        %sign3A_752 = arith.extui %sign3A_751 : i1 to i32
        %sign3A_753 = arith.constant 0 : i32
        %sign3A_754 = arith.cmpi slt, %jit3A_741, %sign3A_753 : i32
        %sign3A_755 = arith.extui %sign3A_754 : i1 to i32
        %sign3A_756 = arith.subi %sign3A_752, %sign3A_755 : i32
        %ne3A_757 = arith.cmpi ne, %sign3A_749, %sign3A_756 : i32
        %rem3A_758 = arith.remsi %add3A_692, %jit3A_741 : i32
        %ne3A_759 = arith.constant 0 : i32
        %ne3A_760 = arith.cmpi ne, %rem3A_758, %ne3A_759 : i32
        %and3A_761 = arith.andi %ne3A_757, %ne3A_760 : i1
        %sub3A_762 = arith.constant 1 : i32
        %sub3A_763 = arith.subi %div3A_742, %sub3A_762 : i32
        %select_n3A_764 = arith.select %and3A_761, %sub3A_763, %div3A_742 : i32
        %jit3A_765 = arith.constant 128 : i32
        %eq3A_766 = arith.constant 0 : i32
        %eq3A_767 = arith.cmpi eq, %jit3A_765, %eq3A_766 : i32
        %jit3A_768 = arith.constant 1 : i32
        %select_n3A_769 = arith.select %eq3A_767, %jit3A_768, %jit3A_765 : i32
        %rem3A_770 = arith.remsi %add3A_692, %select_n3A_769 : i32
        %ne3A_771 = arith.constant 0 : i32
        %ne3A_772 = arith.cmpi ne, %rem3A_770, %ne3A_771 : i32
        %lt3A_773 = arith.constant 0 : i32
        %lt3A_774 = arith.cmpi slt, %rem3A_770, %lt3A_773 : i32
        %lt3A_775 = arith.constant 0 : i32
        %lt3A_776 = arith.cmpi slt, %select_n3A_769, %lt3A_775 : i32
        %ne3A_777 = arith.xori %lt3A_774, %lt3A_776 : i1
        %and3A_778 = arith.andi %ne3A_777, %ne3A_772 : i1
        %add3A_779 = arith.addi %rem3A_770, %select_n3A_769 : i32
        %select_n3A_780 = arith.select %and3A_778, %add3A_779, %rem3A_770 : i32
        %dma_start3A_781 = arith.constant 0 : i32
        %dma_start3A_782 = tpu.memref_slice %arg3[%select_n3A_764, %select_n3A_780, %dma_start3A_781] : memref<8x128x128xi32, #tpu.memory_space<hbm>> -> memref<1x1x128xi32, #tpu.memory_space<hbm>>
        %dma_start3A_783 = tpu.memref_squeeze %dma_start3A_782 : memref<1x1x128xi32, #tpu.memory_space<hbm>> -> memref<128xi32, #tpu.memory_space<hbm>>
        %dma_start3A_784 = arith.constant 0 : i32
        %dma_start3A_785 = tpu.memref_slice %arg3[%select_n3A_764, %select_n3A_780, %dma_start3A_784] : memref<8x128x128xi32, #tpu.memory_space<hbm>> -> memref<1x1x128xi32, #tpu.memory_space<hbm>>
        %dma_start3A_786 = tpu.memref_squeeze %dma_start3A_785 : memref<1x1x128xi32, #tpu.memory_space<hbm>> -> memref<128xi32, #tpu.memory_space<hbm>>
        tpu.enqueue_dma source(%dma_start3A_786 : memref<128xi32, #tpu.memory_space<hbm>>) target(%arg14 : memref<128xi32, #tpu.memory_space<vmem>>) target_semaphore(%arg24 : memref<!tpu.dma_semaphore, #tpu.memory_space<semaphore_mem>>)
      } else {
      }
      %add3A_509 = arith.constant 1 : i32
      %add3A_510 = arith.addi %mul3A_324, %add3A_509 : i32
      %mul3A_511 = arith.constant 32 : i32
      %mul3A_512 = arith.muli %add3A, %mul3A_511 : i32
      %add3A_513 = arith.addi %mul3A_512, %add3A_510 : i32
      %dma_wait3A_514 = arith.constant 0 : i32
      %dma_wait3A_515 = arith.constant 0 : i32
      %dma_wait3A_516 = tpu.memref_slice %arg2[%dma_wait3A_514, %dma_wait3A_515] : memref<17920x16xf32, #tpu.memory_space<hbm>> -> memref<17920x16xf32, #tpu.memory_space<hbm>>
      tpu.wait_indirect_dma semaphore(%arg26 : memref<!tpu.dma_semaphore, #tpu.memory_space<semaphore_mem>>) src(%dma_wait3A_516 : memref<17920x16xf32, #tpu.memory_space<hbm>>) dst(%arg18 : memref<2048x16xf32, #tpu.memory_space<vmem>>)
      %dma_wait3A_517 = arith.constant 0 : i32
      %dma_wait3A_518 = arith.constant 0 : i32
      %dma_wait3A_519 = tpu.memref_slice %arg2[%dma_wait3A_517, %dma_wait3A_518] : memref<17920x16xf32, #tpu.memory_space<hbm>> -> memref<17920x16xf32, #tpu.memory_space<hbm>>
      tpu.wait_indirect_dma semaphore(%arg25 : memref<!tpu.dma_semaphore, #tpu.memory_space<semaphore_mem>>) src(%dma_wait3A_519 : memref<17920x16xf32, #tpu.memory_space<hbm>>) dst(%arg15 : memref<128x16xf32, #tpu.memory_space<vmem>>)
      %convert_element_type3A_520 = arith.extui %gt3A_327 : i1 to i32
      %cond3A_521 = arith.constant 0 : i32
      %cond3A_522 = arith.cmpi ne, %convert_element_type3A_520, %cond3A_521 : i32
      scf.if %cond3A_522 {
        %dma_wait3A_574 = arith.constant 0 : i32
        %dma_wait3A_575 = arith.constant 0 : i32
        %dma_wait3A_576 = arith.constant 0 : i32
        %dma_wait3A_577 = arith.constant 0 : i32
        %dma_wait3A_578 = tpu.memref_slice %arg5[%dma_wait3A_574, %dma_wait3A_576, %dma_wait3A_575, %dma_wait3A_577] : memref<8x16x128x128xf32, #tpu.memory_space<hbm>> -> memref<1x16x1x128xf32, #tpu.memory_space<hbm>>
        %dma_wait3A_579 = tpu.memref_squeeze %dma_wait3A_578 : memref<1x16x1x128xf32, #tpu.memory_space<hbm>> -> memref<16x128xf32, #tpu.memory_space<hbm>>
        %dma_wait3A_580 = arith.constant 0 : i32
        %dma_wait3A_581 = arith.constant 0 : i32
        %dma_wait3A_582 = tpu.memref_slice %arg5[%dma_wait3A_574, %dma_wait3A_580, %dma_wait3A_575, %dma_wait3A_581] : memref<8x16x128x128xf32, #tpu.memory_space<hbm>> -> memref<1x16x1x128xf32, #tpu.memory_space<hbm>>
        %dma_wait3A_583 = tpu.memref_squeeze %dma_wait3A_582 : memref<1x16x1x128xf32, #tpu.memory_space<hbm>> -> memref<16x128xf32, #tpu.memory_space<hbm>>
        tpu.wait_dma2 semaphore(%arg27 : memref<!tpu.dma_semaphore, #tpu.memory_space<semaphore_mem>>) src(%arg19 : memref<16x128xf32, #tpu.memory_space<vmem>>) dst(%dma_wait3A_583 : memref<16x128xf32, #tpu.memory_space<hbm>>)
      } else {
      }
      %parallel_loop3A_523 = arith.constant 0 : i32
      %parallel_loop3A_524 = arith.constant 128 : i32
      %parallel_loop3A_525 = arith.constant 1 : i32
      scf.for %parallel_loop3A_574 = %parallel_loop3A_523 to %parallel_loop3A_524 step %parallel_loop3A_525  : i32 {
        %parallel_loop3A_575 = arith.constant 0 : i32
        %parallel_loop3A_576 = arith.addi %parallel_loop3A_575, %parallel_loop3A_574 : i32
        %parallel_loop3A_577 = arith.index_cast %parallel_loop3A_576 : i32 to index
        %parallel_loop3A_578 = arith.constant 0 : index
        %parallel_loop3A_579 = tpu.vector_load %arg18[%parallel_loop3A_577, %parallel_loop3A_578] {strides = array<i32>} : memref<2048x16xf32, #tpu.memory_space<vmem>>, vector<16xf32>,
        %parallel_loop3A_580 = arith.constant 128 : i32
        %parallel_loop3A_581 = arith.addi %parallel_loop3A_580, %parallel_loop3A_574 : i32
        %parallel_loop3A_582 = arith.index_cast %parallel_loop3A_581 : i32 to index
        %parallel_loop3A_583 = arith.constant 0 : index
        %parallel_loop3A_584 = tpu.vector_load %arg18[%parallel_loop3A_582, %parallel_loop3A_583] {strides = array<i32>} : memref<2048x16xf32, #tpu.memory_space<vmem>>, vector<16xf32>,
        %parallel_loop3A_585 = arith.constant 256 : i32
        %parallel_loop3A_586 = arith.addi %parallel_loop3A_585, %parallel_loop3A_574 : i32
        %parallel_loop3A_587 = arith.index_cast %parallel_loop3A_586 : i32 to index
        %parallel_loop3A_588 = arith.constant 0 : index
        %parallel_loop3A_589 = tpu.vector_load %arg18[%parallel_loop3A_587, %parallel_loop3A_588] {strides = array<i32>} : memref<2048x16xf32, #tpu.memory_space<vmem>>, vector<16xf32>,
        %parallel_loop3A_590 = arith.constant 384 : i32
        %parallel_loop3A_591 = arith.addi %parallel_loop3A_590, %parallel_loop3A_574 : i32
        %parallel_loop3A_592 = arith.index_cast %parallel_loop3A_591 : i32 to index
        %parallel_loop3A_593 = arith.constant 0 : index
        %parallel_loop3A_594 = tpu.vector_load %arg18[%parallel_loop3A_592, %parallel_loop3A_593] {strides = array<i32>} : memref<2048x16xf32, #tpu.memory_space<vmem>>, vector<16xf32>,
        %parallel_loop3A_595 = arith.constant 512 : i32
        %parallel_loop3A_596 = arith.addi %parallel_loop3A_595, %parallel_loop3A_574 : i32
        %parallel_loop3A_597 = arith.index_cast %parallel_loop3A_596 : i32 to index
        %parallel_loop3A_598 = arith.constant 0 : index
        %parallel_loop3A_599 = tpu.vector_load %arg18[%parallel_loop3A_597, %parallel_loop3A_598] {strides = array<i32>} : memref<2048x16xf32, #tpu.memory_space<vmem>>, vector<16xf32>,
        %parallel_loop3A_600 = arith.constant 640 : i32
        %parallel_loop3A_601 = arith.addi %parallel_loop3A_600, %parallel_loop3A_574 : i32
        %parallel_loop3A_602 = arith.index_cast %parallel_loop3A_601 : i32 to index
        %parallel_loop3A_603 = arith.constant 0 : index
        %parallel_loop3A_604 = tpu.vector_load %arg18[%parallel_loop3A_602, %parallel_loop3A_603] {strides = array<i32>} : memref<2048x16xf32, #tpu.memory_space<vmem>>, vector<16xf32>,
        %parallel_loop3A_605 = arith.constant 768 : i32
        %parallel_loop3A_606 = arith.addi %parallel_loop3A_605, %parallel_loop3A_574 : i32
        %parallel_loop3A_607 = arith.index_cast %parallel_loop3A_606 : i32 to index
        %parallel_loop3A_608 = arith.constant 0 : index
        %parallel_loop3A_609 = tpu.vector_load %arg18[%parallel_loop3A_607, %parallel_loop3A_608] {strides = array<i32>} : memref<2048x16xf32, #tpu.memory_space<vmem>>, vector<16xf32>,
        %parallel_loop3A_610 = arith.constant 896 : i32
        %parallel_loop3A_611 = arith.addi %parallel_loop3A_610, %parallel_loop3A_574 : i32
        %parallel_loop3A_612 = arith.index_cast %parallel_loop3A_611 : i32 to index
        %parallel_loop3A_613 = arith.constant 0 : index
        %parallel_loop3A_614 = tpu.vector_load %arg18[%parallel_loop3A_612, %parallel_loop3A_613] {strides = array<i32>} : memref<2048x16xf32, #tpu.memory_space<vmem>>, vector<16xf32>,
        %parallel_loop3A_615 = arith.constant 1024 : i32
        %parallel_loop3A_616 = arith.addi %parallel_loop3A_615, %parallel_loop3A_574 : i32
        %parallel_loop3A_617 = arith.index_cast %parallel_loop3A_616 : i32 to index
        %parallel_loop3A_618 = arith.constant 0 : index
        %parallel_loop3A_619 = tpu.vector_load %arg18[%parallel_loop3A_617, %parallel_loop3A_618] {strides = array<i32>} : memref<2048x16xf32, #tpu.memory_space<vmem>>, vector<16xf32>,
        %parallel_loop3A_620 = arith.constant 1152 : i32
        %parallel_loop3A_621 = arith.addi %parallel_loop3A_620, %parallel_loop3A_574 : i32
        %parallel_loop3A_622 = arith.index_cast %parallel_loop3A_621 : i32 to index
        %parallel_loop3A_623 = arith.constant 0 : index
        %parallel_loop3A_624 = tpu.vector_load %arg18[%parallel_loop3A_622, %parallel_loop3A_623] {strides = array<i32>} : memref<2048x16xf32, #tpu.memory_space<vmem>>, vector<16xf32>,
        %parallel_loop3A_625 = arith.constant 1280 : i32
        %parallel_loop3A_626 = arith.addi %parallel_loop3A_625, %parallel_loop3A_574 : i32
        %parallel_loop3A_627 = arith.index_cast %parallel_loop3A_626 : i32 to index
        %parallel_loop3A_628 = arith.constant 0 : index
        %parallel_loop3A_629 = tpu.vector_load %arg18[%parallel_loop3A_627, %parallel_loop3A_628] {strides = array<i32>} : memref<2048x16xf32, #tpu.memory_space<vmem>>, vector<16xf32>,
        %parallel_loop3A_630 = arith.constant 1408 : i32
        %parallel_loop3A_631 = arith.addi %parallel_loop3A_630, %parallel_loop3A_574 : i32
        %parallel_loop3A_632 = arith.index_cast %parallel_loop3A_631 : i32 to index
        %parallel_loop3A_633 = arith.constant 0 : index
        %parallel_loop3A_634 = tpu.vector_load %arg18[%parallel_loop3A_632, %parallel_loop3A_633] {strides = array<i32>} : memref<2048x16xf32, #tpu.memory_space<vmem>>, vector<16xf32>,
        %parallel_loop3A_635 = arith.constant 1536 : i32
        %parallel_loop3A_636 = arith.addi %parallel_loop3A_635, %parallel_loop3A_574 : i32
        %parallel_loop3A_637 = arith.index_cast %parallel_loop3A_636 : i32 to index
        %parallel_loop3A_638 = arith.constant 0 : index
        %parallel_loop3A_639 = tpu.vector_load %arg18[%parallel_loop3A_637, %parallel_loop3A_638] {strides = array<i32>} : memref<2048x16xf32, #tpu.memory_space<vmem>>, vector<16xf32>,
        %parallel_loop3A_640 = arith.constant 1664 : i32
        %parallel_loop3A_641 = arith.addi %parallel_loop3A_640, %parallel_loop3A_574 : i32
        %parallel_loop3A_642 = arith.index_cast %parallel_loop3A_641 : i32 to index
        %parallel_loop3A_643 = arith.constant 0 : index
        %parallel_loop3A_644 = tpu.vector_load %arg18[%parallel_loop3A_642, %parallel_loop3A_643] {strides = array<i32>} : memref<2048x16xf32, #tpu.memory_space<vmem>>, vector<16xf32>,
        %parallel_loop3A_645 = arith.constant 1792 : i32
        %parallel_loop3A_646 = arith.addi %parallel_loop3A_645, %parallel_loop3A_574 : i32
        %parallel_loop3A_647 = arith.index_cast %parallel_loop3A_646 : i32 to index
        %parallel_loop3A_648 = arith.constant 0 : index
        %parallel_loop3A_649 = tpu.vector_load %arg18[%parallel_loop3A_647, %parallel_loop3A_648] {strides = array<i32>} : memref<2048x16xf32, #tpu.memory_space<vmem>>, vector<16xf32>,
        %parallel_loop3A_650 = arith.constant 1920 : i32
        %parallel_loop3A_651 = arith.addi %parallel_loop3A_650, %parallel_loop3A_574 : i32
        %parallel_loop3A_652 = arith.index_cast %parallel_loop3A_651 : i32 to index
        %parallel_loop3A_653 = arith.constant 0 : index
        %parallel_loop3A_654 = tpu.vector_load %arg18[%parallel_loop3A_652, %parallel_loop3A_653] {strides = array<i32>} : memref<2048x16xf32, #tpu.memory_space<vmem>>, vector<16xf32>,
        %parallel_loop3A_655 = arith.addf %parallel_loop3A_579, %parallel_loop3A_584 : vector<16xf32>
        %parallel_loop3A_656 = arith.addf %parallel_loop3A_589, %parallel_loop3A_594 : vector<16xf32>
        %parallel_loop3A_657 = arith.addf %parallel_loop3A_599, %parallel_loop3A_604 : vector<16xf32>
        %parallel_loop3A_658 = arith.addf %parallel_loop3A_609, %parallel_loop3A_614 : vector<16xf32>
        %parallel_loop3A_659 = arith.addf %parallel_loop3A_619, %parallel_loop3A_624 : vector<16xf32>
        %parallel_loop3A_660 = arith.addf %parallel_loop3A_629, %parallel_loop3A_634 : vector<16xf32>
        %parallel_loop3A_661 = arith.addf %parallel_loop3A_639, %parallel_loop3A_644 : vector<16xf32>
        %parallel_loop3A_662 = arith.addf %parallel_loop3A_649, %parallel_loop3A_654 : vector<16xf32>
        %parallel_loop3A_663 = arith.addf %parallel_loop3A_655, %parallel_loop3A_656 : vector<16xf32>
        %parallel_loop3A_664 = arith.addf %parallel_loop3A_657, %parallel_loop3A_658 : vector<16xf32>
        %parallel_loop3A_665 = arith.addf %parallel_loop3A_659, %parallel_loop3A_660 : vector<16xf32>
        %parallel_loop3A_666 = arith.addf %parallel_loop3A_661, %parallel_loop3A_662 : vector<16xf32>
        %parallel_loop3A_667 = arith.addf %parallel_loop3A_663, %parallel_loop3A_664 : vector<16xf32>
        %parallel_loop3A_668 = arith.addf %parallel_loop3A_665, %parallel_loop3A_666 : vector<16xf32>
        %parallel_loop3A_669 = arith.addf %parallel_loop3A_667, %parallel_loop3A_668 : vector<16xf32>
        %parallel_loop3A_670 = arith.constant 0 : i32
        %parallel_loop3A_671 = vector.broadcast %parallel_loop3A_670 : i32 to vector<16xi32>
        %parallel_loop3A_672 = arith.muli %iota3A, %parallel_loop3A_671 : vector<16xi32>
        %parallel_loop3A_673 = vector.broadcast %parallel_loop3A_574 : i32 to vector<16xi32>
        %parallel_loop3A_674 = arith.addi %parallel_loop3A_672, %parallel_loop3A_673 : vector<16xi32>
        %parallel_loop3A_675 = tpu.vector_load_idx %arg16[%parallel_loop3A_674] : memref<128xf32, #tpu.memory_space<vmem>>[vector<16xi32>], vector<16xf32>,
        %parallel_loop3A_676 = arith.index_cast %parallel_loop3A_574 : i32 to index
        %parallel_loop3A_677 = arith.constant 0 : index
        %parallel_loop3A_678 = tpu.vector_load %arg15[%parallel_loop3A_676, %parallel_loop3A_677] {strides = array<i32>} : memref<128x16xf32, #tpu.memory_space<vmem>>, vector<16xf32>,
        %parallel_loop3A_679 = arith.mulf %parallel_loop3A_669, %parallel_loop3A_675 : vector<16xf32>
        %parallel_loop3A_680 = arith.addf %parallel_loop3A_678, %parallel_loop3A_679 : vector<16xf32>
        tpu.vector_store_idx %arg19[%iota3A, %parallel_loop3A_674], %parallel_loop3A_680 : memref<16x128xf32, #tpu.memory_space<vmem>>[vector<16xi32>, vector<16xi32>], vector<16xf32>,
      } {sc.loop_unroll_factor = 4 : i64, sc.parallel_access}
      %jit3A_526 = arith.constant 128 : i32
      %div3A_527 = arith.divsi %add3A_513, %jit3A_526 : i32
      %sign3A_528 = arith.constant 0 : i32
      %sign3A_529 = arith.cmpi sgt, %add3A_513, %sign3A_528 : i32
      %sign3A_530 = arith.extui %sign3A_529 : i1 to i32
      %sign3A_531 = arith.constant 0 : i32
      %sign3A_532 = arith.cmpi slt, %add3A_513, %sign3A_531 : i32
      %sign3A_533 = arith.extui %sign3A_532 : i1 to i32
      %sign3A_534 = arith.subi %sign3A_530, %sign3A_533 : i32
      %sign3A_535 = arith.constant 0 : i32
      %sign3A_536 = arith.cmpi sgt, %jit3A_526, %sign3A_535 : i32
      %sign3A_537 = arith.extui %sign3A_536 : i1 to i32
      %sign3A_538 = arith.constant 0 : i32
      %sign3A_539 = arith.cmpi slt, %jit3A_526, %sign3A_538 : i32
      %sign3A_540 = arith.extui %sign3A_539 : i1 to i32
      %sign3A_541 = arith.subi %sign3A_537, %sign3A_540 : i32
      %ne3A_542 = arith.cmpi ne, %sign3A_534, %sign3A_541 : i32
      %rem3A_543 = arith.remsi %add3A_513, %jit3A_526 : i32
      %ne3A_544 = arith.constant 0 : i32
      %ne3A_545 = arith.cmpi ne, %rem3A_543, %ne3A_544 : i32
      %and3A_546 = arith.andi %ne3A_542, %ne3A_545 : i1
      %sub3A_547 = arith.constant 1 : i32
      %sub3A_548 = arith.subi %div3A_527, %sub3A_547 : i32
      %select_n3A_549 = arith.select %and3A_546, %sub3A_548, %div3A_527 : i32
      %jit3A_550 = arith.constant 128 : i32
      %eq3A_551 = arith.constant 0 : i32
      %eq3A_552 = arith.cmpi eq, %jit3A_550, %eq3A_551 : i32
      %jit3A_553 = arith.constant 1 : i32
      %select_n3A_554 = arith.select %eq3A_552, %jit3A_553, %jit3A_550 : i32
      %rem3A_555 = arith.remsi %add3A_513, %select_n3A_554 : i32
      %ne3A_556 = arith.constant 0 : i32
      %ne3A_557 = arith.cmpi ne, %rem3A_555, %ne3A_556 : i32
      %lt3A_558 = arith.constant 0 : i32
      %lt3A_559 = arith.cmpi slt, %rem3A_555, %lt3A_558 : i32
      %lt3A_560 = arith.constant 0 : i32
      %lt3A_561 = arith.cmpi slt, %select_n3A_554, %lt3A_560 : i32
      %ne3A_562 = arith.xori %lt3A_559, %lt3A_561 : i1
      %and3A_563 = arith.andi %ne3A_562, %ne3A_557 : i1
      %add3A_564 = arith.addi %rem3A_555, %select_n3A_554 : i32
      %select_n3A_565 = arith.select %and3A_563, %add3A_564, %rem3A_555 : i32
      %dma_start3A_566 = arith.constant 0 : i32
      %dma_start3A_567 = arith.constant 0 : i32
      %dma_start3A_568 = tpu.memref_slice %arg5[%select_n3A_549, %dma_start3A_566, %select_n3A_565, %dma_start3A_567] : memref<8x16x128x128xf32, #tpu.memory_space<hbm>> -> memref<1x16x1x128xf32, #tpu.memory_space<hbm>>
      %dma_start3A_569 = tpu.memref_squeeze %dma_start3A_568 : memref<1x16x1x128xf32, #tpu.memory_space<hbm>> -> memref<16x128xf32, #tpu.memory_space<hbm>>
      %dma_start3A_570 = arith.constant 0 : i32
      %dma_start3A_571 = arith.constant 0 : i32
      %dma_start3A_572 = tpu.memref_slice %arg5[%select_n3A_549, %dma_start3A_570, %select_n3A_565, %dma_start3A_571] : memref<8x16x128x128xf32, #tpu.memory_space<hbm>> -> memref<1x16x1x128xf32, #tpu.memory_space<hbm>>
      %dma_start3A_573 = tpu.memref_squeeze %dma_start3A_572 : memref<1x16x1x128xf32, #tpu.memory_space<hbm>> -> memref<16x128xf32, #tpu.memory_space<hbm>>
      tpu.enqueue_dma source(%arg19 : memref<16x128xf32, #tpu.memory_space<vmem>>) target(%dma_start3A_573 : memref<16x128xf32, #tpu.memory_space<hbm>>) target_semaphore(%arg27 : memref<!tpu.dma_semaphore, #tpu.memory_space<semaphore_mem>>)
    }
    %scan3A_301 = arith.constant 16 : i32
    %dma_wait3A_302 = arith.constant 0 : i32
    %dma_wait3A_303 = arith.constant 0 : i32
    %dma_wait3A_304 = arith.constant 0 : i32
    %dma_wait3A_305 = arith.constant 0 : i32
    %dma_wait3A_306 = tpu.memref_slice %arg5[%dma_wait3A_302, %dma_wait3A_304, %dma_wait3A_303, %dma_wait3A_305] : memref<8x16x128x128xf32, #tpu.memory_space<hbm>> -> memref<1x16x1x128xf32, #tpu.memory_space<hbm>>
    %dma_wait3A_307 = tpu.memref_squeeze %dma_wait3A_306 : memref<1x16x1x128xf32, #tpu.memory_space<hbm>> -> memref<16x128xf32, #tpu.memory_space<hbm>>
    %dma_wait3A_308 = arith.constant 0 : i32
    %dma_wait3A_309 = arith.constant 0 : i32
    %dma_wait3A_310 = tpu.memref_slice %arg5[%dma_wait3A_302, %dma_wait3A_308, %dma_wait3A_303, %dma_wait3A_309] : memref<8x16x128x128xf32, #tpu.memory_space<hbm>> -> memref<1x16x1x128xf32, #tpu.memory_space<hbm>>
    %dma_wait3A_311 = tpu.memref_squeeze %dma_wait3A_310 : memref<1x16x1x128xf32, #tpu.memory_space<hbm>> -> memref<16x128xf32, #tpu.memory_space<hbm>>
    tpu.wait_dma2 semaphore(%arg23 : memref<!tpu.dma_semaphore, #tpu.memory_space<semaphore_mem>>) src(%arg12 : memref<16x128xf32, #tpu.memory_space<vmem>>) dst(%dma_wait3A_311 : memref<16x128xf32, #tpu.memory_space<hbm>>)
    %dma_wait3A_312 = arith.constant 0 : i32
    %dma_wait3A_313 = arith.constant 0 : i32
    %dma_wait3A_314 = arith.constant 0 : i32
    %dma_wait3A_315 = arith.constant 0 : i32
    %dma_wait3A_316 = tpu.memref_slice %arg5[%dma_wait3A_312, %dma_wait3A_314, %dma_wait3A_313, %dma_wait3A_315] : memref<8x16x128x128xf32, #tpu.memory_space<hbm>> -> memref<1x16x1x128xf32, #tpu.memory_space<hbm>>
    %dma_wait3A_317 = tpu.memref_squeeze %dma_wait3A_316 : memref<1x16x1x128xf32, #tpu.memory_space<hbm>> -> memref<16x128xf32, #tpu.memory_space<hbm>>
    %dma_wait3A_318 = arith.constant 0 : i32
    %dma_wait3A_319 = arith.constant 0 : i32
    %dma_wait3A_320 = tpu.memref_slice %arg5[%dma_wait3A_312, %dma_wait3A_318, %dma_wait3A_313, %dma_wait3A_319] : memref<8x16x128x128xf32, #tpu.memory_space<hbm>> -> memref<1x16x1x128xf32, #tpu.memory_space<hbm>>
    %dma_wait3A_321 = tpu.memref_squeeze %dma_wait3A_320 : memref<1x16x1x128xf32, #tpu.memory_space<hbm>> -> memref<16x128xf32, #tpu.memory_space<hbm>>
    tpu.wait_dma2 semaphore(%arg27 : memref<!tpu.dma_semaphore, #tpu.memory_space<semaphore_mem>>) src(%arg19 : memref<16x128xf32, #tpu.memory_space<vmem>>) dst(%dma_wait3A_321 : memref<16x128xf32, #tpu.memory_space<hbm>>)
    return
  }
}

module attributes {stable_mosaic.version = 14 : i64} {
  func.func @_tc_body(%arg0: memref<136x256xf32, #tpu.memory_space<vmem>>, %arg1: memref<16x32x16xf32, #tpu.memory_space<vmem>>, %arg2: memref<64x128xf32, #tpu.memory_space<vmem>>, %arg3: memref<2240x128xf32, #tpu.memory_space<vmem>>) attributes {dimension_semantics = [], scalar_prefetch = 0 : i64, scratch_operands = 0 : i64, tpu.core_type = #tpu.core_type<tc>} {
    %get3A = arith.constant 0 : index
    %get3A_0 = arith.constant 0 : index
    %get3A_1 = arith.constant 0 : index
    %get3A_2 = vector.load %arg1[%get3A, %get3A_0, %get3A_1] : memref<16x32x16xf32, #tpu.memory_space<vmem>>, vector<1x32x16xf32>
    %get3A_3 = vector.shape_cast %get3A_2 : vector<1x32x16xf32> to vector<32x16xf32>
    %get3A_4 = arith.constant 0 : index
    %get3A_5 = arith.constant 0 : index
    %get3A_6 = vector.load %arg0[%get3A_4, %get3A_5] : memref<136x256xf32, #tpu.memory_space<vmem>>, vector<136x32xf32>
    %dot_general3A = arith.constant dense<0.000000e+00> : vector<136x16xf32>
    %dot_general3A_7 = tpu.matmul %get3A_6, %get3A_3, %dot_general3A {dimension_numbers = #tpu.dot_dimension_numbers<[1], [0], [0], [1], [0, 0, 1, 1], [], []>, transpose_lhs_hint = false} : vector<136x32xf32>, vector<32x16xf32>, vector<136x16xf32> -> vector<136x16xf32>
    %get3A_8 = arith.constant 0 : index
    %get3A_9 = arith.constant 32 : index
    %get3A_10 = vector.load %arg0[%get3A_8, %get3A_9] : memref<136x256xf32, #tpu.memory_space<vmem>>, vector<136x32xf32>
    %dot_general3A_11 = arith.constant dense<0.000000e+00> : vector<136x16xf32>
    %dot_general3A_12 = tpu.matmul %get3A_10, %get3A_3, %dot_general3A_11 {dimension_numbers = #tpu.dot_dimension_numbers<[1], [0], [0], [1], [0, 0, 1, 1], [], []>, transpose_lhs_hint = false} : vector<136x32xf32>, vector<32x16xf32>, vector<136x16xf32> -> vector<136x16xf32>
    %get3A_13 = arith.constant 0 : index
    %get3A_14 = arith.constant 64 : index
    %get3A_15 = vector.load %arg0[%get3A_13, %get3A_14] : memref<136x256xf32, #tpu.memory_space<vmem>>, vector<136x32xf32>
    %dot_general3A_16 = arith.constant dense<0.000000e+00> : vector<136x16xf32>
    %dot_general3A_17 = tpu.matmul %get3A_15, %get3A_3, %dot_general3A_16 {dimension_numbers = #tpu.dot_dimension_numbers<[1], [0], [0], [1], [0, 0, 1, 1], [], []>, transpose_lhs_hint = false} : vector<136x32xf32>, vector<32x16xf32>, vector<136x16xf32> -> vector<136x16xf32>
    %get3A_18 = arith.constant 0 : index
    %get3A_19 = arith.constant 96 : index
    %get3A_20 = vector.load %arg0[%get3A_18, %get3A_19] : memref<136x256xf32, #tpu.memory_space<vmem>>, vector<136x32xf32>
    %dot_general3A_21 = arith.constant dense<0.000000e+00> : vector<136x16xf32>
    %dot_general3A_22 = tpu.matmul %get3A_20, %get3A_3, %dot_general3A_21 {dimension_numbers = #tpu.dot_dimension_numbers<[1], [0], [0], [1], [0, 0, 1, 1], [], []>, transpose_lhs_hint = false} : vector<136x32xf32>, vector<32x16xf32>, vector<136x16xf32> -> vector<136x16xf32>
    %get3A_23 = arith.constant 0 : index
    %get3A_24 = arith.constant 128 : index
    %get3A_25 = vector.load %arg0[%get3A_23, %get3A_24] : memref<136x256xf32, #tpu.memory_space<vmem>>, vector<136x32xf32>
    %dot_general3A_26 = arith.constant dense<0.000000e+00> : vector<136x16xf32>
    %dot_general3A_27 = tpu.matmul %get3A_25, %get3A_3, %dot_general3A_26 {dimension_numbers = #tpu.dot_dimension_numbers<[1], [0], [0], [1], [0, 0, 1, 1], [], []>, transpose_lhs_hint = false} : vector<136x32xf32>, vector<32x16xf32>, vector<136x16xf32> -> vector<136x16xf32>
    %get3A_28 = arith.constant 0 : index
    %get3A_29 = arith.constant 160 : index
    %get3A_30 = vector.load %arg0[%get3A_28, %get3A_29] : memref<136x256xf32, #tpu.memory_space<vmem>>, vector<136x32xf32>
    %dot_general3A_31 = arith.constant dense<0.000000e+00> : vector<136x16xf32>
    %dot_general3A_32 = tpu.matmul %get3A_30, %get3A_3, %dot_general3A_31 {dimension_numbers = #tpu.dot_dimension_numbers<[1], [0], [0], [1], [0, 0, 1, 1], [], []>, transpose_lhs_hint = false} : vector<136x32xf32>, vector<32x16xf32>, vector<136x16xf32> -> vector<136x16xf32>
    %get3A_33 = arith.constant 0 : index
    %get3A_34 = arith.constant 192 : index
    %get3A_35 = vector.load %arg0[%get3A_33, %get3A_34] : memref<136x256xf32, #tpu.memory_space<vmem>>, vector<136x32xf32>
    %dot_general3A_36 = arith.constant dense<0.000000e+00> : vector<136x16xf32>
    %dot_general3A_37 = tpu.matmul %get3A_35, %get3A_3, %dot_general3A_36 {dimension_numbers = #tpu.dot_dimension_numbers<[1], [0], [0], [1], [0, 0, 1, 1], [], []>, transpose_lhs_hint = false} : vector<136x32xf32>, vector<32x16xf32>, vector<136x16xf32> -> vector<136x16xf32>
    %get3A_38 = arith.constant 0 : index
    %get3A_39 = arith.constant 224 : index
    %get3A_40 = vector.load %arg0[%get3A_38, %get3A_39] : memref<136x256xf32, #tpu.memory_space<vmem>>, vector<136x32xf32>
    %dot_general3A_41 = arith.constant dense<0.000000e+00> : vector<136x16xf32>
    %dot_general3A_42 = tpu.matmul %get3A_40, %get3A_3, %dot_general3A_41 {dimension_numbers = #tpu.dot_dimension_numbers<[1], [0], [0], [1], [0, 0, 1, 1], [], []>, transpose_lhs_hint = false} : vector<136x32xf32>, vector<32x16xf32>, vector<136x16xf32> -> vector<136x16xf32>
    %concatenate3A = tpu.concatenate %dot_general3A_7, %dot_general3A_12, %dot_general3A_17, %dot_general3A_22, %dot_general3A_27, %dot_general3A_32, %dot_general3A_37, %dot_general3A_42 in 1 : vector<136x16xf32>, vector<136x16xf32>, vector<136x16xf32>, vector<136x16xf32>, vector<136x16xf32>, vector<136x16xf32>, vector<136x16xf32>, vector<136x16xf32> -> vector<136x128xf32>
    %swap3A = arith.constant 0 : index
    %swap3A_43 = arith.constant 0 : index
    %swap3A_44 = vector.load %arg3[%swap3A, %swap3A_43] : memref<2240x128xf32, #tpu.memory_space<vmem>>, vector<136x128xf32>
    tpu.vector_store %arg3[%swap3A, %swap3A_43], %concatenate3A {strides = array<i32>} : memref<2240x128xf32, #tpu.memory_space<vmem>>, vector<136x128xf32>,
    %get3A_45 = arith.constant 1 : index
    %get3A_46 = arith.constant 0 : index
    %get3A_47 = arith.constant 0 : index
    %get3A_48 = vector.load %arg1[%get3A_45, %get3A_46, %get3A_47] : memref<16x32x16xf32, #tpu.memory_space<vmem>>, vector<1x32x16xf32>
    %get3A_49 = vector.shape_cast %get3A_48 : vector<1x32x16xf32> to vector<32x16xf32>
    %get3A_50 = arith.constant 0 : index
    %get3A_51 = arith.constant 0 : index
    %get3A_52 = vector.load %arg0[%get3A_50, %get3A_51] : memref<136x256xf32, #tpu.memory_space<vmem>>, vector<136x32xf32>
    %dot_general3A_53 = arith.constant dense<0.000000e+00> : vector<136x16xf32>
    %dot_general3A_54 = tpu.matmul %get3A_52, %get3A_49, %dot_general3A_53 {dimension_numbers = #tpu.dot_dimension_numbers<[1], [0], [0], [1], [0, 0, 1, 1], [], []>, transpose_lhs_hint = false} : vector<136x32xf32>, vector<32x16xf32>, vector<136x16xf32> -> vector<136x16xf32>
    %get3A_55 = arith.constant 0 : index
    %get3A_56 = arith.constant 32 : index
    %get3A_57 = vector.load %arg0[%get3A_55, %get3A_56] : memref<136x256xf32, #tpu.memory_space<vmem>>, vector<136x32xf32>
    %dot_general3A_58 = arith.constant dense<0.000000e+00> : vector<136x16xf32>
    %dot_general3A_59 = tpu.matmul %get3A_57, %get3A_49, %dot_general3A_58 {dimension_numbers = #tpu.dot_dimension_numbers<[1], [0], [0], [1], [0, 0, 1, 1], [], []>, transpose_lhs_hint = false} : vector<136x32xf32>, vector<32x16xf32>, vector<136x16xf32> -> vector<136x16xf32>
    %get3A_60 = arith.constant 0 : index
    %get3A_61 = arith.constant 64 : index
    %get3A_62 = vector.load %arg0[%get3A_60, %get3A_61] : memref<136x256xf32, #tpu.memory_space<vmem>>, vector<136x32xf32>
    %dot_general3A_63 = arith.constant dense<0.000000e+00> : vector<136x16xf32>
    %dot_general3A_64 = tpu.matmul %get3A_62, %get3A_49, %dot_general3A_63 {dimension_numbers = #tpu.dot_dimension_numbers<[1], [0], [0], [1], [0, 0, 1, 1], [], []>, transpose_lhs_hint = false} : vector<136x32xf32>, vector<32x16xf32>, vector<136x16xf32> -> vector<136x16xf32>
    %get3A_65 = arith.constant 0 : index
    %get3A_66 = arith.constant 96 : index
    %get3A_67 = vector.load %arg0[%get3A_65, %get3A_66] : memref<136x256xf32, #tpu.memory_space<vmem>>, vector<136x32xf32>
    %dot_general3A_68 = arith.constant dense<0.000000e+00> : vector<136x16xf32>
    %dot_general3A_69 = tpu.matmul %get3A_67, %get3A_49, %dot_general3A_68 {dimension_numbers = #tpu.dot_dimension_numbers<[1], [0], [0], [1], [0, 0, 1, 1], [], []>, transpose_lhs_hint = false} : vector<136x32xf32>, vector<32x16xf32>, vector<136x16xf32> -> vector<136x16xf32>
    %get3A_70 = arith.constant 0 : index
    %get3A_71 = arith.constant 128 : index
    %get3A_72 = vector.load %arg0[%get3A_70, %get3A_71] : memref<136x256xf32, #tpu.memory_space<vmem>>, vector<136x32xf32>
    %dot_general3A_73 = arith.constant dense<0.000000e+00> : vector<136x16xf32>
    %dot_general3A_74 = tpu.matmul %get3A_72, %get3A_49, %dot_general3A_73 {dimension_numbers = #tpu.dot_dimension_numbers<[1], [0], [0], [1], [0, 0, 1, 1], [], []>, transpose_lhs_hint = false} : vector<136x32xf32>, vector<32x16xf32>, vector<136x16xf32> -> vector<136x16xf32>
    %get3A_75 = arith.constant 0 : index
    %get3A_76 = arith.constant 160 : index
    %get3A_77 = vector.load %arg0[%get3A_75, %get3A_76] : memref<136x256xf32, #tpu.memory_space<vmem>>, vector<136x32xf32>
    %dot_general3A_78 = arith.constant dense<0.000000e+00> : vector<136x16xf32>
    %dot_general3A_79 = tpu.matmul %get3A_77, %get3A_49, %dot_general3A_78 {dimension_numbers = #tpu.dot_dimension_numbers<[1], [0], [0], [1], [0, 0, 1, 1], [], []>, transpose_lhs_hint = false} : vector<136x32xf32>, vector<32x16xf32>, vector<136x16xf32> -> vector<136x16xf32>
    %get3A_80 = arith.constant 0 : index
    %get3A_81 = arith.constant 192 : index
    %get3A_82 = vector.load %arg0[%get3A_80, %get3A_81] : memref<136x256xf32, #tpu.memory_space<vmem>>, vector<136x32xf32>
    %dot_general3A_83 = arith.constant dense<0.000000e+00> : vector<136x16xf32>
    %dot_general3A_84 = tpu.matmul %get3A_82, %get3A_49, %dot_general3A_83 {dimension_numbers = #tpu.dot_dimension_numbers<[1], [0], [0], [1], [0, 0, 1, 1], [], []>, transpose_lhs_hint = false} : vector<136x32xf32>, vector<32x16xf32>, vector<136x16xf32> -> vector<136x16xf32>
    %get3A_85 = arith.constant 0 : index
    %get3A_86 = arith.constant 224 : index
    %get3A_87 = vector.load %arg0[%get3A_85, %get3A_86] : memref<136x256xf32, #tpu.memory_space<vmem>>, vector<136x32xf32>
    %dot_general3A_88 = arith.constant dense<0.000000e+00> : vector<136x16xf32>
    %dot_general3A_89 = tpu.matmul %get3A_87, %get3A_49, %dot_general3A_88 {dimension_numbers = #tpu.dot_dimension_numbers<[1], [0], [0], [1], [0, 0, 1, 1], [], []>, transpose_lhs_hint = false} : vector<136x32xf32>, vector<32x16xf32>, vector<136x16xf32> -> vector<136x16xf32>
    %concatenate3A_90 = tpu.concatenate %dot_general3A_54, %dot_general3A_59, %dot_general3A_64, %dot_general3A_69, %dot_general3A_74, %dot_general3A_79, %dot_general3A_84, %dot_general3A_89 in 1 : vector<136x16xf32>, vector<136x16xf32>, vector<136x16xf32>, vector<136x16xf32>, vector<136x16xf32>, vector<136x16xf32>, vector<136x16xf32>, vector<136x16xf32> -> vector<136x128xf32>
    %swap3A_91 = arith.constant 136 : index
    %swap3A_92 = arith.constant 0 : index
    %swap3A_93 = vector.load %arg3[%swap3A_91, %swap3A_92] : memref<2240x128xf32, #tpu.memory_space<vmem>>, vector<136x128xf32>
    tpu.vector_store %arg3[%swap3A_91, %swap3A_92], %concatenate3A_90 {strides = array<i32>} : memref<2240x128xf32, #tpu.memory_space<vmem>>, vector<136x128xf32>,
    %get3A_94 = arith.constant 2 : index
    %get3A_95 = arith.constant 0 : index
    %get3A_96 = arith.constant 0 : index
    %get3A_97 = vector.load %arg1[%get3A_94, %get3A_95, %get3A_96] : memref<16x32x16xf32, #tpu.memory_space<vmem>>, vector<1x32x16xf32>
    %get3A_98 = vector.shape_cast %get3A_97 : vector<1x32x16xf32> to vector<32x16xf32>
    %get3A_99 = arith.constant 0 : index
    %get3A_100 = arith.constant 0 : index
    %get3A_101 = vector.load %arg0[%get3A_99, %get3A_100] : memref<136x256xf32, #tpu.memory_space<vmem>>, vector<136x32xf32>
    %dot_general3A_102 = arith.constant dense<0.000000e+00> : vector<136x16xf32>
    %dot_general3A_103 = tpu.matmul %get3A_101, %get3A_98, %dot_general3A_102 {dimension_numbers = #tpu.dot_dimension_numbers<[1], [0], [0], [1], [0, 0, 1, 1], [], []>, transpose_lhs_hint = false} : vector<136x32xf32>, vector<32x16xf32>, vector<136x16xf32> -> vector<136x16xf32>
    %get3A_104 = arith.constant 0 : index
    %get3A_105 = arith.constant 32 : index
    %get3A_106 = vector.load %arg0[%get3A_104, %get3A_105] : memref<136x256xf32, #tpu.memory_space<vmem>>, vector<136x32xf32>
    %dot_general3A_107 = arith.constant dense<0.000000e+00> : vector<136x16xf32>
    %dot_general3A_108 = tpu.matmul %get3A_106, %get3A_98, %dot_general3A_107 {dimension_numbers = #tpu.dot_dimension_numbers<[1], [0], [0], [1], [0, 0, 1, 1], [], []>, transpose_lhs_hint = false} : vector<136x32xf32>, vector<32x16xf32>, vector<136x16xf32> -> vector<136x16xf32>
    %get3A_109 = arith.constant 0 : index
    %get3A_110 = arith.constant 64 : index
    %get3A_111 = vector.load %arg0[%get3A_109, %get3A_110] : memref<136x256xf32, #tpu.memory_space<vmem>>, vector<136x32xf32>
    %dot_general3A_112 = arith.constant dense<0.000000e+00> : vector<136x16xf32>
    %dot_general3A_113 = tpu.matmul %get3A_111, %get3A_98, %dot_general3A_112 {dimension_numbers = #tpu.dot_dimension_numbers<[1], [0], [0], [1], [0, 0, 1, 1], [], []>, transpose_lhs_hint = false} : vector<136x32xf32>, vector<32x16xf32>, vector<136x16xf32> -> vector<136x16xf32>
    %get3A_114 = arith.constant 0 : index
    %get3A_115 = arith.constant 96 : index
    %get3A_116 = vector.load %arg0[%get3A_114, %get3A_115] : memref<136x256xf32, #tpu.memory_space<vmem>>, vector<136x32xf32>
    %dot_general3A_117 = arith.constant dense<0.000000e+00> : vector<136x16xf32>
    %dot_general3A_118 = tpu.matmul %get3A_116, %get3A_98, %dot_general3A_117 {dimension_numbers = #tpu.dot_dimension_numbers<[1], [0], [0], [1], [0, 0, 1, 1], [], []>, transpose_lhs_hint = false} : vector<136x32xf32>, vector<32x16xf32>, vector<136x16xf32> -> vector<136x16xf32>
    %get3A_119 = arith.constant 0 : index
    %get3A_120 = arith.constant 128 : index
    %get3A_121 = vector.load %arg0[%get3A_119, %get3A_120] : memref<136x256xf32, #tpu.memory_space<vmem>>, vector<136x32xf32>
    %dot_general3A_122 = arith.constant dense<0.000000e+00> : vector<136x16xf32>
    %dot_general3A_123 = tpu.matmul %get3A_121, %get3A_98, %dot_general3A_122 {dimension_numbers = #tpu.dot_dimension_numbers<[1], [0], [0], [1], [0, 0, 1, 1], [], []>, transpose_lhs_hint = false} : vector<136x32xf32>, vector<32x16xf32>, vector<136x16xf32> -> vector<136x16xf32>
    %get3A_124 = arith.constant 0 : index
    %get3A_125 = arith.constant 160 : index
    %get3A_126 = vector.load %arg0[%get3A_124, %get3A_125] : memref<136x256xf32, #tpu.memory_space<vmem>>, vector<136x32xf32>
    %dot_general3A_127 = arith.constant dense<0.000000e+00> : vector<136x16xf32>
    %dot_general3A_128 = tpu.matmul %get3A_126, %get3A_98, %dot_general3A_127 {dimension_numbers = #tpu.dot_dimension_numbers<[1], [0], [0], [1], [0, 0, 1, 1], [], []>, transpose_lhs_hint = false} : vector<136x32xf32>, vector<32x16xf32>, vector<136x16xf32> -> vector<136x16xf32>
    %get3A_129 = arith.constant 0 : index
    %get3A_130 = arith.constant 192 : index
    %get3A_131 = vector.load %arg0[%get3A_129, %get3A_130] : memref<136x256xf32, #tpu.memory_space<vmem>>, vector<136x32xf32>
    %dot_general3A_132 = arith.constant dense<0.000000e+00> : vector<136x16xf32>
    %dot_general3A_133 = tpu.matmul %get3A_131, %get3A_98, %dot_general3A_132 {dimension_numbers = #tpu.dot_dimension_numbers<[1], [0], [0], [1], [0, 0, 1, 1], [], []>, transpose_lhs_hint = false} : vector<136x32xf32>, vector<32x16xf32>, vector<136x16xf32> -> vector<136x16xf32>
    %get3A_134 = arith.constant 0 : index
    %get3A_135 = arith.constant 224 : index
    %get3A_136 = vector.load %arg0[%get3A_134, %get3A_135] : memref<136x256xf32, #tpu.memory_space<vmem>>, vector<136x32xf32>
    %dot_general3A_137 = arith.constant dense<0.000000e+00> : vector<136x16xf32>
    %dot_general3A_138 = tpu.matmul %get3A_136, %get3A_98, %dot_general3A_137 {dimension_numbers = #tpu.dot_dimension_numbers<[1], [0], [0], [1], [0, 0, 1, 1], [], []>, transpose_lhs_hint = false} : vector<136x32xf32>, vector<32x16xf32>, vector<136x16xf32> -> vector<136x16xf32>
    %concatenate3A_139 = tpu.concatenate %dot_general3A_103, %dot_general3A_108, %dot_general3A_113, %dot_general3A_118, %dot_general3A_123, %dot_general3A_128, %dot_general3A_133, %dot_general3A_138 in 1 : vector<136x16xf32>, vector<136x16xf32>, vector<136x16xf32>, vector<136x16xf32>, vector<136x16xf32>, vector<136x16xf32>, vector<136x16xf32>, vector<136x16xf32> -> vector<136x128xf32>
    %swap3A_140 = arith.constant 272 : index
    %swap3A_141 = arith.constant 0 : index
    %swap3A_142 = vector.load %arg3[%swap3A_140, %swap3A_141] : memref<2240x128xf32, #tpu.memory_space<vmem>>, vector<136x128xf32>
    tpu.vector_store %arg3[%swap3A_140, %swap3A_141], %concatenate3A_139 {strides = array<i32>} : memref<2240x128xf32, #tpu.memory_space<vmem>>, vector<136x128xf32>,
    %get3A_143 = arith.constant 3 : index
    %get3A_144 = arith.constant 0 : index
    %get3A_145 = arith.constant 0 : index
    %get3A_146 = vector.load %arg1[%get3A_143, %get3A_144, %get3A_145] : memref<16x32x16xf32, #tpu.memory_space<vmem>>, vector<1x32x16xf32>
    %get3A_147 = vector.shape_cast %get3A_146 : vector<1x32x16xf32> to vector<32x16xf32>
    %get3A_148 = arith.constant 0 : index
    %get3A_149 = arith.constant 0 : index
    %get3A_150 = vector.load %arg0[%get3A_148, %get3A_149] : memref<136x256xf32, #tpu.memory_space<vmem>>, vector<136x32xf32>
    %dot_general3A_151 = arith.constant dense<0.000000e+00> : vector<136x16xf32>
    %dot_general3A_152 = tpu.matmul %get3A_150, %get3A_147, %dot_general3A_151 {dimension_numbers = #tpu.dot_dimension_numbers<[1], [0], [0], [1], [0, 0, 1, 1], [], []>, transpose_lhs_hint = false} : vector<136x32xf32>, vector<32x16xf32>, vector<136x16xf32> -> vector<136x16xf32>
    %get3A_153 = arith.constant 0 : index
    %get3A_154 = arith.constant 32 : index
    %get3A_155 = vector.load %arg0[%get3A_153, %get3A_154] : memref<136x256xf32, #tpu.memory_space<vmem>>, vector<136x32xf32>
    %dot_general3A_156 = arith.constant dense<0.000000e+00> : vector<136x16xf32>
    %dot_general3A_157 = tpu.matmul %get3A_155, %get3A_147, %dot_general3A_156 {dimension_numbers = #tpu.dot_dimension_numbers<[1], [0], [0], [1], [0, 0, 1, 1], [], []>, transpose_lhs_hint = false} : vector<136x32xf32>, vector<32x16xf32>, vector<136x16xf32> -> vector<136x16xf32>
    %get3A_158 = arith.constant 0 : index
    %get3A_159 = arith.constant 64 : index
    %get3A_160 = vector.load %arg0[%get3A_158, %get3A_159] : memref<136x256xf32, #tpu.memory_space<vmem>>, vector<136x32xf32>
    %dot_general3A_161 = arith.constant dense<0.000000e+00> : vector<136x16xf32>
    %dot_general3A_162 = tpu.matmul %get3A_160, %get3A_147, %dot_general3A_161 {dimension_numbers = #tpu.dot_dimension_numbers<[1], [0], [0], [1], [0, 0, 1, 1], [], []>, transpose_lhs_hint = false} : vector<136x32xf32>, vector<32x16xf32>, vector<136x16xf32> -> vector<136x16xf32>
    %get3A_163 = arith.constant 0 : index
    %get3A_164 = arith.constant 96 : index
    %get3A_165 = vector.load %arg0[%get3A_163, %get3A_164] : memref<136x256xf32, #tpu.memory_space<vmem>>, vector<136x32xf32>
    %dot_general3A_166 = arith.constant dense<0.000000e+00> : vector<136x16xf32>
    %dot_general3A_167 = tpu.matmul %get3A_165, %get3A_147, %dot_general3A_166 {dimension_numbers = #tpu.dot_dimension_numbers<[1], [0], [0], [1], [0, 0, 1, 1], [], []>, transpose_lhs_hint = false} : vector<136x32xf32>, vector<32x16xf32>, vector<136x16xf32> -> vector<136x16xf32>
    %get3A_168 = arith.constant 0 : index
    %get3A_169 = arith.constant 128 : index
    %get3A_170 = vector.load %arg0[%get3A_168, %get3A_169] : memref<136x256xf32, #tpu.memory_space<vmem>>, vector<136x32xf32>
    %dot_general3A_171 = arith.constant dense<0.000000e+00> : vector<136x16xf32>
    %dot_general3A_172 = tpu.matmul %get3A_170, %get3A_147, %dot_general3A_171 {dimension_numbers = #tpu.dot_dimension_numbers<[1], [0], [0], [1], [0, 0, 1, 1], [], []>, transpose_lhs_hint = false} : vector<136x32xf32>, vector<32x16xf32>, vector<136x16xf32> -> vector<136x16xf32>
    %get3A_173 = arith.constant 0 : index
    %get3A_174 = arith.constant 160 : index
    %get3A_175 = vector.load %arg0[%get3A_173, %get3A_174] : memref<136x256xf32, #tpu.memory_space<vmem>>, vector<136x32xf32>
    %dot_general3A_176 = arith.constant dense<0.000000e+00> : vector<136x16xf32>
    %dot_general3A_177 = tpu.matmul %get3A_175, %get3A_147, %dot_general3A_176 {dimension_numbers = #tpu.dot_dimension_numbers<[1], [0], [0], [1], [0, 0, 1, 1], [], []>, transpose_lhs_hint = false} : vector<136x32xf32>, vector<32x16xf32>, vector<136x16xf32> -> vector<136x16xf32>
    %get3A_178 = arith.constant 0 : index
    %get3A_179 = arith.constant 192 : index
    %get3A_180 = vector.load %arg0[%get3A_178, %get3A_179] : memref<136x256xf32, #tpu.memory_space<vmem>>, vector<136x32xf32>
    %dot_general3A_181 = arith.constant dense<0.000000e+00> : vector<136x16xf32>
    %dot_general3A_182 = tpu.matmul %get3A_180, %get3A_147, %dot_general3A_181 {dimension_numbers = #tpu.dot_dimension_numbers<[1], [0], [0], [1], [0, 0, 1, 1], [], []>, transpose_lhs_hint = false} : vector<136x32xf32>, vector<32x16xf32>, vector<136x16xf32> -> vector<136x16xf32>
    %get3A_183 = arith.constant 0 : index
    %get3A_184 = arith.constant 224 : index
    %get3A_185 = vector.load %arg0[%get3A_183, %get3A_184] : memref<136x256xf32, #tpu.memory_space<vmem>>, vector<136x32xf32>
    %dot_general3A_186 = arith.constant dense<0.000000e+00> : vector<136x16xf32>
    %dot_general3A_187 = tpu.matmul %get3A_185, %get3A_147, %dot_general3A_186 {dimension_numbers = #tpu.dot_dimension_numbers<[1], [0], [0], [1], [0, 0, 1, 1], [], []>, transpose_lhs_hint = false} : vector<136x32xf32>, vector<32x16xf32>, vector<136x16xf32> -> vector<136x16xf32>
    %concatenate3A_188 = tpu.concatenate %dot_general3A_152, %dot_general3A_157, %dot_general3A_162, %dot_general3A_167, %dot_general3A_172, %dot_general3A_177, %dot_general3A_182, %dot_general3A_187 in 1 : vector<136x16xf32>, vector<136x16xf32>, vector<136x16xf32>, vector<136x16xf32>, vector<136x16xf32>, vector<136x16xf32>, vector<136x16xf32>, vector<136x16xf32> -> vector<136x128xf32>
    %swap3A_189 = arith.constant 408 : index
    %swap3A_190 = arith.constant 0 : index
    %swap3A_191 = vector.load %arg3[%swap3A_189, %swap3A_190] : memref<2240x128xf32, #tpu.memory_space<vmem>>, vector<136x128xf32>
    tpu.vector_store %arg3[%swap3A_189, %swap3A_190], %concatenate3A_188 {strides = array<i32>} : memref<2240x128xf32, #tpu.memory_space<vmem>>, vector<136x128xf32>,
    %get3A_192 = arith.constant 4 : index
    %get3A_193 = arith.constant 0 : index
    %get3A_194 = arith.constant 0 : index
    %get3A_195 = vector.load %arg1[%get3A_192, %get3A_193, %get3A_194] : memref<16x32x16xf32, #tpu.memory_space<vmem>>, vector<1x32x16xf32>
    %get3A_196 = vector.shape_cast %get3A_195 : vector<1x32x16xf32> to vector<32x16xf32>
    %get3A_197 = arith.constant 0 : index
    %get3A_198 = arith.constant 0 : index
    %get3A_199 = vector.load %arg0[%get3A_197, %get3A_198] : memref<136x256xf32, #tpu.memory_space<vmem>>, vector<136x32xf32>
    %dot_general3A_200 = arith.constant dense<0.000000e+00> : vector<136x16xf32>
    %dot_general3A_201 = tpu.matmul %get3A_199, %get3A_196, %dot_general3A_200 {dimension_numbers = #tpu.dot_dimension_numbers<[1], [0], [0], [1], [0, 0, 1, 1], [], []>, transpose_lhs_hint = false} : vector<136x32xf32>, vector<32x16xf32>, vector<136x16xf32> -> vector<136x16xf32>
    %get3A_202 = arith.constant 0 : index
    %get3A_203 = arith.constant 32 : index
    %get3A_204 = vector.load %arg0[%get3A_202, %get3A_203] : memref<136x256xf32, #tpu.memory_space<vmem>>, vector<136x32xf32>
    %dot_general3A_205 = arith.constant dense<0.000000e+00> : vector<136x16xf32>
    %dot_general3A_206 = tpu.matmul %get3A_204, %get3A_196, %dot_general3A_205 {dimension_numbers = #tpu.dot_dimension_numbers<[1], [0], [0], [1], [0, 0, 1, 1], [], []>, transpose_lhs_hint = false} : vector<136x32xf32>, vector<32x16xf32>, vector<136x16xf32> -> vector<136x16xf32>
    %get3A_207 = arith.constant 0 : index
    %get3A_208 = arith.constant 64 : index
    %get3A_209 = vector.load %arg0[%get3A_207, %get3A_208] : memref<136x256xf32, #tpu.memory_space<vmem>>, vector<136x32xf32>
    %dot_general3A_210 = arith.constant dense<0.000000e+00> : vector<136x16xf32>
    %dot_general3A_211 = tpu.matmul %get3A_209, %get3A_196, %dot_general3A_210 {dimension_numbers = #tpu.dot_dimension_numbers<[1], [0], [0], [1], [0, 0, 1, 1], [], []>, transpose_lhs_hint = false} : vector<136x32xf32>, vector<32x16xf32>, vector<136x16xf32> -> vector<136x16xf32>
    %get3A_212 = arith.constant 0 : index
    %get3A_213 = arith.constant 96 : index
    %get3A_214 = vector.load %arg0[%get3A_212, %get3A_213] : memref<136x256xf32, #tpu.memory_space<vmem>>, vector<136x32xf32>
    %dot_general3A_215 = arith.constant dense<0.000000e+00> : vector<136x16xf32>
    %dot_general3A_216 = tpu.matmul %get3A_214, %get3A_196, %dot_general3A_215 {dimension_numbers = #tpu.dot_dimension_numbers<[1], [0], [0], [1], [0, 0, 1, 1], [], []>, transpose_lhs_hint = false} : vector<136x32xf32>, vector<32x16xf32>, vector<136x16xf32> -> vector<136x16xf32>
    %get3A_217 = arith.constant 0 : index
    %get3A_218 = arith.constant 128 : index
    %get3A_219 = vector.load %arg0[%get3A_217, %get3A_218] : memref<136x256xf32, #tpu.memory_space<vmem>>, vector<136x32xf32>
    %dot_general3A_220 = arith.constant dense<0.000000e+00> : vector<136x16xf32>
    %dot_general3A_221 = tpu.matmul %get3A_219, %get3A_196, %dot_general3A_220 {dimension_numbers = #tpu.dot_dimension_numbers<[1], [0], [0], [1], [0, 0, 1, 1], [], []>, transpose_lhs_hint = false} : vector<136x32xf32>, vector<32x16xf32>, vector<136x16xf32> -> vector<136x16xf32>
    %get3A_222 = arith.constant 0 : index
    %get3A_223 = arith.constant 160 : index
    %get3A_224 = vector.load %arg0[%get3A_222, %get3A_223] : memref<136x256xf32, #tpu.memory_space<vmem>>, vector<136x32xf32>
    %dot_general3A_225 = arith.constant dense<0.000000e+00> : vector<136x16xf32>
    %dot_general3A_226 = tpu.matmul %get3A_224, %get3A_196, %dot_general3A_225 {dimension_numbers = #tpu.dot_dimension_numbers<[1], [0], [0], [1], [0, 0, 1, 1], [], []>, transpose_lhs_hint = false} : vector<136x32xf32>, vector<32x16xf32>, vector<136x16xf32> -> vector<136x16xf32>
    %get3A_227 = arith.constant 0 : index
    %get3A_228 = arith.constant 192 : index
    %get3A_229 = vector.load %arg0[%get3A_227, %get3A_228] : memref<136x256xf32, #tpu.memory_space<vmem>>, vector<136x32xf32>
    %dot_general3A_230 = arith.constant dense<0.000000e+00> : vector<136x16xf32>
    %dot_general3A_231 = tpu.matmul %get3A_229, %get3A_196, %dot_general3A_230 {dimension_numbers = #tpu.dot_dimension_numbers<[1], [0], [0], [1], [0, 0, 1, 1], [], []>, transpose_lhs_hint = false} : vector<136x32xf32>, vector<32x16xf32>, vector<136x16xf32> -> vector<136x16xf32>
    %get3A_232 = arith.constant 0 : index
    %get3A_233 = arith.constant 224 : index
    %get3A_234 = vector.load %arg0[%get3A_232, %get3A_233] : memref<136x256xf32, #tpu.memory_space<vmem>>, vector<136x32xf32>
    %dot_general3A_235 = arith.constant dense<0.000000e+00> : vector<136x16xf32>
    %dot_general3A_236 = tpu.matmul %get3A_234, %get3A_196, %dot_general3A_235 {dimension_numbers = #tpu.dot_dimension_numbers<[1], [0], [0], [1], [0, 0, 1, 1], [], []>, transpose_lhs_hint = false} : vector<136x32xf32>, vector<32x16xf32>, vector<136x16xf32> -> vector<136x16xf32>
    %concatenate3A_237 = tpu.concatenate %dot_general3A_201, %dot_general3A_206, %dot_general3A_211, %dot_general3A_216, %dot_general3A_221, %dot_general3A_226, %dot_general3A_231, %dot_general3A_236 in 1 : vector<136x16xf32>, vector<136x16xf32>, vector<136x16xf32>, vector<136x16xf32>, vector<136x16xf32>, vector<136x16xf32>, vector<136x16xf32>, vector<136x16xf32> -> vector<136x128xf32>
    %swap3A_238 = arith.constant 544 : index
    %swap3A_239 = arith.constant 0 : index
    %swap3A_240 = vector.load %arg3[%swap3A_238, %swap3A_239] : memref<2240x128xf32, #tpu.memory_space<vmem>>, vector<136x128xf32>
    tpu.vector_store %arg3[%swap3A_238, %swap3A_239], %concatenate3A_237 {strides = array<i32>} : memref<2240x128xf32, #tpu.memory_space<vmem>>, vector<136x128xf32>,
    %get3A_241 = arith.constant 5 : index
    %get3A_242 = arith.constant 0 : index
    %get3A_243 = arith.constant 0 : index
    %get3A_244 = vector.load %arg1[%get3A_241, %get3A_242, %get3A_243] : memref<16x32x16xf32, #tpu.memory_space<vmem>>, vector<1x32x16xf32>
    %get3A_245 = vector.shape_cast %get3A_244 : vector<1x32x16xf32> to vector<32x16xf32>
    %get3A_246 = arith.constant 0 : index
    %get3A_247 = arith.constant 0 : index
    %get3A_248 = vector.load %arg0[%get3A_246, %get3A_247] : memref<136x256xf32, #tpu.memory_space<vmem>>, vector<136x32xf32>
    %dot_general3A_249 = arith.constant dense<0.000000e+00> : vector<136x16xf32>
    %dot_general3A_250 = tpu.matmul %get3A_248, %get3A_245, %dot_general3A_249 {dimension_numbers = #tpu.dot_dimension_numbers<[1], [0], [0], [1], [0, 0, 1, 1], [], []>, transpose_lhs_hint = false} : vector<136x32xf32>, vector<32x16xf32>, vector<136x16xf32> -> vector<136x16xf32>
    %get3A_251 = arith.constant 0 : index
    %get3A_252 = arith.constant 32 : index
    %get3A_253 = vector.load %arg0[%get3A_251, %get3A_252] : memref<136x256xf32, #tpu.memory_space<vmem>>, vector<136x32xf32>
    %dot_general3A_254 = arith.constant dense<0.000000e+00> : vector<136x16xf32>
    %dot_general3A_255 = tpu.matmul %get3A_253, %get3A_245, %dot_general3A_254 {dimension_numbers = #tpu.dot_dimension_numbers<[1], [0], [0], [1], [0, 0, 1, 1], [], []>, transpose_lhs_hint = false} : vector<136x32xf32>, vector<32x16xf32>, vector<136x16xf32> -> vector<136x16xf32>
    %get3A_256 = arith.constant 0 : index
    %get3A_257 = arith.constant 64 : index
    %get3A_258 = vector.load %arg0[%get3A_256, %get3A_257] : memref<136x256xf32, #tpu.memory_space<vmem>>, vector<136x32xf32>
    %dot_general3A_259 = arith.constant dense<0.000000e+00> : vector<136x16xf32>
    %dot_general3A_260 = tpu.matmul %get3A_258, %get3A_245, %dot_general3A_259 {dimension_numbers = #tpu.dot_dimension_numbers<[1], [0], [0], [1], [0, 0, 1, 1], [], []>, transpose_lhs_hint = false} : vector<136x32xf32>, vector<32x16xf32>, vector<136x16xf32> -> vector<136x16xf32>
    %get3A_261 = arith.constant 0 : index
    %get3A_262 = arith.constant 96 : index
    %get3A_263 = vector.load %arg0[%get3A_261, %get3A_262] : memref<136x256xf32, #tpu.memory_space<vmem>>, vector<136x32xf32>
    %dot_general3A_264 = arith.constant dense<0.000000e+00> : vector<136x16xf32>
    %dot_general3A_265 = tpu.matmul %get3A_263, %get3A_245, %dot_general3A_264 {dimension_numbers = #tpu.dot_dimension_numbers<[1], [0], [0], [1], [0, 0, 1, 1], [], []>, transpose_lhs_hint = false} : vector<136x32xf32>, vector<32x16xf32>, vector<136x16xf32> -> vector<136x16xf32>
    %get3A_266 = arith.constant 0 : index
    %get3A_267 = arith.constant 128 : index
    %get3A_268 = vector.load %arg0[%get3A_266, %get3A_267] : memref<136x256xf32, #tpu.memory_space<vmem>>, vector<136x32xf32>
    %dot_general3A_269 = arith.constant dense<0.000000e+00> : vector<136x16xf32>
    %dot_general3A_270 = tpu.matmul %get3A_268, %get3A_245, %dot_general3A_269 {dimension_numbers = #tpu.dot_dimension_numbers<[1], [0], [0], [1], [0, 0, 1, 1], [], []>, transpose_lhs_hint = false} : vector<136x32xf32>, vector<32x16xf32>, vector<136x16xf32> -> vector<136x16xf32>
    %get3A_271 = arith.constant 0 : index
    %get3A_272 = arith.constant 160 : index
    %get3A_273 = vector.load %arg0[%get3A_271, %get3A_272] : memref<136x256xf32, #tpu.memory_space<vmem>>, vector<136x32xf32>
    %dot_general3A_274 = arith.constant dense<0.000000e+00> : vector<136x16xf32>
    %dot_general3A_275 = tpu.matmul %get3A_273, %get3A_245, %dot_general3A_274 {dimension_numbers = #tpu.dot_dimension_numbers<[1], [0], [0], [1], [0, 0, 1, 1], [], []>, transpose_lhs_hint = false} : vector<136x32xf32>, vector<32x16xf32>, vector<136x16xf32> -> vector<136x16xf32>
    %get3A_276 = arith.constant 0 : index
    %get3A_277 = arith.constant 192 : index
    %get3A_278 = vector.load %arg0[%get3A_276, %get3A_277] : memref<136x256xf32, #tpu.memory_space<vmem>>, vector<136x32xf32>
    %dot_general3A_279 = arith.constant dense<0.000000e+00> : vector<136x16xf32>
    %dot_general3A_280 = tpu.matmul %get3A_278, %get3A_245, %dot_general3A_279 {dimension_numbers = #tpu.dot_dimension_numbers<[1], [0], [0], [1], [0, 0, 1, 1], [], []>, transpose_lhs_hint = false} : vector<136x32xf32>, vector<32x16xf32>, vector<136x16xf32> -> vector<136x16xf32>
    %get3A_281 = arith.constant 0 : index
    %get3A_282 = arith.constant 224 : index
    %get3A_283 = vector.load %arg0[%get3A_281, %get3A_282] : memref<136x256xf32, #tpu.memory_space<vmem>>, vector<136x32xf32>
    %dot_general3A_284 = arith.constant dense<0.000000e+00> : vector<136x16xf32>
    %dot_general3A_285 = tpu.matmul %get3A_283, %get3A_245, %dot_general3A_284 {dimension_numbers = #tpu.dot_dimension_numbers<[1], [0], [0], [1], [0, 0, 1, 1], [], []>, transpose_lhs_hint = false} : vector<136x32xf32>, vector<32x16xf32>, vector<136x16xf32> -> vector<136x16xf32>
    %concatenate3A_286 = tpu.concatenate %dot_general3A_250, %dot_general3A_255, %dot_general3A_260, %dot_general3A_265, %dot_general3A_270, %dot_general3A_275, %dot_general3A_280, %dot_general3A_285 in 1 : vector<136x16xf32>, vector<136x16xf32>, vector<136x16xf32>, vector<136x16xf32>, vector<136x16xf32>, vector<136x16xf32>, vector<136x16xf32>, vector<136x16xf32> -> vector<136x128xf32>
    %swap3A_287 = arith.constant 680 : index
    %swap3A_288 = arith.constant 0 : index
    %swap3A_289 = vector.load %arg3[%swap3A_287, %swap3A_288] : memref<2240x128xf32, #tpu.memory_space<vmem>>, vector<136x128xf32>
    tpu.vector_store %arg3[%swap3A_287, %swap3A_288], %concatenate3A_286 {strides = array<i32>} : memref<2240x128xf32, #tpu.memory_space<vmem>>, vector<136x128xf32>,
    %get3A_290 = arith.constant 6 : index
    %get3A_291 = arith.constant 0 : index
    %get3A_292 = arith.constant 0 : index
    %get3A_293 = vector.load %arg1[%get3A_290, %get3A_291, %get3A_292] : memref<16x32x16xf32, #tpu.memory_space<vmem>>, vector<1x32x16xf32>
    %get3A_294 = vector.shape_cast %get3A_293 : vector<1x32x16xf32> to vector<32x16xf32>
    %get3A_295 = arith.constant 0 : index
    %get3A_296 = arith.constant 0 : index
    %get3A_297 = vector.load %arg0[%get3A_295, %get3A_296] : memref<136x256xf32, #tpu.memory_space<vmem>>, vector<136x32xf32>
    %dot_general3A_298 = arith.constant dense<0.000000e+00> : vector<136x16xf32>
    %dot_general3A_299 = tpu.matmul %get3A_297, %get3A_294, %dot_general3A_298 {dimension_numbers = #tpu.dot_dimension_numbers<[1], [0], [0], [1], [0, 0, 1, 1], [], []>, transpose_lhs_hint = false} : vector<136x32xf32>, vector<32x16xf32>, vector<136x16xf32> -> vector<136x16xf32>
    %get3A_300 = arith.constant 0 : index
    %get3A_301 = arith.constant 32 : index
    %get3A_302 = vector.load %arg0[%get3A_300, %get3A_301] : memref<136x256xf32, #tpu.memory_space<vmem>>, vector<136x32xf32>
    %dot_general3A_303 = arith.constant dense<0.000000e+00> : vector<136x16xf32>
    %dot_general3A_304 = tpu.matmul %get3A_302, %get3A_294, %dot_general3A_303 {dimension_numbers = #tpu.dot_dimension_numbers<[1], [0], [0], [1], [0, 0, 1, 1], [], []>, transpose_lhs_hint = false} : vector<136x32xf32>, vector<32x16xf32>, vector<136x16xf32> -> vector<136x16xf32>
    %get3A_305 = arith.constant 0 : index
    %get3A_306 = arith.constant 64 : index
    %get3A_307 = vector.load %arg0[%get3A_305, %get3A_306] : memref<136x256xf32, #tpu.memory_space<vmem>>, vector<136x32xf32>
    %dot_general3A_308 = arith.constant dense<0.000000e+00> : vector<136x16xf32>
    %dot_general3A_309 = tpu.matmul %get3A_307, %get3A_294, %dot_general3A_308 {dimension_numbers = #tpu.dot_dimension_numbers<[1], [0], [0], [1], [0, 0, 1, 1], [], []>, transpose_lhs_hint = false} : vector<136x32xf32>, vector<32x16xf32>, vector<136x16xf32> -> vector<136x16xf32>
    %get3A_310 = arith.constant 0 : index
    %get3A_311 = arith.constant 96 : index
    %get3A_312 = vector.load %arg0[%get3A_310, %get3A_311] : memref<136x256xf32, #tpu.memory_space<vmem>>, vector<136x32xf32>
    %dot_general3A_313 = arith.constant dense<0.000000e+00> : vector<136x16xf32>
    %dot_general3A_314 = tpu.matmul %get3A_312, %get3A_294, %dot_general3A_313 {dimension_numbers = #tpu.dot_dimension_numbers<[1], [0], [0], [1], [0, 0, 1, 1], [], []>, transpose_lhs_hint = false} : vector<136x32xf32>, vector<32x16xf32>, vector<136x16xf32> -> vector<136x16xf32>
    %get3A_315 = arith.constant 0 : index
    %get3A_316 = arith.constant 128 : index
    %get3A_317 = vector.load %arg0[%get3A_315, %get3A_316] : memref<136x256xf32, #tpu.memory_space<vmem>>, vector<136x32xf32>
    %dot_general3A_318 = arith.constant dense<0.000000e+00> : vector<136x16xf32>
    %dot_general3A_319 = tpu.matmul %get3A_317, %get3A_294, %dot_general3A_318 {dimension_numbers = #tpu.dot_dimension_numbers<[1], [0], [0], [1], [0, 0, 1, 1], [], []>, transpose_lhs_hint = false} : vector<136x32xf32>, vector<32x16xf32>, vector<136x16xf32> -> vector<136x16xf32>
    %get3A_320 = arith.constant 0 : index
    %get3A_321 = arith.constant 160 : index
    %get3A_322 = vector.load %arg0[%get3A_320, %get3A_321] : memref<136x256xf32, #tpu.memory_space<vmem>>, vector<136x32xf32>
    %dot_general3A_323 = arith.constant dense<0.000000e+00> : vector<136x16xf32>
    %dot_general3A_324 = tpu.matmul %get3A_322, %get3A_294, %dot_general3A_323 {dimension_numbers = #tpu.dot_dimension_numbers<[1], [0], [0], [1], [0, 0, 1, 1], [], []>, transpose_lhs_hint = false} : vector<136x32xf32>, vector<32x16xf32>, vector<136x16xf32> -> vector<136x16xf32>
    %get3A_325 = arith.constant 0 : index
    %get3A_326 = arith.constant 192 : index
    %get3A_327 = vector.load %arg0[%get3A_325, %get3A_326] : memref<136x256xf32, #tpu.memory_space<vmem>>, vector<136x32xf32>
    %dot_general3A_328 = arith.constant dense<0.000000e+00> : vector<136x16xf32>
    %dot_general3A_329 = tpu.matmul %get3A_327, %get3A_294, %dot_general3A_328 {dimension_numbers = #tpu.dot_dimension_numbers<[1], [0], [0], [1], [0, 0, 1, 1], [], []>, transpose_lhs_hint = false} : vector<136x32xf32>, vector<32x16xf32>, vector<136x16xf32> -> vector<136x16xf32>
    %get3A_330 = arith.constant 0 : index
    %get3A_331 = arith.constant 224 : index
    %get3A_332 = vector.load %arg0[%get3A_330, %get3A_331] : memref<136x256xf32, #tpu.memory_space<vmem>>, vector<136x32xf32>
    %dot_general3A_333 = arith.constant dense<0.000000e+00> : vector<136x16xf32>
    %dot_general3A_334 = tpu.matmul %get3A_332, %get3A_294, %dot_general3A_333 {dimension_numbers = #tpu.dot_dimension_numbers<[1], [0], [0], [1], [0, 0, 1, 1], [], []>, transpose_lhs_hint = false} : vector<136x32xf32>, vector<32x16xf32>, vector<136x16xf32> -> vector<136x16xf32>
    %concatenate3A_335 = tpu.concatenate %dot_general3A_299, %dot_general3A_304, %dot_general3A_309, %dot_general3A_314, %dot_general3A_319, %dot_general3A_324, %dot_general3A_329, %dot_general3A_334 in 1 : vector<136x16xf32>, vector<136x16xf32>, vector<136x16xf32>, vector<136x16xf32>, vector<136x16xf32>, vector<136x16xf32>, vector<136x16xf32>, vector<136x16xf32> -> vector<136x128xf32>
    %swap3A_336 = arith.constant 816 : index
    %swap3A_337 = arith.constant 0 : index
    %swap3A_338 = vector.load %arg3[%swap3A_336, %swap3A_337] : memref<2240x128xf32, #tpu.memory_space<vmem>>, vector<136x128xf32>
    tpu.vector_store %arg3[%swap3A_336, %swap3A_337], %concatenate3A_335 {strides = array<i32>} : memref<2240x128xf32, #tpu.memory_space<vmem>>, vector<136x128xf32>,
    %get3A_339 = arith.constant 7 : index
    %get3A_340 = arith.constant 0 : index
    %get3A_341 = arith.constant 0 : index
    %get3A_342 = vector.load %arg1[%get3A_339, %get3A_340, %get3A_341] : memref<16x32x16xf32, #tpu.memory_space<vmem>>, vector<1x32x16xf32>
    %get3A_343 = vector.shape_cast %get3A_342 : vector<1x32x16xf32> to vector<32x16xf32>
    %get3A_344 = arith.constant 0 : index
    %get3A_345 = arith.constant 0 : index
    %get3A_346 = vector.load %arg0[%get3A_344, %get3A_345] : memref<136x256xf32, #tpu.memory_space<vmem>>, vector<136x32xf32>
    %dot_general3A_347 = arith.constant dense<0.000000e+00> : vector<136x16xf32>
    %dot_general3A_348 = tpu.matmul %get3A_346, %get3A_343, %dot_general3A_347 {dimension_numbers = #tpu.dot_dimension_numbers<[1], [0], [0], [1], [0, 0, 1, 1], [], []>, transpose_lhs_hint = false} : vector<136x32xf32>, vector<32x16xf32>, vector<136x16xf32> -> vector<136x16xf32>
    %get3A_349 = arith.constant 0 : index
    %get3A_350 = arith.constant 32 : index
    %get3A_351 = vector.load %arg0[%get3A_349, %get3A_350] : memref<136x256xf32, #tpu.memory_space<vmem>>, vector<136x32xf32>
    %dot_general3A_352 = arith.constant dense<0.000000e+00> : vector<136x16xf32>
    %dot_general3A_353 = tpu.matmul %get3A_351, %get3A_343, %dot_general3A_352 {dimension_numbers = #tpu.dot_dimension_numbers<[1], [0], [0], [1], [0, 0, 1, 1], [], []>, transpose_lhs_hint = false} : vector<136x32xf32>, vector<32x16xf32>, vector<136x16xf32> -> vector<136x16xf32>
    %get3A_354 = arith.constant 0 : index
    %get3A_355 = arith.constant 64 : index
    %get3A_356 = vector.load %arg0[%get3A_354, %get3A_355] : memref<136x256xf32, #tpu.memory_space<vmem>>, vector<136x32xf32>
    %dot_general3A_357 = arith.constant dense<0.000000e+00> : vector<136x16xf32>
    %dot_general3A_358 = tpu.matmul %get3A_356, %get3A_343, %dot_general3A_357 {dimension_numbers = #tpu.dot_dimension_numbers<[1], [0], [0], [1], [0, 0, 1, 1], [], []>, transpose_lhs_hint = false} : vector<136x32xf32>, vector<32x16xf32>, vector<136x16xf32> -> vector<136x16xf32>
    %get3A_359 = arith.constant 0 : index
    %get3A_360 = arith.constant 96 : index
    %get3A_361 = vector.load %arg0[%get3A_359, %get3A_360] : memref<136x256xf32, #tpu.memory_space<vmem>>, vector<136x32xf32>
    %dot_general3A_362 = arith.constant dense<0.000000e+00> : vector<136x16xf32>
    %dot_general3A_363 = tpu.matmul %get3A_361, %get3A_343, %dot_general3A_362 {dimension_numbers = #tpu.dot_dimension_numbers<[1], [0], [0], [1], [0, 0, 1, 1], [], []>, transpose_lhs_hint = false} : vector<136x32xf32>, vector<32x16xf32>, vector<136x16xf32> -> vector<136x16xf32>
    %get3A_364 = arith.constant 0 : index
    %get3A_365 = arith.constant 128 : index
    %get3A_366 = vector.load %arg0[%get3A_364, %get3A_365] : memref<136x256xf32, #tpu.memory_space<vmem>>, vector<136x32xf32>
    %dot_general3A_367 = arith.constant dense<0.000000e+00> : vector<136x16xf32>
    %dot_general3A_368 = tpu.matmul %get3A_366, %get3A_343, %dot_general3A_367 {dimension_numbers = #tpu.dot_dimension_numbers<[1], [0], [0], [1], [0, 0, 1, 1], [], []>, transpose_lhs_hint = false} : vector<136x32xf32>, vector<32x16xf32>, vector<136x16xf32> -> vector<136x16xf32>
    %get3A_369 = arith.constant 0 : index
    %get3A_370 = arith.constant 160 : index
    %get3A_371 = vector.load %arg0[%get3A_369, %get3A_370] : memref<136x256xf32, #tpu.memory_space<vmem>>, vector<136x32xf32>
    %dot_general3A_372 = arith.constant dense<0.000000e+00> : vector<136x16xf32>
    %dot_general3A_373 = tpu.matmul %get3A_371, %get3A_343, %dot_general3A_372 {dimension_numbers = #tpu.dot_dimension_numbers<[1], [0], [0], [1], [0, 0, 1, 1], [], []>, transpose_lhs_hint = false} : vector<136x32xf32>, vector<32x16xf32>, vector<136x16xf32> -> vector<136x16xf32>
    %get3A_374 = arith.constant 0 : index
    %get3A_375 = arith.constant 192 : index
    %get3A_376 = vector.load %arg0[%get3A_374, %get3A_375] : memref<136x256xf32, #tpu.memory_space<vmem>>, vector<136x32xf32>
    %dot_general3A_377 = arith.constant dense<0.000000e+00> : vector<136x16xf32>
    %dot_general3A_378 = tpu.matmul %get3A_376, %get3A_343, %dot_general3A_377 {dimension_numbers = #tpu.dot_dimension_numbers<[1], [0], [0], [1], [0, 0, 1, 1], [], []>, transpose_lhs_hint = false} : vector<136x32xf32>, vector<32x16xf32>, vector<136x16xf32> -> vector<136x16xf32>
    %get3A_379 = arith.constant 0 : index
    %get3A_380 = arith.constant 224 : index
    %get3A_381 = vector.load %arg0[%get3A_379, %get3A_380] : memref<136x256xf32, #tpu.memory_space<vmem>>, vector<136x32xf32>
    %dot_general3A_382 = arith.constant dense<0.000000e+00> : vector<136x16xf32>
    %dot_general3A_383 = tpu.matmul %get3A_381, %get3A_343, %dot_general3A_382 {dimension_numbers = #tpu.dot_dimension_numbers<[1], [0], [0], [1], [0, 0, 1, 1], [], []>, transpose_lhs_hint = false} : vector<136x32xf32>, vector<32x16xf32>, vector<136x16xf32> -> vector<136x16xf32>
    %concatenate3A_384 = tpu.concatenate %dot_general3A_348, %dot_general3A_353, %dot_general3A_358, %dot_general3A_363, %dot_general3A_368, %dot_general3A_373, %dot_general3A_378, %dot_general3A_383 in 1 : vector<136x16xf32>, vector<136x16xf32>, vector<136x16xf32>, vector<136x16xf32>, vector<136x16xf32>, vector<136x16xf32>, vector<136x16xf32>, vector<136x16xf32> -> vector<136x128xf32>
    %swap3A_385 = arith.constant 952 : index
    %swap3A_386 = arith.constant 0 : index
    %swap3A_387 = vector.load %arg3[%swap3A_385, %swap3A_386] : memref<2240x128xf32, #tpu.memory_space<vmem>>, vector<136x128xf32>
    tpu.vector_store %arg3[%swap3A_385, %swap3A_386], %concatenate3A_384 {strides = array<i32>} : memref<2240x128xf32, #tpu.memory_space<vmem>>, vector<136x128xf32>,
    %get3A_388 = arith.constant 8 : index
    %get3A_389 = arith.constant 0 : index
    %get3A_390 = arith.constant 0 : index
    %get3A_391 = vector.load %arg1[%get3A_388, %get3A_389, %get3A_390] : memref<16x32x16xf32, #tpu.memory_space<vmem>>, vector<1x32x16xf32>
    %get3A_392 = vector.shape_cast %get3A_391 : vector<1x32x16xf32> to vector<32x16xf32>
    %get3A_393 = arith.constant 0 : index
    %get3A_394 = arith.constant 0 : index
    %get3A_395 = vector.load %arg0[%get3A_393, %get3A_394] : memref<136x256xf32, #tpu.memory_space<vmem>>, vector<136x32xf32>
    %dot_general3A_396 = arith.constant dense<0.000000e+00> : vector<136x16xf32>
    %dot_general3A_397 = tpu.matmul %get3A_395, %get3A_392, %dot_general3A_396 {dimension_numbers = #tpu.dot_dimension_numbers<[1], [0], [0], [1], [0, 0, 1, 1], [], []>, transpose_lhs_hint = false} : vector<136x32xf32>, vector<32x16xf32>, vector<136x16xf32> -> vector<136x16xf32>
    %get3A_398 = arith.constant 0 : index
    %get3A_399 = arith.constant 32 : index
    %get3A_400 = vector.load %arg0[%get3A_398, %get3A_399] : memref<136x256xf32, #tpu.memory_space<vmem>>, vector<136x32xf32>
    %dot_general3A_401 = arith.constant dense<0.000000e+00> : vector<136x16xf32>
    %dot_general3A_402 = tpu.matmul %get3A_400, %get3A_392, %dot_general3A_401 {dimension_numbers = #tpu.dot_dimension_numbers<[1], [0], [0], [1], [0, 0, 1, 1], [], []>, transpose_lhs_hint = false} : vector<136x32xf32>, vector<32x16xf32>, vector<136x16xf32> -> vector<136x16xf32>
    %get3A_403 = arith.constant 0 : index
    %get3A_404 = arith.constant 64 : index
    %get3A_405 = vector.load %arg0[%get3A_403, %get3A_404] : memref<136x256xf32, #tpu.memory_space<vmem>>, vector<136x32xf32>
    %dot_general3A_406 = arith.constant dense<0.000000e+00> : vector<136x16xf32>
    %dot_general3A_407 = tpu.matmul %get3A_405, %get3A_392, %dot_general3A_406 {dimension_numbers = #tpu.dot_dimension_numbers<[1], [0], [0], [1], [0, 0, 1, 1], [], []>, transpose_lhs_hint = false} : vector<136x32xf32>, vector<32x16xf32>, vector<136x16xf32> -> vector<136x16xf32>
    %get3A_408 = arith.constant 0 : index
    %get3A_409 = arith.constant 96 : index
    %get3A_410 = vector.load %arg0[%get3A_408, %get3A_409] : memref<136x256xf32, #tpu.memory_space<vmem>>, vector<136x32xf32>
    %dot_general3A_411 = arith.constant dense<0.000000e+00> : vector<136x16xf32>
    %dot_general3A_412 = tpu.matmul %get3A_410, %get3A_392, %dot_general3A_411 {dimension_numbers = #tpu.dot_dimension_numbers<[1], [0], [0], [1], [0, 0, 1, 1], [], []>, transpose_lhs_hint = false} : vector<136x32xf32>, vector<32x16xf32>, vector<136x16xf32> -> vector<136x16xf32>
    %get3A_413 = arith.constant 0 : index
    %get3A_414 = arith.constant 128 : index
    %get3A_415 = vector.load %arg0[%get3A_413, %get3A_414] : memref<136x256xf32, #tpu.memory_space<vmem>>, vector<136x32xf32>
    %dot_general3A_416 = arith.constant dense<0.000000e+00> : vector<136x16xf32>
    %dot_general3A_417 = tpu.matmul %get3A_415, %get3A_392, %dot_general3A_416 {dimension_numbers = #tpu.dot_dimension_numbers<[1], [0], [0], [1], [0, 0, 1, 1], [], []>, transpose_lhs_hint = false} : vector<136x32xf32>, vector<32x16xf32>, vector<136x16xf32> -> vector<136x16xf32>
    %get3A_418 = arith.constant 0 : index
    %get3A_419 = arith.constant 160 : index
    %get3A_420 = vector.load %arg0[%get3A_418, %get3A_419] : memref<136x256xf32, #tpu.memory_space<vmem>>, vector<136x32xf32>
    %dot_general3A_421 = arith.constant dense<0.000000e+00> : vector<136x16xf32>
    %dot_general3A_422 = tpu.matmul %get3A_420, %get3A_392, %dot_general3A_421 {dimension_numbers = #tpu.dot_dimension_numbers<[1], [0], [0], [1], [0, 0, 1, 1], [], []>, transpose_lhs_hint = false} : vector<136x32xf32>, vector<32x16xf32>, vector<136x16xf32> -> vector<136x16xf32>
    %get3A_423 = arith.constant 0 : index
    %get3A_424 = arith.constant 192 : index
    %get3A_425 = vector.load %arg0[%get3A_423, %get3A_424] : memref<136x256xf32, #tpu.memory_space<vmem>>, vector<136x32xf32>
    %dot_general3A_426 = arith.constant dense<0.000000e+00> : vector<136x16xf32>
    %dot_general3A_427 = tpu.matmul %get3A_425, %get3A_392, %dot_general3A_426 {dimension_numbers = #tpu.dot_dimension_numbers<[1], [0], [0], [1], [0, 0, 1, 1], [], []>, transpose_lhs_hint = false} : vector<136x32xf32>, vector<32x16xf32>, vector<136x16xf32> -> vector<136x16xf32>
    %get3A_428 = arith.constant 0 : index
    %get3A_429 = arith.constant 224 : index
    %get3A_430 = vector.load %arg0[%get3A_428, %get3A_429] : memref<136x256xf32, #tpu.memory_space<vmem>>, vector<136x32xf32>
    %dot_general3A_431 = arith.constant dense<0.000000e+00> : vector<136x16xf32>
    %dot_general3A_432 = tpu.matmul %get3A_430, %get3A_392, %dot_general3A_431 {dimension_numbers = #tpu.dot_dimension_numbers<[1], [0], [0], [1], [0, 0, 1, 1], [], []>, transpose_lhs_hint = false} : vector<136x32xf32>, vector<32x16xf32>, vector<136x16xf32> -> vector<136x16xf32>
    %concatenate3A_433 = tpu.concatenate %dot_general3A_397, %dot_general3A_402, %dot_general3A_407, %dot_general3A_412, %dot_general3A_417, %dot_general3A_422, %dot_general3A_427, %dot_general3A_432 in 1 : vector<136x16xf32>, vector<136x16xf32>, vector<136x16xf32>, vector<136x16xf32>, vector<136x16xf32>, vector<136x16xf32>, vector<136x16xf32>, vector<136x16xf32> -> vector<136x128xf32>
    %swap3A_434 = arith.constant 1088 : index
    %swap3A_435 = arith.constant 0 : index
    %swap3A_436 = vector.load %arg3[%swap3A_434, %swap3A_435] : memref<2240x128xf32, #tpu.memory_space<vmem>>, vector<136x128xf32>
    tpu.vector_store %arg3[%swap3A_434, %swap3A_435], %concatenate3A_433 {strides = array<i32>} : memref<2240x128xf32, #tpu.memory_space<vmem>>, vector<136x128xf32>,
    %get3A_437 = arith.constant 9 : index
    %get3A_438 = arith.constant 0 : index
    %get3A_439 = arith.constant 0 : index
    %get3A_440 = vector.load %arg1[%get3A_437, %get3A_438, %get3A_439] : memref<16x32x16xf32, #tpu.memory_space<vmem>>, vector<1x32x16xf32>
    %get3A_441 = vector.shape_cast %get3A_440 : vector<1x32x16xf32> to vector<32x16xf32>
    %get3A_442 = arith.constant 0 : index
    %get3A_443 = arith.constant 0 : index
    %get3A_444 = vector.load %arg0[%get3A_442, %get3A_443] : memref<136x256xf32, #tpu.memory_space<vmem>>, vector<136x32xf32>
    %dot_general3A_445 = arith.constant dense<0.000000e+00> : vector<136x16xf32>
    %dot_general3A_446 = tpu.matmul %get3A_444, %get3A_441, %dot_general3A_445 {dimension_numbers = #tpu.dot_dimension_numbers<[1], [0], [0], [1], [0, 0, 1, 1], [], []>, transpose_lhs_hint = false} : vector<136x32xf32>, vector<32x16xf32>, vector<136x16xf32> -> vector<136x16xf32>
    %get3A_447 = arith.constant 0 : index
    %get3A_448 = arith.constant 32 : index
    %get3A_449 = vector.load %arg0[%get3A_447, %get3A_448] : memref<136x256xf32, #tpu.memory_space<vmem>>, vector<136x32xf32>
    %dot_general3A_450 = arith.constant dense<0.000000e+00> : vector<136x16xf32>
    %dot_general3A_451 = tpu.matmul %get3A_449, %get3A_441, %dot_general3A_450 {dimension_numbers = #tpu.dot_dimension_numbers<[1], [0], [0], [1], [0, 0, 1, 1], [], []>, transpose_lhs_hint = false} : vector<136x32xf32>, vector<32x16xf32>, vector<136x16xf32> -> vector<136x16xf32>
    %get3A_452 = arith.constant 0 : index
    %get3A_453 = arith.constant 64 : index
    %get3A_454 = vector.load %arg0[%get3A_452, %get3A_453] : memref<136x256xf32, #tpu.memory_space<vmem>>, vector<136x32xf32>
    %dot_general3A_455 = arith.constant dense<0.000000e+00> : vector<136x16xf32>
    %dot_general3A_456 = tpu.matmul %get3A_454, %get3A_441, %dot_general3A_455 {dimension_numbers = #tpu.dot_dimension_numbers<[1], [0], [0], [1], [0, 0, 1, 1], [], []>, transpose_lhs_hint = false} : vector<136x32xf32>, vector<32x16xf32>, vector<136x16xf32> -> vector<136x16xf32>
    %get3A_457 = arith.constant 0 : index
    %get3A_458 = arith.constant 96 : index
    %get3A_459 = vector.load %arg0[%get3A_457, %get3A_458] : memref<136x256xf32, #tpu.memory_space<vmem>>, vector<136x32xf32>
    %dot_general3A_460 = arith.constant dense<0.000000e+00> : vector<136x16xf32>
    %dot_general3A_461 = tpu.matmul %get3A_459, %get3A_441, %dot_general3A_460 {dimension_numbers = #tpu.dot_dimension_numbers<[1], [0], [0], [1], [0, 0, 1, 1], [], []>, transpose_lhs_hint = false} : vector<136x32xf32>, vector<32x16xf32>, vector<136x16xf32> -> vector<136x16xf32>
    %get3A_462 = arith.constant 0 : index
    %get3A_463 = arith.constant 128 : index
    %get3A_464 = vector.load %arg0[%get3A_462, %get3A_463] : memref<136x256xf32, #tpu.memory_space<vmem>>, vector<136x32xf32>
    %dot_general3A_465 = arith.constant dense<0.000000e+00> : vector<136x16xf32>
    %dot_general3A_466 = tpu.matmul %get3A_464, %get3A_441, %dot_general3A_465 {dimension_numbers = #tpu.dot_dimension_numbers<[1], [0], [0], [1], [0, 0, 1, 1], [], []>, transpose_lhs_hint = false} : vector<136x32xf32>, vector<32x16xf32>, vector<136x16xf32> -> vector<136x16xf32>
    %get3A_467 = arith.constant 0 : index
    %get3A_468 = arith.constant 160 : index
    %get3A_469 = vector.load %arg0[%get3A_467, %get3A_468] : memref<136x256xf32, #tpu.memory_space<vmem>>, vector<136x32xf32>
    %dot_general3A_470 = arith.constant dense<0.000000e+00> : vector<136x16xf32>
    %dot_general3A_471 = tpu.matmul %get3A_469, %get3A_441, %dot_general3A_470 {dimension_numbers = #tpu.dot_dimension_numbers<[1], [0], [0], [1], [0, 0, 1, 1], [], []>, transpose_lhs_hint = false} : vector<136x32xf32>, vector<32x16xf32>, vector<136x16xf32> -> vector<136x16xf32>
    %get3A_472 = arith.constant 0 : index
    %get3A_473 = arith.constant 192 : index
    %get3A_474 = vector.load %arg0[%get3A_472, %get3A_473] : memref<136x256xf32, #tpu.memory_space<vmem>>, vector<136x32xf32>
    %dot_general3A_475 = arith.constant dense<0.000000e+00> : vector<136x16xf32>
    %dot_general3A_476 = tpu.matmul %get3A_474, %get3A_441, %dot_general3A_475 {dimension_numbers = #tpu.dot_dimension_numbers<[1], [0], [0], [1], [0, 0, 1, 1], [], []>, transpose_lhs_hint = false} : vector<136x32xf32>, vector<32x16xf32>, vector<136x16xf32> -> vector<136x16xf32>
    %get3A_477 = arith.constant 0 : index
    %get3A_478 = arith.constant 224 : index
    %get3A_479 = vector.load %arg0[%get3A_477, %get3A_478] : memref<136x256xf32, #tpu.memory_space<vmem>>, vector<136x32xf32>
    %dot_general3A_480 = arith.constant dense<0.000000e+00> : vector<136x16xf32>
    %dot_general3A_481 = tpu.matmul %get3A_479, %get3A_441, %dot_general3A_480 {dimension_numbers = #tpu.dot_dimension_numbers<[1], [0], [0], [1], [0, 0, 1, 1], [], []>, transpose_lhs_hint = false} : vector<136x32xf32>, vector<32x16xf32>, vector<136x16xf32> -> vector<136x16xf32>
    %concatenate3A_482 = tpu.concatenate %dot_general3A_446, %dot_general3A_451, %dot_general3A_456, %dot_general3A_461, %dot_general3A_466, %dot_general3A_471, %dot_general3A_476, %dot_general3A_481 in 1 : vector<136x16xf32>, vector<136x16xf32>, vector<136x16xf32>, vector<136x16xf32>, vector<136x16xf32>, vector<136x16xf32>, vector<136x16xf32>, vector<136x16xf32> -> vector<136x128xf32>
    %swap3A_483 = arith.constant 1224 : index
    %swap3A_484 = arith.constant 0 : index
    %swap3A_485 = vector.load %arg3[%swap3A_483, %swap3A_484] : memref<2240x128xf32, #tpu.memory_space<vmem>>, vector<136x128xf32>
    tpu.vector_store %arg3[%swap3A_483, %swap3A_484], %concatenate3A_482 {strides = array<i32>} : memref<2240x128xf32, #tpu.memory_space<vmem>>, vector<136x128xf32>,
    %get3A_486 = arith.constant 10 : index
    %get3A_487 = arith.constant 0 : index
    %get3A_488 = arith.constant 0 : index
    %get3A_489 = vector.load %arg1[%get3A_486, %get3A_487, %get3A_488] : memref<16x32x16xf32, #tpu.memory_space<vmem>>, vector<1x32x16xf32>
    %get3A_490 = vector.shape_cast %get3A_489 : vector<1x32x16xf32> to vector<32x16xf32>
    %get3A_491 = arith.constant 0 : index
    %get3A_492 = arith.constant 0 : index
    %get3A_493 = vector.load %arg0[%get3A_491, %get3A_492] : memref<136x256xf32, #tpu.memory_space<vmem>>, vector<136x32xf32>
    %dot_general3A_494 = arith.constant dense<0.000000e+00> : vector<136x16xf32>
    %dot_general3A_495 = tpu.matmul %get3A_493, %get3A_490, %dot_general3A_494 {dimension_numbers = #tpu.dot_dimension_numbers<[1], [0], [0], [1], [0, 0, 1, 1], [], []>, transpose_lhs_hint = false} : vector<136x32xf32>, vector<32x16xf32>, vector<136x16xf32> -> vector<136x16xf32>
    %get3A_496 = arith.constant 0 : index
    %get3A_497 = arith.constant 32 : index
    %get3A_498 = vector.load %arg0[%get3A_496, %get3A_497] : memref<136x256xf32, #tpu.memory_space<vmem>>, vector<136x32xf32>
    %dot_general3A_499 = arith.constant dense<0.000000e+00> : vector<136x16xf32>
    %dot_general3A_500 = tpu.matmul %get3A_498, %get3A_490, %dot_general3A_499 {dimension_numbers = #tpu.dot_dimension_numbers<[1], [0], [0], [1], [0, 0, 1, 1], [], []>, transpose_lhs_hint = false} : vector<136x32xf32>, vector<32x16xf32>, vector<136x16xf32> -> vector<136x16xf32>
    %get3A_501 = arith.constant 0 : index
    %get3A_502 = arith.constant 64 : index
    %get3A_503 = vector.load %arg0[%get3A_501, %get3A_502] : memref<136x256xf32, #tpu.memory_space<vmem>>, vector<136x32xf32>
    %dot_general3A_504 = arith.constant dense<0.000000e+00> : vector<136x16xf32>
    %dot_general3A_505 = tpu.matmul %get3A_503, %get3A_490, %dot_general3A_504 {dimension_numbers = #tpu.dot_dimension_numbers<[1], [0], [0], [1], [0, 0, 1, 1], [], []>, transpose_lhs_hint = false} : vector<136x32xf32>, vector<32x16xf32>, vector<136x16xf32> -> vector<136x16xf32>
    %get3A_506 = arith.constant 0 : index
    %get3A_507 = arith.constant 96 : index
    %get3A_508 = vector.load %arg0[%get3A_506, %get3A_507] : memref<136x256xf32, #tpu.memory_space<vmem>>, vector<136x32xf32>
    %dot_general3A_509 = arith.constant dense<0.000000e+00> : vector<136x16xf32>
    %dot_general3A_510 = tpu.matmul %get3A_508, %get3A_490, %dot_general3A_509 {dimension_numbers = #tpu.dot_dimension_numbers<[1], [0], [0], [1], [0, 0, 1, 1], [], []>, transpose_lhs_hint = false} : vector<136x32xf32>, vector<32x16xf32>, vector<136x16xf32> -> vector<136x16xf32>
    %get3A_511 = arith.constant 0 : index
    %get3A_512 = arith.constant 128 : index
    %get3A_513 = vector.load %arg0[%get3A_511, %get3A_512] : memref<136x256xf32, #tpu.memory_space<vmem>>, vector<136x32xf32>
    %dot_general3A_514 = arith.constant dense<0.000000e+00> : vector<136x16xf32>
    %dot_general3A_515 = tpu.matmul %get3A_513, %get3A_490, %dot_general3A_514 {dimension_numbers = #tpu.dot_dimension_numbers<[1], [0], [0], [1], [0, 0, 1, 1], [], []>, transpose_lhs_hint = false} : vector<136x32xf32>, vector<32x16xf32>, vector<136x16xf32> -> vector<136x16xf32>
    %get3A_516 = arith.constant 0 : index
    %get3A_517 = arith.constant 160 : index
    %get3A_518 = vector.load %arg0[%get3A_516, %get3A_517] : memref<136x256xf32, #tpu.memory_space<vmem>>, vector<136x32xf32>
    %dot_general3A_519 = arith.constant dense<0.000000e+00> : vector<136x16xf32>
    %dot_general3A_520 = tpu.matmul %get3A_518, %get3A_490, %dot_general3A_519 {dimension_numbers = #tpu.dot_dimension_numbers<[1], [0], [0], [1], [0, 0, 1, 1], [], []>, transpose_lhs_hint = false} : vector<136x32xf32>, vector<32x16xf32>, vector<136x16xf32> -> vector<136x16xf32>
    %get3A_521 = arith.constant 0 : index
    %get3A_522 = arith.constant 192 : index
    %get3A_523 = vector.load %arg0[%get3A_521, %get3A_522] : memref<136x256xf32, #tpu.memory_space<vmem>>, vector<136x32xf32>
    %dot_general3A_524 = arith.constant dense<0.000000e+00> : vector<136x16xf32>
    %dot_general3A_525 = tpu.matmul %get3A_523, %get3A_490, %dot_general3A_524 {dimension_numbers = #tpu.dot_dimension_numbers<[1], [0], [0], [1], [0, 0, 1, 1], [], []>, transpose_lhs_hint = false} : vector<136x32xf32>, vector<32x16xf32>, vector<136x16xf32> -> vector<136x16xf32>
    %get3A_526 = arith.constant 0 : index
    %get3A_527 = arith.constant 224 : index
    %get3A_528 = vector.load %arg0[%get3A_526, %get3A_527] : memref<136x256xf32, #tpu.memory_space<vmem>>, vector<136x32xf32>
    %dot_general3A_529 = arith.constant dense<0.000000e+00> : vector<136x16xf32>
    %dot_general3A_530 = tpu.matmul %get3A_528, %get3A_490, %dot_general3A_529 {dimension_numbers = #tpu.dot_dimension_numbers<[1], [0], [0], [1], [0, 0, 1, 1], [], []>, transpose_lhs_hint = false} : vector<136x32xf32>, vector<32x16xf32>, vector<136x16xf32> -> vector<136x16xf32>
    %concatenate3A_531 = tpu.concatenate %dot_general3A_495, %dot_general3A_500, %dot_general3A_505, %dot_general3A_510, %dot_general3A_515, %dot_general3A_520, %dot_general3A_525, %dot_general3A_530 in 1 : vector<136x16xf32>, vector<136x16xf32>, vector<136x16xf32>, vector<136x16xf32>, vector<136x16xf32>, vector<136x16xf32>, vector<136x16xf32>, vector<136x16xf32> -> vector<136x128xf32>
    %swap3A_532 = arith.constant 1360 : index
    %swap3A_533 = arith.constant 0 : index
    %swap3A_534 = vector.load %arg3[%swap3A_532, %swap3A_533] : memref<2240x128xf32, #tpu.memory_space<vmem>>, vector<136x128xf32>
    tpu.vector_store %arg3[%swap3A_532, %swap3A_533], %concatenate3A_531 {strides = array<i32>} : memref<2240x128xf32, #tpu.memory_space<vmem>>, vector<136x128xf32>,
    %get3A_535 = arith.constant 11 : index
    %get3A_536 = arith.constant 0 : index
    %get3A_537 = arith.constant 0 : index
    %get3A_538 = vector.load %arg1[%get3A_535, %get3A_536, %get3A_537] : memref<16x32x16xf32, #tpu.memory_space<vmem>>, vector<1x32x16xf32>
    %get3A_539 = vector.shape_cast %get3A_538 : vector<1x32x16xf32> to vector<32x16xf32>
    %get3A_540 = arith.constant 0 : index
    %get3A_541 = arith.constant 0 : index
    %get3A_542 = vector.load %arg0[%get3A_540, %get3A_541] : memref<136x256xf32, #tpu.memory_space<vmem>>, vector<136x32xf32>
    %dot_general3A_543 = arith.constant dense<0.000000e+00> : vector<136x16xf32>
    %dot_general3A_544 = tpu.matmul %get3A_542, %get3A_539, %dot_general3A_543 {dimension_numbers = #tpu.dot_dimension_numbers<[1], [0], [0], [1], [0, 0, 1, 1], [], []>, transpose_lhs_hint = false} : vector<136x32xf32>, vector<32x16xf32>, vector<136x16xf32> -> vector<136x16xf32>
    %get3A_545 = arith.constant 0 : index
    %get3A_546 = arith.constant 32 : index
    %get3A_547 = vector.load %arg0[%get3A_545, %get3A_546] : memref<136x256xf32, #tpu.memory_space<vmem>>, vector<136x32xf32>
    %dot_general3A_548 = arith.constant dense<0.000000e+00> : vector<136x16xf32>
    %dot_general3A_549 = tpu.matmul %get3A_547, %get3A_539, %dot_general3A_548 {dimension_numbers = #tpu.dot_dimension_numbers<[1], [0], [0], [1], [0, 0, 1, 1], [], []>, transpose_lhs_hint = false} : vector<136x32xf32>, vector<32x16xf32>, vector<136x16xf32> -> vector<136x16xf32>
    %get3A_550 = arith.constant 0 : index
    %get3A_551 = arith.constant 64 : index
    %get3A_552 = vector.load %arg0[%get3A_550, %get3A_551] : memref<136x256xf32, #tpu.memory_space<vmem>>, vector<136x32xf32>
    %dot_general3A_553 = arith.constant dense<0.000000e+00> : vector<136x16xf32>
    %dot_general3A_554 = tpu.matmul %get3A_552, %get3A_539, %dot_general3A_553 {dimension_numbers = #tpu.dot_dimension_numbers<[1], [0], [0], [1], [0, 0, 1, 1], [], []>, transpose_lhs_hint = false} : vector<136x32xf32>, vector<32x16xf32>, vector<136x16xf32> -> vector<136x16xf32>
    %get3A_555 = arith.constant 0 : index
    %get3A_556 = arith.constant 96 : index
    %get3A_557 = vector.load %arg0[%get3A_555, %get3A_556] : memref<136x256xf32, #tpu.memory_space<vmem>>, vector<136x32xf32>
    %dot_general3A_558 = arith.constant dense<0.000000e+00> : vector<136x16xf32>
    %dot_general3A_559 = tpu.matmul %get3A_557, %get3A_539, %dot_general3A_558 {dimension_numbers = #tpu.dot_dimension_numbers<[1], [0], [0], [1], [0, 0, 1, 1], [], []>, transpose_lhs_hint = false} : vector<136x32xf32>, vector<32x16xf32>, vector<136x16xf32> -> vector<136x16xf32>
    %get3A_560 = arith.constant 0 : index
    %get3A_561 = arith.constant 128 : index
    %get3A_562 = vector.load %arg0[%get3A_560, %get3A_561] : memref<136x256xf32, #tpu.memory_space<vmem>>, vector<136x32xf32>
    %dot_general3A_563 = arith.constant dense<0.000000e+00> : vector<136x16xf32>
    %dot_general3A_564 = tpu.matmul %get3A_562, %get3A_539, %dot_general3A_563 {dimension_numbers = #tpu.dot_dimension_numbers<[1], [0], [0], [1], [0, 0, 1, 1], [], []>, transpose_lhs_hint = false} : vector<136x32xf32>, vector<32x16xf32>, vector<136x16xf32> -> vector<136x16xf32>
    %get3A_565 = arith.constant 0 : index
    %get3A_566 = arith.constant 160 : index
    %get3A_567 = vector.load %arg0[%get3A_565, %get3A_566] : memref<136x256xf32, #tpu.memory_space<vmem>>, vector<136x32xf32>
    %dot_general3A_568 = arith.constant dense<0.000000e+00> : vector<136x16xf32>
    %dot_general3A_569 = tpu.matmul %get3A_567, %get3A_539, %dot_general3A_568 {dimension_numbers = #tpu.dot_dimension_numbers<[1], [0], [0], [1], [0, 0, 1, 1], [], []>, transpose_lhs_hint = false} : vector<136x32xf32>, vector<32x16xf32>, vector<136x16xf32> -> vector<136x16xf32>
    %get3A_570 = arith.constant 0 : index
    %get3A_571 = arith.constant 192 : index
    %get3A_572 = vector.load %arg0[%get3A_570, %get3A_571] : memref<136x256xf32, #tpu.memory_space<vmem>>, vector<136x32xf32>
    %dot_general3A_573 = arith.constant dense<0.000000e+00> : vector<136x16xf32>
    %dot_general3A_574 = tpu.matmul %get3A_572, %get3A_539, %dot_general3A_573 {dimension_numbers = #tpu.dot_dimension_numbers<[1], [0], [0], [1], [0, 0, 1, 1], [], []>, transpose_lhs_hint = false} : vector<136x32xf32>, vector<32x16xf32>, vector<136x16xf32> -> vector<136x16xf32>
    %get3A_575 = arith.constant 0 : index
    %get3A_576 = arith.constant 224 : index
    %get3A_577 = vector.load %arg0[%get3A_575, %get3A_576] : memref<136x256xf32, #tpu.memory_space<vmem>>, vector<136x32xf32>
    %dot_general3A_578 = arith.constant dense<0.000000e+00> : vector<136x16xf32>
    %dot_general3A_579 = tpu.matmul %get3A_577, %get3A_539, %dot_general3A_578 {dimension_numbers = #tpu.dot_dimension_numbers<[1], [0], [0], [1], [0, 0, 1, 1], [], []>, transpose_lhs_hint = false} : vector<136x32xf32>, vector<32x16xf32>, vector<136x16xf32> -> vector<136x16xf32>
    %concatenate3A_580 = tpu.concatenate %dot_general3A_544, %dot_general3A_549, %dot_general3A_554, %dot_general3A_559, %dot_general3A_564, %dot_general3A_569, %dot_general3A_574, %dot_general3A_579 in 1 : vector<136x16xf32>, vector<136x16xf32>, vector<136x16xf32>, vector<136x16xf32>, vector<136x16xf32>, vector<136x16xf32>, vector<136x16xf32>, vector<136x16xf32> -> vector<136x128xf32>
    %swap3A_581 = arith.constant 1496 : index
    %swap3A_582 = arith.constant 0 : index
    %swap3A_583 = vector.load %arg3[%swap3A_581, %swap3A_582] : memref<2240x128xf32, #tpu.memory_space<vmem>>, vector<136x128xf32>
    tpu.vector_store %arg3[%swap3A_581, %swap3A_582], %concatenate3A_580 {strides = array<i32>} : memref<2240x128xf32, #tpu.memory_space<vmem>>, vector<136x128xf32>,
    %get3A_584 = arith.constant 12 : index
    %get3A_585 = arith.constant 0 : index
    %get3A_586 = arith.constant 0 : index
    %get3A_587 = vector.load %arg1[%get3A_584, %get3A_585, %get3A_586] : memref<16x32x16xf32, #tpu.memory_space<vmem>>, vector<1x32x16xf32>
    %get3A_588 = vector.shape_cast %get3A_587 : vector<1x32x16xf32> to vector<32x16xf32>
    %get3A_589 = arith.constant 0 : index
    %get3A_590 = arith.constant 0 : index
    %get3A_591 = vector.load %arg0[%get3A_589, %get3A_590] : memref<136x256xf32, #tpu.memory_space<vmem>>, vector<136x32xf32>
    %dot_general3A_592 = arith.constant dense<0.000000e+00> : vector<136x16xf32>
    %dot_general3A_593 = tpu.matmul %get3A_591, %get3A_588, %dot_general3A_592 {dimension_numbers = #tpu.dot_dimension_numbers<[1], [0], [0], [1], [0, 0, 1, 1], [], []>, transpose_lhs_hint = false} : vector<136x32xf32>, vector<32x16xf32>, vector<136x16xf32> -> vector<136x16xf32>
    %get3A_594 = arith.constant 0 : index
    %get3A_595 = arith.constant 32 : index
    %get3A_596 = vector.load %arg0[%get3A_594, %get3A_595] : memref<136x256xf32, #tpu.memory_space<vmem>>, vector<136x32xf32>
    %dot_general3A_597 = arith.constant dense<0.000000e+00> : vector<136x16xf32>
    %dot_general3A_598 = tpu.matmul %get3A_596, %get3A_588, %dot_general3A_597 {dimension_numbers = #tpu.dot_dimension_numbers<[1], [0], [0], [1], [0, 0, 1, 1], [], []>, transpose_lhs_hint = false} : vector<136x32xf32>, vector<32x16xf32>, vector<136x16xf32> -> vector<136x16xf32>
    %get3A_599 = arith.constant 0 : index
    %get3A_600 = arith.constant 64 : index
    %get3A_601 = vector.load %arg0[%get3A_599, %get3A_600] : memref<136x256xf32, #tpu.memory_space<vmem>>, vector<136x32xf32>
    %dot_general3A_602 = arith.constant dense<0.000000e+00> : vector<136x16xf32>
    %dot_general3A_603 = tpu.matmul %get3A_601, %get3A_588, %dot_general3A_602 {dimension_numbers = #tpu.dot_dimension_numbers<[1], [0], [0], [1], [0, 0, 1, 1], [], []>, transpose_lhs_hint = false} : vector<136x32xf32>, vector<32x16xf32>, vector<136x16xf32> -> vector<136x16xf32>
    %get3A_604 = arith.constant 0 : index
    %get3A_605 = arith.constant 96 : index
    %get3A_606 = vector.load %arg0[%get3A_604, %get3A_605] : memref<136x256xf32, #tpu.memory_space<vmem>>, vector<136x32xf32>
    %dot_general3A_607 = arith.constant dense<0.000000e+00> : vector<136x16xf32>
    %dot_general3A_608 = tpu.matmul %get3A_606, %get3A_588, %dot_general3A_607 {dimension_numbers = #tpu.dot_dimension_numbers<[1], [0], [0], [1], [0, 0, 1, 1], [], []>, transpose_lhs_hint = false} : vector<136x32xf32>, vector<32x16xf32>, vector<136x16xf32> -> vector<136x16xf32>
    %get3A_609 = arith.constant 0 : index
    %get3A_610 = arith.constant 128 : index
    %get3A_611 = vector.load %arg0[%get3A_609, %get3A_610] : memref<136x256xf32, #tpu.memory_space<vmem>>, vector<136x32xf32>
    %dot_general3A_612 = arith.constant dense<0.000000e+00> : vector<136x16xf32>
    %dot_general3A_613 = tpu.matmul %get3A_611, %get3A_588, %dot_general3A_612 {dimension_numbers = #tpu.dot_dimension_numbers<[1], [0], [0], [1], [0, 0, 1, 1], [], []>, transpose_lhs_hint = false} : vector<136x32xf32>, vector<32x16xf32>, vector<136x16xf32> -> vector<136x16xf32>
    %get3A_614 = arith.constant 0 : index
    %get3A_615 = arith.constant 160 : index
    %get3A_616 = vector.load %arg0[%get3A_614, %get3A_615] : memref<136x256xf32, #tpu.memory_space<vmem>>, vector<136x32xf32>
    %dot_general3A_617 = arith.constant dense<0.000000e+00> : vector<136x16xf32>
    %dot_general3A_618 = tpu.matmul %get3A_616, %get3A_588, %dot_general3A_617 {dimension_numbers = #tpu.dot_dimension_numbers<[1], [0], [0], [1], [0, 0, 1, 1], [], []>, transpose_lhs_hint = false} : vector<136x32xf32>, vector<32x16xf32>, vector<136x16xf32> -> vector<136x16xf32>
    %get3A_619 = arith.constant 0 : index
    %get3A_620 = arith.constant 192 : index
    %get3A_621 = vector.load %arg0[%get3A_619, %get3A_620] : memref<136x256xf32, #tpu.memory_space<vmem>>, vector<136x32xf32>
    %dot_general3A_622 = arith.constant dense<0.000000e+00> : vector<136x16xf32>
    %dot_general3A_623 = tpu.matmul %get3A_621, %get3A_588, %dot_general3A_622 {dimension_numbers = #tpu.dot_dimension_numbers<[1], [0], [0], [1], [0, 0, 1, 1], [], []>, transpose_lhs_hint = false} : vector<136x32xf32>, vector<32x16xf32>, vector<136x16xf32> -> vector<136x16xf32>
    %get3A_624 = arith.constant 0 : index
    %get3A_625 = arith.constant 224 : index
    %get3A_626 = vector.load %arg0[%get3A_624, %get3A_625] : memref<136x256xf32, #tpu.memory_space<vmem>>, vector<136x32xf32>
    %dot_general3A_627 = arith.constant dense<0.000000e+00> : vector<136x16xf32>
    %dot_general3A_628 = tpu.matmul %get3A_626, %get3A_588, %dot_general3A_627 {dimension_numbers = #tpu.dot_dimension_numbers<[1], [0], [0], [1], [0, 0, 1, 1], [], []>, transpose_lhs_hint = false} : vector<136x32xf32>, vector<32x16xf32>, vector<136x16xf32> -> vector<136x16xf32>
    %concatenate3A_629 = tpu.concatenate %dot_general3A_593, %dot_general3A_598, %dot_general3A_603, %dot_general3A_608, %dot_general3A_613, %dot_general3A_618, %dot_general3A_623, %dot_general3A_628 in 1 : vector<136x16xf32>, vector<136x16xf32>, vector<136x16xf32>, vector<136x16xf32>, vector<136x16xf32>, vector<136x16xf32>, vector<136x16xf32>, vector<136x16xf32> -> vector<136x128xf32>
    %swap3A_630 = arith.constant 1632 : index
    %swap3A_631 = arith.constant 0 : index
    %swap3A_632 = vector.load %arg3[%swap3A_630, %swap3A_631] : memref<2240x128xf32, #tpu.memory_space<vmem>>, vector<136x128xf32>
    tpu.vector_store %arg3[%swap3A_630, %swap3A_631], %concatenate3A_629 {strides = array<i32>} : memref<2240x128xf32, #tpu.memory_space<vmem>>, vector<136x128xf32>,
    %get3A_633 = arith.constant 13 : index
    %get3A_634 = arith.constant 0 : index
    %get3A_635 = arith.constant 0 : index
    %get3A_636 = vector.load %arg1[%get3A_633, %get3A_634, %get3A_635] : memref<16x32x16xf32, #tpu.memory_space<vmem>>, vector<1x32x16xf32>
    %get3A_637 = vector.shape_cast %get3A_636 : vector<1x32x16xf32> to vector<32x16xf32>
    %get3A_638 = arith.constant 0 : index
    %get3A_639 = arith.constant 0 : index
    %get3A_640 = vector.load %arg0[%get3A_638, %get3A_639] : memref<136x256xf32, #tpu.memory_space<vmem>>, vector<136x32xf32>
    %dot_general3A_641 = arith.constant dense<0.000000e+00> : vector<136x16xf32>
    %dot_general3A_642 = tpu.matmul %get3A_640, %get3A_637, %dot_general3A_641 {dimension_numbers = #tpu.dot_dimension_numbers<[1], [0], [0], [1], [0, 0, 1, 1], [], []>, transpose_lhs_hint = false} : vector<136x32xf32>, vector<32x16xf32>, vector<136x16xf32> -> vector<136x16xf32>
    %get3A_643 = arith.constant 0 : index
    %get3A_644 = arith.constant 32 : index
    %get3A_645 = vector.load %arg0[%get3A_643, %get3A_644] : memref<136x256xf32, #tpu.memory_space<vmem>>, vector<136x32xf32>
    %dot_general3A_646 = arith.constant dense<0.000000e+00> : vector<136x16xf32>
    %dot_general3A_647 = tpu.matmul %get3A_645, %get3A_637, %dot_general3A_646 {dimension_numbers = #tpu.dot_dimension_numbers<[1], [0], [0], [1], [0, 0, 1, 1], [], []>, transpose_lhs_hint = false} : vector<136x32xf32>, vector<32x16xf32>, vector<136x16xf32> -> vector<136x16xf32>
    %get3A_648 = arith.constant 0 : index
    %get3A_649 = arith.constant 64 : index
    %get3A_650 = vector.load %arg0[%get3A_648, %get3A_649] : memref<136x256xf32, #tpu.memory_space<vmem>>, vector<136x32xf32>
    %dot_general3A_651 = arith.constant dense<0.000000e+00> : vector<136x16xf32>
    %dot_general3A_652 = tpu.matmul %get3A_650, %get3A_637, %dot_general3A_651 {dimension_numbers = #tpu.dot_dimension_numbers<[1], [0], [0], [1], [0, 0, 1, 1], [], []>, transpose_lhs_hint = false} : vector<136x32xf32>, vector<32x16xf32>, vector<136x16xf32> -> vector<136x16xf32>
    %get3A_653 = arith.constant 0 : index
    %get3A_654 = arith.constant 96 : index
    %get3A_655 = vector.load %arg0[%get3A_653, %get3A_654] : memref<136x256xf32, #tpu.memory_space<vmem>>, vector<136x32xf32>
    %dot_general3A_656 = arith.constant dense<0.000000e+00> : vector<136x16xf32>
    %dot_general3A_657 = tpu.matmul %get3A_655, %get3A_637, %dot_general3A_656 {dimension_numbers = #tpu.dot_dimension_numbers<[1], [0], [0], [1], [0, 0, 1, 1], [], []>, transpose_lhs_hint = false} : vector<136x32xf32>, vector<32x16xf32>, vector<136x16xf32> -> vector<136x16xf32>
    %get3A_658 = arith.constant 0 : index
    %get3A_659 = arith.constant 128 : index
    %get3A_660 = vector.load %arg0[%get3A_658, %get3A_659] : memref<136x256xf32, #tpu.memory_space<vmem>>, vector<136x32xf32>
    %dot_general3A_661 = arith.constant dense<0.000000e+00> : vector<136x16xf32>
    %dot_general3A_662 = tpu.matmul %get3A_660, %get3A_637, %dot_general3A_661 {dimension_numbers = #tpu.dot_dimension_numbers<[1], [0], [0], [1], [0, 0, 1, 1], [], []>, transpose_lhs_hint = false} : vector<136x32xf32>, vector<32x16xf32>, vector<136x16xf32> -> vector<136x16xf32>
    %get3A_663 = arith.constant 0 : index
    %get3A_664 = arith.constant 160 : index
    %get3A_665 = vector.load %arg0[%get3A_663, %get3A_664] : memref<136x256xf32, #tpu.memory_space<vmem>>, vector<136x32xf32>
    %dot_general3A_666 = arith.constant dense<0.000000e+00> : vector<136x16xf32>
    %dot_general3A_667 = tpu.matmul %get3A_665, %get3A_637, %dot_general3A_666 {dimension_numbers = #tpu.dot_dimension_numbers<[1], [0], [0], [1], [0, 0, 1, 1], [], []>, transpose_lhs_hint = false} : vector<136x32xf32>, vector<32x16xf32>, vector<136x16xf32> -> vector<136x16xf32>
    %get3A_668 = arith.constant 0 : index
    %get3A_669 = arith.constant 192 : index
    %get3A_670 = vector.load %arg0[%get3A_668, %get3A_669] : memref<136x256xf32, #tpu.memory_space<vmem>>, vector<136x32xf32>
    %dot_general3A_671 = arith.constant dense<0.000000e+00> : vector<136x16xf32>
    %dot_general3A_672 = tpu.matmul %get3A_670, %get3A_637, %dot_general3A_671 {dimension_numbers = #tpu.dot_dimension_numbers<[1], [0], [0], [1], [0, 0, 1, 1], [], []>, transpose_lhs_hint = false} : vector<136x32xf32>, vector<32x16xf32>, vector<136x16xf32> -> vector<136x16xf32>
    %get3A_673 = arith.constant 0 : index
    %get3A_674 = arith.constant 224 : index
    %get3A_675 = vector.load %arg0[%get3A_673, %get3A_674] : memref<136x256xf32, #tpu.memory_space<vmem>>, vector<136x32xf32>
    %dot_general3A_676 = arith.constant dense<0.000000e+00> : vector<136x16xf32>
    %dot_general3A_677 = tpu.matmul %get3A_675, %get3A_637, %dot_general3A_676 {dimension_numbers = #tpu.dot_dimension_numbers<[1], [0], [0], [1], [0, 0, 1, 1], [], []>, transpose_lhs_hint = false} : vector<136x32xf32>, vector<32x16xf32>, vector<136x16xf32> -> vector<136x16xf32>
    %concatenate3A_678 = tpu.concatenate %dot_general3A_642, %dot_general3A_647, %dot_general3A_652, %dot_general3A_657, %dot_general3A_662, %dot_general3A_667, %dot_general3A_672, %dot_general3A_677 in 1 : vector<136x16xf32>, vector<136x16xf32>, vector<136x16xf32>, vector<136x16xf32>, vector<136x16xf32>, vector<136x16xf32>, vector<136x16xf32>, vector<136x16xf32> -> vector<136x128xf32>
    %swap3A_679 = arith.constant 1768 : index
    %swap3A_680 = arith.constant 0 : index
    %swap3A_681 = vector.load %arg3[%swap3A_679, %swap3A_680] : memref<2240x128xf32, #tpu.memory_space<vmem>>, vector<136x128xf32>
    tpu.vector_store %arg3[%swap3A_679, %swap3A_680], %concatenate3A_678 {strides = array<i32>} : memref<2240x128xf32, #tpu.memory_space<vmem>>, vector<136x128xf32>,
    %get3A_682 = arith.constant 14 : index
    %get3A_683 = arith.constant 0 : index
    %get3A_684 = arith.constant 0 : index
    %get3A_685 = vector.load %arg1[%get3A_682, %get3A_683, %get3A_684] : memref<16x32x16xf32, #tpu.memory_space<vmem>>, vector<1x32x16xf32>
    %get3A_686 = vector.shape_cast %get3A_685 : vector<1x32x16xf32> to vector<32x16xf32>
    %get3A_687 = arith.constant 0 : index
    %get3A_688 = arith.constant 0 : index
    %get3A_689 = vector.load %arg0[%get3A_687, %get3A_688] : memref<136x256xf32, #tpu.memory_space<vmem>>, vector<136x32xf32>
    %dot_general3A_690 = arith.constant dense<0.000000e+00> : vector<136x16xf32>
    %dot_general3A_691 = tpu.matmul %get3A_689, %get3A_686, %dot_general3A_690 {dimension_numbers = #tpu.dot_dimension_numbers<[1], [0], [0], [1], [0, 0, 1, 1], [], []>, transpose_lhs_hint = false} : vector<136x32xf32>, vector<32x16xf32>, vector<136x16xf32> -> vector<136x16xf32>
    %get3A_692 = arith.constant 0 : index
    %get3A_693 = arith.constant 32 : index
    %get3A_694 = vector.load %arg0[%get3A_692, %get3A_693] : memref<136x256xf32, #tpu.memory_space<vmem>>, vector<136x32xf32>
    %dot_general3A_695 = arith.constant dense<0.000000e+00> : vector<136x16xf32>
    %dot_general3A_696 = tpu.matmul %get3A_694, %get3A_686, %dot_general3A_695 {dimension_numbers = #tpu.dot_dimension_numbers<[1], [0], [0], [1], [0, 0, 1, 1], [], []>, transpose_lhs_hint = false} : vector<136x32xf32>, vector<32x16xf32>, vector<136x16xf32> -> vector<136x16xf32>
    %get3A_697 = arith.constant 0 : index
    %get3A_698 = arith.constant 64 : index
    %get3A_699 = vector.load %arg0[%get3A_697, %get3A_698] : memref<136x256xf32, #tpu.memory_space<vmem>>, vector<136x32xf32>
    %dot_general3A_700 = arith.constant dense<0.000000e+00> : vector<136x16xf32>
    %dot_general3A_701 = tpu.matmul %get3A_699, %get3A_686, %dot_general3A_700 {dimension_numbers = #tpu.dot_dimension_numbers<[1], [0], [0], [1], [0, 0, 1, 1], [], []>, transpose_lhs_hint = false} : vector<136x32xf32>, vector<32x16xf32>, vector<136x16xf32> -> vector<136x16xf32>
    %get3A_702 = arith.constant 0 : index
    %get3A_703 = arith.constant 96 : index
    %get3A_704 = vector.load %arg0[%get3A_702, %get3A_703] : memref<136x256xf32, #tpu.memory_space<vmem>>, vector<136x32xf32>
    %dot_general3A_705 = arith.constant dense<0.000000e+00> : vector<136x16xf32>
    %dot_general3A_706 = tpu.matmul %get3A_704, %get3A_686, %dot_general3A_705 {dimension_numbers = #tpu.dot_dimension_numbers<[1], [0], [0], [1], [0, 0, 1, 1], [], []>, transpose_lhs_hint = false} : vector<136x32xf32>, vector<32x16xf32>, vector<136x16xf32> -> vector<136x16xf32>
    %get3A_707 = arith.constant 0 : index
    %get3A_708 = arith.constant 128 : index
    %get3A_709 = vector.load %arg0[%get3A_707, %get3A_708] : memref<136x256xf32, #tpu.memory_space<vmem>>, vector<136x32xf32>
    %dot_general3A_710 = arith.constant dense<0.000000e+00> : vector<136x16xf32>
    %dot_general3A_711 = tpu.matmul %get3A_709, %get3A_686, %dot_general3A_710 {dimension_numbers = #tpu.dot_dimension_numbers<[1], [0], [0], [1], [0, 0, 1, 1], [], []>, transpose_lhs_hint = false} : vector<136x32xf32>, vector<32x16xf32>, vector<136x16xf32> -> vector<136x16xf32>
    %get3A_712 = arith.constant 0 : index
    %get3A_713 = arith.constant 160 : index
    %get3A_714 = vector.load %arg0[%get3A_712, %get3A_713] : memref<136x256xf32, #tpu.memory_space<vmem>>, vector<136x32xf32>
    %dot_general3A_715 = arith.constant dense<0.000000e+00> : vector<136x16xf32>
    %dot_general3A_716 = tpu.matmul %get3A_714, %get3A_686, %dot_general3A_715 {dimension_numbers = #tpu.dot_dimension_numbers<[1], [0], [0], [1], [0, 0, 1, 1], [], []>, transpose_lhs_hint = false} : vector<136x32xf32>, vector<32x16xf32>, vector<136x16xf32> -> vector<136x16xf32>
    %get3A_717 = arith.constant 0 : index
    %get3A_718 = arith.constant 192 : index
    %get3A_719 = vector.load %arg0[%get3A_717, %get3A_718] : memref<136x256xf32, #tpu.memory_space<vmem>>, vector<136x32xf32>
    %dot_general3A_720 = arith.constant dense<0.000000e+00> : vector<136x16xf32>
    %dot_general3A_721 = tpu.matmul %get3A_719, %get3A_686, %dot_general3A_720 {dimension_numbers = #tpu.dot_dimension_numbers<[1], [0], [0], [1], [0, 0, 1, 1], [], []>, transpose_lhs_hint = false} : vector<136x32xf32>, vector<32x16xf32>, vector<136x16xf32> -> vector<136x16xf32>
    %get3A_722 = arith.constant 0 : index
    %get3A_723 = arith.constant 224 : index
    %get3A_724 = vector.load %arg0[%get3A_722, %get3A_723] : memref<136x256xf32, #tpu.memory_space<vmem>>, vector<136x32xf32>
    %dot_general3A_725 = arith.constant dense<0.000000e+00> : vector<136x16xf32>
    %dot_general3A_726 = tpu.matmul %get3A_724, %get3A_686, %dot_general3A_725 {dimension_numbers = #tpu.dot_dimension_numbers<[1], [0], [0], [1], [0, 0, 1, 1], [], []>, transpose_lhs_hint = false} : vector<136x32xf32>, vector<32x16xf32>, vector<136x16xf32> -> vector<136x16xf32>
    %concatenate3A_727 = tpu.concatenate %dot_general3A_691, %dot_general3A_696, %dot_general3A_701, %dot_general3A_706, %dot_general3A_711, %dot_general3A_716, %dot_general3A_721, %dot_general3A_726 in 1 : vector<136x16xf32>, vector<136x16xf32>, vector<136x16xf32>, vector<136x16xf32>, vector<136x16xf32>, vector<136x16xf32>, vector<136x16xf32>, vector<136x16xf32> -> vector<136x128xf32>
    %swap3A_728 = arith.constant 1904 : index
    %swap3A_729 = arith.constant 0 : index
    %swap3A_730 = vector.load %arg3[%swap3A_728, %swap3A_729] : memref<2240x128xf32, #tpu.memory_space<vmem>>, vector<136x128xf32>
    tpu.vector_store %arg3[%swap3A_728, %swap3A_729], %concatenate3A_727 {strides = array<i32>} : memref<2240x128xf32, #tpu.memory_space<vmem>>, vector<136x128xf32>,
    %get3A_731 = arith.constant 15 : index
    %get3A_732 = arith.constant 0 : index
    %get3A_733 = arith.constant 0 : index
    %get3A_734 = vector.load %arg1[%get3A_731, %get3A_732, %get3A_733] : memref<16x32x16xf32, #tpu.memory_space<vmem>>, vector<1x32x16xf32>
    %get3A_735 = vector.shape_cast %get3A_734 : vector<1x32x16xf32> to vector<32x16xf32>
    %get3A_736 = arith.constant 0 : index
    %get3A_737 = arith.constant 0 : index
    %get3A_738 = vector.load %arg0[%get3A_736, %get3A_737] : memref<136x256xf32, #tpu.memory_space<vmem>>, vector<136x32xf32>
    %dot_general3A_739 = arith.constant dense<0.000000e+00> : vector<136x16xf32>
    %dot_general3A_740 = tpu.matmul %get3A_738, %get3A_735, %dot_general3A_739 {dimension_numbers = #tpu.dot_dimension_numbers<[1], [0], [0], [1], [0, 0, 1, 1], [], []>, transpose_lhs_hint = false} : vector<136x32xf32>, vector<32x16xf32>, vector<136x16xf32> -> vector<136x16xf32>
    %get3A_741 = arith.constant 0 : index
    %get3A_742 = arith.constant 32 : index
    %get3A_743 = vector.load %arg0[%get3A_741, %get3A_742] : memref<136x256xf32, #tpu.memory_space<vmem>>, vector<136x32xf32>
    %dot_general3A_744 = arith.constant dense<0.000000e+00> : vector<136x16xf32>
    %dot_general3A_745 = tpu.matmul %get3A_743, %get3A_735, %dot_general3A_744 {dimension_numbers = #tpu.dot_dimension_numbers<[1], [0], [0], [1], [0, 0, 1, 1], [], []>, transpose_lhs_hint = false} : vector<136x32xf32>, vector<32x16xf32>, vector<136x16xf32> -> vector<136x16xf32>
    %get3A_746 = arith.constant 0 : index
    %get3A_747 = arith.constant 64 : index
    %get3A_748 = vector.load %arg0[%get3A_746, %get3A_747] : memref<136x256xf32, #tpu.memory_space<vmem>>, vector<136x32xf32>
    %dot_general3A_749 = arith.constant dense<0.000000e+00> : vector<136x16xf32>
    %dot_general3A_750 = tpu.matmul %get3A_748, %get3A_735, %dot_general3A_749 {dimension_numbers = #tpu.dot_dimension_numbers<[1], [0], [0], [1], [0, 0, 1, 1], [], []>, transpose_lhs_hint = false} : vector<136x32xf32>, vector<32x16xf32>, vector<136x16xf32> -> vector<136x16xf32>
    %get3A_751 = arith.constant 0 : index
    %get3A_752 = arith.constant 96 : index
    %get3A_753 = vector.load %arg0[%get3A_751, %get3A_752] : memref<136x256xf32, #tpu.memory_space<vmem>>, vector<136x32xf32>
    %dot_general3A_754 = arith.constant dense<0.000000e+00> : vector<136x16xf32>
    %dot_general3A_755 = tpu.matmul %get3A_753, %get3A_735, %dot_general3A_754 {dimension_numbers = #tpu.dot_dimension_numbers<[1], [0], [0], [1], [0, 0, 1, 1], [], []>, transpose_lhs_hint = false} : vector<136x32xf32>, vector<32x16xf32>, vector<136x16xf32> -> vector<136x16xf32>
    %get3A_756 = arith.constant 0 : index
    %get3A_757 = arith.constant 128 : index
    %get3A_758 = vector.load %arg0[%get3A_756, %get3A_757] : memref<136x256xf32, #tpu.memory_space<vmem>>, vector<136x32xf32>
    %dot_general3A_759 = arith.constant dense<0.000000e+00> : vector<136x16xf32>
    %dot_general3A_760 = tpu.matmul %get3A_758, %get3A_735, %dot_general3A_759 {dimension_numbers = #tpu.dot_dimension_numbers<[1], [0], [0], [1], [0, 0, 1, 1], [], []>, transpose_lhs_hint = false} : vector<136x32xf32>, vector<32x16xf32>, vector<136x16xf32> -> vector<136x16xf32>
    %get3A_761 = arith.constant 0 : index
    %get3A_762 = arith.constant 160 : index
    %get3A_763 = vector.load %arg0[%get3A_761, %get3A_762] : memref<136x256xf32, #tpu.memory_space<vmem>>, vector<136x32xf32>
    %dot_general3A_764 = arith.constant dense<0.000000e+00> : vector<136x16xf32>
    %dot_general3A_765 = tpu.matmul %get3A_763, %get3A_735, %dot_general3A_764 {dimension_numbers = #tpu.dot_dimension_numbers<[1], [0], [0], [1], [0, 0, 1, 1], [], []>, transpose_lhs_hint = false} : vector<136x32xf32>, vector<32x16xf32>, vector<136x16xf32> -> vector<136x16xf32>
    %get3A_766 = arith.constant 0 : index
    %get3A_767 = arith.constant 192 : index
    %get3A_768 = vector.load %arg0[%get3A_766, %get3A_767] : memref<136x256xf32, #tpu.memory_space<vmem>>, vector<136x32xf32>
    %dot_general3A_769 = arith.constant dense<0.000000e+00> : vector<136x16xf32>
    %dot_general3A_770 = tpu.matmul %get3A_768, %get3A_735, %dot_general3A_769 {dimension_numbers = #tpu.dot_dimension_numbers<[1], [0], [0], [1], [0, 0, 1, 1], [], []>, transpose_lhs_hint = false} : vector<136x32xf32>, vector<32x16xf32>, vector<136x16xf32> -> vector<136x16xf32>
    %get3A_771 = arith.constant 0 : index
    %get3A_772 = arith.constant 224 : index
    %get3A_773 = vector.load %arg0[%get3A_771, %get3A_772] : memref<136x256xf32, #tpu.memory_space<vmem>>, vector<136x32xf32>
    %dot_general3A_774 = arith.constant dense<0.000000e+00> : vector<136x16xf32>
    %dot_general3A_775 = tpu.matmul %get3A_773, %get3A_735, %dot_general3A_774 {dimension_numbers = #tpu.dot_dimension_numbers<[1], [0], [0], [1], [0, 0, 1, 1], [], []>, transpose_lhs_hint = false} : vector<136x32xf32>, vector<32x16xf32>, vector<136x16xf32> -> vector<136x16xf32>
    %concatenate3A_776 = tpu.concatenate %dot_general3A_740, %dot_general3A_745, %dot_general3A_750, %dot_general3A_755, %dot_general3A_760, %dot_general3A_765, %dot_general3A_770, %dot_general3A_775 in 1 : vector<136x16xf32>, vector<136x16xf32>, vector<136x16xf32>, vector<136x16xf32>, vector<136x16xf32>, vector<136x16xf32>, vector<136x16xf32>, vector<136x16xf32> -> vector<136x128xf32>
    %swap3A_777 = arith.constant 2040 : index
    %swap3A_778 = arith.constant 0 : index
    %swap3A_779 = vector.load %arg3[%swap3A_777, %swap3A_778] : memref<2240x128xf32, #tpu.memory_space<vmem>>, vector<136x128xf32>
    tpu.vector_store %arg3[%swap3A_777, %swap3A_778], %concatenate3A_776 {strides = array<i32>} : memref<2240x128xf32, #tpu.memory_space<vmem>>, vector<136x128xf32>,
    %get3A_780 = arith.constant 0 : index
    %get3A_781 = arith.constant 0 : index
    %get3A_782 = vector.load %arg2[%get3A_780, %get3A_781] : memref<64x128xf32, #tpu.memory_space<vmem>>, vector<64x128xf32>
    %swap3A_783 = arith.constant 2176 : index
    %swap3A_784 = arith.constant 0 : index
    %swap3A_785 = vector.load %arg3[%swap3A_783, %swap3A_784] : memref<2240x128xf32, #tpu.memory_space<vmem>>, vector<64x128xf32>
    tpu.vector_store %arg3[%swap3A_783, %swap3A_784], %get3A_782 {strides = array<i32>} : memref<2240x128xf32, #tpu.memory_space<vmem>>, vector<64x128xf32>,
    return
  }
}

</mosaic_0001>

<sc_bundles>
// kernel: kernel.4.cloned.1.call-start
scs
__scs_entry_jumppad:
0x0: {  	(pc) =	sbr.rel $0x88, $3  }
0x1: {  	(tag) =	ssettag $0x0;
	lr =	simm.s32 $0x1  }
0x2: {  	[smem:$0x3F9C] =	sst lr;
	_ =	strace $0xD0000000  }
0x3: {  	_ = 	snop  }
0x4: {  	_ = 	snop  }
0x5: {  	_ = 	snop  }
0x6: {  	_ = 	snop  }
0x7: {  	_ = 	snop  }
__scs_overlays_trampoline_lowered:
0x8: {  	[smem:$0x3FAB] =	sst s0  }
0x9: {  	[smem:$0x3FAC] =	sst s1  }
0xa: {  	[smem:$0x3FAD] =	sst s2  }
0xb: {  	[smem:$0x3FAE] =	sst s3  }
0xc: {  	[smem:$0x3FAF] =	sst s4  }
0xd: {  	[smem:$0x3FB0] =	sst s5  }
0xe: {  	[smem:$0x3FB1] =	sst s6  }
0xf: {  	[smem:$0x3FB2] =	sst s7  }
0x10: {  	[smem:$0x3FB3] =	sst s8  }
0x11: {  	[smem:$0x3FB4] =	sst s9;
	s0 =	simm.s32 @!p0 $0x0  }
0x12: {  	s1 =	sld [smem:$0x3F9A];
	s0 =	simm.s32 @p0 $0x1  }
0x13: {  	[smem:$0x3FB5] =	sst s0;
	s0 =	simm.s32 @!p1 $0x0  }
0x14: {  	s2 =	sld [smem:$0x3F99];
	s0 =	simm.s32 @p1 $0x1  }
0x15: {  	[smem:$0x3FB6] =	sst s0;
	s0 =	simm.s32 @!p2 $0x0  }
0x16: {  	s3 =	sld [smem:$0x3FDB];
	s0 =	simm.s32 @p2 $0x1  }
0x17: {  	s4 =	simm.s32 $0x1BF5;
	[smem:$0x3FB8] =	sst s0  }
0x18: {  	s0 =	sld [smem:$0x3F9B];
	_ =	swait.ge [sflag:s4], $0x0  }
0x19: {  	s7 =	sld [smem:$0x3F9C]  }
0x1a: {  	s8 =	sadd.s32 $0xFFFFE003, lr  }
0x1b: {  	s9 =	sadd.s32 $0xFFFFFEF7, lr;
	s5 =	simm.s32 $0xFFFFFFFF;
	p2 =	slt.u32 s8, $0xFFFFF086  }
0x1c: {  	p1 =	slt.u32 s9, $0xF7A;
	s5 =	simm.s32 @!p2 $0x0  }
0x1d: {  	s5 =	simm.s32 @p1 $0x1;
	p0 =	seq.s32 s7, s2  }
0x1e: {  	s7 =	smul.u32 @!p0 $0xF7A, s2;
	p2 =	seq.s32 @!p0 s5, $0x0  }
0x1f: {  	s9 =	smul.u32 $0xF7A, s1;
	s8 =	simm.s32 @!p0 $0x1BF5;
	p2 =	por !p2, p0  }
0x20: {  	[sflag:s8] =	ssyncset.s32 @!p0 $0xFFFFF086;
	s6 =	sadd.s32 @!p0 s3, s7;
	s7 =	simm.s32 @!p0 $0x108  }
0x21: {  	s3 =	sadd.s32 s3, s9;
	s6 =	sadd.s32 @!p0 $0x88, s6;
	s7 =	simm.s32 @p2 $0x1082  }
0x22: {  	[simem:s7], [sflag:s8] =	dma.local @!p0 [hbm:s6], $0xF7A  }
0x23: {  	s9 =	sor.u32 $0xD0000000, s2;
	s6 =	simm.s32 $0x108;
	_ =	swait.ge @!p0 [sflag:s8], $0x0  }
0x24: {  	s3 =	sadd.s32 $0x88, s3;
	s6 =	simm.s32 @!p1 $0x1082;
	[sflag:s4] =	ssyncset.s32 $0xFFFFF086  }
0x25: {  	[simem:s6], [sflag:s4] =	dma.local [hbm:s3], $0xF7A  }
0x26: {  	[smem:$0x3F9C] =	sst s1;
	(tag) =	ssettag s2;
	_ =	strace s9  }
0x27: {  	s1 =	sld [smem:$0x3FAC]  }
0x28: {  	s2 =	sld [smem:$0x3FAD]  }
0x29: {  	s4 =	sld [smem:$0x3FAF]  }
0x2a: {  	p0 =	seq.s32 s5, $0x0;
	s5 =	sld [smem:$0x3FB0]  }
0x2b: {  	s6 =	sld [smem:$0x3FB1]  }
0x2c: {  	s7 =	sld [smem:$0x3FB2]  }
0x2d: {  	s3 =	simm.s32 $0x108;
	s8 =	sld [smem:$0x3FB3]  }
0x2e: {  	s3 =	simm.s32 @!p0 $0x1082;
	s9 =	sld [smem:$0x3FB4]  }
0x2f: {  	lr =	sadd.s32 s0, s3;
	s0 =	sld [smem:$0x3FAB]  }
0x30: {  	s3 =	sld [smem:$0x3FAE]  }
0x31: {  	[smem:$0x3FB7] =	sst s10  }
0x32: {  	s10 =	sld [smem:$0x3FB5];
	_ =	sdelay $0x3  }
0x33: {  	p0 =	seq.s32 s10, $0x1;
	s10 =	sld [smem:$0x3FB7];
	_ =	sdelay $0x3  }
0x34: {  	[smem:$0x3FB7] =	sst s10  }
0x35: {  	s10 =	sld [smem:$0x3FB6];
	_ =	sdelay $0x3  }
0x36: {  	p1 =	seq.s32 s10, $0x1;
	s10 =	sld [smem:$0x3FB7];
	_ =	sdelay $0x3  }
0x37: {  	[smem:$0x3FB7] =	sst s10  }
0x38: {  	s10 =	sld [smem:$0x3FB8]  }
0x39: {  	_ = 	snop;
	(pc) =	sbr.ind lr, $3  }
0x3a: {  	_ = 	snop  }
0x3b: {  	_ = 	snop  }
0x3c: {  	p2 =	seq.s32 s10, $0x1;
	s10 =	sld [smem:$0x3FB7]  }
0x3d: {  	_ =	shalt  }
0x3e: {  	_ =	shalt  }
0x3f: {  	_ =	shalt  }
0x40: {  	_ =	shalt  }
0x41: {  	_ =	shalt  }
0x42: {  	_ =	shalt  }
0x43: {  	_ =	shalt  }
0x44: {  	_ =	shalt  }
0x45: {  	_ =	shalt  }
0x46: {  	_ =	shalt  }
0x47: {  	_ =	shalt  }
0x48: {  	_ =	shalt  }
0x49: {  	_ =	shalt  }
0x4a: {  	_ =	shalt  }
0x4b: {  	_ =	shalt  }
0x4c: {  	_ =	shalt  }
0x4d: {  	_ =	shalt  }
0x4e: {  	_ =	shalt  }
0x4f: {  	_ =	shalt  }
0x50: {  	_ =	shalt  }
0x51: {  	_ =	shalt  }
0x52: {  	_ =	shalt  }
0x53: {  	_ =	shalt  }
0x54: {  	_ =	shalt  }
0x55: {  	_ =	shalt  }
0x56: {  	_ =	shalt  }
0x57: {  	_ =	shalt  }
0x58: {  	_ =	shalt  }
0x59: {  	_ =	shalt  }
0x5a: {  	_ =	shalt  }
0x5b: {  	_ =	shalt  }
0x5c: {  	_ =	shalt  }
0x5d: {  	_ =	shalt  }
0x5e: {  	_ =	shalt  }
0x5f: {  	_ =	shalt  }
0x60: {  	_ =	shalt  }
0x61: {  	_ =	shalt  }
0x62: {  	_ =	shalt  }
0x63: {  	_ =	shalt  }
0x64: {  	_ =	shalt  }
0x65: {  	_ =	shalt  }
0x66: {  	_ =	shalt  }
0x67: {  	_ =	shalt  }
0x68: {  	_ =	shalt  }
0x69: {  	_ =	shalt  }
0x6a: {  	_ =	shalt  }
0x6b: {  	_ =	shalt  }
0x6c: {  	_ =	shalt  }
0x6d: {  	_ =	shalt  }
0x6e: {  	_ =	shalt  }
0x6f: {  	_ =	shalt  }
0x70: {  	_ =	shalt  }
0x71: {  	_ =	shalt  }
0x72: {  	_ =	shalt  }
0x73: {  	_ =	shalt  }
0x74: {  	_ =	shalt  }
0x75: {  	_ =	shalt  }
0x76: {  	_ =	shalt  }
0x77: {  	_ =	shalt  }
0x78: {  	_ =	shalt  }
0x79: {  	_ =	shalt  }
0x7a: {  	_ =	shalt  }
0x7b: {  	_ =	shalt  }
0x7c: {  	_ =	shalt  }
0x7d: {  	_ =	shalt  }
0x7e: {  	_ =	shalt  }
0x7f: {  	_ =	shalt  }
0x80: {  	_ =	shalt  }
0x81: {  	_ =	shalt  }
0x82: {  	_ =	shalt  }
0x83: {  	_ =	shalt  }
0x84: {  	_ =	shalt  }
0x85: {  	_ =	shalt  }
0x86: {  	_ =	shalt  }
0x87: {  	_ =	shalt  }
.Lfunc_end0:
.L_simem_size_0:
called_computation_lowered:
.L_overlay_start_0:
0x88: {  	s2 =	sld [smem:$0x3FD9]  }
0x89: {  	s3 =	sld [smem:$0x3FFE];
	_ =	sdelay $0x1  }
0x8a: {  	s1 =	srdreg.scid  }
0x8b: {  	s0 =	sand.u32 $0x1, s1  }
0x8c: {  	s17 =	sshll.u32 s0, $0xA;
	s2 =	sadd.s32 s3, s2  }
0x8d: {  	s2 =	sadd.s32 s2, s17  }
0x8e: {  	[smem:$0x3FC3] =	sst s2  }
0x8f: {  	_ = 	snop  }
0x90: {  	s2 =	sld [smem:$0x3FC9]  }
0x91: {  	s18 =	sld [smem:$0x3FC8]  }
0x92: {  	s4 =	sld [smem:$0x3FD0];
	(tm) =	ssettm $0x1  }
0x93: {  	s5 =	sld [smem:$0x3FFB];
	_ =	sdelay $0x3  }
0x94: {  	_ =	strace s5  }
0x95: {  	s5 =	sld [smem:$0x3FFC];
	_ =	sdelay $0x3  }
0x96: {  	_ =	strace s5  }
0x97: {  	s5 =	sld [smem:$0x3FFD];
	_ =	sdelay $0x3  }
0x98: {  	_ =	strace s5  }
0x99: {  	_ =	strace $0x8FFFFFFF  }
0x9a: {  	s19 =	sld [smem:$0x3FDB];
	_ =	sdelay $0x1  }
0x9b: {  	s6 =	simm.s32 $_scs_section_size  }
0x9c: {  	s7 =	simm.s32 $_size__tile_overlayer_lowered;
	s8 =	simm.s32 $_tile_overlayer_lowered  }
0x9d: {  	s22 =	simm.s32 $0x1BFF;
	s21 =	sshll.u32 s8, $0x1;
	s5 =	sadd.s32 s6, s19  }
0x9e: {  	s9 =	simm.s32 $0x0;
	s20 =	sshll.u32 s7, $0x1;
	s7 =	sadd.s32 s21, s5  }
0x9f: {  	[timem:s9], [sflag:s22] =	dma.local [hbm:s7], s20  }
0xa0: {  	_ =	swait.ge [sflag:s22], s20  }
0xa1: {  	s6 =	ssub.s32 $0x0, s20;
	[sflag:s22] =	ssyncset.done $0x0  }
0xa2: {  	[sflag:s22] =	ssyncadd.s32 s6;
	_ =	sdelay $0x1  }
0xa3: {  	s23 =	simm.s32 $0x1B8B  }
0xa4: {  	_ =	swait.ge [sflag:s23], $0x1  }
0xa5: {  	[sflag:s23] =	ssyncset.done $0x0  }
0xa6: {  	s25 =	simm.s32 $0x1B8E;
	s24 =	sld [smem:$0x3FFE];
	[sflag:s23] =	ssyncadd.s32 $0xFFFFFFFF  }
0xa7: {  	s26 =	simm.s32 $execute0_lowered;
	[smem:$0x3FD2] =	sst s25  }
0xa8: {  	s7 =	sshll.u32 s26, $0x1;
	_ =	strace $0x80000046;
	[dreg:$0x1] =	wrdreg $0xFFFFFFFF  }
0xa9: {  	s28 =	simm.s32 $_size_execute0_lowered;
	s5 =	sadd.s32 s5, s7;
	[dreg:$0x0] =	wrdreg $0x0  }
0xaa: {  	s7 =	sshll.u32 s28, $0x1;
	[dreg:$0x2] =	wrdreg s5  }
0xab: {  	[dreg:$0x3] =	wrdreg s7  }
0xac: {  	[dreg:$0x4] =	wrdreg $0xC0  }
0xad: {  	_ =	task [dreg:s9], $0x5FFFF  }
0xae: {  	[dreg:$0x1] =	wrdreg $0xFFFFFFFF  }
0xaf: {  	[dreg:$0x0] =	wrdreg $0x60  }
0xb0: {  	[dreg:$0x2] =	wrdreg s24  }
0xb1: {  	[dreg:$0x3] =	wrdreg s2  }
0xb2: {  	[dreg:$0x4] =	wrdreg s18  }
0xb3: {  	[dreg:$0x5] =	wrdreg s4  }
0xb4: {  	[dreg:$0x6] =	wrdreg $0x9  }
0xb5: {  	_ =	task.clear_ibuf [dreg:s9], $0x7FFFF;
	_ =	strace $0x90000046  }
0xb6: {  	s29 =	simm.s32 $0x9;
	_ =	strace $0x80000048  }
0xb7: {  	_ =	swait.ge [sflag:s29], $0x1  }
0xb8: {  	[sflag:s29] =	ssyncadd.s32 $0xFFFFFFFF  }
0xb9: {  	_ =	strace $0x90000048  }
0xba: {  	_ =	sfence  }
0xbb: {  	s30 =	sld [smem:$0x0];
	_ =	sdelay $0x2  }
0xbc: {  	s31 =	sshll.u32 s1, $0xD;
	s1 =	sshrl.u32 s1, $0x2  }
0xbd: {  	s3 =	sand.u32 $0x4000, s31;
	s1 =	sadd.s32 s1, s30  }
0xbe: {  	s0 =	sor.u32 s3, s0;
	s1 =	sshll.u32 s1, $0x11  }
0xbf: {  	s0 =	sor.u32 s1, s0  }
0xc0: {  	s0 =	sadd.s32 $0x8F2B, s0  }
0xc1: {  	[sflag:s0] =	ssyncadd.remote.s32 $0x1  }
0xc2: {  	_ =	sfence.sel $0xFFFF  }
0xc3: {  	[dreg:$0x0] =	wrdreg $0xFFFFFFFF;
	(pc) =	sbr.abs _section_cstart, $3  }
0xc4: {  	[dreg:$0x1] =	wrdreg $0xFFFFFFFF  }
0xc5: {  	_ =	task.clear_ibuf [dreg:s9], $0x2FFFF;
	_ =	strace $0x9FFFFFFF  }
0xc6: {  	(tm) =	ssettm $0x7FFFFFFF  }
0xc7: {  	_ =	shalt  }
tec
execute0_lowered:
.L_overlay_start_1:
0x0: {  	(tag) =	ssettag $0x1  }
0x1: {  	s0 =	rddreg [dreg:$0x0]  }
0x2: {  	s13 =	rddreg [dreg:$0x1]  }
0x3: {  	s1 =	srdreg.scid;
	s24 =	rddreg [dreg:$0x2]  }
0x4: {  	s8 =	stileid.u32;
	s2 =	rddreg [dreg:$0x3];
	s5 =	simm.s32 $0x0  }
0x5: {  	s31 =	simm.s32 $0x1080;
	s10 =	simm.s32 $0xB180;
	s1 =	sand.u32 $0x1, s1  }
0x6: {  	s3 =	sshll.u32 s8, $0x6;
	[smem:$0x7FF] =	sst s5;
	s11 =	sshrl.u32 s8, $0x1  }
0x7: {  	s30 =	sadd.s32 $0x600, s0;
	s25 =	sshll.u32 s8, $0xE;
	s4 =	sshll.u32 s1, $0x5  }
0x8: {  	s1 =	ssub.s32 $0x2, s1;
	s12 =	sshll.u32 s11, $0x12;
	_ =	strace $0x80000047  }
0x9: {  	s28 =	sand.u32 $0x38000, s25;
	[dreg:$0x7] =	wrdreg s30;
	s7 =	sor.u32 s4, s3  }
0xa: {  	s6 =	sshrl.u32 s1, $0x1;
	s3 =	sshll.u32 s11, $0xE;
	s9 =	sand.u32 $0x60, s7  }
0xb: {  	s15 =	ssub.s32 s1, s6;
	s26 =	sor.u32 $0x2, s7;
	[dreg:$0x5] =	wrdreg s7  }
0xc: {  	s29 =	sor.u32 $0x3, s7;
	s14 =	sshll.u32 s9, $0xB;
	[dreg:$0x6] =	wrdreg s9  }
0xd: {  	s17 =	sshll.u32 s9, $0x7;
	s18 =	sor.u32 $0x1, s9;
	[dreg:$0xc] =	wrdreg s26  }
0xe: {  	[dreg:$0xe] =	wrdreg s29;
	s0 =	smax.u32 s15, $0x1;
	s5 =	sor.u32 s12, s14  }
0xf: {  	s19 =	sor.u32 s3, s17;
	s20 =	sshll.u32 s18, $0xB;
	s16 =	sshrl.u32 s5, $0x3  }
0x10: {  	s21 =	sshll.u32 s18, $0x7;
	[dreg:$0xf] =	wrdreg s0;
	s1 =	sadd.s32 s24, s16  }
0x11: {  	s4 =	sor.u32 s12, s20;
	[dreg:$0x8] =	wrdreg s1;
	s1 =	sshrl.u32 s19, $0x3  }
0x12: {  	s3 =	sor.u32 s3, s21;
	s22 =	sshrl.u32 s4, $0x3;
	s1 =	sadd.s32 s13, s1  }
0x13: {  	s23 =	sshrl.u32 s3, $0x3;
	[dreg:$0x9] =	wrdreg s1;
	s1 =	sadd.s32 s24, s22  }
0x14: {  	s11 =	simm.s32 $0x13A00;
	[dreg:$0xa] =	wrdreg s1;
	s1 =	sadd.s32 s13, s23  }
0x15: {  	v0 =	vlaneseq.u32;
	s4 =	simm.s32 $0x80;
	[dreg:$0xb] =	wrdreg s1;
	s1 =	sadd.s32 s2, s28  }
0x16: {  	v0 =	vmul.u32 $0x80, v0;
	s3 =	simm.s32 $0x0;
	s2 =	simm.s32 $0x9900;
	[dreg:$0xd] =	wrdreg s1  }
.LBB2_1:
0x17: {  	[dreg:$0x10] =	wrdreg s3  }
0x18: {  	s0 =	simm.s32 $0x0;
	s1 =	rddreg [dreg:$0x8]  }
0x19: {  	[tilespmem:s0], [sflag:$0x1] =	stream.linear.gather [hbm4b:s1+s0], $0x800, $0x38;
	[tilespmem:$0x14200] =	vst v63  }
0x1a: {  	s21 =	rddreg [dreg:$0x9];
	s22 =	simm.s32 $0x800  }
0x1b: {  	[tilespmem:s22], [sflag:$0x1] =	stream.linear.gather [hbm4b:s21+s0], $0x80, $0x38;
	[tilespmem:$0x14200] =	vst v63  }
0x1c: {  	s23 =	rddreg [dreg:$0xa];
	s25 =	simm.s32 $0xA100  }
0x1d: {  	[tilespmem:s25], [sflag:$0x5] =	stream.linear.gather [hbm4b:s23+s0], $0x800, $0x38;
	[tilespmem:$0x14200] =	vst v63  }
0x1e: {  	s26 =	rddreg [dreg:$0xb];
	s28 =	simm.s32 $0xA900;
	s29 =	simm.s32 $0x1  }
0x1f: {  	[tilespmem:s28], [sflag:$0x5] =	stream.linear.gather [hbm4b:s26+s0], $0x80, $0x38;
	[tilespmem:$0x14200] =	vst v63  }
0x20: {  	_ =	swait.ge [sflag:s29], $0x800  }
0x21: {  	[sflag:s29] =	ssyncset.done $0x0  }
0x22: {  	[sflag:s29] =	ssyncadd.s32 $0xFFFFF800  }
0x23: {  	_ =	swait.ge [sflag:s29], $0x80  }
0x24: {  	[sflag:s29] =	ssyncset.done $0x0  }
0x25: {  	s0 =	simm.s32 $0x0;
	[sflag:s29] =	ssyncadd.s32 $0xFFFFFF80  }
0x26: {  	s1 =	simm.s32 $0x40;
	v1 =	vld [tilespmem:s0+$0x800]  }
.LBB2_2:
0x27: {  	p0 =	sne.s32 s1, $0x1C0  }
.Ltmp0:
0x28: {  	_ = 	snop;
	(pc) =	sbr.rel @p0 .LBB2_2-.Ltmp0, $3  }
0x29: {  	_ =	sdelay $0x1  }
0x2a: {  	s3 =	sshra.s32 s1, $0x2;
	s1 =	sadd.s32 $0x40, s1;
	v2 =	vadd.s32 $0x4400, v1  }
0x2b: {  	v1 =	vld [tilespmem:s3+$0x800];
	[tilespmem:s0+$0x800] =	vst v2;
	s0 =	smov.u32 s3  }
0x2c: {  	_ =	sdelay $0x3  }
0x2d: {  	v1 =	vadd.s32 $0x4400, v1  }
0x2e: {  	s29 =	simm.s32 $0x800;
	s1 =	simm.s32 $0x880;
	s23 =	simm.s32 $0x40;
	[tilespmem:s0+$0x800] =	vst v1  }
0x2f: {  	[tilespmem:s1], [sflag:$0x2] =	stream.indirect.gather [hbm4b:s30+s4], $0x10, s29, s4, $0xb8;
	[tilespmem:$0x14200] =	vst v63  }
0x30: {  	v1 =	vld [tilespmem:s23+$0xFFFFFFC0];
	_ =	sdelay $0x3  }
0x31: {  	s15 =	simm.s32 $0x0  }
0x32: {  	s14 =	simm.s32 $0x1140;
	v1 =	vadd.s32 s15, v1  }
0x33: {  	[tilespmem:s14+$0xFFFFFFC0] =	vst v1  }
0x34: {  	s25 =	simm.s32 $0xC0;
	v1 =	vld [tilespmem:s23+$0xFFFFFFD0]  }
0x35: {  	v2 =	vld [tilespmem:s25+$0xFFFFFFC0];
	_ =	sdelay $0x3  }
0x36: {  	s17 =	simm.s32 $0x440;
	v1 =	vadd.s32 s15, v1  }
0x37: {  	s21 =	simm.s32 $0x11C0;
	v2 =	vadd.s32 s17, v2;
	[tilespmem:s14+$0xFFFFFFD0] =	vst v1  }
0x38: {  	[tilespmem:s21+$0xFFFFFFC0] =	vst v2;
	v1 =	vld [tilespmem:s23+$0xFFFFFFE0]  }
0x39: {  	s1 =	simm.s32 $0x140;
	v2 =	vld [tilespmem:s25+$0xFFFFFFD0]  }
0x3a: {  	v3 =	vld [tilespmem:s1+$0xFFFFFFC0];
	_ =	sdelay $0x2  }
0x3b: {  	v1 =	vadd.s32 s15, v1  }
0x3c: {  	s22 =	simm.s32 $0x880;
	v2 =	vadd.s32 s17, v2;
	[tilespmem:s14+$0xFFFFFFE0] =	vst v1  }
0x3d: {  	s4 =	simm.s32 $0x1240;
	[tilespmem:s21+$0xFFFFFFD0] =	vst v2;
	v1 =	vadd.s32 s22, v3;
	v2 =	vld [tilespmem:s23+$0xFFFFFFF0]  }
0x3e: {  	[tilespmem:s4+$0xFFFFFFC0] =	vst v1;
	v1 =	vld [tilespmem:s25+$0xFFFFFFE0]  }
0x3f: {  	s5 =	simm.s32 $0x1C0;
	v3 =	vld [tilespmem:s1+$0xFFFFFFD0]  }
0x40: {  	v4 =	vld [tilespmem:s5+$0xFFFFFFC0];
	_ =	sdelay $0x1  }
0x41: {  	v2 =	vadd.s32 s15, v2  }
0x42: {  	v1 =	vadd.s32 s17, v1;
	[tilespmem:s14+$0xFFFFFFF0] =	vst v2  }
0x43: {  	s26 =	simm.s32 $0xCC0;
	v2 =	vadd.s32 s22, v3;
	[tilespmem:s21+$0xFFFFFFE0] =	vst v1;
	v1 =	vld [tilespmem:s23+$0x0]  }
0x44: {  	s3 =	simm.s32 $0x12C0;
	v3 =	vadd.s32 s26, v4;
	[tilespmem:s4+$0xFFFFFFD0] =	vst v2;
	v2 =	vld [tilespmem:s25+$0xFFFFFFF0]  }
0x45: {  	[tilespmem:s3+$0xFFFFFFC0] =	vst v3;
	v3 =	vld [tilespmem:s1+$0xFFFFFFE0]  }
0x46: {  	s0 =	simm.s32 $0x240;
	v4 =	vld [tilespmem:s5+$0xFFFFFFD0]  }
0x47: {  	v5 =	vld [tilespmem:s0+$0xFFFFFFC0]  }
0x48: {  	v1 =	vadd.s32 s15, v1  }
0x49: {  	v2 =	vadd.s32 s17, v2;
	[tilespmem:s14+$0x0] =	vst v1  }
0x4a: {  	v1 =	vadd.s32 s22, v3;
	[tilespmem:s21+$0xFFFFFFF0] =	vst v2;
	v2 =	vld [tilespmem:s23+$0x10]  }
0x4b: {  	s6 =	simm.s32 $0x1100;
	v3 =	vadd.s32 s26, v4;
	[tilespmem:s4+$0xFFFFFFE0] =	vst v1;
	v1 =	vld [tilespmem:s25+$0x0]  }
0x4c: {  	s12 =	simm.s32 $0x1340;
	v4 =	vadd.s32 s6, v5;
	[tilespmem:s3+$0xFFFFFFD0] =	vst v3;
	v3 =	vld [tilespmem:s1+$0xFFFFFFF0]  }
0x4d: {  	s16 =	simm.s32 $0x2C0;
	[tilespmem:s12+$0xFFFFFFC0] =	vst v4;
	v4 =	vld [tilespmem:s5+$0xFFFFFFE0]  }
0x4e: {  	v6 =	vld [tilespmem:s16+$0xFFFFFFC0]  }
0x4f: {  	v5 =	vld [tilespmem:s0+$0xFFFFFFD0];
	v2 =	vadd.s32 s15, v2  }
0x50: {  	v1 =	vadd.s32 s17, v1;
	[tilespmem:s14+$0x10] =	vst v2  }
0x51: {  	[tilespmem:s21+$0x0] =	vst v1;
	v7 =	vld [tilespmem:s23+$0x20]  }
0x52: {  	s18 =	simm.s32 $0x1540;
	s9 =	simm.s32 $0x340;
	v2 =	vadd.s32 s22, v3;
	v1 =	vadd.s32 s26, v4;
	v4 =	vld [tilespmem:s25+$0x10]  }
0x53: {  	v3 =	vadd.s32 s18, v6;
	v6 =	vld [tilespmem:s9+$0xFFFFFFC0];
	[tilespmem:s4+$0xFFFFFFF0] =	vst v2  }
0x54: {  	v2 =	vadd.s32 s6, v5;
	[tilespmem:s3+$0xFFFFFFE0] =	vst v1;
	v1 =	vld [tilespmem:s1+$0x0]  }
0x55: {  	s28 =	simm.s32 $0x13C0;
	[tilespmem:s12+$0xFFFFFFD0] =	vst v2;
	v2 =	vld [tilespmem:s5+$0xFFFFFFF0]  }
0x56: {  	[tilespmem:s28+$0xFFFFFFC0] =	vst v3;
	v3 =	vld [tilespmem:s0+$0xFFFFFFE0];
	v7 =	vadd.s32 s15, v7  }
0x57: {  	s8 =	simm.s32 $0x1980;
	s19 =	simm.s32 $0x1DC0;
	v5 =	vld [tilespmem:s16+$0xFFFFFFD0];
	v4 =	vadd.s32 s17, v4;
	[tilespmem:s14+$0x20] =	vst v7  }
.LBB2_4:
0x58: {  	p0 =	sne.s32 s19, $0x3FC0;
	s20 =	smov.u32 s12;
	s12 =	smov.u32 s28  }
0x59: {  	v1 =	vadd.s32 s22, v1;
	[tilespmem:s21+$0x10] =	vst v4;
	v4 =	vld [tilespmem:s23+$0x30];
	s23 =	smov.u32 s25;
	s25 =	smov.u32 s1;
	s1 =	smov.u32 s5  }
0x5a: {  	s5 =	smov.u32 s0;
	s0 =	smov.u32 s16;
	s16 =	smov.u32 s9;
	v2 =	vadd.s32 s26, v2;
	[tilespmem:s4+$0x0] =	vst v1;
	v7 =	vld [tilespmem:s23+$0x20]  }
0x5b: {  	s29 =	smov.u32 s26;
	s26 =	smov.u32 s6;
	v1 =	vadd.s32 s6, v3;
	[tilespmem:s3+$0xFFFFFFF0] =	vst v2;
	v8 =	vld [tilespmem:s25+$0x10];
	s6 =	smov.u32 s18  }
.Ltmp1:
0x5c: {  	s18 =	smov.u32 s8;
	s8 =	smov.u32 s19;
	v2 =	vadd.s32 s6, v5;
	[tilespmem:s20+$0xFFFFFFE0] =	vst v1;
	v1 =	vld [tilespmem:s1+$0x0];
	(pc) =	sbr.rel @p0 .LBB2_4-.Ltmp1, $4  }
0x5d: {  	s28 =	sadd.s32 $0x80, s28;
	v3 =	vadd.s32 s18, v6;
	[tilespmem:s12+$0xFFFFFFD0] =	vst v2;
	v2 =	vld [tilespmem:s5+$0xFFFFFFF0]  }
0x5e: {  	[tilespmem:s28+$0xFFFFFFC0] =	vst v3;
	v3 =	vld [tilespmem:s0+$0xFFFFFFE0];
	v4 =	vadd.s32 s15, v4;
	s15 =	smov.u32 s17;
	s17 =	smov.u32 s22;
	s22 =	smov.u32 s29  }
0x5f: {  	s9 =	sadd.s32 $0x80, s9;
	v5 =	vld [tilespmem:s16+$0xFFFFFFD0];
	v7 =	vadd.s32 s15, v7;
	[tilespmem:s14+$0x30] =	vst v4;
	s14 =	smov.u32 s21;
	s21 =	smov.u32 s4  }
0x60: {  	s19 =	sadd.s32 $0x440, s19;
	s4 =	smov.u32 s3;
	s3 =	smov.u32 s20;
	v6 =	vld [tilespmem:s9+$0xFFFFFFC0];
	v4 =	vadd.s32 s17, v8;
	[tilespmem:s14+$0x20] =	vst v7  }
0x61: {  	_ =	sdelay $0x3  }
0x62: {  	s19 =	sadd.s32 $0x80, s28;
	v6 =	vadd.s32 s8, v6  }
0x63: {  	[tilespmem:s19+$0xFFFFFFC0] =	vst v6  }
0x64: {  	v6 =	vld [tilespmem:s9+$0xFFFFFFD0];
	_ =	sdelay $0x3  }
0x65: {  	v5 =	vadd.s32 s18, v5  }
0x66: {  	[tilespmem:s28+$0xFFFFFFD0] =	vst v5;
	v5 =	vadd.s32 s8, v6  }
0x67: {  	v6 =	vld [tilespmem:s16+$0xFFFFFFE0];
	[tilespmem:s19+$0xFFFFFFD0] =	vst v5  }
0x68: {  	v5 =	vld [tilespmem:s9+$0xFFFFFFE0];
	_ =	sdelay $0x2  }
0x69: {  	v3 =	vadd.s32 s6, v3  }
0x6a: {  	[tilespmem:s12+$0xFFFFFFE0] =	vst v3;
	v3 =	vadd.s32 s18, v6  }
0x6b: {  	v6 =	vld [tilespmem:s0+$0xFFFFFFF0];
	[tilespmem:s28+$0xFFFFFFE0] =	vst v3;
	v3 =	vadd.s32 s8, v5  }
0x6c: {  	v5 =	vld [tilespmem:s16+$0xFFFFFFF0];
	[tilespmem:s19+$0xFFFFFFE0] =	vst v3  }
0x6d: {  	v3 =	vld [tilespmem:s9+$0xFFFFFFF0];
	_ =	sdelay $0x1  }
0x6e: {  	v2 =	vadd.s32 s26, v2  }
0x6f: {  	[tilespmem:s3+$0xFFFFFFF0] =	vst v2;
	v2 =	vadd.s32 s6, v6  }
0x70: {  	v6 =	vld [tilespmem:s5+$0x0];
	[tilespmem:s12+$0xFFFFFFF0] =	vst v2;
	v2 =	vadd.s32 s18, v5  }
0x71: {  	v5 =	vld [tilespmem:s0+$0x0];
	[tilespmem:s28+$0xFFFFFFF0] =	vst v2;
	v2 =	vadd.s32 s8, v3  }
0x72: {  	v3 =	vld [tilespmem:s16+$0x0];
	[tilespmem:s19+$0xFFFFFFF0] =	vst v2  }
0x73: {  	v2 =	vld [tilespmem:s9+$0x0]  }
0x74: {  	v1 =	vadd.s32 s22, v1  }
0x75: {  	[tilespmem:s4+$0x0] =	vst v1;
	v1 =	vadd.s32 s26, v6  }
0x76: {  	v6 =	vld [tilespmem:s1+$0x10];
	[tilespmem:s3+$0x0] =	vst v1;
	v1 =	vadd.s32 s6, v5  }
0x77: {  	v5 =	vld [tilespmem:s5+$0x10];
	[tilespmem:s12+$0x0] =	vst v1;
	v1 =	vadd.s32 s18, v3  }
0x78: {  	v3 =	vld [tilespmem:s0+$0x10];
	[tilespmem:s28+$0x0] =	vst v1;
	v1 =	vadd.s32 s8, v2  }
0x79: {  	v2 =	vld [tilespmem:s16+$0x10];
	[tilespmem:s19+$0x0] =	vst v1  }
0x7a: {  	v1 =	vld [tilespmem:s9+$0x10]  }
0x7b: {  	[tilespmem:s21+$0x10] =	vst v4;
	v4 =	vadd.s32 s22, v6  }
0x7c: {  	v6 =	vld [tilespmem:s25+$0x20];
	[tilespmem:s4+$0x10] =	vst v4;
	v4 =	vadd.s32 s26, v5  }
0x7d: {  	v5 =	vld [tilespmem:s1+$0x20];
	[tilespmem:s3+$0x10] =	vst v4;
	v3 =	vadd.s32 s6, v3  }
0x7e: {  	v4 =	vld [tilespmem:s5+$0x20];
	[tilespmem:s12+$0x10] =	vst v3;
	v2 =	vadd.s32 s18, v2  }
0x7f: {  	v3 =	vld [tilespmem:s0+$0x20];
	[tilespmem:s28+$0x10] =	vst v2;
	v1 =	vadd.s32 s8, v1  }
0x80: {  	v2 =	vld [tilespmem:s16+$0x20];
	[tilespmem:s19+$0x10] =	vst v1  }
0x81: {  	v1 =	vadd.s32 s17, v6;
	v6 =	vld [tilespmem:s9+$0x20]  }
0x82: {  	v7 =	vld [tilespmem:s23+$0x30];
	[tilespmem:s21+$0x20] =	vst v1;
	v1 =	vadd.s32 s22, v5  }
0x83: {  	v5 =	vld [tilespmem:s25+$0x30];
	[tilespmem:s4+$0x20] =	vst v1;
	v1 =	vadd.s32 s26, v4  }
0x84: {  	v4 =	vld [tilespmem:s1+$0x30];
	[tilespmem:s3+$0x20] =	vst v1;
	v1 =	vadd.s32 s6, v3  }
0x85: {  	v3 =	vld [tilespmem:s5+$0x30];
	[tilespmem:s12+$0x20] =	vst v1;
	v1 =	vadd.s32 s18, v2  }
0x86: {  	v2 =	vld [tilespmem:s0+$0x30];
	[tilespmem:s28+$0x20] =	vst v1;
	v1 =	vadd.s32 s8, v6  }
0x87: {  	v6 =	vadd.s32 s15, v7;
	v7 =	vld [tilespmem:s16+$0x30];
	[tilespmem:s19+$0x20] =	vst v1  }
0x88: {  	[tilespmem:s14+$0x30] =	vst v6;
	v1 =	vadd.s32 s17, v5;
	v5 =	vld [tilespmem:s9+$0x30]  }
0x89: {  	[tilespmem:s21+$0x30] =	vst v1;
	v1 =	vadd.s32 s22, v4  }
0x8a: {  	[tilespmem:s4+$0x30] =	vst v1;
	v1 =	vadd.s32 s26, v3  }
0x8b: {  	[tilespmem:s3+$0x30] =	vst v1;
	v1 =	vadd.s32 s6, v2  }
0x8c: {  	[tilespmem:s12+$0x30] =	vst v1;
	v1 =	vadd.s32 s18, v7  }
0x8d: {  	[tilespmem:s28+$0x30] =	vst v1;
	v1 =	vadd.s32 s8, v5  }
0x8e: {  	s14 =	simm.s32 $0x0;
	[tilespmem:s19+$0x30] =	vst v1  }
0x8f: {  	v1 =	vld [tilespmem:s14+$0x200]  }
0x90: {  	v2 =	vld [tilespmem:s14+$0x0]  }
0x91: {  	v3 =	vld [tilespmem:s14+$0x80]  }
0x92: {  	v4 =	vld [tilespmem:s14+$0x100]  }
0x93: {  	v5 =	vld [tilespmem:s14+$0x180]  }
0x94: {  	v6 =	vld [tilespmem:s14+$0x780]  }
0x95: {  	v7 =	vld [tilespmem:s14+$0x280]  }
0x96: {  	v8 =	vld [tilespmem:s14+$0x300];
	vm0 =	vlt.s32 v2, $0x1;
	vm1 =	vlt.s32 v3, $0x1  }
0x97: {  	v9 =	vld [tilespmem:s14+$0x380];
	v2 =	vnsel vm0, $0x1, v2;
	v3 =	vnsel vm1, $0x1, v3;
	vm0 =	vlt.s32 v4, $0x1  }
0x98: {  	vm1 =	vlt.s32 v5, $0x1;
	v2 =	vadd.s32 v2, v3;
	v3 =	vnsel vm0, $0x1, v4;
	v4 =	vld [tilespmem:s14+$0x400]  }
0x99: {  	vm0 =	vlt.s32 v1, $0x1;
	v2 =	vadd.s32 v3, v2;
	v3 =	vnsel vm1, $0x1, v5;
	v5 =	vld [tilespmem:s14+$0x480]  }
0x9a: {  	v1 =	vnsel vm0, $0x1, v1;
	vm0 =	vlt.s32 v7, $0x1;
	v2 =	vadd.s32 v3, v2;
	v3 =	vld [tilespmem:s14+$0x500]  }
0x9b: {  	v1 =	vadd.s32 v1, v2;
	v2 =	vnsel vm0, $0x1, v7;
	vm0 =	vlt.s32 v8, $0x1;
	v7 =	vld [tilespmem:s14+$0x580]  }
0x9c: {  	v1 =	vadd.s32 v2, v1;
	v2 =	vnsel vm0, $0x1, v8;
	vm0 =	vlt.s32 v9, $0x1;
	v8 =	vld [tilespmem:s14+$0x600]  }
0x9d: {  	v1 =	vadd.s32 v2, v1;
	v2 =	vnsel vm0, $0x1, v9;
	vm0 =	vlt.s32 v4, $0x1;
	v9 =	vld [tilespmem:s14+$0x680]  }
0x9e: {  	s15 =	simm.s32 $0x10;
	v1 =	vadd.s32 v2, v1;
	v2 =	vnsel vm0, $0x1, v4;
	vm0 =	vlt.s32 v5, $0x1;
	v4 =	vld [tilespmem:s14+$0x700]  }
0x9f: {  	v10 =	vld [tilespmem:s15+$0x200];
	v1 =	vadd.s32 v2, v1;
	v2 =	vnsel vm0, $0x1, v5;
	vm0 =	vlt.s32 v3, $0x1  }
0xa0: {  	v5 =	vld [tilespmem:s15+$0x180];
	v1 =	vadd.s32 v2, v1;
	v2 =	vnsel vm0, $0x1, v3;
	vm0 =	vlt.s32 v7, $0x1  }
0xa1: {  	v3 =	vld [tilespmem:s15+$0x0];
	v1 =	vadd.s32 v2, v1;
	v2 =	vnsel vm0, $0x1, v7;
	vm0 =	vlt.s32 v8, $0x1  }
0xa2: {  	v7 =	vld [tilespmem:s15+$0x80];
	v1 =	vadd.s32 v2, v1;
	v2 =	vnsel vm0, $0x1, v8;
	vm0 =	vlt.s32 v9, $0x1  }
0xa3: {  	v8 =	vld [tilespmem:s15+$0x100];
	v1 =	vadd.s32 v2, v1;
	v2 =	vnsel vm0, $0x1, v9;
	vm0 =	vlt.s32 v4, $0x1  }
0xa4: {  	v2 =	vadd.s32 v2, v1;
	v4 =	vnsel vm0, $0x1, v4;
	vm0 =	vlt.s32 v6, $0x1  }
0xa5: {  	v11 =	vld [tilespmem:s15+$0x480];
	v2 =	vadd.s32 v4, v2;
	v4 =	vnsel vm0, $0x1, v6  }
0xa6: {  	vm1 =	vlt.s32 v10, $0x1;
	vm0 =	vlt.s32 v5, $0x1;
	v6 =	vld [tilespmem:s15+$0x280];
	v2 =	vadd.s32 v4, v2  }
0xa7: {  	vm2 =	vlt.s32 v3, $0x1;
	vm3 =	vlt.s32 v7, $0x1;
	v4 =	vld [tilespmem:s15+$0x300];
	v2 =	vcvt.s32.f32 v2  }
0xa8: {  	v9 =	vld [tilespmem:s15+$0x380];
	v3 =	vnsel vm2, $0x1, v3;
	v7 =	vnsel vm3, $0x1, v7;
	vm2 =	vlt.s32 v8, $0x1  }
0xa9: {  	v3 =	vadd.s32 v3, v7;
	v7 =	vnsel vm2, $0x1, v8;
	v8 =	vld [tilespmem:s15+$0x400];
	v2 =	vmax.f32 v2, $1.000000000e+00  }
0xaa: {  	v12 =	vld [tilespmem:s15+$0x580];
	v5 =	vnsel vm0, $0x1, v5;
	v3 =	vadd.s32 v7, v3;
	(erf) = vrcp.f32 v2  }
0xab: {  	v2 =	vadd.s32 v5, v3;
	v3 =	vnsel vm1, $0x1, v10;
	vm0 =	vlt.s32 v6, $0x1;
	v10 =	vld [tilespmem:s15+$0x500]  }
0xac: {  	v1 =	vld [tilespmem:s15+$0x780];
	v2 =	vadd.s32 v3, v2;
	v3 =	vnsel vm0, $0x1, v6;
	vm0 =	vlt.s32 v4, $0x1  }
0xad: {  	v6 =	vld [tilespmem:s15+$0x600];
	v2 =	vadd.s32 v3, v2;
	v3 =	vnsel vm0, $0x1, v4;
	vm0 =	vlt.s32 v9, $0x1  }
0xae: {  	v5 =	vld [tilespmem:s15+$0x680];
	v2 =	vadd.s32 v3, v2;
	v3 =	vnsel vm0, $0x1, v9;
	vm0 =	vlt.s32 v8, $0x1  }
0xaf: {  	s0 =	simm.s32 $0x20;
	v7 =	vld [tilespmem:s15+$0x700];
	v3 =	vadd.s32 v3, v2;
	v4 =	vnsel vm0, $0x1, v8;
	vm0 =	vlt.s32 v11, $0x1  }
0xb0: {  	v2 =	vld [tilespmem:s0+$0x200];
	v4 =	vadd.s32 v4, v3;
	v8 =	vnsel vm0, $0x1, v11;
	vm0 =	vlt.s32 v10, $0x1  }
0xb1: {  	v3 =	vld [tilespmem:s0+$0x180];
	v8 =	vadd.s32 v8, v4;
	v9 =	vnsel vm0, $0x1, v10;
	vm0 =	vlt.s32 v12, $0x1  }
0xb2: {  	s1 =	simm.s32 $0xC0;
	v4 =	vld [tilespmem:s0+$0x0];
	v8 =	vadd.s32 v9, v8;
	v9 =	vnsel vm0, $0x1, v12;
	vm0 =	vlt.s32 v6, $0x1  }
.LBB2_6:
0xb3: {  	p0 =	sne.s32 s1, $0x1C0;
	v10 =	vld [tilespmem:s0+$0x80];
	v8 =	vadd.s32 v9, v8;
	v6 =	vnsel vm0, $0x1, v6;
	vm0 =	vlt.s32 v5, $0x1;
	v9 =	vpop (erf)  }
0xb4: {  	v11 =	vld [tilespmem:s0+$0x100];
	v6 =	vadd.s32 v6, v8;
	v5 =	vnsel vm0, $0x1, v5;
	vm0 =	vlt.s32 v7, $0x1;
	[tilespmem:s14+$0x1080] =	vst v9;
	s14 =	smov.u32 s15;
	s15 =	smov.u32 s0  }
0xb5: {  	v5 =	vadd.s32 v5, v6;
	v6 =	vnsel vm0, $0x1, v7;
	vm0 =	vlt.s32 v1, $0x1  }
0xb6: {  	v5 =	vadd.s32 v6, v5;
	v6 =	vnsel vm0, $0x1, v1;
	v1 =	vld [tilespmem:s15+$0x780]  }
0xb7: {  	vm1 =	vlt.s32 v2, $0x1;
	vm0 =	vlt.s32 v3, $0x1;
	v7 =	vld [tilespmem:s15+$0x280];
	v5 =	vadd.s32 v6, v5  }
0xb8: {  	vm2 =	vlt.s32 v4, $0x1;
	vm3 =	vlt.s32 v10, $0x1;
	v6 =	vld [tilespmem:s15+$0x300];
	v5 =	vcvt.s32.f32 v5  }
0xb9: {  	v4 =	vnsel vm2, $0x1, v4;
	v8 =	vnsel vm3, $0x1, v10;
	vm2 =	vlt.s32 v11, $0x1;
	v9 =	vld [tilespmem:s15+$0x380]  }
0xba: {  	v4 =	vadd.s32 v4, v8;
	v8 =	vnsel vm2, $0x1, v11;
	v10 =	vld [tilespmem:s15+$0x400];
	v5 =	vmax.f32 v5, $1.000000000e+00  }
0xbb: {  	v3 =	vnsel vm0, $0x1, v3;
	v4 =	vadd.s32 v8, v4;
	v8 =	vld [tilespmem:s15+$0x480];
	(erf) = vrcp.f32 v5  }
0xbc: {  	v2 =	vnsel vm1, $0x1, v2;
	v3 =	vadd.s32 v3, v4;
	vm0 =	vlt.s32 v7, $0x1;
	v4 =	vld [tilespmem:s15+$0x500]  }
0xbd: {  	v2 =	vadd.s32 v2, v3;
	v3 =	vnsel vm0, $0x1, v7;
	vm0 =	vlt.s32 v6, $0x1;
	v11 =	vld [tilespmem:s15+$0x580]  }
0xbe: {  	v2 =	vadd.s32 v3, v2;
	v3 =	vnsel vm0, $0x1, v6;
	vm0 =	vlt.s32 v9, $0x1;
	v6 =	vld [tilespmem:s15+$0x600]  }
.Ltmp2:
0xbf: {  	v2 =	vadd.s32 v3, v2;
	v3 =	vnsel vm0, $0x1, v9;
	vm0 =	vlt.s32 v10, $0x1;
	v5 =	vld [tilespmem:s15+$0x680];
	(pc) =	sbr.rel @p0 .LBB2_6-.Ltmp2, $4  }
0xc0: {  	s0 =	sshra.s32 s1, $0x2;
	v3 =	vadd.s32 v3, v2;
	v9 =	vnsel vm0, $0x1, v10;
	vm0 =	vlt.s32 v8, $0x1;
	v7 =	vld [tilespmem:s15+$0x700]  }
0xc1: {  	v2 =	vld [tilespmem:s0+$0x200];
	v9 =	vadd.s32 v9, v3;
	v8 =	vnsel vm0, $0x1, v8;
	vm0 =	vlt.s32 v4, $0x1  }
0xc2: {  	v3 =	vld [tilespmem:s0+$0x180];
	v8 =	vadd.s32 v8, v9;
	v9 =	vnsel vm0, $0x1, v4;
	vm0 =	vlt.s32 v11, $0x1  }
0xc3: {  	s1 =	sadd.s32 $0x40, s1;
	v4 =	vld [tilespmem:s0+$0x0];
	v8 =	vadd.s32 v9, v8;
	v9 =	vnsel vm0, $0x1, v11;
	vm0 =	vlt.s32 v6, $0x1  }
0xc4: {  	v10 =	vld [tilespmem:s0+$0x80]  }
0xc5: {  	v8 =	vadd.s32 v9, v8;
	v50 =	vld [tilespmem:s0+$0x100]  }
0xc6: {  	v6 =	vnsel vm0, $0x1, v6;
	vm10 =	vlt.s32 v5, $0x1;
	vm12 =	vlt.s32 v1, $0x1  }
0xc7: {  	v6 =	vadd.s32 v6, v8;
	v5 =	vnsel vm10, $0x1, v5;
	vm11 =	vlt.s32 v7, $0x1  }
0xc8: {  	v52 =	vld [tilespmem:s0+$0x280];
	v1 =	vnsel vm12, $0x1, v1;
	v5 =	vadd.s32 v5, v6;
	v51 =	vnsel vm11, $0x1, v7  }
0xc9: {  	v53 =	vld [tilespmem:s0+$0x300];
	vm4 =	vlt.s32 v2, $0x1;
	vm13 =	vlt.s32 v4, $0x1;
	vm1 =	vlt.s32 v10, $0x1  }
0xca: {  	v55 =	vld [tilespmem:s0+$0x380];
	v4 =	vnsel vm13, $0x1, v4;
	vm14 =	vlt.s32 v50, $0x1;
	v54 =	vnsel vm1, $0x1, v10  }
0xcb: {  	v57 =	vld [tilespmem:s0+$0x400];
	vm15 =	vlt.s32 v3, $0x1;
	v56 =	vnsel vm14, $0x1, v50;
	v4 =	vadd.s32 v4, v54  }
0xcc: {  	v58 =	vld [tilespmem:s0+$0x480];
	v5 =	vadd.s32 v51, v5;
	v3 =	vnsel vm15, $0x1, v3;
	v4 =	vadd.s32 v56, v4  }
0xcd: {  	v59 =	vld [tilespmem:s0+$0x500];
	v2 =	vnsel vm4, $0x1, v2;
	vm5 =	vlt.s32 v52, $0x1;
	v3 =	vadd.s32 v3, v4  }
0xce: {  	v60 =	vld [tilespmem:s0+$0x580];
	vm6 =	vlt.s32 v53, $0x1;
	v2 =	vadd.s32 v2, v3;
	v3 =	vnsel vm5, $0x1, v52  }
0xcf: {  	v61 =	vld [tilespmem:s0+$0x600];
	vm7 =	vlt.s32 v55, $0x1;
	v2 =	vadd.s32 v3, v2;
	v3 =	vnsel vm6, $0x1, v53  }
0xd0: {  	v62 =	vld [tilespmem:s0+$0x680];
	vm8 =	vlt.s32 v57, $0x1;
	v2 =	vadd.s32 v3, v2;
	v3 =	vnsel vm7, $0x1, v55  }
0xd1: {  	v63 =	vld [tilespmem:s0+$0x700];
	vm9 =	vlt.s32 v58, $0x1;
	v2 =	vadd.s32 v3, v2;
	v3 =	vnsel vm8, $0x1, v57  }
0xd2: {  	v11 =	vld [tilespmem:s0+$0x780];
	vm10 =	vlt.s32 v59, $0x1;
	v2 =	vadd.s32 v3, v2;
	v3 =	vnsel vm9, $0x1, v58  }
0xd3: {  	vm11 =	vlt.s32 v60, $0x1;
	v2 =	vadd.s32 v3, v2;
	v3 =	vnsel vm10, $0x1, v59  }
0xd4: {  	vm12 =	vlt.s32 v61, $0x1;
	v2 =	vadd.s32 v3, v2;
	v3 =	vnsel vm11, $0x1, v60  }
0xd5: {  	vm13 =	vlt.s32 v62, $0x1;
	v2 =	vadd.s32 v3, v2;
	v3 =	vnsel vm12, $0x1, v61  }
0xd6: {  	vm14 =	vlt.s32 v63, $0x1;
	v2 =	vadd.s32 v3, v2;
	v3 =	vnsel vm13, $0x1, v62  }
0xd7: {  	vm15 =	vlt.s32 v11, $0x1;
	v2 =	vadd.s32 v3, v2;
	v3 =	vnsel vm14, $0x1, v63  }
0xd8: {  	v1 =	vadd.s32 v1, v5;
	v2 =	vadd.s32 v3, v2;
	v3 =	vnsel vm15, $0x1, v11  }
0xd9: {  	v1 =	vcvt.s32.f32 v1;
	v2 =	vadd.s32 v3, v2  }
0xda: {  	v2 =	vcvt.s32.f32 v2  }
0xdb: {  	v1 =	vmax.f32 v1, $1.000000000e+00  }
0xdc: {  	(erf) = vrcp.f32 v1;
	v1 =	vmax.f32 v2, $1.000000000e+00  }
0xdd: {  	(erf) = vrcp.f32 v1;
	_ =	sdelay $0x6  }
0xde: {  	v1 =	vpop (erf)  }
0xdf: {  	v2 =	vpop (erf);
	[tilespmem:s14+$0x1080] =	vst v1  }
0xe0: {  	s29 =	simm.s32 $0x800;
	s1 =	simm.s32 $0x1100;
	[tilespmem:s15+$0x1080] =	vst v2;
	v1 =	vpop (erf)  }
0xe1: {  	s3 =	simm.s32 $0x1900;
	s4 =	simm.s32 $0x80;
	s15 =	simm.s32 $0x0;
	[tilespmem:s0+$0x1080] =	vst v1  }
0xe2: {  	[tilespmem:s3], [sflag:$0x3] =	stream.indirect.gather [hbm4b:s30+s29], $0x10, s1, s29, $0xb8;
	[tilespmem:$0x14200] =	vst v63  }
.LBB2_8:
0xe3: {  	s0 =	simm.s32 $0x5  }
0xe4: {  	_ =	swait.ge [sflag:s0], $0x800  }
0xe5: {  	[sflag:s0] =	ssyncset.done $0x0  }
0xe6: {  	[sflag:s0] =	ssyncadd.s32 $0xFFFFF800  }
0xe7: {  	_ =	swait.ge [sflag:s0], $0x80  }
0xe8: {  	[sflag:s0] =	ssyncset.done $0x0  }
0xe9: {  	[sflag:s0] =	ssyncadd.s32 $0xFFFFFF80;
	s0 =	simm.s32 $0x0  }
0xea: {  	s1 =	simm.s32 $0x40;
	v1 =	vld [tilespmem:s0+$0xA900]  }
.LBB2_9:
0xeb: {  	p0 =	sne.s32 s1, $0x1C0  }
.Ltmp3:
0xec: {  	_ = 	snop;
	(pc) =	sbr.rel @p0 .LBB2_9-.Ltmp3, $3  }
0xed: {  	_ =	sdelay $0x1  }
0xee: {  	s3 =	sshra.s32 s1, $0x2;
	s1 =	sadd.s32 $0x40, s1;
	v2 =	vadd.s32 $0x4400, v1  }
0xef: {  	v1 =	vld [tilespmem:s3+$0xA900];
	[tilespmem:s0+$0xA900] =	vst v2;
	s0 =	smov.u32 s3  }
0xf0: {  	_ =	sdelay $0x3  }
0xf1: {  	v1 =	vadd.s32 $0x4400, v1  }
0xf2: {  	s26 =	simm.s32 $0xA900;
	s1 =	simm.s32 $0xA980;
	s25 =	simm.s32 $0xA140;
	[tilespmem:s0+$0xA900] =	vst v1  }
0xf3: {  	[tilespmem:s1], [sflag:$0x6] =	stream.indirect.gather [hbm4b:s30+s4], $0x10, s26, s4, $0xb8;
	[tilespmem:$0x14200] =	vst v63  }
0xf4: {  	v1 =	vld [tilespmem:s25+$0xFFFFFFC0];
	_ =	sdelay $0x3  }
0xf5: {  	s17 =	simm.s32 $0x0  }
0xf6: {  	s14 =	simm.s32 $0xB240;
	v1 =	vadd.s32 s17, v1  }
0xf7: {  	[tilespmem:s14+$0xFFFFFFC0] =	vst v1  }
0xf8: {  	s26 =	simm.s32 $0xA1C0;
	v1 =	vld [tilespmem:s25+$0xFFFFFFD0]  }
0xf9: {  	v2 =	vld [tilespmem:s26+$0xFFFFFFC0];
	_ =	sdelay $0x3  }
0xfa: {  	s21 =	simm.s32 $0x440;
	v1 =	vadd.s32 s17, v1  }
0xfb: {  	s22 =	simm.s32 $0xB2C0;
	v2 =	vadd.s32 s21, v2;
	[tilespmem:s14+$0xFFFFFFD0] =	vst v1  }
0xfc: {  	[tilespmem:s22+$0xFFFFFFC0] =	vst v2;
	v1 =	vld [tilespmem:s25+$0xFFFFFFE0]  }
0xfd: {  	s1 =	simm.s32 $0xA240;
	v2 =	vld [tilespmem:s26+$0xFFFFFFD0]  }
0xfe: {  	v3 =	vld [tilespmem:s1+$0xFFFFFFC0];
	_ =	sdelay $0x2  }
0xff: {  	v1 =	vadd.s32 s17, v1  }
0x100: {  	s23 =	simm.s32 $0x880;
	v2 =	vadd.s32 s21, v2;
	[tilespmem:s14+$0xFFFFFFE0] =	vst v1  }
0x101: {  	s4 =	simm.s32 $0xB340;
	[tilespmem:s22+$0xFFFFFFD0] =	vst v2;
	v1 =	vadd.s32 s23, v3;
	v2 =	vld [tilespmem:s25+$0xFFFFFFF0]  }
0x102: {  	[tilespmem:s4+$0xFFFFFFC0] =	vst v1;
	v1 =	vld [tilespmem:s26+$0xFFFFFFE0]  }
0x103: {  	s5 =	simm.s32 $0xA2C0;
	v3 =	vld [tilespmem:s1+$0xFFFFFFD0]  }
0x104: {  	v4 =	vld [tilespmem:s5+$0xFFFFFFC0];
	_ =	sdelay $0x1  }
0x105: {  	v2 =	vadd.s32 s17, v2  }
0x106: {  	v1 =	vadd.s32 s21, v1;
	[tilespmem:s14+$0xFFFFFFF0] =	vst v2  }
0x107: {  	s28 =	simm.s32 $0xCC0;
	v2 =	vadd.s32 s23, v3;
	[tilespmem:s22+$0xFFFFFFE0] =	vst v1;
	v1 =	vld [tilespmem:s25+$0x0]  }
0x108: {  	s3 =	simm.s32 $0xB3C0;
	v3 =	vadd.s32 s28, v4;
	[tilespmem:s4+$0xFFFFFFD0] =	vst v2;
	v2 =	vld [tilespmem:s26+$0xFFFFFFF0]  }
0x109: {  	[tilespmem:s3+$0xFFFFFFC0] =	vst v3;
	v3 =	vld [tilespmem:s1+$0xFFFFFFE0]  }
0x10a: {  	s0 =	simm.s32 $0xA340;
	v4 =	vld [tilespmem:s5+$0xFFFFFFD0]  }
0x10b: {  	v5 =	vld [tilespmem:s0+$0xFFFFFFC0]  }
0x10c: {  	v1 =	vadd.s32 s17, v1  }
0x10d: {  	v2 =	vadd.s32 s21, v2;
	[tilespmem:s14+$0x0] =	vst v1  }
0x10e: {  	v1 =	vadd.s32 s23, v3;
	[tilespmem:s22+$0xFFFFFFF0] =	vst v2;
	v2 =	vld [tilespmem:s25+$0x10]  }
0x10f: {  	s6 =	simm.s32 $0x1100;
	v3 =	vadd.s32 s28, v4;
	[tilespmem:s4+$0xFFFFFFE0] =	vst v1;
	v1 =	vld [tilespmem:s26+$0x0]  }
0x110: {  	s12 =	simm.s32 $0xB440;
	v4 =	vadd.s32 s6, v5;
	[tilespmem:s3+$0xFFFFFFD0] =	vst v3;
	v3 =	vld [tilespmem:s1+$0xFFFFFFF0]  }
0x111: {  	s16 =	simm.s32 $0xA3C0;
	[tilespmem:s12+$0xFFFFFFC0] =	vst v4;
	v4 =	vld [tilespmem:s5+$0xFFFFFFE0]  }
0x112: {  	v6 =	vld [tilespmem:s16+$0xFFFFFFC0]  }
0x113: {  	v5 =	vld [tilespmem:s0+$0xFFFFFFD0];
	v2 =	vadd.s32 s17, v2  }
0x114: {  	v1 =	vadd.s32 s21, v1;
	[tilespmem:s14+$0x10] =	vst v2  }
0x115: {  	[tilespmem:s22+$0x0] =	vst v1;
	v7 =	vld [tilespmem:s25+$0x20]  }
0x116: {  	s18 =	simm.s32 $0x1540;
	s9 =	simm.s32 $0xA440;
	v2 =	vadd.s32 s23, v3;
	v1 =	vadd.s32 s28, v4;
	v4 =	vld [tilespmem:s26+$0x10]  }
0x117: {  	v3 =	vadd.s32 s18, v6;
	v6 =	vld [tilespmem:s9+$0xFFFFFFC0];
	[tilespmem:s4+$0xFFFFFFF0] =	vst v2  }
0x118: {  	v2 =	vadd.s32 s6, v5;
	[tilespmem:s3+$0xFFFFFFE0] =	vst v1;
	v1 =	vld [tilespmem:s1+$0x0]  }
0x119: {  	s29 =	simm.s32 $0xB4C0;
	[tilespmem:s12+$0xFFFFFFD0] =	vst v2;
	v2 =	vld [tilespmem:s5+$0xFFFFFFF0]  }
0x11a: {  	[tilespmem:s29+$0xFFFFFFC0] =	vst v3;
	v3 =	vld [tilespmem:s0+$0xFFFFFFE0];
	v7 =	vadd.s32 s17, v7  }
0x11b: {  	s8 =	simm.s32 $0x1980;
	s19 =	simm.s32 $0x1DC0;
	v5 =	vld [tilespmem:s16+$0xFFFFFFD0];
	v4 =	vadd.s32 s21, v4;
	[tilespmem:s14+$0x20] =	vst v7  }
.LBB2_11:
0x11c: {  	p0 =	sne.s32 s19, $0x3FC0;
	s20 =	smov.u32 s12;
	s12 =	smov.u32 s29  }
0x11d: {  	v1 =	vadd.s32 s23, v1;
	[tilespmem:s22+$0x10] =	vst v4;
	v4 =	vld [tilespmem:s25+$0x30];
	s25 =	smov.u32 s26;
	s26 =	smov.u32 s1;
	s1 =	smov.u32 s5  }
0x11e: {  	s5 =	smov.u32 s0;
	s0 =	smov.u32 s16;
	s16 =	smov.u32 s9;
	v2 =	vadd.s32 s28, v2;
	[tilespmem:s4+$0x0] =	vst v1;
	v7 =	vld [tilespmem:s25+$0x20]  }
0x11f: {  	s30 =	smov.u32 s28;
	s28 =	smov.u32 s6;
	v1 =	vadd.s32 s6, v3;
	[tilespmem:s3+$0xFFFFFFF0] =	vst v2;
	v8 =	vld [tilespmem:s26+$0x10];
	s6 =	smov.u32 s18  }
.Ltmp4:
0x120: {  	s18 =	smov.u32 s8;
	s8 =	smov.u32 s19;
	v2 =	vadd.s32 s6, v5;
	[tilespmem:s20+$0xFFFFFFE0] =	vst v1;
	v1 =	vld [tilespmem:s1+$0x0];
	(pc) =	sbr.rel @p0 .LBB2_11-.Ltmp4, $4  }
0x121: {  	s29 =	sadd.s32 $0x80, s29;
	v3 =	vadd.s32 s18, v6;
	[tilespmem:s12+$0xFFFFFFD0] =	vst v2;
	v2 =	vld [tilespmem:s5+$0xFFFFFFF0]  }
0x122: {  	[tilespmem:s29+$0xFFFFFFC0] =	vst v3;
	v3 =	vld [tilespmem:s0+$0xFFFFFFE0];
	v4 =	vadd.s32 s17, v4;
	s17 =	smov.u32 s21;
	s21 =	smov.u32 s23;
	s23 =	smov.u32 s30  }
0x123: {  	s9 =	sadd.s32 $0x80, s9;
	v5 =	vld [tilespmem:s16+$0xFFFFFFD0];
	v7 =	vadd.s32 s17, v7;
	[tilespmem:s14+$0x30] =	vst v4;
	s14 =	smov.u32 s22;
	s22 =	smov.u32 s4  }
0x124: {  	s19 =	sadd.s32 $0x440, s19;
	s4 =	smov.u32 s3;
	s3 =	smov.u32 s20;
	v6 =	vld [tilespmem:s9+$0xFFFFFFC0];
	v4 =	vadd.s32 s21, v8;
	[tilespmem:s14+$0x20] =	vst v7  }
0x125: {  	_ =	sdelay $0x3  }
0x126: {  	s19 =	sadd.s32 $0x80, s29;
	v6 =	vadd.s32 s8, v6  }
0x127: {  	[tilespmem:s19+$0xFFFFFFC0] =	vst v6  }
0x128: {  	v6 =	vld [tilespmem:s9+$0xFFFFFFD0];
	_ =	sdelay $0x3  }
0x129: {  	v5 =	vadd.s32 s18, v5  }
0x12a: {  	[tilespmem:s29+$0xFFFFFFD0] =	vst v5;
	v5 =	vadd.s32 s8, v6  }
0x12b: {  	v6 =	vld [tilespmem:s16+$0xFFFFFFE0];
	[tilespmem:s19+$0xFFFFFFD0] =	vst v5  }
0x12c: {  	v5 =	vld [tilespmem:s9+$0xFFFFFFE0];
	_ =	sdelay $0x2  }
0x12d: {  	v3 =	vadd.s32 s6, v3  }
0x12e: {  	[tilespmem:s12+$0xFFFFFFE0] =	vst v3;
	v3 =	vadd.s32 s18, v6  }
0x12f: {  	v6 =	vld [tilespmem:s0+$0xFFFFFFF0];
	[tilespmem:s29+$0xFFFFFFE0] =	vst v3;
	v3 =	vadd.s32 s8, v5  }
0x130: {  	v5 =	vld [tilespmem:s16+$0xFFFFFFF0];
	[tilespmem:s19+$0xFFFFFFE0] =	vst v3  }
0x131: {  	v3 =	vld [tilespmem:s9+$0xFFFFFFF0];
	_ =	sdelay $0x1  }
0x132: {  	v2 =	vadd.s32 s28, v2  }
0x133: {  	[tilespmem:s3+$0xFFFFFFF0] =	vst v2;
	v2 =	vadd.s32 s6, v6  }
0x134: {  	v6 =	vld [tilespmem:s5+$0x0];
	[tilespmem:s12+$0xFFFFFFF0] =	vst v2;
	v2 =	vadd.s32 s18, v5  }
0x135: {  	v5 =	vld [tilespmem:s0+$0x0];
	[tilespmem:s29+$0xFFFFFFF0] =	vst v2;
	v2 =	vadd.s32 s8, v3  }
0x136: {  	v3 =	vld [tilespmem:s16+$0x0];
	[tilespmem:s19+$0xFFFFFFF0] =	vst v2  }
0x137: {  	v2 =	vld [tilespmem:s9+$0x0]  }
0x138: {  	v1 =	vadd.s32 s23, v1  }
0x139: {  	[tilespmem:s4+$0x0] =	vst v1;
	v1 =	vadd.s32 s28, v6  }
0x13a: {  	v6 =	vld [tilespmem:s1+$0x10];
	[tilespmem:s3+$0x0] =	vst v1;
	v1 =	vadd.s32 s6, v5  }
0x13b: {  	v5 =	vld [tilespmem:s5+$0x10];
	[tilespmem:s12+$0x0] =	vst v1;
	v1 =	vadd.s32 s18, v3  }
0x13c: {  	v3 =	vld [tilespmem:s0+$0x10];
	[tilespmem:s29+$0x0] =	vst v1;
	v1 =	vadd.s32 s8, v2  }
0x13d: {  	v2 =	vld [tilespmem:s16+$0x10];
	[tilespmem:s19+$0x0] =	vst v1  }
0x13e: {  	v1 =	vld [tilespmem:s9+$0x10]  }
0x13f: {  	[tilespmem:s22+$0x10] =	vst v4;
	v4 =	vadd.s32 s23, v6  }
0x140: {  	v6 =	vld [tilespmem:s26+$0x20];
	[tilespmem:s4+$0x10] =	vst v4;
	v4 =	vadd.s32 s28, v5  }
0x141: {  	v5 =	vld [tilespmem:s1+$0x20];
	[tilespmem:s3+$0x10] =	vst v4;
	v3 =	vadd.s32 s6, v3  }
0x142: {  	v4 =	vld [tilespmem:s5+$0x20];
	[tilespmem:s12+$0x10] =	vst v3;
	v2 =	vadd.s32 s18, v2  }
0x143: {  	v3 =	vld [tilespmem:s0+$0x20];
	[tilespmem:s29+$0x10] =	vst v2;
	v1 =	vadd.s32 s8, v1  }
0x144: {  	v2 =	vld [tilespmem:s16+$0x20];
	[tilespmem:s19+$0x10] =	vst v1  }
0x145: {  	v1 =	vadd.s32 s21, v6;
	v6 =	vld [tilespmem:s9+$0x20]  }
0x146: {  	v7 =	vld [tilespmem:s25+$0x30];
	[tilespmem:s22+$0x20] =	vst v1;
	v1 =	vadd.s32 s23, v5  }
0x147: {  	v5 =	vld [tilespmem:s26+$0x30];
	[tilespmem:s4+$0x20] =	vst v1;
	v1 =	vadd.s32 s28, v4  }
0x148: {  	v4 =	vld [tilespmem:s1+$0x30];
	[tilespmem:s3+$0x20] =	vst v1;
	v1 =	vadd.s32 s6, v3  }
0x149: {  	v3 =	vld [tilespmem:s5+$0x30];
	[tilespmem:s12+$0x20] =	vst v1;
	v1 =	vadd.s32 s18, v2  }
0x14a: {  	v2 =	vld [tilespmem:s0+$0x30];
	[tilespmem:s29+$0x20] =	vst v1;
	v1 =	vadd.s32 s8, v6  }
0x14b: {  	v6 =	vadd.s32 s17, v7;
	v7 =	vld [tilespmem:s16+$0x30];
	[tilespmem:s19+$0x20] =	vst v1  }
0x14c: {  	[tilespmem:s14+$0x30] =	vst v6;
	v1 =	vadd.s32 s21, v5;
	v5 =	vld [tilespmem:s9+$0x30]  }
0x14d: {  	[tilespmem:s22+$0x30] =	vst v1;
	v1 =	vadd.s32 s23, v4  }
0x14e: {  	[tilespmem:s4+$0x30] =	vst v1;
	v1 =	vadd.s32 s28, v3  }
0x14f: {  	[tilespmem:s3+$0x30] =	vst v1;
	v1 =	vadd.s32 s6, v2  }
0x150: {  	[tilespmem:s12+$0x30] =	vst v1;
	v1 =	vadd.s32 s18, v7  }
0x151: {  	[tilespmem:s29+$0x30] =	vst v1;
	v1 =	vadd.s32 s8, v5  }
0x152: {  	s14 =	simm.s32 $0x0;
	[tilespmem:s19+$0x30] =	vst v1  }
0x153: {  	v1 =	vld [tilespmem:s14+$0xA300]  }
0x154: {  	v2 =	vld [tilespmem:s14+$0xA100]  }
0x155: {  	v3 =	vld [tilespmem:s14+$0xA180]  }
0x156: {  	v4 =	vld [tilespmem:s14+$0xA200]  }
0x157: {  	v5 =	vld [tilespmem:s14+$0xA280]  }
0x158: {  	v6 =	vld [tilespmem:s14+$0xA880]  }
0x159: {  	v7 =	vld [tilespmem:s14+$0xA380]  }
0x15a: {  	v8 =	vld [tilespmem:s14+$0xA400];
	vm0 =	vlt.s32 v2, $0x1;
	vm1 =	vlt.s32 v3, $0x1  }
0x15b: {  	v9 =	vld [tilespmem:s14+$0xA480];
	v2 =	vnsel vm0, $0x1, v2;
	v3 =	vnsel vm1, $0x1, v3;
	vm0 =	vlt.s32 v4, $0x1  }
0x15c: {  	vm1 =	vlt.s32 v5, $0x1;
	v2 =	vadd.s32 v2, v3;
	v3 =	vnsel vm0, $0x1, v4;
	v4 =	vld [tilespmem:s14+$0xA500]  }
0x15d: {  	vm0 =	vlt.s32 v1, $0x1;
	v2 =	vadd.s32 v3, v2;
	v3 =	vnsel vm1, $0x1, v5;
	v5 =	vld [tilespmem:s14+$0xA580]  }
0x15e: {  	v1 =	vnsel vm0, $0x1, v1;
	vm0 =	vlt.s32 v7, $0x1;
	v2 =	vadd.s32 v3, v2;
	v3 =	vld [tilespmem:s14+$0xA600]  }
0x15f: {  	v1 =	vadd.s32 v1, v2;
	v2 =	vnsel vm0, $0x1, v7;
	vm0 =	vlt.s32 v8, $0x1;
	v7 =	vld [tilespmem:s14+$0xA680]  }
0x160: {  	v1 =	vadd.s32 v2, v1;
	v2 =	vnsel vm0, $0x1, v8;
	vm0 =	vlt.s32 v9, $0x1;
	v8 =	vld [tilespmem:s14+$0xA700]  }
0x161: {  	v1 =	vadd.s32 v2, v1;
	v2 =	vnsel vm0, $0x1, v9;
	vm0 =	vlt.s32 v4, $0x1;
	v9 =	vld [tilespmem:s14+$0xA780]  }
0x162: {  	s17 =	simm.s32 $0x10;
	v1 =	vadd.s32 v2, v1;
	v2 =	vnsel vm0, $0x1, v4;
	vm0 =	vlt.s32 v5, $0x1;
	v4 =	vld [tilespmem:s14+$0xA800]  }
0x163: {  	v10 =	vld [tilespmem:s17+$0xA300];
	v1 =	vadd.s32 v2, v1;
	v2 =	vnsel vm0, $0x1, v5;
	vm0 =	vlt.s32 v3, $0x1  }
0x164: {  	v5 =	vld [tilespmem:s17+$0xA280];
	v1 =	vadd.s32 v2, v1;
	v2 =	vnsel vm0, $0x1, v3;
	vm0 =	vlt.s32 v7, $0x1  }
0x165: {  	v3 =	vld [tilespmem:s17+$0xA100];
	v1 =	vadd.s32 v2, v1;
	v2 =	vnsel vm0, $0x1, v7;
	vm0 =	vlt.s32 v8, $0x1  }
0x166: {  	v7 =	vld [tilespmem:s17+$0xA180];
	v1 =	vadd.s32 v2, v1;
	v2 =	vnsel vm0, $0x1, v8;
	vm0 =	vlt.s32 v9, $0x1  }
0x167: {  	v8 =	vld [tilespmem:s17+$0xA200];
	v1 =	vadd.s32 v2, v1;
	v2 =	vnsel vm0, $0x1, v9;
	vm0 =	vlt.s32 v4, $0x1  }
0x168: {  	v2 =	vadd.s32 v2, v1;
	v4 =	vnsel vm0, $0x1, v4;
	vm0 =	vlt.s32 v6, $0x1  }
0x169: {  	v11 =	vld [tilespmem:s17+$0xA580];
	v2 =	vadd.s32 v4, v2;
	v4 =	vnsel vm0, $0x1, v6  }
0x16a: {  	vm1 =	vlt.s32 v10, $0x1;
	vm0 =	vlt.s32 v5, $0x1;
	v6 =	vld [tilespmem:s17+$0xA380];
	v2 =	vadd.s32 v4, v2  }
0x16b: {  	vm2 =	vlt.s32 v3, $0x1;
	vm3 =	vlt.s32 v7, $0x1;
	v4 =	vld [tilespmem:s17+$0xA400];
	v2 =	vcvt.s32.f32 v2  }
0x16c: {  	v9 =	vld [tilespmem:s17+$0xA480];
	v3 =	vnsel vm2, $0x1, v3;
	v7 =	vnsel vm3, $0x1, v7;
	vm2 =	vlt.s32 v8, $0x1  }
0x16d: {  	v3 =	vadd.s32 v3, v7;
	v7 =	vnsel vm2, $0x1, v8;
	v8 =	vld [tilespmem:s17+$0xA500];
	v2 =	vmax.f32 v2, $1.000000000e+00  }
0x16e: {  	v12 =	vld [tilespmem:s17+$0xA680];
	v5 =	vnsel vm0, $0x1, v5;
	v3 =	vadd.s32 v7, v3;
	(erf) = vrcp.f32 v2  }
0x16f: {  	v2 =	vadd.s32 v5, v3;
	v3 =	vnsel vm1, $0x1, v10;
	vm0 =	vlt.s32 v6, $0x1;
	v10 =	vld [tilespmem:s17+$0xA600]  }
0x170: {  	v1 =	vld [tilespmem:s17+$0xA880];
	v2 =	vadd.s32 v3, v2;
	v3 =	vnsel vm0, $0x1, v6;
	vm0 =	vlt.s32 v4, $0x1  }
0x171: {  	v6 =	vld [tilespmem:s17+$0xA700];
	v2 =	vadd.s32 v3, v2;
	v3 =	vnsel vm0, $0x1, v4;
	vm0 =	vlt.s32 v9, $0x1  }
0x172: {  	v5 =	vld [tilespmem:s17+$0xA780];
	v2 =	vadd.s32 v3, v2;
	v3 =	vnsel vm0, $0x1, v9;
	vm0 =	vlt.s32 v8, $0x1  }
0x173: {  	s0 =	simm.s32 $0x20;
	v7 =	vld [tilespmem:s17+$0xA800];
	v3 =	vadd.s32 v3, v2;
	v4 =	vnsel vm0, $0x1, v8;
	vm0 =	vlt.s32 v11, $0x1  }
0x174: {  	v2 =	vld [tilespmem:s0+$0xA300];
	v4 =	vadd.s32 v4, v3;
	v8 =	vnsel vm0, $0x1, v11;
	vm0 =	vlt.s32 v10, $0x1  }
0x175: {  	v3 =	vld [tilespmem:s0+$0xA280];
	v8 =	vadd.s32 v8, v4;
	v9 =	vnsel vm0, $0x1, v10;
	vm0 =	vlt.s32 v12, $0x1  }
0x176: {  	s1 =	simm.s32 $0xC0;
	v4 =	vld [tilespmem:s0+$0xA100];
	v8 =	vadd.s32 v9, v8;
	v9 =	vnsel vm0, $0x1, v12;
	vm0 =	vlt.s32 v6, $0x1  }
.LBB2_13:
0x177: {  	p0 =	sne.s32 s1, $0x1C0;
	v10 =	vld [tilespmem:s0+$0xA180];
	v8 =	vadd.s32 v9, v8;
	v6 =	vnsel vm0, $0x1, v6;
	vm0 =	vlt.s32 v5, $0x1;
	v9 =	vpop (erf)  }
0x178: {  	v11 =	vld [tilespmem:s0+$0xA200];
	v6 =	vadd.s32 v6, v8;
	v5 =	vnsel vm0, $0x1, v5;
	vm0 =	vlt.s32 v7, $0x1;
	[tilespmem:s14+$0xB180] =	vst v9;
	s14 =	smov.u32 s17;
	s17 =	smov.u32 s0  }
0x179: {  	v5 =	vadd.s32 v5, v6;
	v6 =	vnsel vm0, $0x1, v7;
	vm0 =	vlt.s32 v1, $0x1  }
0x17a: {  	v5 =	vadd.s32 v6, v5;
	v6 =	vnsel vm0, $0x1, v1;
	v1 =	vld [tilespmem:s17+$0xA880]  }
0x17b: {  	vm1 =	vlt.s32 v2, $0x1;
	vm0 =	vlt.s32 v3, $0x1;
	v7 =	vld [tilespmem:s17+$0xA380];
	v5 =	vadd.s32 v6, v5  }
0x17c: {  	vm2 =	vlt.s32 v4, $0x1;
	vm3 =	vlt.s32 v10, $0x1;
	v6 =	vld [tilespmem:s17+$0xA400];
	v5 =	vcvt.s32.f32 v5  }
0x17d: {  	v4 =	vnsel vm2, $0x1, v4;
	v8 =	vnsel vm3, $0x1, v10;
	vm2 =	vlt.s32 v11, $0x1;
	v9 =	vld [tilespmem:s17+$0xA480]  }
0x17e: {  	v4 =	vadd.s32 v4, v8;
	v8 =	vnsel vm2, $0x1, v11;
	v10 =	vld [tilespmem:s17+$0xA500];
	v5 =	vmax.f32 v5, $1.000000000e+00  }
0x17f: {  	v3 =	vnsel vm0, $0x1, v3;
	v4 =	vadd.s32 v8, v4;
	v8 =	vld [tilespmem:s17+$0xA580];
	(erf) = vrcp.f32 v5  }
0x180: {  	v2 =	vnsel vm1, $0x1, v2;
	v3 =	vadd.s32 v3, v4;
	vm0 =	vlt.s32 v7, $0x1;
	v4 =	vld [tilespmem:s17+$0xA600]  }
0x181: {  	v2 =	vadd.s32 v2, v3;
	v3 =	vnsel vm0, $0x1, v7;
	vm0 =	vlt.s32 v6, $0x1;
	v11 =	vld [tilespmem:s17+$0xA680]  }
0x182: {  	v2 =	vadd.s32 v3, v2;
	v3 =	vnsel vm0, $0x1, v6;
	vm0 =	vlt.s32 v9, $0x1;
	v6 =	vld [tilespmem:s17+$0xA700]  }
.Ltmp5:
0x183: {  	v2 =	vadd.s32 v3, v2;
	v3 =	vnsel vm0, $0x1, v9;
	vm0 =	vlt.s32 v10, $0x1;
	v5 =	vld [tilespmem:s17+$0xA780];
	(pc) =	sbr.rel @p0 .LBB2_13-.Ltmp5, $4  }
0x184: {  	s0 =	sshra.s32 s1, $0x2;
	v3 =	vadd.s32 v3, v2;
	v9 =	vnsel vm0, $0x1, v10;
	vm0 =	vlt.s32 v8, $0x1;
	v7 =	vld [tilespmem:s17+$0xA800]  }
0x185: {  	v2 =	vld [tilespmem:s0+$0xA300];
	v9 =	vadd.s32 v9, v3;
	v8 =	vnsel vm0, $0x1, v8;
	vm0 =	vlt.s32 v4, $0x1  }
0x186: {  	v3 =	vld [tilespmem:s0+$0xA280];
	v8 =	vadd.s32 v8, v9;
	v9 =	vnsel vm0, $0x1, v4;
	vm0 =	vlt.s32 v11, $0x1  }
0x187: {  	s1 =	sadd.s32 $0x40, s1;
	v4 =	vld [tilespmem:s0+$0xA100];
	v8 =	vadd.s32 v9, v8;
	v9 =	vnsel vm0, $0x1, v11;
	vm0 =	vlt.s32 v6, $0x1  }
0x188: {  	v10 =	vld [tilespmem:s0+$0xA180]  }
0x189: {  	v8 =	vadd.s32 v9, v8;
	v6 =	vnsel vm0, $0x1, v6;
	vm10 =	vlt.s32 v5, $0x1;
	v9 =	vld [tilespmem:s0+$0xA200]  }
0x18a: {  	v6 =	vadd.s32 v6, v8;
	v5 =	vnsel vm10, $0x1, v5;
	vm11 =	vlt.s32 v7, $0x1  }
0x18b: {  	v5 =	vadd.s32 v5, v6;
	v6 =	vnsel vm11, $0x1, v7  }
0x18c: {  	vm12 =	vlt.s32 v1, $0x1;
	v5 =	vadd.s32 v6, v5;
	v6 =	vld [tilespmem:s0+$0xA380]  }
0x18d: {  	v1 =	vnsel vm12, $0x1, v1;
	v7 =	vld [tilespmem:s0+$0xA400];
	vm13 =	vlt.s32 v4, $0x1;
	vm1 =	vlt.s32 v10, $0x1  }
0x18e: {  	v4 =	vnsel vm13, $0x1, v4;
	vm14 =	vlt.s32 v9, $0x1;
	v8 =	vnsel vm1, $0x1, v10;
	v10 =	vld [tilespmem:s0+$0xA480]  }
0x18f: {  	vm15 =	vlt.s32 v3, $0x1;
	v4 =	vadd.s32 v4, v8;
	v8 =	vnsel vm14, $0x1, v9;
	v9 =	vld [tilespmem:s0+$0xA500]  }
0x190: {  	vm4 =	vlt.s32 v2, $0x1;
	v3 =	vnsel vm15, $0x1, v3;
	v4 =	vadd.s32 v8, v4;
	v8 =	vld [tilespmem:s0+$0xA580]  }
0x191: {  	v2 =	vnsel vm4, $0x1, v2;
	vm5 =	vlt.s32 v6, $0x1;
	v3 =	vadd.s32 v3, v4;
	v4 =	vld [tilespmem:s0+$0xA600]  }
0x192: {  	vm6 =	vlt.s32 v7, $0x1;
	v2 =	vadd.s32 v2, v3;
	v3 =	vnsel vm5, $0x1, v6;
	v6 =	vld [tilespmem:s0+$0xA680]  }
0x193: {  	v2 =	vadd.s32 v3, v2;
	v3 =	vnsel vm6, $0x1, v7;
	vm7 =	vlt.s32 v10, $0x1;
	v7 =	vld [tilespmem:s0+$0xA700]  }
0x194: {  	v2 =	vadd.s32 v3, v2;
	v3 =	vnsel vm7, $0x1, v10;
	vm8 =	vlt.s32 v9, $0x1;
	v10 =	vld [tilespmem:s0+$0xA780]  }
0x195: {  	v2 =	vadd.s32 v3, v2;
	v3 =	vnsel vm8, $0x1, v9;
	vm9 =	vlt.s32 v8, $0x1;
	v9 =	vld [tilespmem:s0+$0xA800]  }
0x196: {  	v11 =	vld [tilespmem:s0+$0xA880];
	v2 =	vadd.s32 v3, v2;
	v3 =	vnsel vm9, $0x1, v8;
	vm10 =	vlt.s32 v4, $0x1  }
0x197: {  	v2 =	vadd.s32 v3, v2;
	v3 =	vnsel vm10, $0x1, v4;
	vm11 =	vlt.s32 v6, $0x1  }
0x198: {  	v2 =	vadd.s32 v3, v2;
	v3 =	vnsel vm11, $0x1, v6;
	vm12 =	vlt.s32 v7, $0x1  }
0x199: {  	v2 =	vadd.s32 v3, v2;
	v3 =	vnsel vm12, $0x1, v7;
	vm13 =	vlt.s32 v10, $0x1  }
0x19a: {  	v2 =	vadd.s32 v3, v2;
	v3 =	vnsel vm13, $0x1, v10;
	vm14 =	vlt.s32 v9, $0x1  }
0x19b: {  	vm15 =	vlt.s32 v11, $0x1;
	v2 =	vadd.s32 v3, v2;
	v3 =	vnsel vm14, $0x1, v9  }
0x19c: {  	v1 =	vadd.s32 v1, v5;
	v2 =	vadd.s32 v3, v2;
	v3 =	vnsel vm15, $0x1, v11  }
0x19d: {  	v1 =	vcvt.s32.f32 v1;
	v2 =	vadd.s32 v3, v2  }
0x19e: {  	v2 =	vcvt.s32.f32 v2  }
0x19f: {  	v1 =	vmax.f32 v1, $1.000000000e+00  }
0x1a0: {  	(erf) = vrcp.f32 v1;
	v1 =	vmax.f32 v2, $1.000000000e+00  }
0x1a1: {  	(erf) = vrcp.f32 v1;
	_ =	sdelay $0x6  }
0x1a2: {  	v1 =	vpop (erf)  }
0x1a3: {  	v2 =	vpop (erf);
	[tilespmem:s14+$0xB180] =	vst v1  }
0x1a4: {  	[tilespmem:s17+$0xB180] =	vst v2;
	v1 =	vpop (erf)  }
0x1a5: {  	s21 =	sshll.u32 s15, $0x1;
	[tilespmem:s0+$0xB180] =	vst v1  }
0x1a6: {  	p1 =	seq.s32 s15, $0xF;
	s25 =	simm.s32 $0x800;
	s30 =	rddreg [dreg:$0x7]  }
0x1a7: {  	s1 =	simm.s32 $0xB200;
	s3 =	simm.s32 $0xBA00;
	s0 =	rddreg [dreg:$0xc]  }
0x1a8: {  	[tilespmem:s3], [sflag:$0x7] =	stream.indirect.gather [hbm4b:s30+s25], $0x10, s1, s25, $0xb8;
	[tilespmem:$0x14200] =	vst v63  }
0x1a9: {  	s0 =	sadd.s32 @!p1 s21, s0  }
0x1aa: {  	s1 =	sand.u32 @!p1 $0x7E, s0;
	s0 =	sshrl.u32 @!p1 s0, $0x7  }
0x1ab: {  	s3 =	sshll.u32 @!p1 s1, $0x8;
	s4 =	sshll.u32 @!p1 s0, $0xF  }
0x1ac: {  	s1 =	sshll.u32 @!p1 s1, $0x4;
	s0 =	sshll.u32 @!p1 s0, $0xB;
	s3 =	sadd.s32 @!p1 s24, s3  }
0x1ad: {  	s1 =	sadd.s32 @!p1 s13, s1;
	s3 =	sadd.s32 @!p1 s4, s3;
	s4 =	simm.s32 @!p1 $0x0  }
0x1ae: {  	[tilespmem:s4], [sflag:$0x1] =	stream.linear.gather @!p1 [hbm4b:s3+s4], $0x800, $0x38;
	[tilespmem:$0x14200] =	vst v63  }
0x1af: {  	s26 =	simm.s32 $0x3;
	s0 =	sadd.s32 @!p1 s0, s1;
	s1 =	simm.s32 @!p1 $0x800  }
0x1b0: {  	[tilespmem:s1], [sflag:$0x1] =	stream.linear.gather @!p1 [hbm4b:s0+s4], $0x80, $0x38;
	[tilespmem:$0x14200] =	vst v63  }
0x1b1: {  	_ =	swait.ge [sflag:s26], $0x8000  }
0x1b2: {  	[sflag:s26] =	ssyncset.done $0x0  }
0x1b3: {  	s28 =	simm.s32 $0x2;
	[sflag:s26] =	ssyncadd.s32 $0xFFFF8000  }
0x1b4: {  	s23 =	simm.s32 $0x0;
	_ =	swait.ge [sflag:s28], $0x800  }
0x1b5: {  	p0 =	seq.s32 s15, $0x0;
	s22 =	simm.s32 $0x1;
	v1 =	vmov s23;
	[sflag:s28] =	ssyncset.done $0x0  }
0x1b6: {  	v3 =	vmov s22;
	s0 =	simm.s32 @!p0 $0x4;
	[sflag:s28] =	ssyncadd.s32 $0xFFFFF800  }
0x1b7: {  	_ =	swait.ge @!p0 [sflag:s0], $0x800  }
0x1b8: {  	[sflag:s0] =	ssyncset.done @!p0 $0x0  }
0x1b9: {  	[sflag:s0] =	ssyncadd.s32 @!p0 $0xFFFFF800  }
0x1ba: {  	v2 =	vld.idx.msk [tilespmem:v1+s31+$0x0], $0xffff  }
0x1bb: {  	s14 =	simm.s32 $0x0;
	v1 =	vld.idx.msk [tilespmem:v3+s31+$0x0], $0xffff  }
0x1bc: {  	v3 =	vld [tilespmem:s14+$0x1930]  }
0x1bd: {  	v4 =	vld [tilespmem:s14+$0x2130]  }
0x1be: {  	v5 =	vld [tilespmem:s14+$0x2930]  }
0x1bf: {  	v7 =	vld [tilespmem:s14+$0x3130]  }
0x1c0: {  	v6 =	vld [tilespmem:s14+$0x3930]  }
0x1c1: {  	v8 =	vld [tilespmem:s14+$0x4130]  }
0x1c2: {  	v9 =	vld [tilespmem:s14+$0x4930]  }
0x1c3: {  	v11 =	vld [tilespmem:s14+$0x5130]  }
0x1c4: {  	v10 =	vld [tilespmem:s14+$0x5930]  }
0x1c5: {  	v12 =	vld [tilespmem:s14+$0x6130]  }
0x1c6: {  	v13 =	vld [tilespmem:s14+$0x6930]  }
0x1c7: {  	v15 =	vld [tilespmem:s14+$0x7130]  }
0x1c8: {  	v14 =	vld [tilespmem:s14+$0x7930]  }
0x1c9: {  	s29 =	sadd.s32 s21, s7;
	v16 =	vld [tilespmem:s14+$0x8130]  }
0x1ca: {  	s25 =	simm.s32 $0x4;
	s3 =	sadd.s32 $0x1, s29;
	s26 =	simm.s32 $0x0;
	v17 =	vld [tilespmem:s14+$0x8930]  }
.LBB2_15:
0x1cb: {  	p2 =	slt.u32 s25, $0x7C;
	v18 =	vld [tilespmem:s14+$0x9130]  }
0x1cc: {  	s0 =	sadd.s32 $0x3, s23;
	v19 =	vld [tilespmem:s14+$0x1900]  }
0x1cd: {  	v3 =	vadd.f32 v4, v3;
	v4 =	vadd.f32 v7, v5;
	v5 =	vmov s0;
	v20 =	vld [tilespmem:s14+$0x2100]  }
0x1ce: {  	v6 =	vadd.f32 v8, v6;
	v8 =	vadd.f32 v11, v9;
	v7 =	vld [tilespmem:s14+$0x2900]  }
0x1cf: {  	v10 =	vadd.f32 v12, v10;
	v11 =	vadd.f32 v15, v13;
	v9 =	vld [tilespmem:s14+$0x3100]  }
0x1d0: {  	v13 =	vadd.f32 v16, v14;
	v12 =	vld [tilespmem:s14+$0x3900];
	v14 =	vadd.f32 v18, v17  }
0x1d1: {  	v3 =	vadd.f32 v4, v3;
	v4 =	vadd.f32 v8, v6;
	v15 =	vld [tilespmem:s14+$0x4100]  }
0x1d2: {  	v6 =	vadd.f32 v11, v10;
	v8 =	vadd.f32 v14, v13;
	v5 =	vld.idx.msk [tilespmem:v5+s31+$0x0], $0xffff  }
0x1d3: {  	v11 =	vadd.f32 v20, v19;
	v10 =	vld [tilespmem:s14+$0x4900]  }
0x1d4: {  	v3 =	vadd.f32 v4, v3;
	v13 =	vld [tilespmem:s14+$0x5100];
	v4 =	vadd.f32 v8, v6  }
0x1d5: {  	v6 =	vadd.f32 v9, v7;
	v7 =	vld [tilespmem:s14+$0x8B0]  }
0x1d6: {  	v8 =	vld [tilespmem:s14+$0x5900];
	v9 =	vadd.f32 v15, v12;
	v3 =	vadd.f32 v4, v3  }
0x1d7: {  	v6 =	vadd.f32 v6, v11;
	v11 =	vor.u32 s0, v0;
	v4 =	vld [tilespmem:s14+$0x6100]  }
0x1d8: {  	v12 =	vld [tilespmem:s14+$0x6900];
	v3 =	vmul.f32 v3, v5  }
0x1d9: {  	v5 =	vld [tilespmem:s14+$0x7100];
	v10 =	vadd.f32 v13, v10  }
0x1da: {  	v13 =	vld [tilespmem:s14+$0x7900];
	v3 =	vadd.f32 v3, v7  }
0x1db: {  	v7 =	vld [tilespmem:s14+$0x8100];
	v9 =	vadd.f32 v10, v9  }
0x1dc: {  	v10 =	vld [tilespmem:s14+$0x8900];
	v4 =	vadd.f32 v4, v8;
	[tilespmem:v11+s2+$0x0] =	vst.idx.msk $0xffff, v3  }
0x1dd: {  	v3 =	vld [tilespmem:s14+$0x9100];
	v6 =	vadd.f32 v9, v6  }
0x1de: {  	v5 =	vadd.f32 v5, v12;
	v8 =	vld [tilespmem:s14+$0x1910]  }
0x1df: {  	v9 =	vld [tilespmem:s14+$0x2110]  }
0x1e0: {  	v7 =	vadd.f32 v7, v13;
	v4 =	vadd.f32 v5, v4;
	v5 =	vld [tilespmem:s14+$0x2910]  }
0x1e1: {  	v11 =	vld [tilespmem:s14+$0x3110]  }
0x1e2: {  	v3 =	vadd.f32 v3, v10;
	v10 =	vld [tilespmem:s14+$0x3910]  }
0x1e3: {  	v12 =	vld [tilespmem:s14+$0x4110]  }
0x1e4: {  	v3 =	vadd.f32 v3, v7;
	v7 =	vld [tilespmem:s14+$0x4910];
	v8 =	vadd.f32 v9, v8  }
0x1e5: {  	v9 =	vld [tilespmem:s14+$0x5110]  }
0x1e6: {  	v3 =	vadd.f32 v3, v4;
	v4 =	vld [tilespmem:s14+$0x5910];
	v5 =	vadd.f32 v11, v5  }
0x1e7: {  	v11 =	vld [tilespmem:s14+$0x6110]  }
0x1e8: {  	v13 =	vld [tilespmem:s14+$0x6910];
	v10 =	vadd.f32 v12, v10;
	v5 =	vadd.f32 v5, v8  }
0x1e9: {  	v3 =	vadd.f32 v3, v6;
	v6 =	vld [tilespmem:s14+$0x7110]  }
0x1ea: {  	v8 =	vld [tilespmem:s14+$0x7910];
	v7 =	vadd.f32 v9, v7  }
0x1eb: {  	v3 =	vmul.f32 v3, v2;
	v2 =	vld [tilespmem:s14+$0x8110]  }
0x1ec: {  	v9 =	vld [tilespmem:s14+$0x8910];
	v4 =	vadd.f32 v11, v4;
	v7 =	vadd.f32 v7, v10  }
0x1ed: {  	v10 =	vld [tilespmem:s14+$0x9110]  }
0x1ee: {  	v6 =	vadd.f32 v6, v13;
	v5 =	vadd.f32 v7, v5;
	v7 =	vld [tilespmem:s14+$0x1920]  }
0x1ef: {  	v11 =	vld [tilespmem:s14+$0x2120]  }
0x1f0: {  	v2 =	vadd.f32 v2, v8;
	v4 =	vadd.f32 v6, v4;
	v6 =	vld [tilespmem:s14+$0x2920]  }
0x1f1: {  	v8 =	vld [tilespmem:s14+$0x3120]  }
0x1f2: {  	v9 =	vadd.f32 v10, v9;
	v10 =	vld [tilespmem:s14+$0x3920]  }
0x1f3: {  	v12 =	vld [tilespmem:s14+$0x4120]  }
0x1f4: {  	v2 =	vadd.f32 v9, v2;
	v9 =	vld [tilespmem:s14+$0x4920];
	v7 =	vadd.f32 v11, v7  }
0x1f5: {  	v11 =	vld [tilespmem:s14+$0x5120]  }
0x1f6: {  	v2 =	vadd.f32 v2, v4;
	v4 =	vld [tilespmem:s14+$0x5920];
	v6 =	vadd.f32 v8, v6  }
0x1f7: {  	v8 =	vld [tilespmem:s14+$0x6120]  }
0x1f8: {  	v13 =	vld [tilespmem:s14+$0x6920];
	v10 =	vadd.f32 v12, v10;
	v6 =	vadd.f32 v6, v7  }
0x1f9: {  	v2 =	vadd.f32 v2, v5;
	v5 =	vld [tilespmem:s14+$0x7120]  }
0x1fa: {  	v7 =	vld [tilespmem:s14+$0x7920];
	v9 =	vadd.f32 v11, v9  }
0x1fb: {  	v11 =	vmul.f32 v2, v1;
	v1 =	vld [tilespmem:s14+$0x8120]  }
0x1fc: {  	s0 =	sadd.s32 $0x1, s25;
	v2 =	vmov s25;
	v12 =	vld [tilespmem:s14+$0x8920];
	v4 =	vadd.f32 v8, v4;
	v8 =	vadd.f32 v9, v10  }
0x1fd: {  	s1 =	sadd.s32 $0x2, s23;
	v9 =	vmov s0;
	v10 =	vld [tilespmem:s14+$0x9120]  }
0x1fe: {  	v14 =	vld [tilespmem:s14+$0x880];
	v5 =	vadd.f32 v5, v13;
	v8 =	vadd.f32 v8, v6;
	v6 =	vmov s1  }
0x1ff: {  	v13 =	vld [tilespmem:s14+$0x890]  }
0x200: {  	v15 =	vor.u32 s23, v0;
	s23 =	smov.u32 s25;
	v7 =	vadd.f32 v1, v7;
	v16 =	vadd.f32 v5, v4;
	v17 =	vld [tilespmem:s14+$0x8A0]  }
0x201: {  	v18 =	vor.u32 s22, v0;
	s22 =	smov.u32 s0;
	v2 =	vld.idx.msk [tilespmem:v2+s31+$0x0], $0xffff  }
0x202: {  	s26 =	sadd.s32 $0x100, s26;
	v1 =	vld.idx.msk [tilespmem:v9+s31+$0x0], $0xffff;
	v4 =	vadd.f32 v10, v12  }
0x203: {  	s14 =	sshra.s32 s26, $0x2;
	v5 =	vadd.f32 v3, v14;
	v10 =	vld.idx.msk [tilespmem:v6+s31+$0x0], $0xffff  }
0x204: {  	v3 =	vld [tilespmem:s14+$0x1930];
	v6 =	vadd.f32 v11, v13;
	v7 =	vadd.f32 v4, v7  }
0x205: {  	v4 =	vld [tilespmem:s14+$0x2130];
	[tilespmem:v15+s2+$0x0] =	vst.idx.msk $0xffff, v5  }
0x206: {  	v5 =	vld [tilespmem:s14+$0x2930];
	[tilespmem:v18+s2+$0x0] =	vst.idx.msk $0xffff, v6;
	v9 =	vadd.f32 v7, v16  }
0x207: {  	v7 =	vld [tilespmem:s14+$0x3130]  }
0x208: {  	v6 =	vld [tilespmem:s14+$0x3930];
	v11 =	vadd.f32 v9, v8  }
0x209: {  	v14 =	vor.u32 s1, v0;
	v8 =	vld [tilespmem:s14+$0x4130]  }
0x20a: {  	v9 =	vld [tilespmem:s14+$0x4930];
	v12 =	vmul.f32 v11, v10  }
0x20b: {  	v11 =	vld [tilespmem:s14+$0x5130]  }
0x20c: {  	v10 =	vld [tilespmem:s14+$0x5930];
	v15 =	vadd.f32 v12, v17  }
0x20d: {  	v12 =	vld [tilespmem:s14+$0x6130]  }
.Ltmp6:
0x20e: {  	v13 =	vld [tilespmem:s14+$0x6930];
	[tilespmem:v14+s2+$0x0] =	vst.idx.msk $0xffff, v15;
	(pc) =	sbr.rel @p2 .LBB2_15-.Ltmp6, $4  }
0x20f: {  	v15 =	vld [tilespmem:s14+$0x7130]  }
0x210: {  	v14 =	vld [tilespmem:s14+$0x7930]  }
0x211: {  	v16 =	vld [tilespmem:s14+$0x8130]  }
0x212: {  	s25 =	sadd.s32 $0x4, s25;
	v17 =	vld [tilespmem:s14+$0x8930]  }
0x213: {  	v18 =	vld [tilespmem:s14+$0x9130]  }
0x214: {  	v19 =	vld [tilespmem:s14+$0x1900]  }
0x215: {  	v20 =	vld [tilespmem:s14+$0x2100]  }
0x216: {  	v21 =	vld [tilespmem:s14+$0x2900]  }
0x217: {  	v22 =	vld [tilespmem:s14+$0x3100]  }
0x218: {  	v23 =	vld [tilespmem:s14+$0x3900]  }
0x219: {  	v24 =	vld [tilespmem:s14+$0x4100]  }
0x21a: {  	v25 =	vld [tilespmem:s14+$0x4900]  }
0x21b: {  	v26 =	vld [tilespmem:s14+$0x5100]  }
0x21c: {  	v27 =	vld [tilespmem:s14+$0x5900]  }
0x21d: {  	v28 =	vld [tilespmem:s14+$0x6100]  }
0x21e: {  	v29 =	vld [tilespmem:s14+$0x6900]  }
0x21f: {  	v30 =	vld [tilespmem:s14+$0x7100]  }
0x220: {  	v31 =	vld [tilespmem:s14+$0x7900]  }
0x221: {  	v32 =	vld [tilespmem:s14+$0x8100]  }
0x222: {  	v33 =	vld [tilespmem:s14+$0x8900]  }
0x223: {  	v34 =	vld [tilespmem:s14+$0x9100]  }
0x224: {  	v35 =	vld [tilespmem:s14+$0x1910]  }
0x225: {  	v36 =	vld [tilespmem:s14+$0x2110]  }
0x226: {  	v37 =	vld [tilespmem:s14+$0x2910]  }
0x227: {  	v38 =	vld [tilespmem:s14+$0x3110]  }
0x228: {  	v39 =	vld [tilespmem:s14+$0x3910]  }
0x229: {  	v40 =	vld [tilespmem:s14+$0x4110]  }
0x22a: {  	v41 =	vld [tilespmem:s14+$0x4910]  }
0x22b: {  	v42 =	vld [tilespmem:s14+$0x5110]  }
0x22c: {  	v43 =	vld [tilespmem:s14+$0x5910]  }
0x22d: {  	v44 =	vld [tilespmem:s14+$0x6110]  }
0x22e: {  	v45 =	vld [tilespmem:s14+$0x6910]  }
0x22f: {  	v46 =	vld [tilespmem:s14+$0x7110]  }
0x230: {  	v3 =	vadd.f32 v4, v3;
	v54 =	vadd.f32 v7, v5;
	v5 =	vld [tilespmem:s14+$0x7910]  }
0x231: {  	v6 =	vadd.f32 v8, v6;
	v55 =	vadd.f32 v11, v9;
	v8 =	vld [tilespmem:s14+$0x8110]  }
0x232: {  	v56 =	vadd.f32 v12, v10;
	v11 =	vld [tilespmem:s14+$0x8910];
	v57 =	vadd.f32 v15, v13  }
0x233: {  	v10 =	vld [tilespmem:s14+$0x2120];
	v3 =	vadd.f32 v54, v3;
	v60 =	vadd.f32 v55, v6  }
0x234: {  	v50 =	vld [tilespmem:s14+$0x3120];
	v58 =	vadd.f32 v16, v14;
	v61 =	vadd.f32 v57, v56  }
0x235: {  	v52 =	vld [tilespmem:s14+$0x3920];
	v3 =	vadd.f32 v60, v3;
	v59 =	vadd.f32 v18, v17  }
0x236: {  	v15 =	vld [tilespmem:s14+$0x2920];
	v63 =	vadd.f32 v20, v19;
	v47 =	vadd.f32 v22, v21  }
0x237: {  	v6 =	vld [tilespmem:s14+$0x1920];
	v48 =	vadd.f32 v24, v23;
	v49 =	vadd.f32 v26, v25  }
0x238: {  	v55 =	vld [tilespmem:s14+$0x4120];
	v56 =	vadd.f32 v28, v27;
	v57 =	vadd.f32 v30, v29  }
0x239: {  	v14 =	vld [tilespmem:s14+$0x9110];
	v60 =	vadd.f32 v34, v33;
	v33 =	vadd.f32 v36, v35  }
0x23a: {  	v34 =	vadd.f32 v38, v37;
	v35 =	vld [tilespmem:s14+$0x6920];
	v36 =	vadd.f32 v40, v39  }
0x23b: {  	v37 =	vld [tilespmem:s14+$0x7120];
	v38 =	vadd.f32 v42, v41;
	v40 =	vadd.f32 v44, v43  }
0x23c: {  	v39 =	vld [tilespmem:s14+$0x7920];
	v41 =	vadd.f32 v46, v45;
	v5 =	vadd.f32 v8, v5  }
0x23d: {  	v42 =	vld [tilespmem:s14+$0x8120];
	v62 =	vadd.f32 v59, v58;
	v53 =	vadd.f32 v47, v63  }
0x23e: {  	v44 =	vld [tilespmem:s14+$0x8920];
	v54 =	vadd.f32 v49, v48;
	v59 =	vadd.f32 v32, v31  }
0x23f: {  	v58 =	vld [tilespmem:s14+$0x4920];
	v30 =	vadd.f32 v57, v56;
	v20 =	vadd.f32 v34, v33  }
0x240: {  	v63 =	vld [tilespmem:s14+$0x5920];
	v46 =	vadd.f32 v38, v36;
	v48 =	vadd.f32 v41, v40  }
0x241: {  	v32 =	vld [tilespmem:s14+$0x6120];
	v6 =	vadd.f32 v10, v6;
	v49 =	vadd.f32 v50, v15  }
0x242: {  	v47 =	vld [tilespmem:s14+$0x9120];
	v7 =	vadd.f32 v55, v52;
	v43 =	vadd.f32 v14, v11  }
0x243: {  	s0 =	sadd.s32 $0x3, s23;
	v51 =	vadd.f32 v62, v61;
	v61 =	vld [tilespmem:s14+$0x5120];
	v62 =	vadd.f32 v54, v53  }
0x244: {  	v45 =	vmov s0;
	v31 =	vadd.f32 v60, v59;
	v6 =	vadd.f32 v49, v6  }
0x245: {  	s1 =	sadd.s32 $0x2, s23;
	v5 =	vadd.f32 v43, v5;
	v52 =	vadd.f32 v37, v35  }
0x246: {  	v53 =	vadd.f32 v42, v39;
	v3 =	vadd.f32 v51, v3;
	v51 =	vmov s1  }
0x247: {  	v12 =	vadd.f32 v31, v30;
	v9 =	vadd.f32 v32, v63  }
0x248: {  	v55 =	vld [tilespmem:s14+$0x880];
	v11 =	vadd.f32 v47, v44;
	v50 =	vadd.f32 v61, v58  }
0x249: {  	v4 =	vadd.f32 v12, v62;
	v12 =	vld.idx.msk [tilespmem:v45+s31+$0x0], $0xffff;
	v9 =	vadd.f32 v52, v9  }
0x24a: {  	v54 =	vld [tilespmem:s14+$0x8B0];
	v56 =	vadd.f32 v11, v53;
	v7 =	vadd.f32 v50, v7  }
0x24b: {  	v57 =	vadd.f32 v46, v20;
	v5 =	vadd.f32 v5, v48;
	v13 =	vld.idx.msk [tilespmem:v51+s31+$0x0], $0xffff  }
0x24c: {  	v59 =	vld [tilespmem:s14+$0x890];
	v60 =	vor.u32 s23, v0;
	v9 =	vadd.f32 v56, v9;
	v6 =	vadd.f32 v7, v6  }
0x24d: {  	v58 =	vor.u32 s0, v0;
	v5 =	vadd.f32 v5, v57;
	v61 =	vld [tilespmem:s14+$0x8A0];
	v2 =	vmul.f32 v4, v2  }
0x24e: {  	v62 =	vor.u32 s22, v0;
	v3 =	vmul.f32 v3, v12;
	v6 =	vadd.f32 v9, v6  }
0x24f: {  	v63 =	vor.u32 s1, v0;
	v1 =	vmul.f32 v5, v1;
	v2 =	vadd.f32 v2, v55  }
0x250: {  	v3 =	vadd.f32 v3, v54;
	v6 =	vmul.f32 v6, v13  }
0x251: {  	v1 =	vadd.f32 v1, v59;
	[tilespmem:v60+s2+$0x0] =	vst.idx.msk $0xffff, v2  }
0x252: {  	[tilespmem:v58+s2+$0x0] =	vst.idx.msk $0xffff, v3;
	v2 =	vadd.f32 v6, v61  }
.Ltmp7:
0x253: {  	s26 =	rddreg [dreg:$0x6];
	[tilespmem:v62+s2+$0x0] =	vst.idx.msk $0xffff, v1;
	(pc) =	sbr.rel @p1 .LBB2_24-.Ltmp7, $4  }
0x254: {  	s0 =	sadd.s32 s26, s21;
	[tilespmem:v63+s2+$0x0] =	vst.idx.msk $0xffff, v2  }
0x255: {  	s0 =	sshll.u32 s0, $0x4;
	s28 =	rddreg [dreg:$0xd]  }
0x256: {  	s4 =	simm.s32 $0x80;
	s29 =	simm.s32 $0x4000;
	s0 =	sadd.s32 s0, s28  }
0x257: {  	[hbm4b:s0+s4] =	stream.strided.scatter [tilespmem:s2], [sflag:$0x4], $0x800, s29, s4, $0x38;
	[tilespmem:$0x14200] =	vst v63  }
0x258: {  	[dreg:$0x11] =	wrdreg s3;
	s0 =	simm.s32 $0x1  }
0x259: {  	_ =	swait.ge [sflag:s0], $0x800  }
0x25a: {  	[sflag:s0] =	ssyncset.done $0x0  }
0x25b: {  	[sflag:s0] =	ssyncadd.s32 $0xFFFFF800  }
0x25c: {  	_ =	swait.ge [sflag:s0], $0x80  }
0x25d: {  	[sflag:s0] =	ssyncset.done $0x0  }
0x25e: {  	[sflag:s0] =	ssyncadd.s32 $0xFFFFFF80;
	s0 =	simm.s32 $0x0  }
0x25f: {  	s17 =	smov.u32 s24;
	s7 =	smov.u32 s13;
	s1 =	simm.s32 $0x40;
	v1 =	vld [tilespmem:s0+$0x800]  }
.LBB2_18:
0x260: {  	p1 =	sne.s32 s1, $0x1C0  }
.Ltmp8:
0x261: {  	_ = 	snop;
	(pc) =	sbr.rel @p1 .LBB2_18-.Ltmp8, $3  }
0x262: {  	_ =	sdelay $0x1  }
0x263: {  	s3 =	sshra.s32 s1, $0x2;
	s1 =	sadd.s32 $0x40, s1;
	v2 =	vadd.s32 $0x4400, v1  }
0x264: {  	v1 =	vld [tilespmem:s3+$0x800];
	[tilespmem:s0+$0x800] =	vst v2;
	s0 =	smov.u32 s3  }
0x265: {  	_ =	sdelay $0x3  }
0x266: {  	v1 =	vadd.s32 $0x4400, v1  }
0x267: {  	s26 =	simm.s32 $0x800;
	s1 =	simm.s32 $0x880;
	s28 =	simm.s32 $0x40;
	[tilespmem:s0+$0x800] =	vst v1  }
0x268: {  	[tilespmem:s1], [sflag:$0x2] =	stream.indirect.gather [hbm4b:s30+s4], $0x10, s26, s4, $0xb8;
	[tilespmem:$0x14200] =	vst v63  }
0x269: {  	v1 =	vld [tilespmem:s28+$0xFFFFFFC0];
	_ =	sdelay $0x3  }
0x26a: {  	s22 =	simm.s32 $0x0  }
0x26b: {  	s14 =	simm.s32 $0x1140;
	v1 =	vadd.s32 s22, v1  }
0x26c: {  	[tilespmem:s14+$0xFFFFFFC0] =	vst v1  }
0x26d: {  	s4 =	simm.s32 $0xC0;
	v1 =	vld [tilespmem:s28+$0xFFFFFFD0]  }
0x26e: {  	v2 =	vld [tilespmem:s4+$0xFFFFFFC0];
	_ =	sdelay $0x3  }
0x26f: {  	s23 =	simm.s32 $0x440;
	v1 =	vadd.s32 s22, v1  }
0x270: {  	s25 =	simm.s32 $0x11C0;
	v2 =	vadd.s32 s23, v2;
	[tilespmem:s14+$0xFFFFFFD0] =	vst v1  }
0x271: {  	[tilespmem:s25+$0xFFFFFFC0] =	vst v2;
	v1 =	vld [tilespmem:s28+$0xFFFFFFE0]  }
0x272: {  	s3 =	simm.s32 $0x140;
	v2 =	vld [tilespmem:s4+$0xFFFFFFD0]  }
0x273: {  	v3 =	vld [tilespmem:s3+$0xFFFFFFC0];
	_ =	sdelay $0x2  }
0x274: {  	v1 =	vadd.s32 s22, v1  }
0x275: {  	s26 =	simm.s32 $0x880;
	v2 =	vadd.s32 s23, v2;
	[tilespmem:s14+$0xFFFFFFE0] =	vst v1  }
0x276: {  	s1 =	simm.s32 $0x1240;
	[tilespmem:s25+$0xFFFFFFD0] =	vst v2;
	v1 =	vadd.s32 s26, v3;
	v2 =	vld [tilespmem:s28+$0xFFFFFFF0]  }
0x277: {  	[tilespmem:s1+$0xFFFFFFC0] =	vst v1;
	v1 =	vld [tilespmem:s4+$0xFFFFFFE0]  }
0x278: {  	s6 =	simm.s32 $0x1C0;
	v3 =	vld [tilespmem:s3+$0xFFFFFFD0]  }
0x279: {  	v4 =	vld [tilespmem:s6+$0xFFFFFFC0];
	_ =	sdelay $0x1  }
0x27a: {  	v2 =	vadd.s32 s22, v2  }
0x27b: {  	v1 =	vadd.s32 s23, v1;
	[tilespmem:s14+$0xFFFFFFF0] =	vst v2  }
0x27c: {  	s18 =	simm.s32 $0xCC0;
	v2 =	vadd.s32 s26, v3;
	[tilespmem:s25+$0xFFFFFFE0] =	vst v1;
	v1 =	vld [tilespmem:s28+$0x0]  }
0x27d: {  	s5 =	simm.s32 $0x12C0;
	v3 =	vadd.s32 s18, v4;
	[tilespmem:s1+$0xFFFFFFD0] =	vst v2;
	v2 =	vld [tilespmem:s4+$0xFFFFFFF0]  }
0x27e: {  	[tilespmem:s5+$0xFFFFFFC0] =	vst v3;
	v3 =	vld [tilespmem:s3+$0xFFFFFFE0]  }
0x27f: {  	s16 =	simm.s32 $0x240;
	v4 =	vld [tilespmem:s6+$0xFFFFFFD0]  }
0x280: {  	v5 =	vld [tilespmem:s16+$0xFFFFFFC0]  }
0x281: {  	v1 =	vadd.s32 s22, v1  }
0x282: {  	v2 =	vadd.s32 s23, v2;
	[tilespmem:s14+$0x0] =	vst v1  }
0x283: {  	v1 =	vadd.s32 s26, v3;
	[tilespmem:s25+$0xFFFFFFF0] =	vst v2;
	v2 =	vld [tilespmem:s28+$0x10]  }
0x284: {  	s12 =	simm.s32 $0x1100;
	v3 =	vadd.s32 s18, v4;
	[tilespmem:s1+$0xFFFFFFE0] =	vst v1;
	v1 =	vld [tilespmem:s4+$0x0]  }
0x285: {  	s0 =	simm.s32 $0x1340;
	v4 =	vadd.s32 s12, v5;
	[tilespmem:s5+$0xFFFFFFD0] =	vst v3;
	v3 =	vld [tilespmem:s3+$0xFFFFFFF0]  }
0x286: {  	s29 =	simm.s32 $0x2C0;
	[tilespmem:s0+$0xFFFFFFC0] =	vst v4;
	v4 =	vld [tilespmem:s6+$0xFFFFFFE0]  }
0x287: {  	v6 =	vld [tilespmem:s29+$0xFFFFFFC0]  }
0x288: {  	v5 =	vld [tilespmem:s16+$0xFFFFFFD0];
	v2 =	vadd.s32 s22, v2  }
0x289: {  	v1 =	vadd.s32 s23, v1;
	[tilespmem:s14+$0x10] =	vst v2  }
0x28a: {  	[tilespmem:s25+$0x0] =	vst v1;
	v7 =	vld [tilespmem:s28+$0x20]  }
0x28b: {  	s19 =	simm.s32 $0x340;
	s30 =	simm.s32 $0x1540;
	v2 =	vadd.s32 s26, v3;
	v1 =	vadd.s32 s18, v4;
	v4 =	vld [tilespmem:s4+$0x10]  }
0x28c: {  	v3 =	vadd.s32 s30, v6;
	v6 =	vld [tilespmem:s19+$0xFFFFFFC0];
	[tilespmem:s1+$0xFFFFFFF0] =	vst v2  }
0x28d: {  	v2 =	vadd.s32 s12, v5;
	[tilespmem:s5+$0xFFFFFFE0] =	vst v1;
	v1 =	vld [tilespmem:s3+$0x0]  }
0x28e: {  	s8 =	simm.s32 $0x13C0;
	[tilespmem:s0+$0xFFFFFFD0] =	vst v2;
	v2 =	vld [tilespmem:s6+$0xFFFFFFF0]  }
0x28f: {  	[tilespmem:s8+$0xFFFFFFC0] =	vst v3;
	v3 =	vld [tilespmem:s16+$0xFFFFFFE0];
	v7 =	vadd.s32 s22, v7  }
0x290: {  	s9 =	simm.s32 $0x1980;
	s20 =	simm.s32 $0x1DC0;
	v5 =	vld [tilespmem:s29+$0xFFFFFFD0];
	v4 =	vadd.s32 s23, v4;
	[tilespmem:s14+$0x20] =	vst v7  }
.LBB2_20:
0x291: {  	p1 =	sne.s32 s20, $0x3FC0;
	s13 =	smov.u32 s0;
	s0 =	smov.u32 s8  }
0x292: {  	v1 =	vadd.s32 s26, v1;
	[tilespmem:s25+$0x10] =	vst v4;
	v4 =	vld [tilespmem:s28+$0x30];
	s28 =	smov.u32 s4;
	s4 =	smov.u32 s3;
	s3 =	smov.u32 s6  }
0x293: {  	s6 =	smov.u32 s16;
	s16 =	smov.u32 s29;
	s29 =	smov.u32 s19;
	v2 =	vadd.s32 s18, v2;
	[tilespmem:s1+$0x0] =	vst v1;
	v7 =	vld [tilespmem:s28+$0x20]  }
0x294: {  	s24 =	smov.u32 s18;
	s18 =	smov.u32 s12;
	v1 =	vadd.s32 s12, v3;
	[tilespmem:s5+$0xFFFFFFF0] =	vst v2;
	v8 =	vld [tilespmem:s4+$0x10];
	s12 =	smov.u32 s30  }
.Ltmp9:
0x295: {  	s30 =	smov.u32 s9;
	s9 =	smov.u32 s20;
	v2 =	vadd.s32 s12, v5;
	[tilespmem:s13+$0xFFFFFFE0] =	vst v1;
	v1 =	vld [tilespmem:s3+$0x0];
	(pc) =	sbr.rel @p1 .LBB2_20-.Ltmp9, $4  }
0x296: {  	s8 =	sadd.s32 $0x80, s8;
	v3 =	vadd.s32 s30, v6;
	[tilespmem:s0+$0xFFFFFFD0] =	vst v2;
	v2 =	vld [tilespmem:s6+$0xFFFFFFF0]  }
0x297: {  	[tilespmem:s8+$0xFFFFFFC0] =	vst v3;
	v3 =	vld [tilespmem:s16+$0xFFFFFFE0];
	v4 =	vadd.s32 s22, v4;
	s22 =	smov.u32 s23;
	s23 =	smov.u32 s26;
	s26 =	smov.u32 s24  }
0x298: {  	s19 =	sadd.s32 $0x80, s19;
	v5 =	vld [tilespmem:s29+$0xFFFFFFD0];
	v7 =	vadd.s32 s22, v7;
	[tilespmem:s14+$0x30] =	vst v4;
	s14 =	smov.u32 s25;
	s25 =	smov.u32 s1  }
0x299: {  	s20 =	sadd.s32 $0x440, s20;
	s1 =	smov.u32 s5;
	s5 =	smov.u32 s13;
	v6 =	vld [tilespmem:s19+$0xFFFFFFC0];
	v4 =	vadd.s32 s23, v8;
	[tilespmem:s14+$0x20] =	vst v7  }
0x29a: {  	_ =	sdelay $0x3  }
0x29b: {  	s20 =	sadd.s32 $0x80, s8;
	v6 =	vadd.s32 s9, v6  }
0x29c: {  	[tilespmem:s20+$0xFFFFFFC0] =	vst v6  }
0x29d: {  	v6 =	vld [tilespmem:s19+$0xFFFFFFD0];
	_ =	sdelay $0x3  }
0x29e: {  	v5 =	vadd.s32 s30, v5  }
0x29f: {  	[tilespmem:s8+$0xFFFFFFD0] =	vst v5;
	v5 =	vadd.s32 s9, v6  }
0x2a0: {  	v6 =	vld [tilespmem:s29+$0xFFFFFFE0];
	[tilespmem:s20+$0xFFFFFFD0] =	vst v5  }
0x2a1: {  	v5 =	vld [tilespmem:s19+$0xFFFFFFE0];
	_ =	sdelay $0x2  }
0x2a2: {  	v3 =	vadd.s32 s12, v3  }
0x2a3: {  	[tilespmem:s0+$0xFFFFFFE0] =	vst v3;
	v3 =	vadd.s32 s30, v6  }
0x2a4: {  	v6 =	vld [tilespmem:s16+$0xFFFFFFF0];
	[tilespmem:s8+$0xFFFFFFE0] =	vst v3;
	v3 =	vadd.s32 s9, v5  }
0x2a5: {  	v5 =	vld [tilespmem:s29+$0xFFFFFFF0];
	[tilespmem:s20+$0xFFFFFFE0] =	vst v3  }
0x2a6: {  	v3 =	vld [tilespmem:s19+$0xFFFFFFF0];
	_ =	sdelay $0x1  }
0x2a7: {  	v2 =	vadd.s32 s18, v2  }
0x2a8: {  	[tilespmem:s5+$0xFFFFFFF0] =	vst v2;
	v2 =	vadd.s32 s12, v6  }
0x2a9: {  	v6 =	vld [tilespmem:s6+$0x0];
	[tilespmem:s0+$0xFFFFFFF0] =	vst v2;
	v2 =	vadd.s32 s30, v5  }
0x2aa: {  	v5 =	vld [tilespmem:s16+$0x0];
	[tilespmem:s8+$0xFFFFFFF0] =	vst v2;
	v2 =	vadd.s32 s9, v3  }
0x2ab: {  	v3 =	vld [tilespmem:s29+$0x0];
	[tilespmem:s20+$0xFFFFFFF0] =	vst v2  }
0x2ac: {  	v2 =	vld [tilespmem:s19+$0x0]  }
0x2ad: {  	v1 =	vadd.s32 s26, v1  }
0x2ae: {  	[tilespmem:s1+$0x0] =	vst v1;
	v1 =	vadd.s32 s18, v6  }
0x2af: {  	v6 =	vld [tilespmem:s3+$0x10];
	[tilespmem:s5+$0x0] =	vst v1;
	v1 =	vadd.s32 s12, v5  }
0x2b0: {  	v5 =	vld [tilespmem:s6+$0x10];
	[tilespmem:s0+$0x0] =	vst v1;
	v1 =	vadd.s32 s30, v3  }
0x2b1: {  	v3 =	vld [tilespmem:s16+$0x10];
	[tilespmem:s8+$0x0] =	vst v1;
	v1 =	vadd.s32 s9, v2  }
0x2b2: {  	v2 =	vld [tilespmem:s29+$0x10];
	[tilespmem:s20+$0x0] =	vst v1  }
0x2b3: {  	v1 =	vld [tilespmem:s19+$0x10]  }
0x2b4: {  	[tilespmem:s25+$0x10] =	vst v4;
	v4 =	vadd.s32 s26, v6  }
0x2b5: {  	v6 =	vld [tilespmem:s4+$0x20];
	[tilespmem:s1+$0x10] =	vst v4;
	v4 =	vadd.s32 s18, v5  }
0x2b6: {  	v5 =	vld [tilespmem:s3+$0x20];
	[tilespmem:s5+$0x10] =	vst v4;
	v3 =	vadd.s32 s12, v3  }
0x2b7: {  	v4 =	vld [tilespmem:s6+$0x20];
	[tilespmem:s0+$0x10] =	vst v3;
	v2 =	vadd.s32 s30, v2  }
0x2b8: {  	v3 =	vld [tilespmem:s16+$0x20];
	[tilespmem:s8+$0x10] =	vst v2;
	v1 =	vadd.s32 s9, v1  }
0x2b9: {  	v2 =	vld [tilespmem:s29+$0x20];
	[tilespmem:s20+$0x10] =	vst v1  }
0x2ba: {  	v1 =	vadd.s32 s23, v6;
	v6 =	vld [tilespmem:s19+$0x20]  }
0x2bb: {  	v7 =	vld [tilespmem:s28+$0x30];
	[tilespmem:s25+$0x20] =	vst v1;
	v1 =	vadd.s32 s26, v5  }
0x2bc: {  	v5 =	vld [tilespmem:s4+$0x30];
	[tilespmem:s1+$0x20] =	vst v1;
	v1 =	vadd.s32 s18, v4  }
0x2bd: {  	v4 =	vld [tilespmem:s3+$0x30];
	[tilespmem:s5+$0x20] =	vst v1;
	v1 =	vadd.s32 s12, v3  }
0x2be: {  	v3 =	vld [tilespmem:s6+$0x30];
	[tilespmem:s0+$0x20] =	vst v1;
	v1 =	vadd.s32 s30, v2  }
0x2bf: {  	v2 =	vld [tilespmem:s16+$0x30];
	[tilespmem:s8+$0x20] =	vst v1;
	v1 =	vadd.s32 s9, v6  }
0x2c0: {  	v6 =	vadd.s32 s22, v7;
	v7 =	vld [tilespmem:s29+$0x30];
	[tilespmem:s20+$0x20] =	vst v1  }
0x2c1: {  	[tilespmem:s14+$0x30] =	vst v6;
	v1 =	vadd.s32 s23, v5;
	v5 =	vld [tilespmem:s19+$0x30]  }
0x2c2: {  	[tilespmem:s25+$0x30] =	vst v1;
	v1 =	vadd.s32 s26, v4  }
0x2c3: {  	[tilespmem:s1+$0x30] =	vst v1;
	v1 =	vadd.s32 s18, v3  }
0x2c4: {  	[tilespmem:s5+$0x30] =	vst v1;
	v1 =	vadd.s32 s12, v2  }
0x2c5: {  	[tilespmem:s0+$0x30] =	vst v1;
	v1 =	vadd.s32 s30, v7  }
0x2c6: {  	[tilespmem:s8+$0x30] =	vst v1;
	v1 =	vadd.s32 s9, v5  }
0x2c7: {  	s14 =	simm.s32 $0x0;
	[tilespmem:s20+$0x30] =	vst v1  }
0x2c8: {  	v1 =	vld [tilespmem:s14+$0x200]  }
0x2c9: {  	v2 =	vld [tilespmem:s14+$0x0]  }
0x2ca: {  	v3 =	vld [tilespmem:s14+$0x80]  }
0x2cb: {  	v4 =	vld [tilespmem:s14+$0x100]  }
0x2cc: {  	v5 =	vld [tilespmem:s14+$0x180]  }
0x2cd: {  	v6 =	vld [tilespmem:s14+$0x780]  }
0x2ce: {  	v7 =	vld [tilespmem:s14+$0x280]  }
0x2cf: {  	v8 =	vld [tilespmem:s14+$0x300];
	vm0 =	vlt.s32 v2, $0x1;
	vm1 =	vlt.s32 v3, $0x1  }
0x2d0: {  	v9 =	vld [tilespmem:s14+$0x380];
	v2 =	vnsel vm0, $0x1, v2;
	v3 =	vnsel vm1, $0x1, v3;
	vm0 =	vlt.s32 v4, $0x1  }
0x2d1: {  	vm1 =	vlt.s32 v5, $0x1;
	v2 =	vadd.s32 v2, v3;
	v3 =	vnsel vm0, $0x1, v4;
	v4 =	vld [tilespmem:s14+$0x400]  }
0x2d2: {  	vm0 =	vlt.s32 v1, $0x1;
	v2 =	vadd.s32 v3, v2;
	v3 =	vnsel vm1, $0x1, v5;
	v5 =	vld [tilespmem:s14+$0x480]  }
0x2d3: {  	v1 =	vnsel vm0, $0x1, v1;
	vm0 =	vlt.s32 v7, $0x1;
	v2 =	vadd.s32 v3, v2;
	v3 =	vld [tilespmem:s14+$0x500]  }
0x2d4: {  	v1 =	vadd.s32 v1, v2;
	v2 =	vnsel vm0, $0x1, v7;
	vm0 =	vlt.s32 v8, $0x1;
	v7 =	vld [tilespmem:s14+$0x580]  }
0x2d5: {  	v1 =	vadd.s32 v2, v1;
	v2 =	vnsel vm0, $0x1, v8;
	vm0 =	vlt.s32 v9, $0x1;
	v8 =	vld [tilespmem:s14+$0x600]  }
0x2d6: {  	v1 =	vadd.s32 v2, v1;
	v2 =	vnsel vm0, $0x1, v9;
	vm0 =	vlt.s32 v4, $0x1;
	v9 =	vld [tilespmem:s14+$0x680]  }
0x2d7: {  	s22 =	simm.s32 $0x10;
	v1 =	vadd.s32 v2, v1;
	v2 =	vnsel vm0, $0x1, v4;
	vm0 =	vlt.s32 v5, $0x1;
	v4 =	vld [tilespmem:s14+$0x700]  }
0x2d8: {  	v10 =	vld [tilespmem:s22+$0x200];
	v1 =	vadd.s32 v2, v1;
	v2 =	vnsel vm0, $0x1, v5;
	vm0 =	vlt.s32 v3, $0x1  }
0x2d9: {  	v5 =	vld [tilespmem:s22+$0x180];
	v1 =	vadd.s32 v2, v1;
	v2 =	vnsel vm0, $0x1, v3;
	vm0 =	vlt.s32 v7, $0x1  }
0x2da: {  	v3 =	vld [tilespmem:s22+$0x0];
	v1 =	vadd.s32 v2, v1;
	v2 =	vnsel vm0, $0x1, v7;
	vm0 =	vlt.s32 v8, $0x1  }
0x2db: {  	v7 =	vld [tilespmem:s22+$0x80];
	v1 =	vadd.s32 v2, v1;
	v2 =	vnsel vm0, $0x1, v8;
	vm0 =	vlt.s32 v9, $0x1  }
0x2dc: {  	v8 =	vld [tilespmem:s22+$0x100];
	v1 =	vadd.s32 v2, v1;
	v2 =	vnsel vm0, $0x1, v9;
	vm0 =	vlt.s32 v4, $0x1  }
0x2dd: {  	v2 =	vadd.s32 v2, v1;
	v4 =	vnsel vm0, $0x1, v4;
	vm0 =	vlt.s32 v6, $0x1  }
0x2de: {  	v11 =	vld [tilespmem:s22+$0x480];
	v2 =	vadd.s32 v4, v2;
	v4 =	vnsel vm0, $0x1, v6  }
0x2df: {  	vm1 =	vlt.s32 v10, $0x1;
	vm0 =	vlt.s32 v5, $0x1;
	v6 =	vld [tilespmem:s22+$0x280];
	v2 =	vadd.s32 v4, v2  }
0x2e0: {  	vm2 =	vlt.s32 v3, $0x1;
	vm3 =	vlt.s32 v7, $0x1;
	v4 =	vld [tilespmem:s22+$0x300];
	v2 =	vcvt.s32.f32 v2  }
0x2e1: {  	v9 =	vld [tilespmem:s22+$0x380];
	v3 =	vnsel vm2, $0x1, v3;
	v7 =	vnsel vm3, $0x1, v7;
	vm2 =	vlt.s32 v8, $0x1  }
0x2e2: {  	v3 =	vadd.s32 v3, v7;
	v7 =	vnsel vm2, $0x1, v8;
	v8 =	vld [tilespmem:s22+$0x400];
	v2 =	vmax.f32 v2, $1.000000000e+00  }
0x2e3: {  	v12 =	vld [tilespmem:s22+$0x580];
	v5 =	vnsel vm0, $0x1, v5;
	v3 =	vadd.s32 v7, v3;
	(erf) = vrcp.f32 v2  }
0x2e4: {  	v2 =	vadd.s32 v5, v3;
	v3 =	vnsel vm1, $0x1, v10;
	vm0 =	vlt.s32 v6, $0x1;
	v10 =	vld [tilespmem:s22+$0x500]  }
0x2e5: {  	v1 =	vld [tilespmem:s22+$0x780];
	v2 =	vadd.s32 v3, v2;
	v3 =	vnsel vm0, $0x1, v6;
	vm0 =	vlt.s32 v4, $0x1  }
0x2e6: {  	v6 =	vld [tilespmem:s22+$0x600];
	v2 =	vadd.s32 v3, v2;
	v3 =	vnsel vm0, $0x1, v4;
	vm0 =	vlt.s32 v9, $0x1  }
0x2e7: {  	v5 =	vld [tilespmem:s22+$0x680];
	v2 =	vadd.s32 v3, v2;
	v3 =	vnsel vm0, $0x1, v9;
	vm0 =	vlt.s32 v8, $0x1  }
0x2e8: {  	s0 =	simm.s32 $0x20;
	v7 =	vld [tilespmem:s22+$0x700];
	v3 =	vadd.s32 v3, v2;
	v4 =	vnsel vm0, $0x1, v8;
	vm0 =	vlt.s32 v11, $0x1  }
0x2e9: {  	v2 =	vld [tilespmem:s0+$0x200];
	v4 =	vadd.s32 v4, v3;
	v8 =	vnsel vm0, $0x1, v11;
	vm0 =	vlt.s32 v10, $0x1  }
0x2ea: {  	v3 =	vld [tilespmem:s0+$0x180];
	v8 =	vadd.s32 v8, v4;
	v9 =	vnsel vm0, $0x1, v10;
	vm0 =	vlt.s32 v12, $0x1  }
0x2eb: {  	s1 =	simm.s32 $0xC0;
	v4 =	vld [tilespmem:s0+$0x0];
	v8 =	vadd.s32 v9, v8;
	v9 =	vnsel vm0, $0x1, v12;
	vm0 =	vlt.s32 v6, $0x1  }
.LBB2_22:
0x2ec: {  	p1 =	sne.s32 s1, $0x1C0;
	v10 =	vld [tilespmem:s0+$0x80];
	v8 =	vadd.s32 v9, v8;
	v6 =	vnsel vm0, $0x1, v6;
	vm0 =	vlt.s32 v5, $0x1;
	v9 =	vpop (erf)  }
0x2ed: {  	v11 =	vld [tilespmem:s0+$0x100];
	v6 =	vadd.s32 v6, v8;
	v5 =	vnsel vm0, $0x1, v5;
	vm0 =	vlt.s32 v7, $0x1;
	[tilespmem:s14+$0x1080] =	vst v9;
	s14 =	smov.u32 s22;
	s22 =	smov.u32 s0  }
0x2ee: {  	v5 =	vadd.s32 v5, v6;
	v6 =	vnsel vm0, $0x1, v7;
	vm0 =	vlt.s32 v1, $0x1  }
0x2ef: {  	v5 =	vadd.s32 v6, v5;
	v6 =	vnsel vm0, $0x1, v1;
	v1 =	vld [tilespmem:s22+$0x780]  }
0x2f0: {  	vm1 =	vlt.s32 v2, $0x1;
	vm0 =	vlt.s32 v3, $0x1;
	v7 =	vld [tilespmem:s22+$0x280];
	v5 =	vadd.s32 v6, v5  }
0x2f1: {  	vm2 =	vlt.s32 v4, $0x1;
	vm3 =	vlt.s32 v10, $0x1;
	v6 =	vld [tilespmem:s22+$0x300];
	v5 =	vcvt.s32.f32 v5  }
0x2f2: {  	v4 =	vnsel vm2, $0x1, v4;
	v8 =	vnsel vm3, $0x1, v10;
	vm2 =	vlt.s32 v11, $0x1;
	v9 =	vld [tilespmem:s22+$0x380]  }
0x2f3: {  	v4 =	vadd.s32 v4, v8;
	v8 =	vnsel vm2, $0x1, v11;
	v10 =	vld [tilespmem:s22+$0x400];
	v5 =	vmax.f32 v5, $1.000000000e+00  }
0x2f4: {  	v3 =	vnsel vm0, $0x1, v3;
	v4 =	vadd.s32 v8, v4;
	v8 =	vld [tilespmem:s22+$0x480];
	(erf) = vrcp.f32 v5  }
0x2f5: {  	v2 =	vnsel vm1, $0x1, v2;
	v3 =	vadd.s32 v3, v4;
	vm0 =	vlt.s32 v7, $0x1;
	v4 =	vld [tilespmem:s22+$0x500]  }
0x2f6: {  	v2 =	vadd.s32 v2, v3;
	v3 =	vnsel vm0, $0x1, v7;
	vm0 =	vlt.s32 v6, $0x1;
	v11 =	vld [tilespmem:s22+$0x580]  }
0x2f7: {  	v2 =	vadd.s32 v3, v2;
	v3 =	vnsel vm0, $0x1, v6;
	vm0 =	vlt.s32 v9, $0x1;
	v6 =	vld [tilespmem:s22+$0x600]  }
.Ltmp10:
0x2f8: {  	v2 =	vadd.s32 v3, v2;
	v3 =	vnsel vm0, $0x1, v9;
	vm0 =	vlt.s32 v10, $0x1;
	v5 =	vld [tilespmem:s22+$0x680];
	(pc) =	sbr.rel @p1 .LBB2_22-.Ltmp10, $4  }
0x2f9: {  	s0 =	sshra.s32 s1, $0x2;
	v3 =	vadd.s32 v3, v2;
	v9 =	vnsel vm0, $0x1, v10;
	vm0 =	vlt.s32 v8, $0x1;
	v7 =	vld [tilespmem:s22+$0x700]  }
0x2fa: {  	v2 =	vld [tilespmem:s0+$0x200];
	v9 =	vadd.s32 v9, v3;
	v8 =	vnsel vm0, $0x1, v8;
	vm0 =	vlt.s32 v4, $0x1  }
0x2fb: {  	v3 =	vld [tilespmem:s0+$0x180];
	v8 =	vadd.s32 v8, v9;
	v9 =	vnsel vm0, $0x1, v4;
	vm0 =	vlt.s32 v11, $0x1  }
0x2fc: {  	s1 =	sadd.s32 $0x40, s1;
	v4 =	vld [tilespmem:s0+$0x0];
	v8 =	vadd.s32 v9, v8;
	v9 =	vnsel vm0, $0x1, v11;
	vm0 =	vlt.s32 v6, $0x1  }
0x2fd: {  	v10 =	vld [tilespmem:s0+$0x80]  }
0x2fe: {  	v8 =	vadd.s32 v9, v8;
	v50 =	vld [tilespmem:s0+$0x100]  }
0x2ff: {  	v6 =	vnsel vm0, $0x1, v6;
	vm10 =	vlt.s32 v5, $0x1;
	vm12 =	vlt.s32 v1, $0x1  }
0x300: {  	v6 =	vadd.s32 v6, v8;
	v5 =	vnsel vm10, $0x1, v5;
	vm11 =	vlt.s32 v7, $0x1  }
0x301: {  	v52 =	vld [tilespmem:s0+$0x280];
	v1 =	vnsel vm12, $0x1, v1;
	v5 =	vadd.s32 v5, v6;
	v51 =	vnsel vm11, $0x1, v7  }
0x302: {  	v53 =	vld [tilespmem:s0+$0x300];
	vm4 =	vlt.s32 v2, $0x1;
	vm13 =	vlt.s32 v4, $0x1;
	vm1 =	vlt.s32 v10, $0x1  }
0x303: {  	v55 =	vld [tilespmem:s0+$0x380];
	v4 =	vnsel vm13, $0x1, v4;
	vm14 =	vlt.s32 v50, $0x1;
	v54 =	vnsel vm1, $0x1, v10  }
0x304: {  	v57 =	vld [tilespmem:s0+$0x400];
	vm15 =	vlt.s32 v3, $0x1;
	v56 =	vnsel vm14, $0x1, v50;
	v4 =	vadd.s32 v4, v54  }
0x305: {  	v58 =	vld [tilespmem:s0+$0x480];
	v5 =	vadd.s32 v51, v5;
	v3 =	vnsel vm15, $0x1, v3;
	v4 =	vadd.s32 v56, v4  }
0x306: {  	v59 =	vld [tilespmem:s0+$0x500];
	v2 =	vnsel vm4, $0x1, v2;
	vm5 =	vlt.s32 v52, $0x1;
	v3 =	vadd.s32 v3, v4  }
0x307: {  	v60 =	vld [tilespmem:s0+$0x580];
	vm6 =	vlt.s32 v53, $0x1;
	v2 =	vadd.s32 v2, v3;
	v3 =	vnsel vm5, $0x1, v52  }
0x308: {  	v61 =	vld [tilespmem:s0+$0x600];
	vm7 =	vlt.s32 v55, $0x1;
	v2 =	vadd.s32 v3, v2;
	v3 =	vnsel vm6, $0x1, v53  }
0x309: {  	v62 =	vld [tilespmem:s0+$0x680];
	vm8 =	vlt.s32 v57, $0x1;
	v2 =	vadd.s32 v3, v2;
	v3 =	vnsel vm7, $0x1, v55  }
0x30a: {  	v63 =	vld [tilespmem:s0+$0x700];
	vm9 =	vlt.s32 v58, $0x1;
	v2 =	vadd.s32 v3, v2;
	v3 =	vnsel vm8, $0x1, v57  }
0x30b: {  	v11 =	vld [tilespmem:s0+$0x780];
	vm10 =	vlt.s32 v59, $0x1;
	v2 =	vadd.s32 v3, v2;
	v3 =	vnsel vm9, $0x1, v58  }
0x30c: {  	vm11 =	vlt.s32 v60, $0x1;
	v2 =	vadd.s32 v3, v2;
	v3 =	vnsel vm10, $0x1, v59  }
0x30d: {  	vm12 =	vlt.s32 v61, $0x1;
	v2 =	vadd.s32 v3, v2;
	v3 =	vnsel vm11, $0x1, v60  }
0x30e: {  	vm13 =	vlt.s32 v62, $0x1;
	v2 =	vadd.s32 v3, v2;
	v3 =	vnsel vm12, $0x1, v61  }
0x30f: {  	vm14 =	vlt.s32 v63, $0x1;
	v2 =	vadd.s32 v3, v2;
	v3 =	vnsel vm13, $0x1, v62  }
0x310: {  	vm15 =	vlt.s32 v11, $0x1;
	v2 =	vadd.s32 v3, v2;
	v3 =	vnsel vm14, $0x1, v63  }
0x311: {  	v1 =	vadd.s32 v1, v5;
	v2 =	vadd.s32 v3, v2;
	v3 =	vnsel vm15, $0x1, v11  }
0x312: {  	v1 =	vcvt.s32.f32 v1;
	v2 =	vadd.s32 v3, v2  }
0x313: {  	v2 =	vcvt.s32.f32 v2  }
0x314: {  	v1 =	vmax.f32 v1, $1.000000000e+00  }
0x315: {  	(erf) = vrcp.f32 v1;
	v1 =	vmax.f32 v2, $1.000000000e+00  }
0x316: {  	(erf) = vrcp.f32 v1;
	_ =	sdelay $0x6  }
0x317: {  	v1 =	vpop (erf)  }
0x318: {  	v2 =	vpop (erf);
	[tilespmem:s14+$0x1080] =	vst v1  }
0x319: {  	[tilespmem:s22+$0x1080] =	vst v2;
	v1 =	vpop (erf)  }
0x31a: {  	[tilespmem:s0+$0x1080] =	vst v1  }
0x31b: {  	s23 =	simm.s32 $0x800;
	s1 =	simm.s32 $0x1100;
	s30 =	rddreg [dreg:$0x7]  }
0x31c: {  	s3 =	simm.s32 $0x1900;
	s28 =	simm.s32 $0x0;
	s24 =	rddreg [dreg:$0xe]  }
0x31d: {  	[tilespmem:s3], [sflag:$0x3] =	stream.indirect.gather [hbm4b:s30+s23], $0x10, s1, s23, $0xb8;
	[tilespmem:$0x14200] =	vst v63  }
0x31e: {  	s5 =	simm.s32 $0xA100;
	s13 =	smov.u32 s7;
	s0 =	sadd.s32 s21, s24  }
0x31f: {  	s29 =	simm.s32 $0xA900;
	s25 =	sand.u32 $0x7F, s0;
	s0 =	sshrl.u32 s0, $0x7  }
0x320: {  	s24 =	smov.u32 s17;
	s26 =	sshll.u32 s25, $0x8;
	s4 =	sshll.u32 s0, $0xF  }
0x321: {  	s1 =	sshll.u32 s25, $0x4;
	s0 =	sshll.u32 s0, $0xB;
	s3 =	sadd.s32 s17, s26  }
0x322: {  	s1 =	sadd.s32 s7, s1;
	s7 =	rddreg [dreg:$0x5];
	s3 =	sadd.s32 s4, s3  }
0x323: {  	[tilespmem:s5], [sflag:$0x5] =	stream.linear.gather [hbm4b:s3+s28], $0x800, $0x38;
	[tilespmem:$0x14200] =	vst v63  }
0x324: {  	s0 =	sadd.s32 s0, s1;
	s4 =	simm.s32 $0x80;
	s3 =	rddreg [dreg:$0x11]  }
0x325: {  	[tilespmem:s29], [sflag:$0x5] =	stream.linear.gather [hbm4b:s0+s28], $0x80, $0x38;
	[tilespmem:$0x14200] =	vst v63  }
.LBB2_24:
0x326: {  	s0 =	simm.s32 $0x7  }
0x327: {  	_ =	swait.ge [sflag:s0], $0x8000  }
0x328: {  	[sflag:s0] =	ssyncset.done $0x0  }
0x329: {  	s29 =	simm.s32 $0x6;
	[sflag:s0] =	ssyncadd.s32 $0xFFFF8000  }
0x32a: {  	s22 =	simm.s32 $0x0;
	_ =	swait.ge [sflag:s29], $0x800  }
0x32b: {  	s21 =	simm.s32 $0x1;
	v1 =	vmov s22;
	[sflag:s29] =	ssyncset.done $0x0  }
0x32c: {  	v3 =	vmov s21;
	s0 =	simm.s32 @!p0 $0x8;
	[sflag:s29] =	ssyncadd.s32 $0xFFFFF800  }
0x32d: {  	_ =	swait.ge @!p0 [sflag:s0], $0x800  }
0x32e: {  	[sflag:s0] =	ssyncset.done @!p0 $0x0  }
0x32f: {  	[sflag:s0] =	ssyncadd.s32 @!p0 $0xFFFFF800  }
0x330: {  	v2 =	vld.idx.msk [tilespmem:v1+s10+$0x0], $0xffff  }
0x331: {  	s14 =	simm.s32 $0x0;
	v1 =	vld.idx.msk [tilespmem:v3+s10+$0x0], $0xffff  }
0x332: {  	v3 =	vld [tilespmem:s14+$0xBA30]  }
0x333: {  	v4 =	vld [tilespmem:s14+$0xC230]  }
0x334: {  	v5 =	vld [tilespmem:s14+$0xCA30]  }
0x335: {  	v7 =	vld [tilespmem:s14+$0xD230]  }
0x336: {  	v6 =	vld [tilespmem:s14+$0xDA30]  }
0x337: {  	v8 =	vld [tilespmem:s14+$0xE230]  }
0x338: {  	v9 =	vld [tilespmem:s14+$0xEA30]  }
0x339: {  	v11 =	vld [tilespmem:s14+$0xF230]  }
0x33a: {  	v10 =	vld [tilespmem:s14+$0xFA30]  }
0x33b: {  	v12 =	vld [tilespmem:s14+$0x10230]  }
0x33c: {  	v13 =	vld [tilespmem:s14+$0x10A30]  }
0x33d: {  	v15 =	vld [tilespmem:s14+$0x11230]  }
0x33e: {  	v14 =	vld [tilespmem:s14+$0x11A30]  }
0x33f: {  	v16 =	vld [tilespmem:s14+$0x12230]  }
0x340: {  	s23 =	simm.s32 $0x4;
	s25 =	simm.s32 $0x0;
	v17 =	vld [tilespmem:s14+$0x12A30]  }
.LBB2_25:
0x341: {  	p0 =	slt.u32 s23, $0x7C;
	v18 =	vld [tilespmem:s14+$0x13230]  }
0x342: {  	s0 =	sadd.s32 $0x3, s22;
	v19 =	vld [tilespmem:s14+$0xBA00]  }
0x343: {  	v3 =	vadd.f32 v4, v3;
	v4 =	vadd.f32 v7, v5;
	v5 =	vmov s0;
	v20 =	vld [tilespmem:s14+$0xC200]  }
0x344: {  	v6 =	vadd.f32 v8, v6;
	v8 =	vadd.f32 v11, v9;
	v7 =	vld [tilespmem:s14+$0xCA00]  }
0x345: {  	v10 =	vadd.f32 v12, v10;
	v11 =	vadd.f32 v15, v13;
	v9 =	vld [tilespmem:s14+$0xD200]  }
0x346: {  	v13 =	vadd.f32 v16, v14;
	v12 =	vld [tilespmem:s14+$0xDA00];
	v14 =	vadd.f32 v18, v17  }
0x347: {  	v3 =	vadd.f32 v4, v3;
	v4 =	vadd.f32 v8, v6;
	v15 =	vld [tilespmem:s14+$0xE200]  }
0x348: {  	v6 =	vadd.f32 v11, v10;
	v8 =	vadd.f32 v14, v13;
	v5 =	vld.idx.msk [tilespmem:v5+s10+$0x0], $0xffff  }
0x349: {  	v11 =	vadd.f32 v20, v19;
	v10 =	vld [tilespmem:s14+$0xEA00]  }
0x34a: {  	v3 =	vadd.f32 v4, v3;
	v13 =	vld [tilespmem:s14+$0xF200];
	v4 =	vadd.f32 v8, v6  }
0x34b: {  	v6 =	vadd.f32 v9, v7;
	v7 =	vld [tilespmem:s14+$0xA9B0]  }
0x34c: {  	v8 =	vld [tilespmem:s14+$0xFA00];
	v9 =	vadd.f32 v15, v12;
	v3 =	vadd.f32 v4, v3  }
0x34d: {  	v6 =	vadd.f32 v6, v11;
	v11 =	vor.u32 s0, v0;
	v4 =	vld [tilespmem:s14+$0x10200]  }
0x34e: {  	v12 =	vld [tilespmem:s14+$0x10A00];
	v3 =	vmul.f32 v3, v5  }
0x34f: {  	v5 =	vld [tilespmem:s14+$0x11200];
	v10 =	vadd.f32 v13, v10  }
0x350: {  	v13 =	vld [tilespmem:s14+$0x11A00];
	v3 =	vadd.f32 v3, v7  }
0x351: {  	v7 =	vld [tilespmem:s14+$0x12200];
	v9 =	vadd.f32 v10, v9  }
0x352: {  	v10 =	vld [tilespmem:s14+$0x12A00];
	v4 =	vadd.f32 v4, v8;
	[tilespmem:v11+s11+$0x0] =	vst.idx.msk $0xffff, v3  }
0x353: {  	v3 =	vld [tilespmem:s14+$0x13200];
	v6 =	vadd.f32 v9, v6  }
0x354: {  	v5 =	vadd.f32 v5, v12;
	v8 =	vld [tilespmem:s14+$0xBA10]  }
0x355: {  	v9 =	vld [tilespmem:s14+$0xC210]  }
0x356: {  	v7 =	vadd.f32 v7, v13;
	v4 =	vadd.f32 v5, v4;
	v5 =	vld [tilespmem:s14+$0xCA10]  }
0x357: {  	v11 =	vld [tilespmem:s14+$0xD210]  }
0x358: {  	v3 =	vadd.f32 v3, v10;
	v10 =	vld [tilespmem:s14+$0xDA10]  }
0x359: {  	v12 =	vld [tilespmem:s14+$0xE210]  }
0x35a: {  	v3 =	vadd.f32 v3, v7;
	v7 =	vld [tilespmem:s14+$0xEA10];
	v8 =	vadd.f32 v9, v8  }
0x35b: {  	v9 =	vld [tilespmem:s14+$0xF210]  }
0x35c: {  	v3 =	vadd.f32 v3, v4;
	v4 =	vld [tilespmem:s14+$0xFA10];
	v5 =	vadd.f32 v11, v5  }
0x35d: {  	v11 =	vld [tilespmem:s14+$0x10210]  }
0x35e: {  	v13 =	vld [tilespmem:s14+$0x10A10];
	v10 =	vadd.f32 v12, v10;
	v5 =	vadd.f32 v5, v8  }
0x35f: {  	v3 =	vadd.f32 v3, v6;
	v6 =	vld [tilespmem:s14+$0x11210]  }
0x360: {  	v8 =	vld [tilespmem:s14+$0x11A10];
	v7 =	vadd.f32 v9, v7  }
0x361: {  	v3 =	vmul.f32 v3, v2;
	v2 =	vld [tilespmem:s14+$0x12210]  }
0x362: {  	v9 =	vld [tilespmem:s14+$0x12A10];
	v4 =	vadd.f32 v11, v4;
	v7 =	vadd.f32 v7, v10  }
0x363: {  	v10 =	vld [tilespmem:s14+$0x13210]  }
0x364: {  	v6 =	vadd.f32 v6, v13;
	v5 =	vadd.f32 v7, v5;
	v7 =	vld [tilespmem:s14+$0xBA20]  }
0x365: {  	v11 =	vld [tilespmem:s14+$0xC220]  }
0x366: {  	v2 =	vadd.f32 v2, v8;
	v4 =	vadd.f32 v6, v4;
	v6 =	vld [tilespmem:s14+$0xCA20]  }
0x367: {  	v8 =	vld [tilespmem:s14+$0xD220]  }
0x368: {  	v9 =	vadd.f32 v10, v9;
	v10 =	vld [tilespmem:s14+$0xDA20]  }
0x369: {  	v12 =	vld [tilespmem:s14+$0xE220]  }
0x36a: {  	v2 =	vadd.f32 v9, v2;
	v9 =	vld [tilespmem:s14+$0xEA20];
	v7 =	vadd.f32 v11, v7  }
0x36b: {  	v11 =	vld [tilespmem:s14+$0xF220]  }
0x36c: {  	v2 =	vadd.f32 v2, v4;
	v4 =	vld [tilespmem:s14+$0xFA20];
	v6 =	vadd.f32 v8, v6  }
0x36d: {  	v8 =	vld [tilespmem:s14+$0x10220]  }
0x36e: {  	v13 =	vld [tilespmem:s14+$0x10A20];
	v10 =	vadd.f32 v12, v10;
	v6 =	vadd.f32 v6, v7  }
0x36f: {  	v2 =	vadd.f32 v2, v5;
	v5 =	vld [tilespmem:s14+$0x11220]  }
0x370: {  	v7 =	vld [tilespmem:s14+$0x11A20];
	v9 =	vadd.f32 v11, v9  }
0x371: {  	v11 =	vmul.f32 v2, v1;
	v1 =	vld [tilespmem:s14+$0x12220]  }
0x372: {  	s0 =	sadd.s32 $0x1, s23;
	v2 =	vmov s23;
	v12 =	vld [tilespmem:s14+$0x12A20];
	v4 =	vadd.f32 v8, v4;
	v8 =	vadd.f32 v9, v10  }
0x373: {  	s1 =	sadd.s32 $0x2, s22;
	v9 =	vmov s0;
	v10 =	vld [tilespmem:s14+$0x13220]  }
0x374: {  	v14 =	vld [tilespmem:s14+$0xA980];
	v5 =	vadd.f32 v5, v13;
	v8 =	vadd.f32 v8, v6;
	v6 =	vmov s1  }
0x375: {  	v13 =	vld [tilespmem:s14+$0xA990]  }
0x376: {  	v15 =	vor.u32 s22, v0;
	s22 =	smov.u32 s23;
	v7 =	vadd.f32 v1, v7;
	v16 =	vadd.f32 v5, v4;
	v17 =	vld [tilespmem:s14+$0xA9A0]  }
0x377: {  	v18 =	vor.u32 s21, v0;
	s21 =	smov.u32 s0;
	v2 =	vld.idx.msk [tilespmem:v2+s10+$0x0], $0xffff  }
0x378: {  	s25 =	sadd.s32 $0x100, s25;
	v1 =	vld.idx.msk [tilespmem:v9+s10+$0x0], $0xffff;
	v4 =	vadd.f32 v10, v12  }
0x379: {  	s14 =	sshra.s32 s25, $0x2;
	v5 =	vadd.f32 v3, v14;
	v10 =	vld.idx.msk [tilespmem:v6+s10+$0x0], $0xffff  }
0x37a: {  	v3 =	vld [tilespmem:s14+$0xBA30];
	v6 =	vadd.f32 v11, v13;
	v7 =	vadd.f32 v4, v7  }
0x37b: {  	v4 =	vld [tilespmem:s14+$0xC230];
	[tilespmem:v15+s11+$0x0] =	vst.idx.msk $0xffff, v5  }
0x37c: {  	v5 =	vld [tilespmem:s14+$0xCA30];
	[tilespmem:v18+s11+$0x0] =	vst.idx.msk $0xffff, v6;
	v9 =	vadd.f32 v7, v16  }
0x37d: {  	v7 =	vld [tilespmem:s14+$0xD230]  }
0x37e: {  	v6 =	vld [tilespmem:s14+$0xDA30];
	v11 =	vadd.f32 v9, v8  }
0x37f: {  	v14 =	vor.u32 s1, v0;
	v8 =	vld [tilespmem:s14+$0xE230]  }
0x380: {  	v9 =	vld [tilespmem:s14+$0xEA30];
	v12 =	vmul.f32 v11, v10  }
0x381: {  	v11 =	vld [tilespmem:s14+$0xF230]  }
0x382: {  	v10 =	vld [tilespmem:s14+$0xFA30];
	v15 =	vadd.f32 v12, v17  }
0x383: {  	v12 =	vld [tilespmem:s14+$0x10230]  }
.Ltmp11:
0x384: {  	v13 =	vld [tilespmem:s14+$0x10A30];
	[tilespmem:v14+s11+$0x0] =	vst.idx.msk $0xffff, v15;
	(pc) =	sbr.rel @p0 .LBB2_25-.Ltmp11, $4  }
0x385: {  	v15 =	vld [tilespmem:s14+$0x11230]  }
0x386: {  	v14 =	vld [tilespmem:s14+$0x11A30]  }
0x387: {  	v16 =	vld [tilespmem:s14+$0x12230]  }
0x388: {  	s23 =	sadd.s32 $0x4, s23;
	v17 =	vld [tilespmem:s14+$0x12A30]  }
0x389: {  	v18 =	vld [tilespmem:s14+$0x13230]  }
0x38a: {  	v19 =	vld [tilespmem:s14+$0xBA00]  }
0x38b: {  	v20 =	vld [tilespmem:s14+$0xC200]  }
0x38c: {  	v21 =	vld [tilespmem:s14+$0xCA00]  }
0x38d: {  	v22 =	vld [tilespmem:s14+$0xD200]  }
0x38e: {  	v23 =	vld [tilespmem:s14+$0xDA00]  }
0x38f: {  	v24 =	vld [tilespmem:s14+$0xE200]  }
0x390: {  	v25 =	vld [tilespmem:s14+$0xEA00]  }
0x391: {  	v26 =	vld [tilespmem:s14+$0xF200]  }
0x392: {  	v27 =	vld [tilespmem:s14+$0xFA00]  }
0x393: {  	v28 =	vld [tilespmem:s14+$0x10200]  }
0x394: {  	v29 =	vld [tilespmem:s14+$0x10A00]  }
0x395: {  	v30 =	vld [tilespmem:s14+$0x11200]  }
0x396: {  	v31 =	vld [tilespmem:s14+$0x11A00]  }
0x397: {  	v32 =	vld [tilespmem:s14+$0x12200]  }
0x398: {  	v33 =	vld [tilespmem:s14+$0x12A00]  }
0x399: {  	v34 =	vld [tilespmem:s14+$0x13200]  }
0x39a: {  	v35 =	vld [tilespmem:s14+$0xBA10]  }
0x39b: {  	v36 =	vld [tilespmem:s14+$0xC210]  }
0x39c: {  	v37 =	vld [tilespmem:s14+$0xCA10]  }
0x39d: {  	v38 =	vld [tilespmem:s14+$0xD210]  }
0x39e: {  	v39 =	vld [tilespmem:s14+$0xDA10]  }
0x39f: {  	v40 =	vld [tilespmem:s14+$0xE210]  }
0x3a0: {  	v41 =	vld [tilespmem:s14+$0xEA10]  }
0x3a1: {  	v42 =	vld [tilespmem:s14+$0xF210]  }
0x3a2: {  	v43 =	vld [tilespmem:s14+$0xFA10]  }
0x3a3: {  	v44 =	vld [tilespmem:s14+$0x10210]  }
0x3a4: {  	v45 =	vld [tilespmem:s14+$0x10A10]  }
0x3a5: {  	v46 =	vld [tilespmem:s14+$0x11210];
	v3 =	vadd.f32 v4, v3;
	v54 =	vadd.f32 v7, v5  }
0x3a6: {  	v5 =	vld [tilespmem:s14+$0x11A10];
	v6 =	vadd.f32 v8, v6;
	v55 =	vadd.f32 v11, v9  }
0x3a7: {  	v8 =	vld [tilespmem:s14+$0x12210];
	v56 =	vadd.f32 v12, v10;
	v57 =	vadd.f32 v15, v13  }
0x3a8: {  	v11 =	vld [tilespmem:s14+$0x12A10];
	v3 =	vadd.f32 v54, v3;
	v60 =	vadd.f32 v55, v6  }
0x3a9: {  	v10 =	vld [tilespmem:s14+$0xC220];
	v58 =	vadd.f32 v16, v14;
	v61 =	vadd.f32 v57, v56  }
0x3aa: {  	v50 =	vld [tilespmem:s14+$0xD220];
	v3 =	vadd.f32 v60, v3;
	v59 =	vadd.f32 v18, v17  }
0x3ab: {  	v52 =	vld [tilespmem:s14+$0xDA20];
	v63 =	vadd.f32 v20, v19;
	v47 =	vadd.f32 v22, v21  }
0x3ac: {  	v15 =	vld [tilespmem:s14+$0xCA20];
	v48 =	vadd.f32 v24, v23;
	v49 =	vadd.f32 v26, v25  }
0x3ad: {  	v6 =	vld [tilespmem:s14+$0xBA20];
	v56 =	vadd.f32 v28, v27;
	v57 =	vadd.f32 v30, v29  }
0x3ae: {  	v55 =	vld [tilespmem:s14+$0xE220];
	v60 =	vadd.f32 v34, v33;
	v33 =	vadd.f32 v36, v35  }
0x3af: {  	v14 =	vld [tilespmem:s14+$0x13210];
	v34 =	vadd.f32 v38, v37;
	v36 =	vadd.f32 v40, v39  }
0x3b0: {  	v35 =	vld [tilespmem:s14+$0x10A20];
	v38 =	vadd.f32 v42, v41;
	v40 =	vadd.f32 v44, v43  }
0x3b1: {  	v37 =	vld [tilespmem:s14+$0x11220];
	v41 =	vadd.f32 v46, v45;
	v5 =	vadd.f32 v8, v5  }
0x3b2: {  	v39 =	vld [tilespmem:s14+$0x11A20];
	v62 =	vadd.f32 v59, v58;
	v53 =	vadd.f32 v47, v63  }
0x3b3: {  	v42 =	vld [tilespmem:s14+$0x12220];
	v54 =	vadd.f32 v49, v48;
	v59 =	vadd.f32 v32, v31  }
0x3b4: {  	v44 =	vld [tilespmem:s14+$0x12A20];
	v30 =	vadd.f32 v57, v56;
	v20 =	vadd.f32 v34, v33  }
0x3b5: {  	v58 =	vld [tilespmem:s14+$0xEA20];
	v46 =	vadd.f32 v38, v36;
	v48 =	vadd.f32 v41, v40  }
0x3b6: {  	v63 =	vld [tilespmem:s14+$0xFA20];
	v6 =	vadd.f32 v10, v6;
	v49 =	vadd.f32 v50, v15  }
0x3b7: {  	v32 =	vld [tilespmem:s14+$0x10220];
	v7 =	vadd.f32 v55, v52;
	v43 =	vadd.f32 v14, v11  }
0x3b8: {  	v47 =	vld [tilespmem:s14+$0x13220];
	v51 =	vadd.f32 v62, v61;
	v62 =	vadd.f32 v54, v53  }
0x3b9: {  	v61 =	vld [tilespmem:s14+$0xF220];
	v31 =	vadd.f32 v60, v59;
	v6 =	vadd.f32 v49, v6  }
0x3ba: {  	s0 =	sadd.s32 $0x3, s22;
	v57 =	vadd.f32 v46, v20;
	v5 =	vadd.f32 v43, v5  }
0x3bb: {  	s1 =	sadd.s32 $0x2, s22;
	v45 =	vmov s0;
	v52 =	vadd.f32 v37, v35;
	v53 =	vadd.f32 v42, v39  }
0x3bc: {  	v3 =	vadd.f32 v51, v3;
	v12 =	vadd.f32 v31, v30;
	v51 =	vmov s1  }
0x3bd: {  	v9 =	vadd.f32 v32, v63;
	v11 =	vadd.f32 v47, v44  }
0x3be: {  	v55 =	vld [tilespmem:s14+$0xA980];
	v5 =	vadd.f32 v5, v48;
	v50 =	vadd.f32 v61, v58  }
0x3bf: {  	v59 =	vld [tilespmem:s14+$0xA990];
	v4 =	vadd.f32 v12, v62;
	v9 =	vadd.f32 v52, v9  }
0x3c0: {  	v12 =	vld.idx.msk [tilespmem:v45+s10+$0x0], $0xffff;
	v56 =	vadd.f32 v11, v53;
	v7 =	vadd.f32 v50, v7  }
0x3c1: {  	v5 =	vadd.f32 v5, v57;
	v13 =	vld.idx.msk [tilespmem:v51+s10+$0x0], $0xffff  }
0x3c2: {  	v54 =	vld [tilespmem:s14+$0xA9B0];
	v60 =	vor.u32 s22, v0;
	v9 =	vadd.f32 v56, v9;
	v6 =	vadd.f32 v7, v6  }
0x3c3: {  	v62 =	vor.u32 s21, v0;
	v61 =	vld [tilespmem:s14+$0xA9A0];
	v2 =	vmul.f32 v4, v2  }
0x3c4: {  	v58 =	vor.u32 s0, v0;
	v1 =	vmul.f32 v5, v1;
	v6 =	vadd.f32 v9, v6  }
0x3c5: {  	v63 =	vor.u32 s1, v0;
	v2 =	vadd.f32 v2, v55;
	v3 =	vmul.f32 v3, v12  }
0x3c6: {  	v1 =	vadd.f32 v1, v59;
	v6 =	vmul.f32 v6, v13  }
0x3c7: {  	s15 =	sadd.s32 $0x1, s15;
	[tilespmem:v60+s11+$0x0] =	vst.idx.msk $0xffff, v2;
	v3 =	vadd.f32 v3, v54  }
0x3c8: {  	p0 =	sne.s32 s15, $0x10;
	[tilespmem:v62+s11+$0x0] =	vst.idx.msk $0xffff, v1;
	v2 =	vadd.f32 v6, v61  }
.Ltmp12:
0x3c9: {  	[tilespmem:v58+s11+$0x0] =	vst.idx.msk $0xffff, v3;
	(pc) =	sbr.rel @p0 .LBB2_8-.Ltmp12, $4  }
0x3ca: {  	s26 =	sshll.u32 s3, $0x4;
	[tilespmem:v63+s11+$0x0] =	vst.idx.msk $0xffff, v2  }
0x3cb: {  	s0 =	sand.u32 $0x7F0, s26;
	s28 =	rddreg [dreg:$0xd]  }
0x3cc: {  	s29 =	simm.s32 $0x4000;
	s0 =	sadd.s32 s0, s28  }
0x3cd: {  	[hbm4b:s0+s4] =	stream.strided.scatter [tilespmem:s11], [sflag:$0x8], $0x800, s29, s4, $0x38;
	[tilespmem:$0x14200] =	vst v63  }
0x3ce: {  	s0 =	simm.s32 $0x4  }
0x3cf: {  	_ =	swait.ge [sflag:s0], $0x800  }
0x3d0: {  	[sflag:s0] =	ssyncset.done $0x0  }
0x3d1: {  	s1 =	simm.s32 $0x8;
	[sflag:s0] =	ssyncadd.s32 $0xFFFFF800  }
0x3d2: {  	_ =	swait.ge [sflag:s1], $0x800  }
0x3d3: {  	s3 =	rddreg [dreg:$0x10]  }
0x3d4: {  	s29 =	rddreg [dreg:$0xf];
	s3 =	sadd.s32 $0x1, s3  }
0x3d5: {  	p0 =	sne.s32 s3, s29  }
.Ltmp13:
0x3d6: {  	_ = 	snop;
	(pc) =	sbr.rel @p0 .LBB2_1-.Ltmp13, $3  }
0x3d7: {  	_ =	sdelay $0x1  }
0x3d8: {  	[sflag:s1] =	ssyncset.done $0x0  }
0x3d9: {  	[sflag:s1] =	ssyncadd.s32 $0xFFFFF800  }
0x3da: {  	_ =	sfence.sel $0x180000  }
0x3db: {  	[bflag:$0x0] =	sbarrier.arrive $0xFFFF  }
0x3dc: {  	_ =	strace $0x90000047  }
0x3dd: {  	s0 =	stileid.u32;
	[bflag:$0x2] =	sbarrier.arrive $0xFFFF  }
0x3de: {  	p0 =	sne.s32 s0, $0x0;
	s0 =	rddreg [dreg:$0x4]  }
0x3df: {  	s0 =	sadd.s32 @!p0 $0x100000, s0  }
0x3e0: {  	[sflag:s0] =	ssyncadd.tile.s32 @!p0 $0x1;
	_ =	shalt  }
.Lfunc_end2:
_tile_overlayer_lowered:
.L_overlay_start_2:
0x3e1: {  	(tag) =	ssettag $0x2  }
0x3e2: {  	s0 =	rddreg [dreg:$0x0];
	s2 =	stileid.u32  }
0x3e3: {  	s1 =	rddreg [dreg:$0x1];
	p0 =	sne.s32 s2, $0x0  }
0x3e4: {  	s3 =	rddreg [dreg:$0x2];
	[bflag:$0x3] =	sbarrier.arrive $0xFFFF;
	s2 =	simm.s32 @!p0 $0x1C09  }
0x3e5: {  	[timem:s3], [sflag:s2] =	dma.local @!p0 [hbm:s0], s1  }
0x3e6: {  	s0 =	simm.s32 @!p0 $0x9  }
0x3e7: {  	_ =	swait.ge @!p0 [sflag:s0], s1  }
0x3e8: {  	s1 =	ssub.s32 @!p0 $0x0, s1;
	[sflag:s0] =	ssyncset.done @!p0 $0x0  }
0x3e9: {  	[sflag:s0] =	ssyncadd.s32 @!p0 s1  }
0x3ea: {  	[bflag:$0x3] =	sbarrier.arrive $0xFFFF  }
0x3eb: {  	_ =	shalt  }

</sc_bundles>
